<compile_context>
chip_gen: v7x
topology: tpu7x:2x2x1
jax: 0.10.2.dev20260603
libtpu: 0.0.44.dev20260713+nightly
codegen_flags: <defaults>
</compile_context>

<pallas_src>
import functools

import jax
import jax.numpy as jnp
from jax import lax
from jax.experimental import pallas as pl
from jax.experimental.pallas import tpu as pltpu
from jax.experimental.pallas import tpu_sc as plsc

N = 2048
H = 128
W = 128
M0 = 0.01
BOUND = M0 * N
K = 21
CH = 128
NR = 8
RS = 96
SC_ROWS = H - RS



def _dtm_tc_kernel(x_ref, out_ref, *scratch):
    krefs, dx2_ref = scratch[:-1], scratch[-1]
    MININT = jnp.int32(-2147483648)
    CSHIFT = jnp.int32(1) - MININT
    i = pl.program_id(0)

    gx = -1.0 + jax.lax.broadcasted_iota(
        jnp.int32, (1, W), 1).astype(jnp.float32) * (2.0 / (W - 1))
    px = x_ref[:, 0:1]
    py = x_ref[:, 1:2]

    @pl.when(i == 0)
    def _():
        dxv = px - gx
        dx2_ref[...] = dxv * dxv

    dx2 = dx2_ref[...]
    row = jax.lax.broadcasted_iota(jnp.int32, (N, 1), 0)
    mask_hi = jnp.int32(~2047)

    for r, kref in enumerate(krefs):
        gy = 1.0 - (NR * i + r).astype(jnp.float32) * (2.0 / (W - 1))
        dy = py - gy
        d2 = dx2 + dy * dy
        bits = jax.lax.bitcast_convert_type(d2, jnp.int32)
        kref[...] = (bits & mask_hi) | row

    def masked_min(kref, shift):
        acc = None
        for c in range(0, N, CH):
            e = kref[c:c + CH, :] - shift
            while e.shape[0] > 8:
                h = e.shape[0] // 2
                e = jnp.minimum(e[:h], e[h:])
            acc = e if acc is None else jnp.minimum(acc, e)
        while acc.shape[0] > 1:
            h = acc.shape[0] // 2
            acc = jnp.minimum(acc[:h], acc[h:])
        return acc

    def body(_, carry):
        ss, vs = carry
        ms = [masked_min(kref, v + CSHIFT) for kref, v in zip(krefs, vs)]
        vs = tuple(v + jnp.int32(1) + (m ^ MININT) for v, m in zip(vs, ms))
        ss = tuple(s + jax.lax.bitcast_convert_type(v, jnp.float32)
                   for s, v in zip(ss, vs))
        return ss, vs

    zf = jnp.zeros((1, W), jnp.float32)
    zi = jnp.full((1, W), -1, jnp.int32)
    ss, ts = jax.lax.fori_loop(0, K, body, ((zf,) * NR, (zi,) * NR))

    for r in range(NR):
        tf = jax.lax.bitcast_convert_type(ts[r], jnp.float32)
        out_ref[0, r:r + 1, :] = jnp.sqrt((ss[r] + tf * (BOUND - K)) / BOUND)


def _tc_part(x):
    out = pl.pallas_call(
        _dtm_tc_kernel,
        grid=(RS // NR,),
        in_specs=[pl.BlockSpec((N, 2), lambda i: (0, 0))],
        out_specs=pl.BlockSpec((1, NR, W), lambda i: (i, 0, 0)),
        out_shape=jax.ShapeDtypeStruct((RS // NR, NR, W), jnp.float32),
        scratch_shapes=[pltpu.VMEM((N, W), jnp.int32)] * NR
                       + [pltpu.VMEM((N, W), jnp.float32)],
    )(x)
    return out.reshape(RS, W)



def _keygen_kernel(xt_ref, kout_ref):
    i = pl.program_id(0)
    gxt = -1.0 + jax.lax.broadcasted_iota(
        jnp.int32, (W, 1), 0).astype(jnp.float32) * (2.0 / (W - 1))
    px = xt_ref[0:1, :]
    py = xt_ref[1:2, :]
    gy = 1.0 - (RS + i).astype(jnp.float32) * (2.0 / (W - 1))
    dx = gxt - px
    dy = gy - py
    d2 = dx * dx + dy * dy
    col = jax.lax.broadcasted_iota(jnp.int32, (1, N), 1)
    bits = jax.lax.bitcast_convert_type(d2, jnp.int32)
    kout_ref[0] = (bits & jnp.int32(~2047)) | col


def _keygen(x):
    return pl.pallas_call(
        _keygen_kernel,
        grid=(SC_ROWS,),
        in_specs=[pl.BlockSpec((2, N), lambda i: (0, 0))],
        out_specs=pl.BlockSpec((1, W, N), lambda i: (i, 0, 0)),
        out_shape=jax.ShapeDtypeStruct((SC_ROWS, W, N), jnp.int32),
    )(x.T)


def _sc_part(x):
    mesh = plsc.VectorSubcoreMesh(core_axis_name="c", subcore_axis_name="s",
                                  num_cores=2, num_subcores=16)

    @functools.partial(
        pl.kernel, mesh=mesh,
        out_type=jax.ShapeDtypeStruct((SC_ROWS, W), jnp.float32),
        scratch_types=[
            pltpu.VMEM((N // 8, 128), jnp.int32),
            pltpu.VMEM((W,), jnp.float32),
        ],
    )
    def sc_kernel(keys_hbm, out_hbm, keyv, outv):
        MININT = jnp.int32(-2147483648)
        CSHIFT = jnp.int32(1) - MININT
        wid = lax.axis_index("s") * 2 + lax.axis_index("c")

        for c in range(W // 16):
            pltpu.sync_copy(keys_hbm.at[wid * (W // 16) + c], keyv)

            def ext_body(_, carry):
                s, v = carry
                shift = v + CSHIFT

                def scan_body(r, accs):
                    return tuple(
                        jnp.minimum(a, keyv[r, 16 * g:16 * (g + 1)] - shift)
                        for g, a in enumerate(accs))

                big = jnp.full((16,), 2147483647, jnp.int32)
                accs = lax.fori_loop(
                    0, N // 8, scan_body, (big,) * 8, unroll=2)
                while len(accs) > 1:
                    accs = tuple(jnp.minimum(accs[2 * j], accs[2 * j + 1])
                                 for j in range(len(accs) // 2))
                m = accs[0]
                v = v + jnp.int32(1) + (m ^ MININT)
                s = s + jax.lax.bitcast_convert_type(v, jnp.float32)
                return s, v

            s, t = lax.fori_loop(
                0, K, ext_body,
                (jnp.zeros((16,), jnp.float32), jnp.full((16,), -1, jnp.int32)))

            tf = jax.lax.bitcast_convert_type(t, jnp.float32)
            outv[c * 16:(c + 1) * 16] = (s + tf * (BOUND - K)) / BOUND

        pltpu.sync_copy(outv, out_hbm.at[wid])

    keys = _keygen(x).reshape(SC_ROWS, W // 16, 16, N)
    keys = keys.transpose(0, 1, 3, 2).reshape(SC_ROWS * (W // 16), N // 8, 128)
    return jnp.sqrt(sc_kernel(keys))


@jax.jit
def kernel(x):
    return jnp.concatenate([_tc_part(x), _sc_part(x)], axis=0)

# --- scband reference (transcript-rebuilt; emitter-appended) ---
"""Pipeline reference for scband-dtmlayer-11295763989132 (READ-ONLY COPY).

The authoritative reference and input builder live on the scoring server;
editing this copy changes nothing except your own understanding.
"""

import jax, jax.numpy as jnp
import numpy as np

M0 = 0.01
LIMS = [[-1.0, 1.0], [-1.0, 1.0]]
SIZE = [128, 128]
R = 2


def make_grid():
    # mirrors torch make_grid(lims, size)
    x_seq = jnp.linspace(LIMS[0][0], LIMS[0][1], SIZE[0])
    y_seq = jnp.linspace(LIMS[1][1], LIMS[1][0], SIZE[1])
    x_coord, y_coord = jnp.meshgrid(x_seq, y_seq, indexing='xy')
    grid = jnp.concatenate([x_coord.reshape(-1, 1), y_coord.reshape(-1, 1)], axis=1)
    return grid.astype(jnp.float32)


def setup_inputs(seed: int = 0) -> dict:
    key = jax.random.key(seed)
    x = jax.random.normal(key, (2048, 2), dtype=jnp.float32)
    return {"x": x}


def reference(x):
    grid = make_grid()  # (H*W, 2)
    n = x.shape[-2]
    bound = M0 * n  # m0 * N
    k = int(np.ceil(bound))
    cum_knn_weight = float(np.ceil(bound))

    # pc2grid_dist, r=2: (N,1,D) - (1,HW,D) -> (N,HW) -> transpose -> (HW,N)
    diff = x[:, None, :] - grid[None, :, :]
    dist = jnp.sqrt(jnp.sum(diff ** 2, axis=-1)).T  # (H*W, N)

    # topk smallest -> negate, lax.top_k (returns sorted descending => ascending dist)
    neg_knn_dist, _ = jax.lax.top_k(-dist, k)
    knn_dist = -neg_knn_dist  # (H*W, k), ascending

    # dtm_using_knn with r=2
    r_dist = jnp.square(knn_dist)
    cum_dist = jnp.cumsum(r_dist, axis=-1)
    dtm_val = cum_dist[:, -1] + r_dist[:, -1] * (bound - cum_knn_weight)
    dtm_val = jnp.sqrt(dtm_val / bound)
    return dtm_val.reshape(SIZE[0], SIZE[1])

if __name__ == "__main__":
    import jax
    _d = setup_inputs()
    print(jax.jit(kernel)(*tuple(_d.values())))

</pallas_src>

<mosaic_0001>
#map = affine_map<(d0, d1) -> (0, 0, 0)>
#map1 = affine_map<(d0, d1) -> (0, 0)>
module attributes {stable_mosaic.version = 14 : i64} {
  func.func @sc_kernel(%arg0: i32, %arg1: i32, %arg2: memref<256x256x128xi32, #tpu.memory_space<hbm>>, %arg3: memref<32x128xf32, #tpu.memory_space<hbm>>, %arg4: memref<256x128xi32, #tpu.memory_space<vmem>>, %arg5: memref<128xf32, #tpu.memory_space<vmem>>) attributes {dimension_semantics = [#tpu.dimension_semantics<core_parallel>, #tpu.dimension_semantics<subcore_parallel>], iteration_bounds = array<i64: 2, 16>, scalar_prefetch = 0 : i64, scratch_operands = 2 : i64, tpu.core_type = #tpu.core_type<sc_vector_subcore>, window_params = [{transform_indices = #map}, {transform_indices = #map1}]} {
    %sub3A = arith.constant 1 : i32
    %sub3A_0 = arith.constant -2147483648 : i32
    %sub3A_1 = arith.subi %sub3A, %sub3A_0 : i32
    %mul3A = arith.constant 2 : i32
    %mul3A_2 = arith.muli %arg1, %mul3A : i32
    %add3A = arith.addi %mul3A_2, %arg0 : i32
    %mul3A_3 = arith.constant 8 : i32
    %mul3A_4 = arith.muli %add3A, %mul3A_3 : i32
    %add3A_5 = arith.constant 0 : i32
    %add3A_6 = arith.addi %mul3A_4, %add3A_5 : i32
    "tpu.region"() ({
      %run_scoped3A = tpu.sem_alloc : memref<!tpu.dma_semaphore, #tpu.memory_space<semaphore_mem>>
      %dma_start3A = arith.constant 0 : i32
      %dma_start3A_214 = arith.constant 0 : i32
      %dma_start3A_215 = tpu.memref_slice %arg2[%add3A_6, %dma_start3A, %dma_start3A_214] : memref<256x256x128xi32, #tpu.memory_space<hbm>> -> memref<1x256x128xi32, #tpu.memory_space<hbm>>
      %dma_start3A_216 = tpu.memref_squeeze %dma_start3A_215 : memref<1x256x128xi32, #tpu.memory_space<hbm>> -> memref<256x128xi32, #tpu.memory_space<hbm>>
      %dma_start3A_217 = arith.constant 0 : i32
      %dma_start3A_218 = arith.constant 0 : i32
      %dma_start3A_219 = tpu.memref_slice %arg2[%add3A_6, %dma_start3A_217, %dma_start3A_218] : memref<256x256x128xi32, #tpu.memory_space<hbm>> -> memref<1x256x128xi32, #tpu.memory_space<hbm>>
      %dma_start3A_220 = tpu.memref_squeeze %dma_start3A_219 : memref<1x256x128xi32, #tpu.memory_space<hbm>> -> memref<256x128xi32, #tpu.memory_space<hbm>>
      tpu.enqueue_dma source(%dma_start3A_220 : memref<256x128xi32, #tpu.memory_space<hbm>>) target(%arg4 : memref<256x128xi32, #tpu.memory_space<vmem>>) target_semaphore(%run_scoped3A : memref<!tpu.dma_semaphore, #tpu.memory_space<semaphore_mem>>)
      %dma_wait3A = arith.constant 0 : i32
      %dma_wait3A_221 = arith.constant 0 : i32
      %dma_wait3A_222 = tpu.memref_slice %arg2[%add3A_6, %dma_wait3A, %dma_wait3A_221] : memref<256x256x128xi32, #tpu.memory_space<hbm>> -> memref<1x256x128xi32, #tpu.memory_space<hbm>>
      %dma_wait3A_223 = tpu.memref_squeeze %dma_wait3A_222 : memref<1x256x128xi32, #tpu.memory_space<hbm>> -> memref<256x128xi32, #tpu.memory_space<hbm>>
      %dma_wait3A_224 = arith.constant 0 : i32
      %dma_wait3A_225 = arith.constant 0 : i32
      %dma_wait3A_226 = tpu.memref_slice %arg2[%add3A_6, %dma_wait3A_224, %dma_wait3A_225] : memref<256x256x128xi32, #tpu.memory_space<hbm>> -> memref<1x256x128xi32, #tpu.memory_space<hbm>>
      %dma_wait3A_227 = tpu.memref_squeeze %dma_wait3A_226 : memref<1x256x128xi32, #tpu.memory_space<hbm>> -> memref<256x128xi32, #tpu.memory_space<hbm>>
      tpu.wait_dma2 semaphore(%run_scoped3A : memref<!tpu.dma_semaphore, #tpu.memory_space<semaphore_mem>>) src(%dma_wait3A_227 : memref<256x128xi32, #tpu.memory_space<hbm>>) dst(%arg4 : memref<256x128xi32, #tpu.memory_space<vmem>>)
      tpu.yield
    }) : () -> ()
    %broadcast_in_dim3A = arith.constant 0.000000e+00 : f32
    %broadcast_in_dim3A_7 = vector.broadcast %broadcast_in_dim3A : f32 to vector<16xf32>
    %broadcast_in_dim3A_8 = arith.constant -1 : i32
    %broadcast_in_dim3A_9 = vector.broadcast %broadcast_in_dim3A_8 : i32 to vector<16xi32>
    %scan3A = arith.constant -2147483648 : i32
    %scan3A_10 = arith.constant 0 : i32
    %scan3A_11 = arith.constant 21 : i32
    %scan3A_12 = arith.addi %scan3A_10, %scan3A_11 : i32
    %scan3A_13 = arith.constant 1 : i32
    %scan3A_14:2 = scf.for %scan3A_214 = %scan3A_10 to %scan3A_12 step %scan3A_13 iter_args(%scan3A_215 = %broadcast_in_dim3A_7, %scan3A_216 = %broadcast_in_dim3A_9) -> (vector<16xf32>, vector<16xi32>)  : i32 {
      %add3A_217 = vector.broadcast %sub3A_1 : i32 to vector<16xi32>
      %add3A_218 = arith.addi %scan3A_216, %add3A_217 : vector<16xi32>
      %broadcast_in_dim3A_219 = arith.constant 2147483647 : i32
      %broadcast_in_dim3A_220 = vector.broadcast %broadcast_in_dim3A_219 : i32 to vector<16xi32>
      %scan3A_221 = arith.constant 0 : i32
      %scan3A_222 = arith.constant 256 : i32
      %scan3A_223 = arith.addi %scan3A_221, %scan3A_222 : i32
      %scan3A_224 = arith.constant 2 : i32
      %scan3A_225:8 = scf.for %scan3A_240 = %scan3A_221 to %scan3A_223 step %scan3A_224 iter_args(%scan3A_241 = %broadcast_in_dim3A_220, %scan3A_242 = %broadcast_in_dim3A_220, %scan3A_243 = %broadcast_in_dim3A_220, %scan3A_244 = %broadcast_in_dim3A_220, %scan3A_245 = %broadcast_in_dim3A_220, %scan3A_246 = %broadcast_in_dim3A_220, %scan3A_247 = %broadcast_in_dim3A_220, %scan3A_248 = %broadcast_in_dim3A_220) -> (vector<16xi32>, vector<16xi32>, vector<16xi32>, vector<16xi32>, vector<16xi32>, vector<16xi32>, vector<16xi32>, vector<16xi32>)  : i32 {
        %get3A = arith.index_cast %scan3A_240 : i32 to index
        %get3A_249 = arith.constant 0 : index
        %get3A_250 = tpu.vector_load %arg4[%get3A, %get3A_249] {strides = array<i32>} : memref<256x128xi32, #tpu.memory_space<vmem>>, vector<1x16xi32>,
        %get3A_251 = vector.shape_cast %get3A_250 : vector<1x16xi32> to vector<16xi32>
        %sub3A_252 = arith.subi %get3A_251, %add3A_218 : vector<16xi32>
        %min3A_253 = arith.minsi %scan3A_241, %sub3A_252 : vector<16xi32>
        %get3A_254 = arith.index_cast %scan3A_240 : i32 to index
        %get3A_255 = arith.constant 16 : index
        %get3A_256 = tpu.vector_load %arg4[%get3A_254, %get3A_255] {strides = array<i32>} : memref<256x128xi32, #tpu.memory_space<vmem>>, vector<1x16xi32>,
        %get3A_257 = vector.shape_cast %get3A_256 : vector<1x16xi32> to vector<16xi32>
        %sub3A_258 = arith.subi %get3A_257, %add3A_218 : vector<16xi32>
        %min3A_259 = arith.minsi %scan3A_242, %sub3A_258 : vector<16xi32>
        %get3A_260 = arith.index_cast %scan3A_240 : i32 to index
        %get3A_261 = arith.constant 32 : index
        %get3A_262 = tpu.vector_load %arg4[%get3A_260, %get3A_261] {strides = array<i32>} : memref<256x128xi32, #tpu.memory_space<vmem>>, vector<1x16xi32>,
        %get3A_263 = vector.shape_cast %get3A_262 : vector<1x16xi32> to vector<16xi32>
        %sub3A_264 = arith.subi %get3A_263, %add3A_218 : vector<16xi32>
        %min3A_265 = arith.minsi %scan3A_243, %sub3A_264 : vector<16xi32>
        %get3A_266 = arith.index_cast %scan3A_240 : i32 to index
        %get3A_267 = arith.constant 48 : index
        %get3A_268 = tpu.vector_load %arg4[%get3A_266, %get3A_267] {strides = array<i32>} : memref<256x128xi32, #tpu.memory_space<vmem>>, vector<1x16xi32>,
        %get3A_269 = vector.shape_cast %get3A_268 : vector<1x16xi32> to vector<16xi32>
        %sub3A_270 = arith.subi %get3A_269, %add3A_218 : vector<16xi32>
        %min3A_271 = arith.minsi %scan3A_244, %sub3A_270 : vector<16xi32>
        %get3A_272 = arith.index_cast %scan3A_240 : i32 to index
        %get3A_273 = arith.constant 64 : index
        %get3A_274 = tpu.vector_load %arg4[%get3A_272, %get3A_273] {strides = array<i32>} : memref<256x128xi32, #tpu.memory_space<vmem>>, vector<1x16xi32>,
        %get3A_275 = vector.shape_cast %get3A_274 : vector<1x16xi32> to vector<16xi32>
        %sub3A_276 = arith.subi %get3A_275, %add3A_218 : vector<16xi32>
        %min3A_277 = arith.minsi %scan3A_245, %sub3A_276 : vector<16xi32>
        %get3A_278 = arith.index_cast %scan3A_240 : i32 to index
        %get3A_279 = arith.constant 80 : index
        %get3A_280 = tpu.vector_load %arg4[%get3A_278, %get3A_279] {strides = array<i32>} : memref<256x128xi32, #tpu.memory_space<vmem>>, vector<1x16xi32>,
        %get3A_281 = vector.shape_cast %get3A_280 : vector<1x16xi32> to vector<16xi32>
        %sub3A_282 = arith.subi %get3A_281, %add3A_218 : vector<16xi32>
        %min3A_283 = arith.minsi %scan3A_246, %sub3A_282 : vector<16xi32>
        %get3A_284 = arith.index_cast %scan3A_240 : i32 to index
        %get3A_285 = arith.constant 96 : index
        %get3A_286 = tpu.vector_load %arg4[%get3A_284, %get3A_285] {strides = array<i32>} : memref<256x128xi32, #tpu.memory_space<vmem>>, vector<1x16xi32>,
        %get3A_287 = vector.shape_cast %get3A_286 : vector<1x16xi32> to vector<16xi32>
        %sub3A_288 = arith.subi %get3A_287, %add3A_218 : vector<16xi32>
        %min3A_289 = arith.minsi %scan3A_247, %sub3A_288 : vector<16xi32>
        %get3A_290 = arith.index_cast %scan3A_240 : i32 to index
        %get3A_291 = arith.constant 112 : index
        %get3A_292 = tpu.vector_load %arg4[%get3A_290, %get3A_291] {strides = array<i32>} : memref<256x128xi32, #tpu.memory_space<vmem>>, vector<1x16xi32>,
        %get3A_293 = vector.shape_cast %get3A_292 : vector<1x16xi32> to vector<16xi32>
        %sub3A_294 = arith.subi %get3A_293, %add3A_218 : vector<16xi32>
        %min3A_295 = arith.minsi %scan3A_248, %sub3A_294 : vector<16xi32>
        %scan3A_296 = arith.constant 1 : i32
        %scan3A_297 = arith.addi %scan3A_240, %scan3A_296 : i32
        %get3A_298 = arith.index_cast %scan3A_297 : i32 to index
        %get3A_299 = arith.constant 0 : index
        %get3A_300 = tpu.vector_load %arg4[%get3A_298, %get3A_299] {strides = array<i32>} : memref<256x128xi32, #tpu.memory_space<vmem>>, vector<1x16xi32>,
        %get3A_301 = vector.shape_cast %get3A_300 : vector<1x16xi32> to vector<16xi32>
        %sub3A_302 = arith.subi %get3A_301, %add3A_218 : vector<16xi32>
        %min3A_303 = arith.minsi %min3A_253, %sub3A_302 : vector<16xi32>
        %get3A_304 = arith.index_cast %scan3A_297 : i32 to index
        %get3A_305 = arith.constant 16 : index
        %get3A_306 = tpu.vector_load %arg4[%get3A_304, %get3A_305] {strides = array<i32>} : memref<256x128xi32, #tpu.memory_space<vmem>>, vector<1x16xi32>,
        %get3A_307 = vector.shape_cast %get3A_306 : vector<1x16xi32> to vector<16xi32>
        %sub3A_308 = arith.subi %get3A_307, %add3A_218 : vector<16xi32>
        %min3A_309 = arith.minsi %min3A_259, %sub3A_308 : vector<16xi32>
        %get3A_310 = arith.index_cast %scan3A_297 : i32 to index
        %get3A_311 = arith.constant 32 : index
        %get3A_312 = tpu.vector_load %arg4[%get3A_310, %get3A_311] {strides = array<i32>} : memref<256x128xi32, #tpu.memory_space<vmem>>, vector<1x16xi32>,
        %get3A_313 = vector.shape_cast %get3A_312 : vector<1x16xi32> to vector<16xi32>
        %sub3A_314 = arith.subi %get3A_313, %add3A_218 : vector<16xi32>
        %min3A_315 = arith.minsi %min3A_265, %sub3A_314 : vector<16xi32>
        %get3A_316 = arith.index_cast %scan3A_297 : i32 to index
        %get3A_317 = arith.constant 48 : index
        %get3A_318 = tpu.vector_load %arg4[%get3A_316, %get3A_317] {strides = array<i32>} : memref<256x128xi32, #tpu.memory_space<vmem>>, vector<1x16xi32>,
        %get3A_319 = vector.shape_cast %get3A_318 : vector<1x16xi32> to vector<16xi32>
        %sub3A_320 = arith.subi %get3A_319, %add3A_218 : vector<16xi32>
        %min3A_321 = arith.minsi %min3A_271, %sub3A_320 : vector<16xi32>
        %get3A_322 = arith.index_cast %scan3A_297 : i32 to index
        %get3A_323 = arith.constant 64 : index
        %get3A_324 = tpu.vector_load %arg4[%get3A_322, %get3A_323] {strides = array<i32>} : memref<256x128xi32, #tpu.memory_space<vmem>>, vector<1x16xi32>,
        %get3A_325 = vector.shape_cast %get3A_324 : vector<1x16xi32> to vector<16xi32>
        %sub3A_326 = arith.subi %get3A_325, %add3A_218 : vector<16xi32>
        %min3A_327 = arith.minsi %min3A_277, %sub3A_326 : vector<16xi32>
        %get3A_328 = arith.index_cast %scan3A_297 : i32 to index
        %get3A_329 = arith.constant 80 : index
        %get3A_330 = tpu.vector_load %arg4[%get3A_328, %get3A_329] {strides = array<i32>} : memref<256x128xi32, #tpu.memory_space<vmem>>, vector<1x16xi32>,
        %get3A_331 = vector.shape_cast %get3A_330 : vector<1x16xi32> to vector<16xi32>
        %sub3A_332 = arith.subi %get3A_331, %add3A_218 : vector<16xi32>
        %min3A_333 = arith.minsi %min3A_283, %sub3A_332 : vector<16xi32>
        %get3A_334 = arith.index_cast %scan3A_297 : i32 to index
        %get3A_335 = arith.constant 96 : index
        %get3A_336 = tpu.vector_load %arg4[%get3A_334, %get3A_335] {strides = array<i32>} : memref<256x128xi32, #tpu.memory_space<vmem>>, vector<1x16xi32>,
        %get3A_337 = vector.shape_cast %get3A_336 : vector<1x16xi32> to vector<16xi32>
        %sub3A_338 = arith.subi %get3A_337, %add3A_218 : vector<16xi32>
        %min3A_339 = arith.minsi %min3A_289, %sub3A_338 : vector<16xi32>
        %get3A_340 = arith.index_cast %scan3A_297 : i32 to index
        %get3A_341 = arith.constant 112 : index
        %get3A_342 = tpu.vector_load %arg4[%get3A_340, %get3A_341] {strides = array<i32>} : memref<256x128xi32, #tpu.memory_space<vmem>>, vector<1x16xi32>,
        %get3A_343 = vector.shape_cast %get3A_342 : vector<1x16xi32> to vector<16xi32>
        %sub3A_344 = arith.subi %get3A_343, %add3A_218 : vector<16xi32>
        %min3A_345 = arith.minsi %min3A_295, %sub3A_344 : vector<16xi32>
        scf.yield %min3A_303, %min3A_309, %min3A_315, %min3A_321, %min3A_327, %min3A_333, %min3A_339, %min3A_345 : vector<16xi32>, vector<16xi32>, vector<16xi32>, vector<16xi32>, vector<16xi32>, vector<16xi32>, vector<16xi32>, vector<16xi32>
      }
      %scan3A_226 = arith.constant 256 : i32
      %min3A = arith.minsi %scan3A_225#0, %scan3A_225#1 : vector<16xi32>
      %min3A_227 = arith.minsi %scan3A_225#2, %scan3A_225#3 : vector<16xi32>
      %min3A_228 = arith.minsi %scan3A_225#4, %scan3A_225#5 : vector<16xi32>
      %min3A_229 = arith.minsi %scan3A_225#6, %scan3A_225#7 : vector<16xi32>
      %min3A_230 = arith.minsi %min3A, %min3A_227 : vector<16xi32>
      %min3A_231 = arith.minsi %min3A_228, %min3A_229 : vector<16xi32>
      %min3A_232 = arith.minsi %min3A_230, %min3A_231 : vector<16xi32>
      %add3A_233 = arith.constant 1 : i32
      %add3A_234 = vector.broadcast %add3A_233 : i32 to vector<16xi32>
      %add3A_235 = arith.addi %scan3A_216, %add3A_234 : vector<16xi32>
      %xor3A = vector.broadcast %scan3A : i32 to vector<16xi32>
      %xor3A_236 = arith.xori %min3A_232, %xor3A : vector<16xi32>
      %add3A_237 = arith.addi %add3A_235, %xor3A_236 : vector<16xi32>
      %bitcast_convert_type3A_238 = tpu.bitcast %add3A_237 : vector<16xi32> -> vector<16xf32>
      %add3A_239 = arith.addf %scan3A_215, %bitcast_convert_type3A_238 : vector<16xf32>
      scf.yield %add3A_239, %add3A_237 : vector<16xf32>, vector<16xi32>
    }
    %scan3A_15 = arith.constant 21 : i32
    %bitcast_convert_type3A = tpu.bitcast %scan3A_14#1 : vector<16xi32> -> vector<16xf32>
    %mul3A_16 = arith.constant -5.200000e-01 : f32
    %mul3A_17 = vector.broadcast %mul3A_16 : f32 to vector<16xf32>
    %mul3A_18 = arith.mulf %bitcast_convert_type3A, %mul3A_17 : vector<16xf32>
    %add3A_19 = arith.addf %scan3A_14#0, %mul3A_18 : vector<16xf32>
    %div3A = arith.constant 2.048000e+01 : f32
    %div3A_20 = vector.broadcast %div3A : f32 to vector<16xf32>
    %div3A_21 = arith.divf %add3A_19, %div3A_20 : vector<16xf32>
    %swap3A = arith.constant 0 : index
    %swap3A_22 = tpu.vector_load %arg5[%swap3A] {strides = array<i32>} : memref<128xf32, #tpu.memory_space<vmem>>, vector<16xf32>,
    %swap3A_23 = vector.shape_cast %swap3A_22 : vector<16xf32> to vector<16xf32>
    %swap3A_24 = vector.shape_cast %div3A_21 : vector<16xf32> to vector<16xf32>
    tpu.vector_store %arg5[%swap3A], %swap3A_24 {strides = array<i32>} : memref<128xf32, #tpu.memory_space<vmem>>, vector<16xf32>,
    %mul3A_25 = arith.constant 8 : i32
    %mul3A_26 = arith.muli %add3A, %mul3A_25 : i32
    %add3A_27 = arith.constant 1 : i32
    %add3A_28 = arith.addi %mul3A_26, %add3A_27 : i32
    "tpu.region"() ({
      %run_scoped3A = tpu.sem_alloc : memref<!tpu.dma_semaphore, #tpu.memory_space<semaphore_mem>>
      %dma_start3A = arith.constant 0 : i32
      %dma_start3A_214 = arith.constant 0 : i32
      %dma_start3A_215 = tpu.memref_slice %arg2[%add3A_28, %dma_start3A, %dma_start3A_214] : memref<256x256x128xi32, #tpu.memory_space<hbm>> -> memref<1x256x128xi32, #tpu.memory_space<hbm>>
      %dma_start3A_216 = tpu.memref_squeeze %dma_start3A_215 : memref<1x256x128xi32, #tpu.memory_space<hbm>> -> memref<256x128xi32, #tpu.memory_space<hbm>>
      %dma_start3A_217 = arith.constant 0 : i32
      %dma_start3A_218 = arith.constant 0 : i32
      %dma_start3A_219 = tpu.memref_slice %arg2[%add3A_28, %dma_start3A_217, %dma_start3A_218] : memref<256x256x128xi32, #tpu.memory_space<hbm>> -> memref<1x256x128xi32, #tpu.memory_space<hbm>>
      %dma_start3A_220 = tpu.memref_squeeze %dma_start3A_219 : memref<1x256x128xi32, #tpu.memory_space<hbm>> -> memref<256x128xi32, #tpu.memory_space<hbm>>
      tpu.enqueue_dma source(%dma_start3A_220 : memref<256x128xi32, #tpu.memory_space<hbm>>) target(%arg4 : memref<256x128xi32, #tpu.memory_space<vmem>>) target_semaphore(%run_scoped3A : memref<!tpu.dma_semaphore, #tpu.memory_space<semaphore_mem>>)
      %dma_wait3A = arith.constant 0 : i32
      %dma_wait3A_221 = arith.constant 0 : i32
      %dma_wait3A_222 = tpu.memref_slice %arg2[%add3A_28, %dma_wait3A, %dma_wait3A_221] : memref<256x256x128xi32, #tpu.memory_space<hbm>> -> memref<1x256x128xi32, #tpu.memory_space<hbm>>
      %dma_wait3A_223 = tpu.memref_squeeze %dma_wait3A_222 : memref<1x256x128xi32, #tpu.memory_space<hbm>> -> memref<256x128xi32, #tpu.memory_space<hbm>>
      %dma_wait3A_224 = arith.constant 0 : i32
      %dma_wait3A_225 = arith.constant 0 : i32
      %dma_wait3A_226 = tpu.memref_slice %arg2[%add3A_28, %dma_wait3A_224, %dma_wait3A_225] : memref<256x256x128xi32, #tpu.memory_space<hbm>> -> memref<1x256x128xi32, #tpu.memory_space<hbm>>
      %dma_wait3A_227 = tpu.memref_squeeze %dma_wait3A_226 : memref<1x256x128xi32, #tpu.memory_space<hbm>> -> memref<256x128xi32, #tpu.memory_space<hbm>>
      tpu.wait_dma2 semaphore(%run_scoped3A : memref<!tpu.dma_semaphore, #tpu.memory_space<semaphore_mem>>) src(%dma_wait3A_227 : memref<256x128xi32, #tpu.memory_space<hbm>>) dst(%arg4 : memref<256x128xi32, #tpu.memory_space<vmem>>)
      tpu.yield
    }) : () -> ()
    %broadcast_in_dim3A_29 = arith.constant 0.000000e+00 : f32
    %broadcast_in_dim3A_30 = vector.broadcast %broadcast_in_dim3A_29 : f32 to vector<16xf32>
    %broadcast_in_dim3A_31 = arith.constant -1 : i32
    %broadcast_in_dim3A_32 = vector.broadcast %broadcast_in_dim3A_31 : i32 to vector<16xi32>
    %scan3A_33 = arith.constant -2147483648 : i32
    %scan3A_34 = arith.constant 0 : i32
    %scan3A_35 = arith.constant 21 : i32
    %scan3A_36 = arith.addi %scan3A_34, %scan3A_35 : i32
    %scan3A_37 = arith.constant 1 : i32
    %scan3A_38:2 = scf.for %scan3A_214 = %scan3A_34 to %scan3A_36 step %scan3A_37 iter_args(%scan3A_215 = %broadcast_in_dim3A_30, %scan3A_216 = %broadcast_in_dim3A_32) -> (vector<16xf32>, vector<16xi32>)  : i32 {
      %add3A_217 = vector.broadcast %sub3A_1 : i32 to vector<16xi32>
      %add3A_218 = arith.addi %scan3A_216, %add3A_217 : vector<16xi32>
      %broadcast_in_dim3A_219 = arith.constant 2147483647 : i32
      %broadcast_in_dim3A_220 = vector.broadcast %broadcast_in_dim3A_219 : i32 to vector<16xi32>
      %scan3A_221 = arith.constant 0 : i32
      %scan3A_222 = arith.constant 256 : i32
      %scan3A_223 = arith.addi %scan3A_221, %scan3A_222 : i32
      %scan3A_224 = arith.constant 2 : i32
      %scan3A_225:8 = scf.for %scan3A_240 = %scan3A_221 to %scan3A_223 step %scan3A_224 iter_args(%scan3A_241 = %broadcast_in_dim3A_220, %scan3A_242 = %broadcast_in_dim3A_220, %scan3A_243 = %broadcast_in_dim3A_220, %scan3A_244 = %broadcast_in_dim3A_220, %scan3A_245 = %broadcast_in_dim3A_220, %scan3A_246 = %broadcast_in_dim3A_220, %scan3A_247 = %broadcast_in_dim3A_220, %scan3A_248 = %broadcast_in_dim3A_220) -> (vector<16xi32>, vector<16xi32>, vector<16xi32>, vector<16xi32>, vector<16xi32>, vector<16xi32>, vector<16xi32>, vector<16xi32>)  : i32 {
        %get3A = arith.index_cast %scan3A_240 : i32 to index
        %get3A_249 = arith.constant 0 : index
        %get3A_250 = tpu.vector_load %arg4[%get3A, %get3A_249] {strides = array<i32>} : memref<256x128xi32, #tpu.memory_space<vmem>>, vector<1x16xi32>,
        %get3A_251 = vector.shape_cast %get3A_250 : vector<1x16xi32> to vector<16xi32>
        %sub3A_252 = arith.subi %get3A_251, %add3A_218 : vector<16xi32>
        %min3A_253 = arith.minsi %scan3A_241, %sub3A_252 : vector<16xi32>
        %get3A_254 = arith.index_cast %scan3A_240 : i32 to index
        %get3A_255 = arith.constant 16 : index
        %get3A_256 = tpu.vector_load %arg4[%get3A_254, %get3A_255] {strides = array<i32>} : memref<256x128xi32, #tpu.memory_space<vmem>>, vector<1x16xi32>,
        %get3A_257 = vector.shape_cast %get3A_256 : vector<1x16xi32> to vector<16xi32>
        %sub3A_258 = arith.subi %get3A_257, %add3A_218 : vector<16xi32>
        %min3A_259 = arith.minsi %scan3A_242, %sub3A_258 : vector<16xi32>
        %get3A_260 = arith.index_cast %scan3A_240 : i32 to index
        %get3A_261 = arith.constant 32 : index
        %get3A_262 = tpu.vector_load %arg4[%get3A_260, %get3A_261] {strides = array<i32>} : memref<256x128xi32, #tpu.memory_space<vmem>>, vector<1x16xi32>,
        %get3A_263 = vector.shape_cast %get3A_262 : vector<1x16xi32> to vector<16xi32>
        %sub3A_264 = arith.subi %get3A_263, %add3A_218 : vector<16xi32>
        %min3A_265 = arith.minsi %scan3A_243, %sub3A_264 : vector<16xi32>
        %get3A_266 = arith.index_cast %scan3A_240 : i32 to index
        %get3A_267 = arith.constant 48 : index
        %get3A_268 = tpu.vector_load %arg4[%get3A_266, %get3A_267] {strides = array<i32>} : memref<256x128xi32, #tpu.memory_space<vmem>>, vector<1x16xi32>,
        %get3A_269 = vector.shape_cast %get3A_268 : vector<1x16xi32> to vector<16xi32>
        %sub3A_270 = arith.subi %get3A_269, %add3A_218 : vector<16xi32>
        %min3A_271 = arith.minsi %scan3A_244, %sub3A_270 : vector<16xi32>
        %get3A_272 = arith.index_cast %scan3A_240 : i32 to index
        %get3A_273 = arith.constant 64 : index
        %get3A_274 = tpu.vector_load %arg4[%get3A_272, %get3A_273] {strides = array<i32>} : memref<256x128xi32, #tpu.memory_space<vmem>>, vector<1x16xi32>,
        %get3A_275 = vector.shape_cast %get3A_274 : vector<1x16xi32> to vector<16xi32>
        %sub3A_276 = arith.subi %get3A_275, %add3A_218 : vector<16xi32>
        %min3A_277 = arith.minsi %scan3A_245, %sub3A_276 : vector<16xi32>
        %get3A_278 = arith.index_cast %scan3A_240 : i32 to index
        %get3A_279 = arith.constant 80 : index
        %get3A_280 = tpu.vector_load %arg4[%get3A_278, %get3A_279] {strides = array<i32>} : memref<256x128xi32, #tpu.memory_space<vmem>>, vector<1x16xi32>,
        %get3A_281 = vector.shape_cast %get3A_280 : vector<1x16xi32> to vector<16xi32>
        %sub3A_282 = arith.subi %get3A_281, %add3A_218 : vector<16xi32>
        %min3A_283 = arith.minsi %scan3A_246, %sub3A_282 : vector<16xi32>
        %get3A_284 = arith.index_cast %scan3A_240 : i32 to index
        %get3A_285 = arith.constant 96 : index
        %get3A_286 = tpu.vector_load %arg4[%get3A_284, %get3A_285] {strides = array<i32>} : memref<256x128xi32, #tpu.memory_space<vmem>>, vector<1x16xi32>,
        %get3A_287 = vector.shape_cast %get3A_286 : vector<1x16xi32> to vector<16xi32>
        %sub3A_288 = arith.subi %get3A_287, %add3A_218 : vector<16xi32>
        %min3A_289 = arith.minsi %scan3A_247, %sub3A_288 : vector<16xi32>
        %get3A_290 = arith.index_cast %scan3A_240 : i32 to index
        %get3A_291 = arith.constant 112 : index
        %get3A_292 = tpu.vector_load %arg4[%get3A_290, %get3A_291] {strides = array<i32>} : memref<256x128xi32, #tpu.memory_space<vmem>>, vector<1x16xi32>,
        %get3A_293 = vector.shape_cast %get3A_292 : vector<1x16xi32> to vector<16xi32>
        %sub3A_294 = arith.subi %get3A_293, %add3A_218 : vector<16xi32>
        %min3A_295 = arith.minsi %scan3A_248, %sub3A_294 : vector<16xi32>
        %scan3A_296 = arith.constant 1 : i32
        %scan3A_297 = arith.addi %scan3A_240, %scan3A_296 : i32
        %get3A_298 = arith.index_cast %scan3A_297 : i32 to index
        %get3A_299 = arith.constant 0 : index
        %get3A_300 = tpu.vector_load %arg4[%get3A_298, %get3A_299] {strides = array<i32>} : memref<256x128xi32, #tpu.memory_space<vmem>>, vector<1x16xi32>,
        %get3A_301 = vector.shape_cast %get3A_300 : vector<1x16xi32> to vector<16xi32>
        %sub3A_302 = arith.subi %get3A_301, %add3A_218 : vector<16xi32>
        %min3A_303 = arith.minsi %min3A_253, %sub3A_302 : vector<16xi32>
        %get3A_304 = arith.index_cast %scan3A_297 : i32 to index
        %get3A_305 = arith.constant 16 : index
        %get3A_306 = tpu.vector_load %arg4[%get3A_304, %get3A_305] {strides = array<i32>} : memref<256x128xi32, #tpu.memory_space<vmem>>, vector<1x16xi32>,
        %get3A_307 = vector.shape_cast %get3A_306 : vector<1x16xi32> to vector<16xi32>
        %sub3A_308 = arith.subi %get3A_307, %add3A_218 : vector<16xi32>
        %min3A_309 = arith.minsi %min3A_259, %sub3A_308 : vector<16xi32>
        %get3A_310 = arith.index_cast %scan3A_297 : i32 to index
        %get3A_311 = arith.constant 32 : index
        %get3A_312 = tpu.vector_load %arg4[%get3A_310, %get3A_311] {strides = array<i32>} : memref<256x128xi32, #tpu.memory_space<vmem>>, vector<1x16xi32>,
        %get3A_313 = vector.shape_cast %get3A_312 : vector<1x16xi32> to vector<16xi32>
        %sub3A_314 = arith.subi %get3A_313, %add3A_218 : vector<16xi32>
        %min3A_315 = arith.minsi %min3A_265, %sub3A_314 : vector<16xi32>
        %get3A_316 = arith.index_cast %scan3A_297 : i32 to index
        %get3A_317 = arith.constant 48 : index
        %get3A_318 = tpu.vector_load %arg4[%get3A_316, %get3A_317] {strides = array<i32>} : memref<256x128xi32, #tpu.memory_space<vmem>>, vector<1x16xi32>,
        %get3A_319 = vector.shape_cast %get3A_318 : vector<1x16xi32> to vector<16xi32>
        %sub3A_320 = arith.subi %get3A_319, %add3A_218 : vector<16xi32>
        %min3A_321 = arith.minsi %min3A_271, %sub3A_320 : vector<16xi32>
        %get3A_322 = arith.index_cast %scan3A_297 : i32 to index
        %get3A_323 = arith.constant 64 : index
        %get3A_324 = tpu.vector_load %arg4[%get3A_322, %get3A_323] {strides = array<i32>} : memref<256x128xi32, #tpu.memory_space<vmem>>, vector<1x16xi32>,
        %get3A_325 = vector.shape_cast %get3A_324 : vector<1x16xi32> to vector<16xi32>
        %sub3A_326 = arith.subi %get3A_325, %add3A_218 : vector<16xi32>
        %min3A_327 = arith.minsi %min3A_277, %sub3A_326 : vector<16xi32>
        %get3A_328 = arith.index_cast %scan3A_297 : i32 to index
        %get3A_329 = arith.constant 80 : index
        %get3A_330 = tpu.vector_load %arg4[%get3A_328, %get3A_329] {strides = array<i32>} : memref<256x128xi32, #tpu.memory_space<vmem>>, vector<1x16xi32>,
        %get3A_331 = vector.shape_cast %get3A_330 : vector<1x16xi32> to vector<16xi32>
        %sub3A_332 = arith.subi %get3A_331, %add3A_218 : vector<16xi32>
        %min3A_333 = arith.minsi %min3A_283, %sub3A_332 : vector<16xi32>
        %get3A_334 = arith.index_cast %scan3A_297 : i32 to index
        %get3A_335 = arith.constant 96 : index
        %get3A_336 = tpu.vector_load %arg4[%get3A_334, %get3A_335] {strides = array<i32>} : memref<256x128xi32, #tpu.memory_space<vmem>>, vector<1x16xi32>,
        %get3A_337 = vector.shape_cast %get3A_336 : vector<1x16xi32> to vector<16xi32>
        %sub3A_338 = arith.subi %get3A_337, %add3A_218 : vector<16xi32>
        %min3A_339 = arith.minsi %min3A_289, %sub3A_338 : vector<16xi32>
        %get3A_340 = arith.index_cast %scan3A_297 : i32 to index
        %get3A_341 = arith.constant 112 : index
        %get3A_342 = tpu.vector_load %arg4[%get3A_340, %get3A_341] {strides = array<i32>} : memref<256x128xi32, #tpu.memory_space<vmem>>, vector<1x16xi32>,
        %get3A_343 = vector.shape_cast %get3A_342 : vector<1x16xi32> to vector<16xi32>
        %sub3A_344 = arith.subi %get3A_343, %add3A_218 : vector<16xi32>
        %min3A_345 = arith.minsi %min3A_295, %sub3A_344 : vector<16xi32>
        scf.yield %min3A_303, %min3A_309, %min3A_315, %min3A_321, %min3A_327, %min3A_333, %min3A_339, %min3A_345 : vector<16xi32>, vector<16xi32>, vector<16xi32>, vector<16xi32>, vector<16xi32>, vector<16xi32>, vector<16xi32>, vector<16xi32>
      }
      %scan3A_226 = arith.constant 256 : i32
      %min3A = arith.minsi %scan3A_225#0, %scan3A_225#1 : vector<16xi32>
      %min3A_227 = arith.minsi %scan3A_225#2, %scan3A_225#3 : vector<16xi32>
      %min3A_228 = arith.minsi %scan3A_225#4, %scan3A_225#5 : vector<16xi32>
      %min3A_229 = arith.minsi %scan3A_225#6, %scan3A_225#7 : vector<16xi32>
      %min3A_230 = arith.minsi %min3A, %min3A_227 : vector<16xi32>
      %min3A_231 = arith.minsi %min3A_228, %min3A_229 : vector<16xi32>
      %min3A_232 = arith.minsi %min3A_230, %min3A_231 : vector<16xi32>
      %add3A_233 = arith.constant 1 : i32
      %add3A_234 = vector.broadcast %add3A_233 : i32 to vector<16xi32>
      %add3A_235 = arith.addi %scan3A_216, %add3A_234 : vector<16xi32>
      %xor3A = vector.broadcast %scan3A_33 : i32 to vector<16xi32>
      %xor3A_236 = arith.xori %min3A_232, %xor3A : vector<16xi32>
      %add3A_237 = arith.addi %add3A_235, %xor3A_236 : vector<16xi32>
      %bitcast_convert_type3A_238 = tpu.bitcast %add3A_237 : vector<16xi32> -> vector<16xf32>
      %add3A_239 = arith.addf %scan3A_215, %bitcast_convert_type3A_238 : vector<16xf32>
      scf.yield %add3A_239, %add3A_237 : vector<16xf32>, vector<16xi32>
    }
    %scan3A_39 = arith.constant 21 : i32
    %bitcast_convert_type3A_40 = tpu.bitcast %scan3A_38#1 : vector<16xi32> -> vector<16xf32>
    %mul3A_41 = arith.constant -5.200000e-01 : f32
    %mul3A_42 = vector.broadcast %mul3A_41 : f32 to vector<16xf32>
    %mul3A_43 = arith.mulf %bitcast_convert_type3A_40, %mul3A_42 : vector<16xf32>
    %add3A_44 = arith.addf %scan3A_38#0, %mul3A_43 : vector<16xf32>
    %div3A_45 = arith.constant 2.048000e+01 : f32
    %div3A_46 = vector.broadcast %div3A_45 : f32 to vector<16xf32>
    %div3A_47 = arith.divf %add3A_44, %div3A_46 : vector<16xf32>
    %swap3A_48 = arith.constant 16 : index
    %swap3A_49 = tpu.vector_load %arg5[%swap3A_48] {strides = array<i32>} : memref<128xf32, #tpu.memory_space<vmem>>, vector<16xf32>,
    %swap3A_50 = vector.shape_cast %swap3A_49 : vector<16xf32> to vector<16xf32>
    %swap3A_51 = vector.shape_cast %div3A_47 : vector<16xf32> to vector<16xf32>
    tpu.vector_store %arg5[%swap3A_48], %swap3A_51 {strides = array<i32>} : memref<128xf32, #tpu.memory_space<vmem>>, vector<16xf32>,
    %mul3A_52 = arith.constant 8 : i32
    %mul3A_53 = arith.muli %add3A, %mul3A_52 : i32
    %add3A_54 = arith.constant 2 : i32
    %add3A_55 = arith.addi %mul3A_53, %add3A_54 : i32
    "tpu.region"() ({
      %run_scoped3A = tpu.sem_alloc : memref<!tpu.dma_semaphore, #tpu.memory_space<semaphore_mem>>
      %dma_start3A = arith.constant 0 : i32
      %dma_start3A_214 = arith.constant 0 : i32
      %dma_start3A_215 = tpu.memref_slice %arg2[%add3A_55, %dma_start3A, %dma_start3A_214] : memref<256x256x128xi32, #tpu.memory_space<hbm>> -> memref<1x256x128xi32, #tpu.memory_space<hbm>>
      %dma_start3A_216 = tpu.memref_squeeze %dma_start3A_215 : memref<1x256x128xi32, #tpu.memory_space<hbm>> -> memref<256x128xi32, #tpu.memory_space<hbm>>
      %dma_start3A_217 = arith.constant 0 : i32
      %dma_start3A_218 = arith.constant 0 : i32
      %dma_start3A_219 = tpu.memref_slice %arg2[%add3A_55, %dma_start3A_217, %dma_start3A_218] : memref<256x256x128xi32, #tpu.memory_space<hbm>> -> memref<1x256x128xi32, #tpu.memory_space<hbm>>
      %dma_start3A_220 = tpu.memref_squeeze %dma_start3A_219 : memref<1x256x128xi32, #tpu.memory_space<hbm>> -> memref<256x128xi32, #tpu.memory_space<hbm>>
      tpu.enqueue_dma source(%dma_start3A_220 : memref<256x128xi32, #tpu.memory_space<hbm>>) target(%arg4 : memref<256x128xi32, #tpu.memory_space<vmem>>) target_semaphore(%run_scoped3A : memref<!tpu.dma_semaphore, #tpu.memory_space<semaphore_mem>>)
      %dma_wait3A = arith.constant 0 : i32
      %dma_wait3A_221 = arith.constant 0 : i32
      %dma_wait3A_222 = tpu.memref_slice %arg2[%add3A_55, %dma_wait3A, %dma_wait3A_221] : memref<256x256x128xi32, #tpu.memory_space<hbm>> -> memref<1x256x128xi32, #tpu.memory_space<hbm>>
      %dma_wait3A_223 = tpu.memref_squeeze %dma_wait3A_222 : memref<1x256x128xi32, #tpu.memory_space<hbm>> -> memref<256x128xi32, #tpu.memory_space<hbm>>
      %dma_wait3A_224 = arith.constant 0 : i32
      %dma_wait3A_225 = arith.constant 0 : i32
      %dma_wait3A_226 = tpu.memref_slice %arg2[%add3A_55, %dma_wait3A_224, %dma_wait3A_225] : memref<256x256x128xi32, #tpu.memory_space<hbm>> -> memref<1x256x128xi32, #tpu.memory_space<hbm>>
      %dma_wait3A_227 = tpu.memref_squeeze %dma_wait3A_226 : memref<1x256x128xi32, #tpu.memory_space<hbm>> -> memref<256x128xi32, #tpu.memory_space<hbm>>
      tpu.wait_dma2 semaphore(%run_scoped3A : memref<!tpu.dma_semaphore, #tpu.memory_space<semaphore_mem>>) src(%dma_wait3A_227 : memref<256x128xi32, #tpu.memory_space<hbm>>) dst(%arg4 : memref<256x128xi32, #tpu.memory_space<vmem>>)
      tpu.yield
    }) : () -> ()
    %broadcast_in_dim3A_56 = arith.constant 0.000000e+00 : f32
    %broadcast_in_dim3A_57 = vector.broadcast %broadcast_in_dim3A_56 : f32 to vector<16xf32>
    %broadcast_in_dim3A_58 = arith.constant -1 : i32
    %broadcast_in_dim3A_59 = vector.broadcast %broadcast_in_dim3A_58 : i32 to vector<16xi32>
    %scan3A_60 = arith.constant -2147483648 : i32
    %scan3A_61 = arith.constant 0 : i32
    %scan3A_62 = arith.constant 21 : i32
    %scan3A_63 = arith.addi %scan3A_61, %scan3A_62 : i32
    %scan3A_64 = arith.constant 1 : i32
    %scan3A_65:2 = scf.for %scan3A_214 = %scan3A_61 to %scan3A_63 step %scan3A_64 iter_args(%scan3A_215 = %broadcast_in_dim3A_57, %scan3A_216 = %broadcast_in_dim3A_59) -> (vector<16xf32>, vector<16xi32>)  : i32 {
      %add3A_217 = vector.broadcast %sub3A_1 : i32 to vector<16xi32>
      %add3A_218 = arith.addi %scan3A_216, %add3A_217 : vector<16xi32>
      %broadcast_in_dim3A_219 = arith.constant 2147483647 : i32
      %broadcast_in_dim3A_220 = vector.broadcast %broadcast_in_dim3A_219 : i32 to vector<16xi32>
      %scan3A_221 = arith.constant 0 : i32
      %scan3A_222 = arith.constant 256 : i32
      %scan3A_223 = arith.addi %scan3A_221, %scan3A_222 : i32
      %scan3A_224 = arith.constant 2 : i32
      %scan3A_225:8 = scf.for %scan3A_240 = %scan3A_221 to %scan3A_223 step %scan3A_224 iter_args(%scan3A_241 = %broadcast_in_dim3A_220, %scan3A_242 = %broadcast_in_dim3A_220, %scan3A_243 = %broadcast_in_dim3A_220, %scan3A_244 = %broadcast_in_dim3A_220, %scan3A_245 = %broadcast_in_dim3A_220, %scan3A_246 = %broadcast_in_dim3A_220, %scan3A_247 = %broadcast_in_dim3A_220, %scan3A_248 = %broadcast_in_dim3A_220) -> (vector<16xi32>, vector<16xi32>, vector<16xi32>, vector<16xi32>, vector<16xi32>, vector<16xi32>, vector<16xi32>, vector<16xi32>)  : i32 {
        %get3A = arith.index_cast %scan3A_240 : i32 to index
        %get3A_249 = arith.constant 0 : index
        %get3A_250 = tpu.vector_load %arg4[%get3A, %get3A_249] {strides = array<i32>} : memref<256x128xi32, #tpu.memory_space<vmem>>, vector<1x16xi32>,
        %get3A_251 = vector.shape_cast %get3A_250 : vector<1x16xi32> to vector<16xi32>
        %sub3A_252 = arith.subi %get3A_251, %add3A_218 : vector<16xi32>
        %min3A_253 = arith.minsi %scan3A_241, %sub3A_252 : vector<16xi32>
        %get3A_254 = arith.index_cast %scan3A_240 : i32 to index
        %get3A_255 = arith.constant 16 : index
        %get3A_256 = tpu.vector_load %arg4[%get3A_254, %get3A_255] {strides = array<i32>} : memref<256x128xi32, #tpu.memory_space<vmem>>, vector<1x16xi32>,
        %get3A_257 = vector.shape_cast %get3A_256 : vector<1x16xi32> to vector<16xi32>
        %sub3A_258 = arith.subi %get3A_257, %add3A_218 : vector<16xi32>
        %min3A_259 = arith.minsi %scan3A_242, %sub3A_258 : vector<16xi32>
        %get3A_260 = arith.index_cast %scan3A_240 : i32 to index
        %get3A_261 = arith.constant 32 : index
        %get3A_262 = tpu.vector_load %arg4[%get3A_260, %get3A_261] {strides = array<i32>} : memref<256x128xi32, #tpu.memory_space<vmem>>, vector<1x16xi32>,
        %get3A_263 = vector.shape_cast %get3A_262 : vector<1x16xi32> to vector<16xi32>
        %sub3A_264 = arith.subi %get3A_263, %add3A_218 : vector<16xi32>
        %min3A_265 = arith.minsi %scan3A_243, %sub3A_264 : vector<16xi32>
        %get3A_266 = arith.index_cast %scan3A_240 : i32 to index
        %get3A_267 = arith.constant 48 : index
        %get3A_268 = tpu.vector_load %arg4[%get3A_266, %get3A_267] {strides = array<i32>} : memref<256x128xi32, #tpu.memory_space<vmem>>, vector<1x16xi32>,
        %get3A_269 = vector.shape_cast %get3A_268 : vector<1x16xi32> to vector<16xi32>
        %sub3A_270 = arith.subi %get3A_269, %add3A_218 : vector<16xi32>
        %min3A_271 = arith.minsi %scan3A_244, %sub3A_270 : vector<16xi32>
        %get3A_272 = arith.index_cast %scan3A_240 : i32 to index
        %get3A_273 = arith.constant 64 : index
        %get3A_274 = tpu.vector_load %arg4[%get3A_272, %get3A_273] {strides = array<i32>} : memref<256x128xi32, #tpu.memory_space<vmem>>, vector<1x16xi32>,
        %get3A_275 = vector.shape_cast %get3A_274 : vector<1x16xi32> to vector<16xi32>
        %sub3A_276 = arith.subi %get3A_275, %add3A_218 : vector<16xi32>
        %min3A_277 = arith.minsi %scan3A_245, %sub3A_276 : vector<16xi32>
        %get3A_278 = arith.index_cast %scan3A_240 : i32 to index
        %get3A_279 = arith.constant 80 : index
        %get3A_280 = tpu.vector_load %arg4[%get3A_278, %get3A_279] {strides = array<i32>} : memref<256x128xi32, #tpu.memory_space<vmem>>, vector<1x16xi32>,
        %get3A_281 = vector.shape_cast %get3A_280 : vector<1x16xi32> to vector<16xi32>
        %sub3A_282 = arith.subi %get3A_281, %add3A_218 : vector<16xi32>
        %min3A_283 = arith.minsi %scan3A_246, %sub3A_282 : vector<16xi32>
        %get3A_284 = arith.index_cast %scan3A_240 : i32 to index
        %get3A_285 = arith.constant 96 : index
        %get3A_286 = tpu.vector_load %arg4[%get3A_284, %get3A_285] {strides = array<i32>} : memref<256x128xi32, #tpu.memory_space<vmem>>, vector<1x16xi32>,
        %get3A_287 = vector.shape_cast %get3A_286 : vector<1x16xi32> to vector<16xi32>
        %sub3A_288 = arith.subi %get3A_287, %add3A_218 : vector<16xi32>
        %min3A_289 = arith.minsi %scan3A_247, %sub3A_288 : vector<16xi32>
        %get3A_290 = arith.index_cast %scan3A_240 : i32 to index
        %get3A_291 = arith.constant 112 : index
        %get3A_292 = tpu.vector_load %arg4[%get3A_290, %get3A_291] {strides = array<i32>} : memref<256x128xi32, #tpu.memory_space<vmem>>, vector<1x16xi32>,
        %get3A_293 = vector.shape_cast %get3A_292 : vector<1x16xi32> to vector<16xi32>
        %sub3A_294 = arith.subi %get3A_293, %add3A_218 : vector<16xi32>
        %min3A_295 = arith.minsi %scan3A_248, %sub3A_294 : vector<16xi32>
        %scan3A_296 = arith.constant 1 : i32
        %scan3A_297 = arith.addi %scan3A_240, %scan3A_296 : i32
        %get3A_298 = arith.index_cast %scan3A_297 : i32 to index
        %get3A_299 = arith.constant 0 : index
        %get3A_300 = tpu.vector_load %arg4[%get3A_298, %get3A_299] {strides = array<i32>} : memref<256x128xi32, #tpu.memory_space<vmem>>, vector<1x16xi32>,
        %get3A_301 = vector.shape_cast %get3A_300 : vector<1x16xi32> to vector<16xi32>
        %sub3A_302 = arith.subi %get3A_301, %add3A_218 : vector<16xi32>
        %min3A_303 = arith.minsi %min3A_253, %sub3A_302 : vector<16xi32>
        %get3A_304 = arith.index_cast %scan3A_297 : i32 to index
        %get3A_305 = arith.constant 16 : index
        %get3A_306 = tpu.vector_load %arg4[%get3A_304, %get3A_305] {strides = array<i32>} : memref<256x128xi32, #tpu.memory_space<vmem>>, vector<1x16xi32>,
        %get3A_307 = vector.shape_cast %get3A_306 : vector<1x16xi32> to vector<16xi32>
        %sub3A_308 = arith.subi %get3A_307, %add3A_218 : vector<16xi32>
        %min3A_309 = arith.minsi %min3A_259, %sub3A_308 : vector<16xi32>
        %get3A_310 = arith.index_cast %scan3A_297 : i32 to index
        %get3A_311 = arith.constant 32 : index
        %get3A_312 = tpu.vector_load %arg4[%get3A_310, %get3A_311] {strides = array<i32>} : memref<256x128xi32, #tpu.memory_space<vmem>>, vector<1x16xi32>,
        %get3A_313 = vector.shape_cast %get3A_312 : vector<1x16xi32> to vector<16xi32>
        %sub3A_314 = arith.subi %get3A_313, %add3A_218 : vector<16xi32>
        %min3A_315 = arith.minsi %min3A_265, %sub3A_314 : vector<16xi32>
        %get3A_316 = arith.index_cast %scan3A_297 : i32 to index
        %get3A_317 = arith.constant 48 : index
        %get3A_318 = tpu.vector_load %arg4[%get3A_316, %get3A_317] {strides = array<i32>} : memref<256x128xi32, #tpu.memory_space<vmem>>, vector<1x16xi32>,
        %get3A_319 = vector.shape_cast %get3A_318 : vector<1x16xi32> to vector<16xi32>
        %sub3A_320 = arith.subi %get3A_319, %add3A_218 : vector<16xi32>
        %min3A_321 = arith.minsi %min3A_271, %sub3A_320 : vector<16xi32>
        %get3A_322 = arith.index_cast %scan3A_297 : i32 to index
        %get3A_323 = arith.constant 64 : index
        %get3A_324 = tpu.vector_load %arg4[%get3A_322, %get3A_323] {strides = array<i32>} : memref<256x128xi32, #tpu.memory_space<vmem>>, vector<1x16xi32>,
        %get3A_325 = vector.shape_cast %get3A_324 : vector<1x16xi32> to vector<16xi32>
        %sub3A_326 = arith.subi %get3A_325, %add3A_218 : vector<16xi32>
        %min3A_327 = arith.minsi %min3A_277, %sub3A_326 : vector<16xi32>
        %get3A_328 = arith.index_cast %scan3A_297 : i32 to index
        %get3A_329 = arith.constant 80 : index
        %get3A_330 = tpu.vector_load %arg4[%get3A_328, %get3A_329] {strides = array<i32>} : memref<256x128xi32, #tpu.memory_space<vmem>>, vector<1x16xi32>,
        %get3A_331 = vector.shape_cast %get3A_330 : vector<1x16xi32> to vector<16xi32>
        %sub3A_332 = arith.subi %get3A_331, %add3A_218 : vector<16xi32>
        %min3A_333 = arith.minsi %min3A_283, %sub3A_332 : vector<16xi32>
        %get3A_334 = arith.index_cast %scan3A_297 : i32 to index
        %get3A_335 = arith.constant 96 : index
        %get3A_336 = tpu.vector_load %arg4[%get3A_334, %get3A_335] {strides = array<i32>} : memref<256x128xi32, #tpu.memory_space<vmem>>, vector<1x16xi32>,
        %get3A_337 = vector.shape_cast %get3A_336 : vector<1x16xi32> to vector<16xi32>
        %sub3A_338 = arith.subi %get3A_337, %add3A_218 : vector<16xi32>
        %min3A_339 = arith.minsi %min3A_289, %sub3A_338 : vector<16xi32>
        %get3A_340 = arith.index_cast %scan3A_297 : i32 to index
        %get3A_341 = arith.constant 112 : index
        %get3A_342 = tpu.vector_load %arg4[%get3A_340, %get3A_341] {strides = array<i32>} : memref<256x128xi32, #tpu.memory_space<vmem>>, vector<1x16xi32>,
        %get3A_343 = vector.shape_cast %get3A_342 : vector<1x16xi32> to vector<16xi32>
        %sub3A_344 = arith.subi %get3A_343, %add3A_218 : vector<16xi32>
        %min3A_345 = arith.minsi %min3A_295, %sub3A_344 : vector<16xi32>
        scf.yield %min3A_303, %min3A_309, %min3A_315, %min3A_321, %min3A_327, %min3A_333, %min3A_339, %min3A_345 : vector<16xi32>, vector<16xi32>, vector<16xi32>, vector<16xi32>, vector<16xi32>, vector<16xi32>, vector<16xi32>, vector<16xi32>
      }
      %scan3A_226 = arith.constant 256 : i32
      %min3A = arith.minsi %scan3A_225#0, %scan3A_225#1 : vector<16xi32>
      %min3A_227 = arith.minsi %scan3A_225#2, %scan3A_225#3 : vector<16xi32>
      %min3A_228 = arith.minsi %scan3A_225#4, %scan3A_225#5 : vector<16xi32>
      %min3A_229 = arith.minsi %scan3A_225#6, %scan3A_225#7 : vector<16xi32>
      %min3A_230 = arith.minsi %min3A, %min3A_227 : vector<16xi32>
      %min3A_231 = arith.minsi %min3A_228, %min3A_229 : vector<16xi32>
      %min3A_232 = arith.minsi %min3A_230, %min3A_231 : vector<16xi32>
      %add3A_233 = arith.constant 1 : i32
      %add3A_234 = vector.broadcast %add3A_233 : i32 to vector<16xi32>
      %add3A_235 = arith.addi %scan3A_216, %add3A_234 : vector<16xi32>
      %xor3A = vector.broadcast %scan3A_60 : i32 to vector<16xi32>
      %xor3A_236 = arith.xori %min3A_232, %xor3A : vector<16xi32>
      %add3A_237 = arith.addi %add3A_235, %xor3A_236 : vector<16xi32>
      %bitcast_convert_type3A_238 = tpu.bitcast %add3A_237 : vector<16xi32> -> vector<16xf32>
      %add3A_239 = arith.addf %scan3A_215, %bitcast_convert_type3A_238 : vector<16xf32>
      scf.yield %add3A_239, %add3A_237 : vector<16xf32>, vector<16xi32>
    }
    %scan3A_66 = arith.constant 21 : i32
    %bitcast_convert_type3A_67 = tpu.bitcast %scan3A_65#1 : vector<16xi32> -> vector<16xf32>
    %mul3A_68 = arith.constant -5.200000e-01 : f32
    %mul3A_69 = vector.broadcast %mul3A_68 : f32 to vector<16xf32>
    %mul3A_70 = arith.mulf %bitcast_convert_type3A_67, %mul3A_69 : vector<16xf32>
    %add3A_71 = arith.addf %scan3A_65#0, %mul3A_70 : vector<16xf32>
    %div3A_72 = arith.constant 2.048000e+01 : f32
    %div3A_73 = vector.broadcast %div3A_72 : f32 to vector<16xf32>
    %div3A_74 = arith.divf %add3A_71, %div3A_73 : vector<16xf32>
    %swap3A_75 = arith.constant 32 : index
    %swap3A_76 = tpu.vector_load %arg5[%swap3A_75] {strides = array<i32>} : memref<128xf32, #tpu.memory_space<vmem>>, vector<16xf32>,
    %swap3A_77 = vector.shape_cast %swap3A_76 : vector<16xf32> to vector<16xf32>
    %swap3A_78 = vector.shape_cast %div3A_74 : vector<16xf32> to vector<16xf32>
    tpu.vector_store %arg5[%swap3A_75], %swap3A_78 {strides = array<i32>} : memref<128xf32, #tpu.memory_space<vmem>>, vector<16xf32>,
    %mul3A_79 = arith.constant 8 : i32
    %mul3A_80 = arith.muli %add3A, %mul3A_79 : i32
    %add3A_81 = arith.constant 3 : i32
    %add3A_82 = arith.addi %mul3A_80, %add3A_81 : i32
    "tpu.region"() ({
      %run_scoped3A = tpu.sem_alloc : memref<!tpu.dma_semaphore, #tpu.memory_space<semaphore_mem>>
      %dma_start3A = arith.constant 0 : i32
      %dma_start3A_214 = arith.constant 0 : i32
      %dma_start3A_215 = tpu.memref_slice %arg2[%add3A_82, %dma_start3A, %dma_start3A_214] : memref<256x256x128xi32, #tpu.memory_space<hbm>> -> memref<1x256x128xi32, #tpu.memory_space<hbm>>
      %dma_start3A_216 = tpu.memref_squeeze %dma_start3A_215 : memref<1x256x128xi32, #tpu.memory_space<hbm>> -> memref<256x128xi32, #tpu.memory_space<hbm>>
      %dma_start3A_217 = arith.constant 0 : i32
      %dma_start3A_218 = arith.constant 0 : i32
      %dma_start3A_219 = tpu.memref_slice %arg2[%add3A_82, %dma_start3A_217, %dma_start3A_218] : memref<256x256x128xi32, #tpu.memory_space<hbm>> -> memref<1x256x128xi32, #tpu.memory_space<hbm>>
      %dma_start3A_220 = tpu.memref_squeeze %dma_start3A_219 : memref<1x256x128xi32, #tpu.memory_space<hbm>> -> memref<256x128xi32, #tpu.memory_space<hbm>>
      tpu.enqueue_dma source(%dma_start3A_220 : memref<256x128xi32, #tpu.memory_space<hbm>>) target(%arg4 : memref<256x128xi32, #tpu.memory_space<vmem>>) target_semaphore(%run_scoped3A : memref<!tpu.dma_semaphore, #tpu.memory_space<semaphore_mem>>)
      %dma_wait3A = arith.constant 0 : i32
      %dma_wait3A_221 = arith.constant 0 : i32
      %dma_wait3A_222 = tpu.memref_slice %arg2[%add3A_82, %dma_wait3A, %dma_wait3A_221] : memref<256x256x128xi32, #tpu.memory_space<hbm>> -> memref<1x256x128xi32, #tpu.memory_space<hbm>>
      %dma_wait3A_223 = tpu.memref_squeeze %dma_wait3A_222 : memref<1x256x128xi32, #tpu.memory_space<hbm>> -> memref<256x128xi32, #tpu.memory_space<hbm>>
      %dma_wait3A_224 = arith.constant 0 : i32
      %dma_wait3A_225 = arith.constant 0 : i32
      %dma_wait3A_226 = tpu.memref_slice %arg2[%add3A_82, %dma_wait3A_224, %dma_wait3A_225] : memref<256x256x128xi32, #tpu.memory_space<hbm>> -> memref<1x256x128xi32, #tpu.memory_space<hbm>>
      %dma_wait3A_227 = tpu.memref_squeeze %dma_wait3A_226 : memref<1x256x128xi32, #tpu.memory_space<hbm>> -> memref<256x128xi32, #tpu.memory_space<hbm>>
      tpu.wait_dma2 semaphore(%run_scoped3A : memref<!tpu.dma_semaphore, #tpu.memory_space<semaphore_mem>>) src(%dma_wait3A_227 : memref<256x128xi32, #tpu.memory_space<hbm>>) dst(%arg4 : memref<256x128xi32, #tpu.memory_space<vmem>>)
      tpu.yield
    }) : () -> ()
    %broadcast_in_dim3A_83 = arith.constant 0.000000e+00 : f32
    %broadcast_in_dim3A_84 = vector.broadcast %broadcast_in_dim3A_83 : f32 to vector<16xf32>
    %broadcast_in_dim3A_85 = arith.constant -1 : i32
    %broadcast_in_dim3A_86 = vector.broadcast %broadcast_in_dim3A_85 : i32 to vector<16xi32>
    %scan3A_87 = arith.constant -2147483648 : i32
    %scan3A_88 = arith.constant 0 : i32
    %scan3A_89 = arith.constant 21 : i32
    %scan3A_90 = arith.addi %scan3A_88, %scan3A_89 : i32
    %scan3A_91 = arith.constant 1 : i32
    %scan3A_92:2 = scf.for %scan3A_214 = %scan3A_88 to %scan3A_90 step %scan3A_91 iter_args(%scan3A_215 = %broadcast_in_dim3A_84, %scan3A_216 = %broadcast_in_dim3A_86) -> (vector<16xf32>, vector<16xi32>)  : i32 {
      %add3A_217 = vector.broadcast %sub3A_1 : i32 to vector<16xi32>
      %add3A_218 = arith.addi %scan3A_216, %add3A_217 : vector<16xi32>
      %broadcast_in_dim3A_219 = arith.constant 2147483647 : i32
      %broadcast_in_dim3A_220 = vector.broadcast %broadcast_in_dim3A_219 : i32 to vector<16xi32>
      %scan3A_221 = arith.constant 0 : i32
      %scan3A_222 = arith.constant 256 : i32
      %scan3A_223 = arith.addi %scan3A_221, %scan3A_222 : i32
      %scan3A_224 = arith.constant 2 : i32
      %scan3A_225:8 = scf.for %scan3A_240 = %scan3A_221 to %scan3A_223 step %scan3A_224 iter_args(%scan3A_241 = %broadcast_in_dim3A_220, %scan3A_242 = %broadcast_in_dim3A_220, %scan3A_243 = %broadcast_in_dim3A_220, %scan3A_244 = %broadcast_in_dim3A_220, %scan3A_245 = %broadcast_in_dim3A_220, %scan3A_246 = %broadcast_in_dim3A_220, %scan3A_247 = %broadcast_in_dim3A_220, %scan3A_248 = %broadcast_in_dim3A_220) -> (vector<16xi32>, vector<16xi32>, vector<16xi32>, vector<16xi32>, vector<16xi32>, vector<16xi32>, vector<16xi32>, vector<16xi32>)  : i32 {
        %get3A = arith.index_cast %scan3A_240 : i32 to index
        %get3A_249 = arith.constant 0 : index
        %get3A_250 = tpu.vector_load %arg4[%get3A, %get3A_249] {strides = array<i32>} : memref<256x128xi32, #tpu.memory_space<vmem>>, vector<1x16xi32>,
        %get3A_251 = vector.shape_cast %get3A_250 : vector<1x16xi32> to vector<16xi32>
        %sub3A_252 = arith.subi %get3A_251, %add3A_218 : vector<16xi32>
        %min3A_253 = arith.minsi %scan3A_241, %sub3A_252 : vector<16xi32>
        %get3A_254 = arith.index_cast %scan3A_240 : i32 to index
        %get3A_255 = arith.constant 16 : index
        %get3A_256 = tpu.vector_load %arg4[%get3A_254, %get3A_255] {strides = array<i32>} : memref<256x128xi32, #tpu.memory_space<vmem>>, vector<1x16xi32>,
        %get3A_257 = vector.shape_cast %get3A_256 : vector<1x16xi32> to vector<16xi32>
        %sub3A_258 = arith.subi %get3A_257, %add3A_218 : vector<16xi32>
        %min3A_259 = arith.minsi %scan3A_242, %sub3A_258 : vector<16xi32>
        %get3A_260 = arith.index_cast %scan3A_240 : i32 to index
        %get3A_261 = arith.constant 32 : index
        %get3A_262 = tpu.vector_load %arg4[%get3A_260, %get3A_261] {strides = array<i32>} : memref<256x128xi32, #tpu.memory_space<vmem>>, vector<1x16xi32>,
        %get3A_263 = vector.shape_cast %get3A_262 : vector<1x16xi32> to vector<16xi32>
        %sub3A_264 = arith.subi %get3A_263, %add3A_218 : vector<16xi32>
        %min3A_265 = arith.minsi %scan3A_243, %sub3A_264 : vector<16xi32>
        %get3A_266 = arith.index_cast %scan3A_240 : i32 to index
        %get3A_267 = arith.constant 48 : index
        %get3A_268 = tpu.vector_load %arg4[%get3A_266, %get3A_267] {strides = array<i32>} : memref<256x128xi32, #tpu.memory_space<vmem>>, vector<1x16xi32>,
        %get3A_269 = vector.shape_cast %get3A_268 : vector<1x16xi32> to vector<16xi32>
        %sub3A_270 = arith.subi %get3A_269, %add3A_218 : vector<16xi32>
        %min3A_271 = arith.minsi %scan3A_244, %sub3A_270 : vector<16xi32>
        %get3A_272 = arith.index_cast %scan3A_240 : i32 to index
        %get3A_273 = arith.constant 64 : index
        %get3A_274 = tpu.vector_load %arg4[%get3A_272, %get3A_273] {strides = array<i32>} : memref<256x128xi32, #tpu.memory_space<vmem>>, vector<1x16xi32>,
        %get3A_275 = vector.shape_cast %get3A_274 : vector<1x16xi32> to vector<16xi32>
        %sub3A_276 = arith.subi %get3A_275, %add3A_218 : vector<16xi32>
        %min3A_277 = arith.minsi %scan3A_245, %sub3A_276 : vector<16xi32>
        %get3A_278 = arith.index_cast %scan3A_240 : i32 to index
        %get3A_279 = arith.constant 80 : index
        %get3A_280 = tpu.vector_load %arg4[%get3A_278, %get3A_279] {strides = array<i32>} : memref<256x128xi32, #tpu.memory_space<vmem>>, vector<1x16xi32>,
        %get3A_281 = vector.shape_cast %get3A_280 : vector<1x16xi32> to vector<16xi32>
        %sub3A_282 = arith.subi %get3A_281, %add3A_218 : vector<16xi32>
        %min3A_283 = arith.minsi %scan3A_246, %sub3A_282 : vector<16xi32>
        %get3A_284 = arith.index_cast %scan3A_240 : i32 to index
        %get3A_285 = arith.constant 96 : index
        %get3A_286 = tpu.vector_load %arg4[%get3A_284, %get3A_285] {strides = array<i32>} : memref<256x128xi32, #tpu.memory_space<vmem>>, vector<1x16xi32>,
        %get3A_287 = vector.shape_cast %get3A_286 : vector<1x16xi32> to vector<16xi32>
        %sub3A_288 = arith.subi %get3A_287, %add3A_218 : vector<16xi32>
        %min3A_289 = arith.minsi %scan3A_247, %sub3A_288 : vector<16xi32>
        %get3A_290 = arith.index_cast %scan3A_240 : i32 to index
        %get3A_291 = arith.constant 112 : index
        %get3A_292 = tpu.vector_load %arg4[%get3A_290, %get3A_291] {strides = array<i32>} : memref<256x128xi32, #tpu.memory_space<vmem>>, vector<1x16xi32>,
        %get3A_293 = vector.shape_cast %get3A_292 : vector<1x16xi32> to vector<16xi32>
        %sub3A_294 = arith.subi %get3A_293, %add3A_218 : vector<16xi32>
        %min3A_295 = arith.minsi %scan3A_248, %sub3A_294 : vector<16xi32>
        %scan3A_296 = arith.constant 1 : i32
        %scan3A_297 = arith.addi %scan3A_240, %scan3A_296 : i32
        %get3A_298 = arith.index_cast %scan3A_297 : i32 to index
        %get3A_299 = arith.constant 0 : index
        %get3A_300 = tpu.vector_load %arg4[%get3A_298, %get3A_299] {strides = array<i32>} : memref<256x128xi32, #tpu.memory_space<vmem>>, vector<1x16xi32>,
        %get3A_301 = vector.shape_cast %get3A_300 : vector<1x16xi32> to vector<16xi32>
        %sub3A_302 = arith.subi %get3A_301, %add3A_218 : vector<16xi32>
        %min3A_303 = arith.minsi %min3A_253, %sub3A_302 : vector<16xi32>
        %get3A_304 = arith.index_cast %scan3A_297 : i32 to index
        %get3A_305 = arith.constant 16 : index
        %get3A_306 = tpu.vector_load %arg4[%get3A_304, %get3A_305] {strides = array<i32>} : memref<256x128xi32, #tpu.memory_space<vmem>>, vector<1x16xi32>,
        %get3A_307 = vector.shape_cast %get3A_306 : vector<1x16xi32> to vector<16xi32>
        %sub3A_308 = arith.subi %get3A_307, %add3A_218 : vector<16xi32>
        %min3A_309 = arith.minsi %min3A_259, %sub3A_308 : vector<16xi32>
        %get3A_310 = arith.index_cast %scan3A_297 : i32 to index
        %get3A_311 = arith.constant 32 : index
        %get3A_312 = tpu.vector_load %arg4[%get3A_310, %get3A_311] {strides = array<i32>} : memref<256x128xi32, #tpu.memory_space<vmem>>, vector<1x16xi32>,
        %get3A_313 = vector.shape_cast %get3A_312 : vector<1x16xi32> to vector<16xi32>
        %sub3A_314 = arith.subi %get3A_313, %add3A_218 : vector<16xi32>
        %min3A_315 = arith.minsi %min3A_265, %sub3A_314 : vector<16xi32>
        %get3A_316 = arith.index_cast %scan3A_297 : i32 to index
        %get3A_317 = arith.constant 48 : index
        %get3A_318 = tpu.vector_load %arg4[%get3A_316, %get3A_317] {strides = array<i32>} : memref<256x128xi32, #tpu.memory_space<vmem>>, vector<1x16xi32>,
        %get3A_319 = vector.shape_cast %get3A_318 : vector<1x16xi32> to vector<16xi32>
        %sub3A_320 = arith.subi %get3A_319, %add3A_218 : vector<16xi32>
        %min3A_321 = arith.minsi %min3A_271, %sub3A_320 : vector<16xi32>
        %get3A_322 = arith.index_cast %scan3A_297 : i32 to index
        %get3A_323 = arith.constant 64 : index
        %get3A_324 = tpu.vector_load %arg4[%get3A_322, %get3A_323] {strides = array<i32>} : memref<256x128xi32, #tpu.memory_space<vmem>>, vector<1x16xi32>,
        %get3A_325 = vector.shape_cast %get3A_324 : vector<1x16xi32> to vector<16xi32>
        %sub3A_326 = arith.subi %get3A_325, %add3A_218 : vector<16xi32>
        %min3A_327 = arith.minsi %min3A_277, %sub3A_326 : vector<16xi32>
        %get3A_328 = arith.index_cast %scan3A_297 : i32 to index
        %get3A_329 = arith.constant 80 : index
        %get3A_330 = tpu.vector_load %arg4[%get3A_328, %get3A_329] {strides = array<i32>} : memref<256x128xi32, #tpu.memory_space<vmem>>, vector<1x16xi32>,
        %get3A_331 = vector.shape_cast %get3A_330 : vector<1x16xi32> to vector<16xi32>
        %sub3A_332 = arith.subi %get3A_331, %add3A_218 : vector<16xi32>
        %min3A_333 = arith.minsi %min3A_283, %sub3A_332 : vector<16xi32>
        %get3A_334 = arith.index_cast %scan3A_297 : i32 to index
        %get3A_335 = arith.constant 96 : index
        %get3A_336 = tpu.vector_load %arg4[%get3A_334, %get3A_335] {strides = array<i32>} : memref<256x128xi32, #tpu.memory_space<vmem>>, vector<1x16xi32>,
        %get3A_337 = vector.shape_cast %get3A_336 : vector<1x16xi32> to vector<16xi32>
        %sub3A_338 = arith.subi %get3A_337, %add3A_218 : vector<16xi32>
        %min3A_339 = arith.minsi %min3A_289, %sub3A_338 : vector<16xi32>
        %get3A_340 = arith.index_cast %scan3A_297 : i32 to index
        %get3A_341 = arith.constant 112 : index
        %get3A_342 = tpu.vector_load %arg4[%get3A_340, %get3A_341] {strides = array<i32>} : memref<256x128xi32, #tpu.memory_space<vmem>>, vector<1x16xi32>,
        %get3A_343 = vector.shape_cast %get3A_342 : vector<1x16xi32> to vector<16xi32>
        %sub3A_344 = arith.subi %get3A_343, %add3A_218 : vector<16xi32>
        %min3A_345 = arith.minsi %min3A_295, %sub3A_344 : vector<16xi32>
        scf.yield %min3A_303, %min3A_309, %min3A_315, %min3A_321, %min3A_327, %min3A_333, %min3A_339, %min3A_345 : vector<16xi32>, vector<16xi32>, vector<16xi32>, vector<16xi32>, vector<16xi32>, vector<16xi32>, vector<16xi32>, vector<16xi32>
      }
      %scan3A_226 = arith.constant 256 : i32
      %min3A = arith.minsi %scan3A_225#0, %scan3A_225#1 : vector<16xi32>
      %min3A_227 = arith.minsi %scan3A_225#2, %scan3A_225#3 : vector<16xi32>
      %min3A_228 = arith.minsi %scan3A_225#4, %scan3A_225#5 : vector<16xi32>
      %min3A_229 = arith.minsi %scan3A_225#6, %scan3A_225#7 : vector<16xi32>
      %min3A_230 = arith.minsi %min3A, %min3A_227 : vector<16xi32>
      %min3A_231 = arith.minsi %min3A_228, %min3A_229 : vector<16xi32>
      %min3A_232 = arith.minsi %min3A_230, %min3A_231 : vector<16xi32>
      %add3A_233 = arith.constant 1 : i32
      %add3A_234 = vector.broadcast %add3A_233 : i32 to vector<16xi32>
      %add3A_235 = arith.addi %scan3A_216, %add3A_234 : vector<16xi32>
      %xor3A = vector.broadcast %scan3A_87 : i32 to vector<16xi32>
      %xor3A_236 = arith.xori %min3A_232, %xor3A : vector<16xi32>
      %add3A_237 = arith.addi %add3A_235, %xor3A_236 : vector<16xi32>
      %bitcast_convert_type3A_238 = tpu.bitcast %add3A_237 : vector<16xi32> -> vector<16xf32>
      %add3A_239 = arith.addf %scan3A_215, %bitcast_convert_type3A_238 : vector<16xf32>
      scf.yield %add3A_239, %add3A_237 : vector<16xf32>, vector<16xi32>
    }
    %scan3A_93 = arith.constant 21 : i32
    %bitcast_convert_type3A_94 = tpu.bitcast %scan3A_92#1 : vector<16xi32> -> vector<16xf32>
    %mul3A_95 = arith.constant -5.200000e-01 : f32
    %mul3A_96 = vector.broadcast %mul3A_95 : f32 to vector<16xf32>
    %mul3A_97 = arith.mulf %bitcast_convert_type3A_94, %mul3A_96 : vector<16xf32>
    %add3A_98 = arith.addf %scan3A_92#0, %mul3A_97 : vector<16xf32>
    %div3A_99 = arith.constant 2.048000e+01 : f32
    %div3A_100 = vector.broadcast %div3A_99 : f32 to vector<16xf32>
    %div3A_101 = arith.divf %add3A_98, %div3A_100 : vector<16xf32>
    %swap3A_102 = arith.constant 48 : index
    %swap3A_103 = tpu.vector_load %arg5[%swap3A_102] {strides = array<i32>} : memref<128xf32, #tpu.memory_space<vmem>>, vector<16xf32>,
    %swap3A_104 = vector.shape_cast %swap3A_103 : vector<16xf32> to vector<16xf32>
    %swap3A_105 = vector.shape_cast %div3A_101 : vector<16xf32> to vector<16xf32>
    tpu.vector_store %arg5[%swap3A_102], %swap3A_105 {strides = array<i32>} : memref<128xf32, #tpu.memory_space<vmem>>, vector<16xf32>,
    %mul3A_106 = arith.constant 8 : i32
    %mul3A_107 = arith.muli %add3A, %mul3A_106 : i32
    %add3A_108 = arith.constant 4 : i32
    %add3A_109 = arith.addi %mul3A_107, %add3A_108 : i32
    "tpu.region"() ({
      %run_scoped3A = tpu.sem_alloc : memref<!tpu.dma_semaphore, #tpu.memory_space<semaphore_mem>>
      %dma_start3A = arith.constant 0 : i32
      %dma_start3A_214 = arith.constant 0 : i32
      %dma_start3A_215 = tpu.memref_slice %arg2[%add3A_109, %dma_start3A, %dma_start3A_214] : memref<256x256x128xi32, #tpu.memory_space<hbm>> -> memref<1x256x128xi32, #tpu.memory_space<hbm>>
      %dma_start3A_216 = tpu.memref_squeeze %dma_start3A_215 : memref<1x256x128xi32, #tpu.memory_space<hbm>> -> memref<256x128xi32, #tpu.memory_space<hbm>>
      %dma_start3A_217 = arith.constant 0 : i32
      %dma_start3A_218 = arith.constant 0 : i32
      %dma_start3A_219 = tpu.memref_slice %arg2[%add3A_109, %dma_start3A_217, %dma_start3A_218] : memref<256x256x128xi32, #tpu.memory_space<hbm>> -> memref<1x256x128xi32, #tpu.memory_space<hbm>>
      %dma_start3A_220 = tpu.memref_squeeze %dma_start3A_219 : memref<1x256x128xi32, #tpu.memory_space<hbm>> -> memref<256x128xi32, #tpu.memory_space<hbm>>
      tpu.enqueue_dma source(%dma_start3A_220 : memref<256x128xi32, #tpu.memory_space<hbm>>) target(%arg4 : memref<256x128xi32, #tpu.memory_space<vmem>>) target_semaphore(%run_scoped3A : memref<!tpu.dma_semaphore, #tpu.memory_space<semaphore_mem>>)
      %dma_wait3A = arith.constant 0 : i32
      %dma_wait3A_221 = arith.constant 0 : i32
      %dma_wait3A_222 = tpu.memref_slice %arg2[%add3A_109, %dma_wait3A, %dma_wait3A_221] : memref<256x256x128xi32, #tpu.memory_space<hbm>> -> memref<1x256x128xi32, #tpu.memory_space<hbm>>
      %dma_wait3A_223 = tpu.memref_squeeze %dma_wait3A_222 : memref<1x256x128xi32, #tpu.memory_space<hbm>> -> memref<256x128xi32, #tpu.memory_space<hbm>>
      %dma_wait3A_224 = arith.constant 0 : i32
      %dma_wait3A_225 = arith.constant 0 : i32
      %dma_wait3A_226 = tpu.memref_slice %arg2[%add3A_109, %dma_wait3A_224, %dma_wait3A_225] : memref<256x256x128xi32, #tpu.memory_space<hbm>> -> memref<1x256x128xi32, #tpu.memory_space<hbm>>
      %dma_wait3A_227 = tpu.memref_squeeze %dma_wait3A_226 : memref<1x256x128xi32, #tpu.memory_space<hbm>> -> memref<256x128xi32, #tpu.memory_space<hbm>>
      tpu.wait_dma2 semaphore(%run_scoped3A : memref<!tpu.dma_semaphore, #tpu.memory_space<semaphore_mem>>) src(%dma_wait3A_227 : memref<256x128xi32, #tpu.memory_space<hbm>>) dst(%arg4 : memref<256x128xi32, #tpu.memory_space<vmem>>)
      tpu.yield
    }) : () -> ()
    %broadcast_in_dim3A_110 = arith.constant 0.000000e+00 : f32
    %broadcast_in_dim3A_111 = vector.broadcast %broadcast_in_dim3A_110 : f32 to vector<16xf32>
    %broadcast_in_dim3A_112 = arith.constant -1 : i32
    %broadcast_in_dim3A_113 = vector.broadcast %broadcast_in_dim3A_112 : i32 to vector<16xi32>
    %scan3A_114 = arith.constant -2147483648 : i32
    %scan3A_115 = arith.constant 0 : i32
    %scan3A_116 = arith.constant 21 : i32
    %scan3A_117 = arith.addi %scan3A_115, %scan3A_116 : i32
    %scan3A_118 = arith.constant 1 : i32
    %scan3A_119:2 = scf.for %scan3A_214 = %scan3A_115 to %scan3A_117 step %scan3A_118 iter_args(%scan3A_215 = %broadcast_in_dim3A_111, %scan3A_216 = %broadcast_in_dim3A_113) -> (vector<16xf32>, vector<16xi32>)  : i32 {
      %add3A_217 = vector.broadcast %sub3A_1 : i32 to vector<16xi32>
      %add3A_218 = arith.addi %scan3A_216, %add3A_217 : vector<16xi32>
      %broadcast_in_dim3A_219 = arith.constant 2147483647 : i32
      %broadcast_in_dim3A_220 = vector.broadcast %broadcast_in_dim3A_219 : i32 to vector<16xi32>
      %scan3A_221 = arith.constant 0 : i32
      %scan3A_222 = arith.constant 256 : i32
      %scan3A_223 = arith.addi %scan3A_221, %scan3A_222 : i32
      %scan3A_224 = arith.constant 2 : i32
      %scan3A_225:8 = scf.for %scan3A_240 = %scan3A_221 to %scan3A_223 step %scan3A_224 iter_args(%scan3A_241 = %broadcast_in_dim3A_220, %scan3A_242 = %broadcast_in_dim3A_220, %scan3A_243 = %broadcast_in_dim3A_220, %scan3A_244 = %broadcast_in_dim3A_220, %scan3A_245 = %broadcast_in_dim3A_220, %scan3A_246 = %broadcast_in_dim3A_220, %scan3A_247 = %broadcast_in_dim3A_220, %scan3A_248 = %broadcast_in_dim3A_220) -> (vector<16xi32>, vector<16xi32>, vector<16xi32>, vector<16xi32>, vector<16xi32>, vector<16xi32>, vector<16xi32>, vector<16xi32>)  : i32 {
        %get3A = arith.index_cast %scan3A_240 : i32 to index
        %get3A_249 = arith.constant 0 : index
        %get3A_250 = tpu.vector_load %arg4[%get3A, %get3A_249] {strides = array<i32>} : memref<256x128xi32, #tpu.memory_space<vmem>>, vector<1x16xi32>,
        %get3A_251 = vector.shape_cast %get3A_250 : vector<1x16xi32> to vector<16xi32>
        %sub3A_252 = arith.subi %get3A_251, %add3A_218 : vector<16xi32>
        %min3A_253 = arith.minsi %scan3A_241, %sub3A_252 : vector<16xi32>
        %get3A_254 = arith.index_cast %scan3A_240 : i32 to index
        %get3A_255 = arith.constant 16 : index
        %get3A_256 = tpu.vector_load %arg4[%get3A_254, %get3A_255] {strides = array<i32>} : memref<256x128xi32, #tpu.memory_space<vmem>>, vector<1x16xi32>,
        %get3A_257 = vector.shape_cast %get3A_256 : vector<1x16xi32> to vector<16xi32>
        %sub3A_258 = arith.subi %get3A_257, %add3A_218 : vector<16xi32>
        %min3A_259 = arith.minsi %scan3A_242, %sub3A_258 : vector<16xi32>
        %get3A_260 = arith.index_cast %scan3A_240 : i32 to index
        %get3A_261 = arith.constant 32 : index
        %get3A_262 = tpu.vector_load %arg4[%get3A_260, %get3A_261] {strides = array<i32>} : memref<256x128xi32, #tpu.memory_space<vmem>>, vector<1x16xi32>,
        %get3A_263 = vector.shape_cast %get3A_262 : vector<1x16xi32> to vector<16xi32>
        %sub3A_264 = arith.subi %get3A_263, %add3A_218 : vector<16xi32>
        %min3A_265 = arith.minsi %scan3A_243, %sub3A_264 : vector<16xi32>
        %get3A_266 = arith.index_cast %scan3A_240 : i32 to index
        %get3A_267 = arith.constant 48 : index
        %get3A_268 = tpu.vector_load %arg4[%get3A_266, %get3A_267] {strides = array<i32>} : memref<256x128xi32, #tpu.memory_space<vmem>>, vector<1x16xi32>,
        %get3A_269 = vector.shape_cast %get3A_268 : vector<1x16xi32> to vector<16xi32>
        %sub3A_270 = arith.subi %get3A_269, %add3A_218 : vector<16xi32>
        %min3A_271 = arith.minsi %scan3A_244, %sub3A_270 : vector<16xi32>
        %get3A_272 = arith.index_cast %scan3A_240 : i32 to index
        %get3A_273 = arith.constant 64 : index
        %get3A_274 = tpu.vector_load %arg4[%get3A_272, %get3A_273] {strides = array<i32>} : memref<256x128xi32, #tpu.memory_space<vmem>>, vector<1x16xi32>,
        %get3A_275 = vector.shape_cast %get3A_274 : vector<1x16xi32> to vector<16xi32>
        %sub3A_276 = arith.subi %get3A_275, %add3A_218 : vector<16xi32>
        %min3A_277 = arith.minsi %scan3A_245, %sub3A_276 : vector<16xi32>
        %get3A_278 = arith.index_cast %scan3A_240 : i32 to index
        %get3A_279 = arith.constant 80 : index
        %get3A_280 = tpu.vector_load %arg4[%get3A_278, %get3A_279] {strides = array<i32>} : memref<256x128xi32, #tpu.memory_space<vmem>>, vector<1x16xi32>,
        %get3A_281 = vector.shape_cast %get3A_280 : vector<1x16xi32> to vector<16xi32>
        %sub3A_282 = arith.subi %get3A_281, %add3A_218 : vector<16xi32>
        %min3A_283 = arith.minsi %scan3A_246, %sub3A_282 : vector<16xi32>
        %get3A_284 = arith.index_cast %scan3A_240 : i32 to index
        %get3A_285 = arith.constant 96 : index
        %get3A_286 = tpu.vector_load %arg4[%get3A_284, %get3A_285] {strides = array<i32>} : memref<256x128xi32, #tpu.memory_space<vmem>>, vector<1x16xi32>,
        %get3A_287 = vector.shape_cast %get3A_286 : vector<1x16xi32> to vector<16xi32>
        %sub3A_288 = arith.subi %get3A_287, %add3A_218 : vector<16xi32>
        %min3A_289 = arith.minsi %scan3A_247, %sub3A_288 : vector<16xi32>
        %get3A_290 = arith.index_cast %scan3A_240 : i32 to index
        %get3A_291 = arith.constant 112 : index
        %get3A_292 = tpu.vector_load %arg4[%get3A_290, %get3A_291] {strides = array<i32>} : memref<256x128xi32, #tpu.memory_space<vmem>>, vector<1x16xi32>,
        %get3A_293 = vector.shape_cast %get3A_292 : vector<1x16xi32> to vector<16xi32>
        %sub3A_294 = arith.subi %get3A_293, %add3A_218 : vector<16xi32>
        %min3A_295 = arith.minsi %scan3A_248, %sub3A_294 : vector<16xi32>
        %scan3A_296 = arith.constant 1 : i32
        %scan3A_297 = arith.addi %scan3A_240, %scan3A_296 : i32
        %get3A_298 = arith.index_cast %scan3A_297 : i32 to index
        %get3A_299 = arith.constant 0 : index
        %get3A_300 = tpu.vector_load %arg4[%get3A_298, %get3A_299] {strides = array<i32>} : memref<256x128xi32, #tpu.memory_space<vmem>>, vector<1x16xi32>,
        %get3A_301 = vector.shape_cast %get3A_300 : vector<1x16xi32> to vector<16xi32>
        %sub3A_302 = arith.subi %get3A_301, %add3A_218 : vector<16xi32>
        %min3A_303 = arith.minsi %min3A_253, %sub3A_302 : vector<16xi32>
        %get3A_304 = arith.index_cast %scan3A_297 : i32 to index
        %get3A_305 = arith.constant 16 : index
        %get3A_306 = tpu.vector_load %arg4[%get3A_304, %get3A_305] {strides = array<i32>} : memref<256x128xi32, #tpu.memory_space<vmem>>, vector<1x16xi32>,
        %get3A_307 = vector.shape_cast %get3A_306 : vector<1x16xi32> to vector<16xi32>
        %sub3A_308 = arith.subi %get3A_307, %add3A_218 : vector<16xi32>
        %min3A_309 = arith.minsi %min3A_259, %sub3A_308 : vector<16xi32>
        %get3A_310 = arith.index_cast %scan3A_297 : i32 to index
        %get3A_311 = arith.constant 32 : index
        %get3A_312 = tpu.vector_load %arg4[%get3A_310, %get3A_311] {strides = array<i32>} : memref<256x128xi32, #tpu.memory_space<vmem>>, vector<1x16xi32>,
        %get3A_313 = vector.shape_cast %get3A_312 : vector<1x16xi32> to vector<16xi32>
        %sub3A_314 = arith.subi %get3A_313, %add3A_218 : vector<16xi32>
        %min3A_315 = arith.minsi %min3A_265, %sub3A_314 : vector<16xi32>
        %get3A_316 = arith.index_cast %scan3A_297 : i32 to index
        %get3A_317 = arith.constant 48 : index
        %get3A_318 = tpu.vector_load %arg4[%get3A_316, %get3A_317] {strides = array<i32>} : memref<256x128xi32, #tpu.memory_space<vmem>>, vector<1x16xi32>,
        %get3A_319 = vector.shape_cast %get3A_318 : vector<1x16xi32> to vector<16xi32>
        %sub3A_320 = arith.subi %get3A_319, %add3A_218 : vector<16xi32>
        %min3A_321 = arith.minsi %min3A_271, %sub3A_320 : vector<16xi32>
        %get3A_322 = arith.index_cast %scan3A_297 : i32 to index
        %get3A_323 = arith.constant 64 : index
        %get3A_324 = tpu.vector_load %arg4[%get3A_322, %get3A_323] {strides = array<i32>} : memref<256x128xi32, #tpu.memory_space<vmem>>, vector<1x16xi32>,
        %get3A_325 = vector.shape_cast %get3A_324 : vector<1x16xi32> to vector<16xi32>
        %sub3A_326 = arith.subi %get3A_325, %add3A_218 : vector<16xi32>
        %min3A_327 = arith.minsi %min3A_277, %sub3A_326 : vector<16xi32>
        %get3A_328 = arith.index_cast %scan3A_297 : i32 to index
        %get3A_329 = arith.constant 80 : index
        %get3A_330 = tpu.vector_load %arg4[%get3A_328, %get3A_329] {strides = array<i32>} : memref<256x128xi32, #tpu.memory_space<vmem>>, vector<1x16xi32>,
        %get3A_331 = vector.shape_cast %get3A_330 : vector<1x16xi32> to vector<16xi32>
        %sub3A_332 = arith.subi %get3A_331, %add3A_218 : vector<16xi32>
        %min3A_333 = arith.minsi %min3A_283, %sub3A_332 : vector<16xi32>
        %get3A_334 = arith.index_cast %scan3A_297 : i32 to index
        %get3A_335 = arith.constant 96 : index
        %get3A_336 = tpu.vector_load %arg4[%get3A_334, %get3A_335] {strides = array<i32>} : memref<256x128xi32, #tpu.memory_space<vmem>>, vector<1x16xi32>,
        %get3A_337 = vector.shape_cast %get3A_336 : vector<1x16xi32> to vector<16xi32>
        %sub3A_338 = arith.subi %get3A_337, %add3A_218 : vector<16xi32>
        %min3A_339 = arith.minsi %min3A_289, %sub3A_338 : vector<16xi32>
        %get3A_340 = arith.index_cast %scan3A_297 : i32 to index
        %get3A_341 = arith.constant 112 : index
        %get3A_342 = tpu.vector_load %arg4[%get3A_340, %get3A_341] {strides = array<i32>} : memref<256x128xi32, #tpu.memory_space<vmem>>, vector<1x16xi32>,
        %get3A_343 = vector.shape_cast %get3A_342 : vector<1x16xi32> to vector<16xi32>
        %sub3A_344 = arith.subi %get3A_343, %add3A_218 : vector<16xi32>
        %min3A_345 = arith.minsi %min3A_295, %sub3A_344 : vector<16xi32>
        scf.yield %min3A_303, %min3A_309, %min3A_315, %min3A_321, %min3A_327, %min3A_333, %min3A_339, %min3A_345 : vector<16xi32>, vector<16xi32>, vector<16xi32>, vector<16xi32>, vector<16xi32>, vector<16xi32>, vector<16xi32>, vector<16xi32>
      }
      %scan3A_226 = arith.constant 256 : i32
      %min3A = arith.minsi %scan3A_225#0, %scan3A_225#1 : vector<16xi32>
      %min3A_227 = arith.minsi %scan3A_225#2, %scan3A_225#3 : vector<16xi32>
      %min3A_228 = arith.minsi %scan3A_225#4, %scan3A_225#5 : vector<16xi32>
      %min3A_229 = arith.minsi %scan3A_225#6, %scan3A_225#7 : vector<16xi32>
      %min3A_230 = arith.minsi %min3A, %min3A_227 : vector<16xi32>
      %min3A_231 = arith.minsi %min3A_228, %min3A_229 : vector<16xi32>
      %min3A_232 = arith.minsi %min3A_230, %min3A_231 : vector<16xi32>
      %add3A_233 = arith.constant 1 : i32
      %add3A_234 = vector.broadcast %add3A_233 : i32 to vector<16xi32>
      %add3A_235 = arith.addi %scan3A_216, %add3A_234 : vector<16xi32>
      %xor3A = vector.broadcast %scan3A_114 : i32 to vector<16xi32>
      %xor3A_236 = arith.xori %min3A_232, %xor3A : vector<16xi32>
      %add3A_237 = arith.addi %add3A_235, %xor3A_236 : vector<16xi32>
      %bitcast_convert_type3A_238 = tpu.bitcast %add3A_237 : vector<16xi32> -> vector<16xf32>
      %add3A_239 = arith.addf %scan3A_215, %bitcast_convert_type3A_238 : vector<16xf32>
      scf.yield %add3A_239, %add3A_237 : vector<16xf32>, vector<16xi32>
    }
    %scan3A_120 = arith.constant 21 : i32
    %bitcast_convert_type3A_121 = tpu.bitcast %scan3A_119#1 : vector<16xi32> -> vector<16xf32>
    %mul3A_122 = arith.constant -5.200000e-01 : f32
    %mul3A_123 = vector.broadcast %mul3A_122 : f32 to vector<16xf32>
    %mul3A_124 = arith.mulf %bitcast_convert_type3A_121, %mul3A_123 : vector<16xf32>
    %add3A_125 = arith.addf %scan3A_119#0, %mul3A_124 : vector<16xf32>
    %div3A_126 = arith.constant 2.048000e+01 : f32
    %div3A_127 = vector.broadcast %div3A_126 : f32 to vector<16xf32>
    %div3A_128 = arith.divf %add3A_125, %div3A_127 : vector<16xf32>
    %swap3A_129 = arith.constant 64 : index
    %swap3A_130 = tpu.vector_load %arg5[%swap3A_129] {strides = array<i32>} : memref<128xf32, #tpu.memory_space<vmem>>, vector<16xf32>,
    %swap3A_131 = vector.shape_cast %swap3A_130 : vector<16xf32> to vector<16xf32>
    %swap3A_132 = vector.shape_cast %div3A_128 : vector<16xf32> to vector<16xf32>
    tpu.vector_store %arg5[%swap3A_129], %swap3A_132 {strides = array<i32>} : memref<128xf32, #tpu.memory_space<vmem>>, vector<16xf32>,
    %mul3A_133 = arith.constant 8 : i32
    %mul3A_134 = arith.muli %add3A, %mul3A_133 : i32
    %add3A_135 = arith.constant 5 : i32
    %add3A_136 = arith.addi %mul3A_134, %add3A_135 : i32
    "tpu.region"() ({
      %run_scoped3A = tpu.sem_alloc : memref<!tpu.dma_semaphore, #tpu.memory_space<semaphore_mem>>
      %dma_start3A = arith.constant 0 : i32
      %dma_start3A_214 = arith.constant 0 : i32
      %dma_start3A_215 = tpu.memref_slice %arg2[%add3A_136, %dma_start3A, %dma_start3A_214] : memref<256x256x128xi32, #tpu.memory_space<hbm>> -> memref<1x256x128xi32, #tpu.memory_space<hbm>>
      %dma_start3A_216 = tpu.memref_squeeze %dma_start3A_215 : memref<1x256x128xi32, #tpu.memory_space<hbm>> -> memref<256x128xi32, #tpu.memory_space<hbm>>
      %dma_start3A_217 = arith.constant 0 : i32
      %dma_start3A_218 = arith.constant 0 : i32
      %dma_start3A_219 = tpu.memref_slice %arg2[%add3A_136, %dma_start3A_217, %dma_start3A_218] : memref<256x256x128xi32, #tpu.memory_space<hbm>> -> memref<1x256x128xi32, #tpu.memory_space<hbm>>
      %dma_start3A_220 = tpu.memref_squeeze %dma_start3A_219 : memref<1x256x128xi32, #tpu.memory_space<hbm>> -> memref<256x128xi32, #tpu.memory_space<hbm>>
      tpu.enqueue_dma source(%dma_start3A_220 : memref<256x128xi32, #tpu.memory_space<hbm>>) target(%arg4 : memref<256x128xi32, #tpu.memory_space<vmem>>) target_semaphore(%run_scoped3A : memref<!tpu.dma_semaphore, #tpu.memory_space<semaphore_mem>>)
      %dma_wait3A = arith.constant 0 : i32
      %dma_wait3A_221 = arith.constant 0 : i32
      %dma_wait3A_222 = tpu.memref_slice %arg2[%add3A_136, %dma_wait3A, %dma_wait3A_221] : memref<256x256x128xi32, #tpu.memory_space<hbm>> -> memref<1x256x128xi32, #tpu.memory_space<hbm>>
      %dma_wait3A_223 = tpu.memref_squeeze %dma_wait3A_222 : memref<1x256x128xi32, #tpu.memory_space<hbm>> -> memref<256x128xi32, #tpu.memory_space<hbm>>
      %dma_wait3A_224 = arith.constant 0 : i32
      %dma_wait3A_225 = arith.constant 0 : i32
      %dma_wait3A_226 = tpu.memref_slice %arg2[%add3A_136, %dma_wait3A_224, %dma_wait3A_225] : memref<256x256x128xi32, #tpu.memory_space<hbm>> -> memref<1x256x128xi32, #tpu.memory_space<hbm>>
      %dma_wait3A_227 = tpu.memref_squeeze %dma_wait3A_226 : memref<1x256x128xi32, #tpu.memory_space<hbm>> -> memref<256x128xi32, #tpu.memory_space<hbm>>
      tpu.wait_dma2 semaphore(%run_scoped3A : memref<!tpu.dma_semaphore, #tpu.memory_space<semaphore_mem>>) src(%dma_wait3A_227 : memref<256x128xi32, #tpu.memory_space<hbm>>) dst(%arg4 : memref<256x128xi32, #tpu.memory_space<vmem>>)
      tpu.yield
    }) : () -> ()
    %broadcast_in_dim3A_137 = arith.constant 0.000000e+00 : f32
    %broadcast_in_dim3A_138 = vector.broadcast %broadcast_in_dim3A_137 : f32 to vector<16xf32>
    %broadcast_in_dim3A_139 = arith.constant -1 : i32
    %broadcast_in_dim3A_140 = vector.broadcast %broadcast_in_dim3A_139 : i32 to vector<16xi32>
    %scan3A_141 = arith.constant -2147483648 : i32
    %scan3A_142 = arith.constant 0 : i32
    %scan3A_143 = arith.constant 21 : i32
    %scan3A_144 = arith.addi %scan3A_142, %scan3A_143 : i32
    %scan3A_145 = arith.constant 1 : i32
    %scan3A_146:2 = scf.for %scan3A_214 = %scan3A_142 to %scan3A_144 step %scan3A_145 iter_args(%scan3A_215 = %broadcast_in_dim3A_138, %scan3A_216 = %broadcast_in_dim3A_140) -> (vector<16xf32>, vector<16xi32>)  : i32 {
      %add3A_217 = vector.broadcast %sub3A_1 : i32 to vector<16xi32>
      %add3A_218 = arith.addi %scan3A_216, %add3A_217 : vector<16xi32>
      %broadcast_in_dim3A_219 = arith.constant 2147483647 : i32
      %broadcast_in_dim3A_220 = vector.broadcast %broadcast_in_dim3A_219 : i32 to vector<16xi32>
      %scan3A_221 = arith.constant 0 : i32
      %scan3A_222 = arith.constant 256 : i32
      %scan3A_223 = arith.addi %scan3A_221, %scan3A_222 : i32
      %scan3A_224 = arith.constant 2 : i32
      %scan3A_225:8 = scf.for %scan3A_240 = %scan3A_221 to %scan3A_223 step %scan3A_224 iter_args(%scan3A_241 = %broadcast_in_dim3A_220, %scan3A_242 = %broadcast_in_dim3A_220, %scan3A_243 = %broadcast_in_dim3A_220, %scan3A_244 = %broadcast_in_dim3A_220, %scan3A_245 = %broadcast_in_dim3A_220, %scan3A_246 = %broadcast_in_dim3A_220, %scan3A_247 = %broadcast_in_dim3A_220, %scan3A_248 = %broadcast_in_dim3A_220) -> (vector<16xi32>, vector<16xi32>, vector<16xi32>, vector<16xi32>, vector<16xi32>, vector<16xi32>, vector<16xi32>, vector<16xi32>)  : i32 {
        %get3A = arith.index_cast %scan3A_240 : i32 to index
        %get3A_249 = arith.constant 0 : index
        %get3A_250 = tpu.vector_load %arg4[%get3A, %get3A_249] {strides = array<i32>} : memref<256x128xi32, #tpu.memory_space<vmem>>, vector<1x16xi32>,
        %get3A_251 = vector.shape_cast %get3A_250 : vector<1x16xi32> to vector<16xi32>
        %sub3A_252 = arith.subi %get3A_251, %add3A_218 : vector<16xi32>
        %min3A_253 = arith.minsi %scan3A_241, %sub3A_252 : vector<16xi32>
        %get3A_254 = arith.index_cast %scan3A_240 : i32 to index
        %get3A_255 = arith.constant 16 : index
        %get3A_256 = tpu.vector_load %arg4[%get3A_254, %get3A_255] {strides = array<i32>} : memref<256x128xi32, #tpu.memory_space<vmem>>, vector<1x16xi32>,
        %get3A_257 = vector.shape_cast %get3A_256 : vector<1x16xi32> to vector<16xi32>
        %sub3A_258 = arith.subi %get3A_257, %add3A_218 : vector<16xi32>
        %min3A_259 = arith.minsi %scan3A_242, %sub3A_258 : vector<16xi32>
        %get3A_260 = arith.index_cast %scan3A_240 : i32 to index
        %get3A_261 = arith.constant 32 : index
        %get3A_262 = tpu.vector_load %arg4[%get3A_260, %get3A_261] {strides = array<i32>} : memref<256x128xi32, #tpu.memory_space<vmem>>, vector<1x16xi32>,
        %get3A_263 = vector.shape_cast %get3A_262 : vector<1x16xi32> to vector<16xi32>
        %sub3A_264 = arith.subi %get3A_263, %add3A_218 : vector<16xi32>
        %min3A_265 = arith.minsi %scan3A_243, %sub3A_264 : vector<16xi32>
        %get3A_266 = arith.index_cast %scan3A_240 : i32 to index
        %get3A_267 = arith.constant 48 : index
        %get3A_268 = tpu.vector_load %arg4[%get3A_266, %get3A_267] {strides = array<i32>} : memref<256x128xi32, #tpu.memory_space<vmem>>, vector<1x16xi32>,
        %get3A_269 = vector.shape_cast %get3A_268 : vector<1x16xi32> to vector<16xi32>
        %sub3A_270 = arith.subi %get3A_269, %add3A_218 : vector<16xi32>
        %min3A_271 = arith.minsi %scan3A_244, %sub3A_270 : vector<16xi32>
        %get3A_272 = arith.index_cast %scan3A_240 : i32 to index
        %get3A_273 = arith.constant 64 : index
        %get3A_274 = tpu.vector_load %arg4[%get3A_272, %get3A_273] {strides = array<i32>} : memref<256x128xi32, #tpu.memory_space<vmem>>, vector<1x16xi32>,
        %get3A_275 = vector.shape_cast %get3A_274 : vector<1x16xi32> to vector<16xi32>
        %sub3A_276 = arith.subi %get3A_275, %add3A_218 : vector<16xi32>
        %min3A_277 = arith.minsi %scan3A_245, %sub3A_276 : vector<16xi32>
        %get3A_278 = arith.index_cast %scan3A_240 : i32 to index
        %get3A_279 = arith.constant 80 : index
        %get3A_280 = tpu.vector_load %arg4[%get3A_278, %get3A_279] {strides = array<i32>} : memref<256x128xi32, #tpu.memory_space<vmem>>, vector<1x16xi32>,
        %get3A_281 = vector.shape_cast %get3A_280 : vector<1x16xi32> to vector<16xi32>
        %sub3A_282 = arith.subi %get3A_281, %add3A_218 : vector<16xi32>
        %min3A_283 = arith.minsi %scan3A_246, %sub3A_282 : vector<16xi32>
        %get3A_284 = arith.index_cast %scan3A_240 : i32 to index
        %get3A_285 = arith.constant 96 : index
        %get3A_286 = tpu.vector_load %arg4[%get3A_284, %get3A_285] {strides = array<i32>} : memref<256x128xi32, #tpu.memory_space<vmem>>, vector<1x16xi32>,
        %get3A_287 = vector.shape_cast %get3A_286 : vector<1x16xi32> to vector<16xi32>
        %sub3A_288 = arith.subi %get3A_287, %add3A_218 : vector<16xi32>
        %min3A_289 = arith.minsi %scan3A_247, %sub3A_288 : vector<16xi32>
        %get3A_290 = arith.index_cast %scan3A_240 : i32 to index
        %get3A_291 = arith.constant 112 : index
        %get3A_292 = tpu.vector_load %arg4[%get3A_290, %get3A_291] {strides = array<i32>} : memref<256x128xi32, #tpu.memory_space<vmem>>, vector<1x16xi32>,
        %get3A_293 = vector.shape_cast %get3A_292 : vector<1x16xi32> to vector<16xi32>
        %sub3A_294 = arith.subi %get3A_293, %add3A_218 : vector<16xi32>
        %min3A_295 = arith.minsi %scan3A_248, %sub3A_294 : vector<16xi32>
        %scan3A_296 = arith.constant 1 : i32
        %scan3A_297 = arith.addi %scan3A_240, %scan3A_296 : i32
        %get3A_298 = arith.index_cast %scan3A_297 : i32 to index
        %get3A_299 = arith.constant 0 : index
        %get3A_300 = tpu.vector_load %arg4[%get3A_298, %get3A_299] {strides = array<i32>} : memref<256x128xi32, #tpu.memory_space<vmem>>, vector<1x16xi32>,
        %get3A_301 = vector.shape_cast %get3A_300 : vector<1x16xi32> to vector<16xi32>
        %sub3A_302 = arith.subi %get3A_301, %add3A_218 : vector<16xi32>
        %min3A_303 = arith.minsi %min3A_253, %sub3A_302 : vector<16xi32>
        %get3A_304 = arith.index_cast %scan3A_297 : i32 to index
        %get3A_305 = arith.constant 16 : index
        %get3A_306 = tpu.vector_load %arg4[%get3A_304, %get3A_305] {strides = array<i32>} : memref<256x128xi32, #tpu.memory_space<vmem>>, vector<1x16xi32>,
        %get3A_307 = vector.shape_cast %get3A_306 : vector<1x16xi32> to vector<16xi32>
        %sub3A_308 = arith.subi %get3A_307, %add3A_218 : vector<16xi32>
        %min3A_309 = arith.minsi %min3A_259, %sub3A_308 : vector<16xi32>
        %get3A_310 = arith.index_cast %scan3A_297 : i32 to index
        %get3A_311 = arith.constant 32 : index
        %get3A_312 = tpu.vector_load %arg4[%get3A_310, %get3A_311] {strides = array<i32>} : memref<256x128xi32, #tpu.memory_space<vmem>>, vector<1x16xi32>,
        %get3A_313 = vector.shape_cast %get3A_312 : vector<1x16xi32> to vector<16xi32>
        %sub3A_314 = arith.subi %get3A_313, %add3A_218 : vector<16xi32>
        %min3A_315 = arith.minsi %min3A_265, %sub3A_314 : vector<16xi32>
        %get3A_316 = arith.index_cast %scan3A_297 : i32 to index
        %get3A_317 = arith.constant 48 : index
        %get3A_318 = tpu.vector_load %arg4[%get3A_316, %get3A_317] {strides = array<i32>} : memref<256x128xi32, #tpu.memory_space<vmem>>, vector<1x16xi32>,
        %get3A_319 = vector.shape_cast %get3A_318 : vector<1x16xi32> to vector<16xi32>
        %sub3A_320 = arith.subi %get3A_319, %add3A_218 : vector<16xi32>
        %min3A_321 = arith.minsi %min3A_271, %sub3A_320 : vector<16xi32>
        %get3A_322 = arith.index_cast %scan3A_297 : i32 to index
        %get3A_323 = arith.constant 64 : index
        %get3A_324 = tpu.vector_load %arg4[%get3A_322, %get3A_323] {strides = array<i32>} : memref<256x128xi32, #tpu.memory_space<vmem>>, vector<1x16xi32>,
        %get3A_325 = vector.shape_cast %get3A_324 : vector<1x16xi32> to vector<16xi32>
        %sub3A_326 = arith.subi %get3A_325, %add3A_218 : vector<16xi32>
        %min3A_327 = arith.minsi %min3A_277, %sub3A_326 : vector<16xi32>
        %get3A_328 = arith.index_cast %scan3A_297 : i32 to index
        %get3A_329 = arith.constant 80 : index
        %get3A_330 = tpu.vector_load %arg4[%get3A_328, %get3A_329] {strides = array<i32>} : memref<256x128xi32, #tpu.memory_space<vmem>>, vector<1x16xi32>,
        %get3A_331 = vector.shape_cast %get3A_330 : vector<1x16xi32> to vector<16xi32>
        %sub3A_332 = arith.subi %get3A_331, %add3A_218 : vector<16xi32>
        %min3A_333 = arith.minsi %min3A_283, %sub3A_332 : vector<16xi32>
        %get3A_334 = arith.index_cast %scan3A_297 : i32 to index
        %get3A_335 = arith.constant 96 : index
        %get3A_336 = tpu.vector_load %arg4[%get3A_334, %get3A_335] {strides = array<i32>} : memref<256x128xi32, #tpu.memory_space<vmem>>, vector<1x16xi32>,
        %get3A_337 = vector.shape_cast %get3A_336 : vector<1x16xi32> to vector<16xi32>
        %sub3A_338 = arith.subi %get3A_337, %add3A_218 : vector<16xi32>
        %min3A_339 = arith.minsi %min3A_289, %sub3A_338 : vector<16xi32>
        %get3A_340 = arith.index_cast %scan3A_297 : i32 to index
        %get3A_341 = arith.constant 112 : index
        %get3A_342 = tpu.vector_load %arg4[%get3A_340, %get3A_341] {strides = array<i32>} : memref<256x128xi32, #tpu.memory_space<vmem>>, vector<1x16xi32>,
        %get3A_343 = vector.shape_cast %get3A_342 : vector<1x16xi32> to vector<16xi32>
        %sub3A_344 = arith.subi %get3A_343, %add3A_218 : vector<16xi32>
        %min3A_345 = arith.minsi %min3A_295, %sub3A_344 : vector<16xi32>
        scf.yield %min3A_303, %min3A_309, %min3A_315, %min3A_321, %min3A_327, %min3A_333, %min3A_339, %min3A_345 : vector<16xi32>, vector<16xi32>, vector<16xi32>, vector<16xi32>, vector<16xi32>, vector<16xi32>, vector<16xi32>, vector<16xi32>
      }
      %scan3A_226 = arith.constant 256 : i32
      %min3A = arith.minsi %scan3A_225#0, %scan3A_225#1 : vector<16xi32>
      %min3A_227 = arith.minsi %scan3A_225#2, %scan3A_225#3 : vector<16xi32>
      %min3A_228 = arith.minsi %scan3A_225#4, %scan3A_225#5 : vector<16xi32>
      %min3A_229 = arith.minsi %scan3A_225#6, %scan3A_225#7 : vector<16xi32>
      %min3A_230 = arith.minsi %min3A, %min3A_227 : vector<16xi32>
      %min3A_231 = arith.minsi %min3A_228, %min3A_229 : vector<16xi32>
      %min3A_232 = arith.minsi %min3A_230, %min3A_231 : vector<16xi32>
      %add3A_233 = arith.constant 1 : i32
      %add3A_234 = vector.broadcast %add3A_233 : i32 to vector<16xi32>
      %add3A_235 = arith.addi %scan3A_216, %add3A_234 : vector<16xi32>
      %xor3A = vector.broadcast %scan3A_141 : i32 to vector<16xi32>
      %xor3A_236 = arith.xori %min3A_232, %xor3A : vector<16xi32>
      %add3A_237 = arith.addi %add3A_235, %xor3A_236 : vector<16xi32>
      %bitcast_convert_type3A_238 = tpu.bitcast %add3A_237 : vector<16xi32> -> vector<16xf32>
      %add3A_239 = arith.addf %scan3A_215, %bitcast_convert_type3A_238 : vector<16xf32>
      scf.yield %add3A_239, %add3A_237 : vector<16xf32>, vector<16xi32>
    }
    %scan3A_147 = arith.constant 21 : i32
    %bitcast_convert_type3A_148 = tpu.bitcast %scan3A_146#1 : vector<16xi32> -> vector<16xf32>
    %mul3A_149 = arith.constant -5.200000e-01 : f32
    %mul3A_150 = vector.broadcast %mul3A_149 : f32 to vector<16xf32>
    %mul3A_151 = arith.mulf %bitcast_convert_type3A_148, %mul3A_150 : vector<16xf32>
    %add3A_152 = arith.addf %scan3A_146#0, %mul3A_151 : vector<16xf32>
    %div3A_153 = arith.constant 2.048000e+01 : f32
    %div3A_154 = vector.broadcast %div3A_153 : f32 to vector<16xf32>
    %div3A_155 = arith.divf %add3A_152, %div3A_154 : vector<16xf32>
    %swap3A_156 = arith.constant 80 : index
    %swap3A_157 = tpu.vector_load %arg5[%swap3A_156] {strides = array<i32>} : memref<128xf32, #tpu.memory_space<vmem>>, vector<16xf32>,
    %swap3A_158 = vector.shape_cast %swap3A_157 : vector<16xf32> to vector<16xf32>
    %swap3A_159 = vector.shape_cast %div3A_155 : vector<16xf32> to vector<16xf32>
    tpu.vector_store %arg5[%swap3A_156], %swap3A_159 {strides = array<i32>} : memref<128xf32, #tpu.memory_space<vmem>>, vector<16xf32>,
    %mul3A_160 = arith.constant 8 : i32
    %mul3A_161 = arith.muli %add3A, %mul3A_160 : i32
    %add3A_162 = arith.constant 6 : i32
    %add3A_163 = arith.addi %mul3A_161, %add3A_162 : i32
    "tpu.region"() ({
      %run_scoped3A = tpu.sem_alloc : memref<!tpu.dma_semaphore, #tpu.memory_space<semaphore_mem>>
      %dma_start3A = arith.constant 0 : i32
      %dma_start3A_214 = arith.constant 0 : i32
      %dma_start3A_215 = tpu.memref_slice %arg2[%add3A_163, %dma_start3A, %dma_start3A_214] : memref<256x256x128xi32, #tpu.memory_space<hbm>> -> memref<1x256x128xi32, #tpu.memory_space<hbm>>
      %dma_start3A_216 = tpu.memref_squeeze %dma_start3A_215 : memref<1x256x128xi32, #tpu.memory_space<hbm>> -> memref<256x128xi32, #tpu.memory_space<hbm>>
      %dma_start3A_217 = arith.constant 0 : i32
      %dma_start3A_218 = arith.constant 0 : i32
      %dma_start3A_219 = tpu.memref_slice %arg2[%add3A_163, %dma_start3A_217, %dma_start3A_218] : memref<256x256x128xi32, #tpu.memory_space<hbm>> -> memref<1x256x128xi32, #tpu.memory_space<hbm>>
      %dma_start3A_220 = tpu.memref_squeeze %dma_start3A_219 : memref<1x256x128xi32, #tpu.memory_space<hbm>> -> memref<256x128xi32, #tpu.memory_space<hbm>>
      tpu.enqueue_dma source(%dma_start3A_220 : memref<256x128xi32, #tpu.memory_space<hbm>>) target(%arg4 : memref<256x128xi32, #tpu.memory_space<vmem>>) target_semaphore(%run_scoped3A : memref<!tpu.dma_semaphore, #tpu.memory_space<semaphore_mem>>)
      %dma_wait3A = arith.constant 0 : i32
      %dma_wait3A_221 = arith.constant 0 : i32
      %dma_wait3A_222 = tpu.memref_slice %arg2[%add3A_163, %dma_wait3A, %dma_wait3A_221] : memref<256x256x128xi32, #tpu.memory_space<hbm>> -> memref<1x256x128xi32, #tpu.memory_space<hbm>>
      %dma_wait3A_223 = tpu.memref_squeeze %dma_wait3A_222 : memref<1x256x128xi32, #tpu.memory_space<hbm>> -> memref<256x128xi32, #tpu.memory_space<hbm>>
      %dma_wait3A_224 = arith.constant 0 : i32
      %dma_wait3A_225 = arith.constant 0 : i32
      %dma_wait3A_226 = tpu.memref_slice %arg2[%add3A_163, %dma_wait3A_224, %dma_wait3A_225] : memref<256x256x128xi32, #tpu.memory_space<hbm>> -> memref<1x256x128xi32, #tpu.memory_space<hbm>>
      %dma_wait3A_227 = tpu.memref_squeeze %dma_wait3A_226 : memref<1x256x128xi32, #tpu.memory_space<hbm>> -> memref<256x128xi32, #tpu.memory_space<hbm>>
      tpu.wait_dma2 semaphore(%run_scoped3A : memref<!tpu.dma_semaphore, #tpu.memory_space<semaphore_mem>>) src(%dma_wait3A_227 : memref<256x128xi32, #tpu.memory_space<hbm>>) dst(%arg4 : memref<256x128xi32, #tpu.memory_space<vmem>>)
      tpu.yield
    }) : () -> ()
    %broadcast_in_dim3A_164 = arith.constant 0.000000e+00 : f32
    %broadcast_in_dim3A_165 = vector.broadcast %broadcast_in_dim3A_164 : f32 to vector<16xf32>
    %broadcast_in_dim3A_166 = arith.constant -1 : i32
    %broadcast_in_dim3A_167 = vector.broadcast %broadcast_in_dim3A_166 : i32 to vector<16xi32>
    %scan3A_168 = arith.constant -2147483648 : i32
    %scan3A_169 = arith.constant 0 : i32
    %scan3A_170 = arith.constant 21 : i32
    %scan3A_171 = arith.addi %scan3A_169, %scan3A_170 : i32
    %scan3A_172 = arith.constant 1 : i32
    %scan3A_173:2 = scf.for %scan3A_214 = %scan3A_169 to %scan3A_171 step %scan3A_172 iter_args(%scan3A_215 = %broadcast_in_dim3A_165, %scan3A_216 = %broadcast_in_dim3A_167) -> (vector<16xf32>, vector<16xi32>)  : i32 {
      %add3A_217 = vector.broadcast %sub3A_1 : i32 to vector<16xi32>
      %add3A_218 = arith.addi %scan3A_216, %add3A_217 : vector<16xi32>
      %broadcast_in_dim3A_219 = arith.constant 2147483647 : i32
      %broadcast_in_dim3A_220 = vector.broadcast %broadcast_in_dim3A_219 : i32 to vector<16xi32>
      %scan3A_221 = arith.constant 0 : i32
      %scan3A_222 = arith.constant 256 : i32
      %scan3A_223 = arith.addi %scan3A_221, %scan3A_222 : i32
      %scan3A_224 = arith.constant 2 : i32
      %scan3A_225:8 = scf.for %scan3A_240 = %scan3A_221 to %scan3A_223 step %scan3A_224 iter_args(%scan3A_241 = %broadcast_in_dim3A_220, %scan3A_242 = %broadcast_in_dim3A_220, %scan3A_243 = %broadcast_in_dim3A_220, %scan3A_244 = %broadcast_in_dim3A_220, %scan3A_245 = %broadcast_in_dim3A_220, %scan3A_246 = %broadcast_in_dim3A_220, %scan3A_247 = %broadcast_in_dim3A_220, %scan3A_248 = %broadcast_in_dim3A_220) -> (vector<16xi32>, vector<16xi32>, vector<16xi32>, vector<16xi32>, vector<16xi32>, vector<16xi32>, vector<16xi32>, vector<16xi32>)  : i32 {
        %get3A = arith.index_cast %scan3A_240 : i32 to index
        %get3A_249 = arith.constant 0 : index
        %get3A_250 = tpu.vector_load %arg4[%get3A, %get3A_249] {strides = array<i32>} : memref<256x128xi32, #tpu.memory_space<vmem>>, vector<1x16xi32>,
        %get3A_251 = vector.shape_cast %get3A_250 : vector<1x16xi32> to vector<16xi32>
        %sub3A_252 = arith.subi %get3A_251, %add3A_218 : vector<16xi32>
        %min3A_253 = arith.minsi %scan3A_241, %sub3A_252 : vector<16xi32>
        %get3A_254 = arith.index_cast %scan3A_240 : i32 to index
        %get3A_255 = arith.constant 16 : index
        %get3A_256 = tpu.vector_load %arg4[%get3A_254, %get3A_255] {strides = array<i32>} : memref<256x128xi32, #tpu.memory_space<vmem>>, vector<1x16xi32>,
        %get3A_257 = vector.shape_cast %get3A_256 : vector<1x16xi32> to vector<16xi32>
        %sub3A_258 = arith.subi %get3A_257, %add3A_218 : vector<16xi32>
        %min3A_259 = arith.minsi %scan3A_242, %sub3A_258 : vector<16xi32>
        %get3A_260 = arith.index_cast %scan3A_240 : i32 to index
        %get3A_261 = arith.constant 32 : index
        %get3A_262 = tpu.vector_load %arg4[%get3A_260, %get3A_261] {strides = array<i32>} : memref<256x128xi32, #tpu.memory_space<vmem>>, vector<1x16xi32>,
        %get3A_263 = vector.shape_cast %get3A_262 : vector<1x16xi32> to vector<16xi32>
        %sub3A_264 = arith.subi %get3A_263, %add3A_218 : vector<16xi32>
        %min3A_265 = arith.minsi %scan3A_243, %sub3A_264 : vector<16xi32>
        %get3A_266 = arith.index_cast %scan3A_240 : i32 to index
        %get3A_267 = arith.constant 48 : index
        %get3A_268 = tpu.vector_load %arg4[%get3A_266, %get3A_267] {strides = array<i32>} : memref<256x128xi32, #tpu.memory_space<vmem>>, vector<1x16xi32>,
        %get3A_269 = vector.shape_cast %get3A_268 : vector<1x16xi32> to vector<16xi32>
        %sub3A_270 = arith.subi %get3A_269, %add3A_218 : vector<16xi32>
        %min3A_271 = arith.minsi %scan3A_244, %sub3A_270 : vector<16xi32>
        %get3A_272 = arith.index_cast %scan3A_240 : i32 to index
        %get3A_273 = arith.constant 64 : index
        %get3A_274 = tpu.vector_load %arg4[%get3A_272, %get3A_273] {strides = array<i32>} : memref<256x128xi32, #tpu.memory_space<vmem>>, vector<1x16xi32>,
        %get3A_275 = vector.shape_cast %get3A_274 : vector<1x16xi32> to vector<16xi32>
        %sub3A_276 = arith.subi %get3A_275, %add3A_218 : vector<16xi32>
        %min3A_277 = arith.minsi %scan3A_245, %sub3A_276 : vector<16xi32>
        %get3A_278 = arith.index_cast %scan3A_240 : i32 to index
        %get3A_279 = arith.constant 80 : index
        %get3A_280 = tpu.vector_load %arg4[%get3A_278, %get3A_279] {strides = array<i32>} : memref<256x128xi32, #tpu.memory_space<vmem>>, vector<1x16xi32>,
        %get3A_281 = vector.shape_cast %get3A_280 : vector<1x16xi32> to vector<16xi32>
        %sub3A_282 = arith.subi %get3A_281, %add3A_218 : vector<16xi32>
        %min3A_283 = arith.minsi %scan3A_246, %sub3A_282 : vector<16xi32>
        %get3A_284 = arith.index_cast %scan3A_240 : i32 to index
        %get3A_285 = arith.constant 96 : index
        %get3A_286 = tpu.vector_load %arg4[%get3A_284, %get3A_285] {strides = array<i32>} : memref<256x128xi32, #tpu.memory_space<vmem>>, vector<1x16xi32>,
        %get3A_287 = vector.shape_cast %get3A_286 : vector<1x16xi32> to vector<16xi32>
        %sub3A_288 = arith.subi %get3A_287, %add3A_218 : vector<16xi32>
        %min3A_289 = arith.minsi %scan3A_247, %sub3A_288 : vector<16xi32>
        %get3A_290 = arith.index_cast %scan3A_240 : i32 to index
        %get3A_291 = arith.constant 112 : index
        %get3A_292 = tpu.vector_load %arg4[%get3A_290, %get3A_291] {strides = array<i32>} : memref<256x128xi32, #tpu.memory_space<vmem>>, vector<1x16xi32>,
        %get3A_293 = vector.shape_cast %get3A_292 : vector<1x16xi32> to vector<16xi32>
        %sub3A_294 = arith.subi %get3A_293, %add3A_218 : vector<16xi32>
        %min3A_295 = arith.minsi %scan3A_248, %sub3A_294 : vector<16xi32>
        %scan3A_296 = arith.constant 1 : i32
        %scan3A_297 = arith.addi %scan3A_240, %scan3A_296 : i32
        %get3A_298 = arith.index_cast %scan3A_297 : i32 to index
        %get3A_299 = arith.constant 0 : index
        %get3A_300 = tpu.vector_load %arg4[%get3A_298, %get3A_299] {strides = array<i32>} : memref<256x128xi32, #tpu.memory_space<vmem>>, vector<1x16xi32>,
        %get3A_301 = vector.shape_cast %get3A_300 : vector<1x16xi32> to vector<16xi32>
        %sub3A_302 = arith.subi %get3A_301, %add3A_218 : vector<16xi32>
        %min3A_303 = arith.minsi %min3A_253, %sub3A_302 : vector<16xi32>
        %get3A_304 = arith.index_cast %scan3A_297 : i32 to index
        %get3A_305 = arith.constant 16 : index
        %get3A_306 = tpu.vector_load %arg4[%get3A_304, %get3A_305] {strides = array<i32>} : memref<256x128xi32, #tpu.memory_space<vmem>>, vector<1x16xi32>,
        %get3A_307 = vector.shape_cast %get3A_306 : vector<1x16xi32> to vector<16xi32>
        %sub3A_308 = arith.subi %get3A_307, %add3A_218 : vector<16xi32>
        %min3A_309 = arith.minsi %min3A_259, %sub3A_308 : vector<16xi32>
        %get3A_310 = arith.index_cast %scan3A_297 : i32 to index
        %get3A_311 = arith.constant 32 : index
        %get3A_312 = tpu.vector_load %arg4[%get3A_310, %get3A_311] {strides = array<i32>} : memref<256x128xi32, #tpu.memory_space<vmem>>, vector<1x16xi32>,
        %get3A_313 = vector.shape_cast %get3A_312 : vector<1x16xi32> to vector<16xi32>
        %sub3A_314 = arith.subi %get3A_313, %add3A_218 : vector<16xi32>
        %min3A_315 = arith.minsi %min3A_265, %sub3A_314 : vector<16xi32>
        %get3A_316 = arith.index_cast %scan3A_297 : i32 to index
        %get3A_317 = arith.constant 48 : index
        %get3A_318 = tpu.vector_load %arg4[%get3A_316, %get3A_317] {strides = array<i32>} : memref<256x128xi32, #tpu.memory_space<vmem>>, vector<1x16xi32>,
        %get3A_319 = vector.shape_cast %get3A_318 : vector<1x16xi32> to vector<16xi32>
        %sub3A_320 = arith.subi %get3A_319, %add3A_218 : vector<16xi32>
        %min3A_321 = arith.minsi %min3A_271, %sub3A_320 : vector<16xi32>
        %get3A_322 = arith.index_cast %scan3A_297 : i32 to index
        %get3A_323 = arith.constant 64 : index
        %get3A_324 = tpu.vector_load %arg4[%get3A_322, %get3A_323] {strides = array<i32>} : memref<256x128xi32, #tpu.memory_space<vmem>>, vector<1x16xi32>,
        %get3A_325 = vector.shape_cast %get3A_324 : vector<1x16xi32> to vector<16xi32>
        %sub3A_326 = arith.subi %get3A_325, %add3A_218 : vector<16xi32>
        %min3A_327 = arith.minsi %min3A_277, %sub3A_326 : vector<16xi32>
        %get3A_328 = arith.index_cast %scan3A_297 : i32 to index
        %get3A_329 = arith.constant 80 : index
        %get3A_330 = tpu.vector_load %arg4[%get3A_328, %get3A_329] {strides = array<i32>} : memref<256x128xi32, #tpu.memory_space<vmem>>, vector<1x16xi32>,
        %get3A_331 = vector.shape_cast %get3A_330 : vector<1x16xi32> to vector<16xi32>
        %sub3A_332 = arith.subi %get3A_331, %add3A_218 : vector<16xi32>
        %min3A_333 = arith.minsi %min3A_283, %sub3A_332 : vector<16xi32>
        %get3A_334 = arith.index_cast %scan3A_297 : i32 to index
        %get3A_335 = arith.constant 96 : index
        %get3A_336 = tpu.vector_load %arg4[%get3A_334, %get3A_335] {strides = array<i32>} : memref<256x128xi32, #tpu.memory_space<vmem>>, vector<1x16xi32>,
        %get3A_337 = vector.shape_cast %get3A_336 : vector<1x16xi32> to vector<16xi32>
        %sub3A_338 = arith.subi %get3A_337, %add3A_218 : vector<16xi32>
        %min3A_339 = arith.minsi %min3A_289, %sub3A_338 : vector<16xi32>
        %get3A_340 = arith.index_cast %scan3A_297 : i32 to index
        %get3A_341 = arith.constant 112 : index
        %get3A_342 = tpu.vector_load %arg4[%get3A_340, %get3A_341] {strides = array<i32>} : memref<256x128xi32, #tpu.memory_space<vmem>>, vector<1x16xi32>,
        %get3A_343 = vector.shape_cast %get3A_342 : vector<1x16xi32> to vector<16xi32>
        %sub3A_344 = arith.subi %get3A_343, %add3A_218 : vector<16xi32>
        %min3A_345 = arith.minsi %min3A_295, %sub3A_344 : vector<16xi32>
        scf.yield %min3A_303, %min3A_309, %min3A_315, %min3A_321, %min3A_327, %min3A_333, %min3A_339, %min3A_345 : vector<16xi32>, vector<16xi32>, vector<16xi32>, vector<16xi32>, vector<16xi32>, vector<16xi32>, vector<16xi32>, vector<16xi32>
      }
      %scan3A_226 = arith.constant 256 : i32
      %min3A = arith.minsi %scan3A_225#0, %scan3A_225#1 : vector<16xi32>
      %min3A_227 = arith.minsi %scan3A_225#2, %scan3A_225#3 : vector<16xi32>
      %min3A_228 = arith.minsi %scan3A_225#4, %scan3A_225#5 : vector<16xi32>
      %min3A_229 = arith.minsi %scan3A_225#6, %scan3A_225#7 : vector<16xi32>
      %min3A_230 = arith.minsi %min3A, %min3A_227 : vector<16xi32>
      %min3A_231 = arith.minsi %min3A_228, %min3A_229 : vector<16xi32>
      %min3A_232 = arith.minsi %min3A_230, %min3A_231 : vector<16xi32>
      %add3A_233 = arith.constant 1 : i32
      %add3A_234 = vector.broadcast %add3A_233 : i32 to vector<16xi32>
      %add3A_235 = arith.addi %scan3A_216, %add3A_234 : vector<16xi32>
      %xor3A = vector.broadcast %scan3A_168 : i32 to vector<16xi32>
      %xor3A_236 = arith.xori %min3A_232, %xor3A : vector<16xi32>
      %add3A_237 = arith.addi %add3A_235, %xor3A_236 : vector<16xi32>
      %bitcast_convert_type3A_238 = tpu.bitcast %add3A_237 : vector<16xi32> -> vector<16xf32>
      %add3A_239 = arith.addf %scan3A_215, %bitcast_convert_type3A_238 : vector<16xf32>
      scf.yield %add3A_239, %add3A_237 : vector<16xf32>, vector<16xi32>
    }
    %scan3A_174 = arith.constant 21 : i32
    %bitcast_convert_type3A_175 = tpu.bitcast %scan3A_173#1 : vector<16xi32> -> vector<16xf32>
    %mul3A_176 = arith.constant -5.200000e-01 : f32
    %mul3A_177 = vector.broadcast %mul3A_176 : f32 to vector<16xf32>
    %mul3A_178 = arith.mulf %bitcast_convert_type3A_175, %mul3A_177 : vector<16xf32>
    %add3A_179 = arith.addf %scan3A_173#0, %mul3A_178 : vector<16xf32>
    %div3A_180 = arith.constant 2.048000e+01 : f32
    %div3A_181 = vector.broadcast %div3A_180 : f32 to vector<16xf32>
    %div3A_182 = arith.divf %add3A_179, %div3A_181 : vector<16xf32>
    %swap3A_183 = arith.constant 96 : index
    %swap3A_184 = tpu.vector_load %arg5[%swap3A_183] {strides = array<i32>} : memref<128xf32, #tpu.memory_space<vmem>>, vector<16xf32>,
    %swap3A_185 = vector.shape_cast %swap3A_184 : vector<16xf32> to vector<16xf32>
    %swap3A_186 = vector.shape_cast %div3A_182 : vector<16xf32> to vector<16xf32>
    tpu.vector_store %arg5[%swap3A_183], %swap3A_186 {strides = array<i32>} : memref<128xf32, #tpu.memory_space<vmem>>, vector<16xf32>,
    %mul3A_187 = arith.constant 8 : i32
    %mul3A_188 = arith.muli %add3A, %mul3A_187 : i32
    %add3A_189 = arith.constant 7 : i32
    %add3A_190 = arith.addi %mul3A_188, %add3A_189 : i32
    "tpu.region"() ({
      %run_scoped3A = tpu.sem_alloc : memref<!tpu.dma_semaphore, #tpu.memory_space<semaphore_mem>>
      %dma_start3A = arith.constant 0 : i32
      %dma_start3A_214 = arith.constant 0 : i32
      %dma_start3A_215 = tpu.memref_slice %arg2[%add3A_190, %dma_start3A, %dma_start3A_214] : memref<256x256x128xi32, #tpu.memory_space<hbm>> -> memref<1x256x128xi32, #tpu.memory_space<hbm>>
      %dma_start3A_216 = tpu.memref_squeeze %dma_start3A_215 : memref<1x256x128xi32, #tpu.memory_space<hbm>> -> memref<256x128xi32, #tpu.memory_space<hbm>>
      %dma_start3A_217 = arith.constant 0 : i32
      %dma_start3A_218 = arith.constant 0 : i32
      %dma_start3A_219 = tpu.memref_slice %arg2[%add3A_190, %dma_start3A_217, %dma_start3A_218] : memref<256x256x128xi32, #tpu.memory_space<hbm>> -> memref<1x256x128xi32, #tpu.memory_space<hbm>>
      %dma_start3A_220 = tpu.memref_squeeze %dma_start3A_219 : memref<1x256x128xi32, #tpu.memory_space<hbm>> -> memref<256x128xi32, #tpu.memory_space<hbm>>
      tpu.enqueue_dma source(%dma_start3A_220 : memref<256x128xi32, #tpu.memory_space<hbm>>) target(%arg4 : memref<256x128xi32, #tpu.memory_space<vmem>>) target_semaphore(%run_scoped3A : memref<!tpu.dma_semaphore, #tpu.memory_space<semaphore_mem>>)
      %dma_wait3A = arith.constant 0 : i32
      %dma_wait3A_221 = arith.constant 0 : i32
      %dma_wait3A_222 = tpu.memref_slice %arg2[%add3A_190, %dma_wait3A, %dma_wait3A_221] : memref<256x256x128xi32, #tpu.memory_space<hbm>> -> memref<1x256x128xi32, #tpu.memory_space<hbm>>
      %dma_wait3A_223 = tpu.memref_squeeze %dma_wait3A_222 : memref<1x256x128xi32, #tpu.memory_space<hbm>> -> memref<256x128xi32, #tpu.memory_space<hbm>>
      %dma_wait3A_224 = arith.constant 0 : i32
      %dma_wait3A_225 = arith.constant 0 : i32
      %dma_wait3A_226 = tpu.memref_slice %arg2[%add3A_190, %dma_wait3A_224, %dma_wait3A_225] : memref<256x256x128xi32, #tpu.memory_space<hbm>> -> memref<1x256x128xi32, #tpu.memory_space<hbm>>
      %dma_wait3A_227 = tpu.memref_squeeze %dma_wait3A_226 : memref<1x256x128xi32, #tpu.memory_space<hbm>> -> memref<256x128xi32, #tpu.memory_space<hbm>>
      tpu.wait_dma2 semaphore(%run_scoped3A : memref<!tpu.dma_semaphore, #tpu.memory_space<semaphore_mem>>) src(%dma_wait3A_227 : memref<256x128xi32, #tpu.memory_space<hbm>>) dst(%arg4 : memref<256x128xi32, #tpu.memory_space<vmem>>)
      tpu.yield
    }) : () -> ()
    %broadcast_in_dim3A_191 = arith.constant 0.000000e+00 : f32
    %broadcast_in_dim3A_192 = vector.broadcast %broadcast_in_dim3A_191 : f32 to vector<16xf32>
    %broadcast_in_dim3A_193 = arith.constant -1 : i32
    %broadcast_in_dim3A_194 = vector.broadcast %broadcast_in_dim3A_193 : i32 to vector<16xi32>
    %scan3A_195 = arith.constant -2147483648 : i32
    %scan3A_196 = arith.constant 0 : i32
    %scan3A_197 = arith.constant 21 : i32
    %scan3A_198 = arith.addi %scan3A_196, %scan3A_197 : i32
    %scan3A_199 = arith.constant 1 : i32
    %scan3A_200:2 = scf.for %scan3A_214 = %scan3A_196 to %scan3A_198 step %scan3A_199 iter_args(%scan3A_215 = %broadcast_in_dim3A_192, %scan3A_216 = %broadcast_in_dim3A_194) -> (vector<16xf32>, vector<16xi32>)  : i32 {
      %add3A_217 = vector.broadcast %sub3A_1 : i32 to vector<16xi32>
      %add3A_218 = arith.addi %scan3A_216, %add3A_217 : vector<16xi32>
      %broadcast_in_dim3A_219 = arith.constant 2147483647 : i32
      %broadcast_in_dim3A_220 = vector.broadcast %broadcast_in_dim3A_219 : i32 to vector<16xi32>
      %scan3A_221 = arith.constant 0 : i32
      %scan3A_222 = arith.constant 256 : i32
      %scan3A_223 = arith.addi %scan3A_221, %scan3A_222 : i32
      %scan3A_224 = arith.constant 2 : i32
      %scan3A_225:8 = scf.for %scan3A_240 = %scan3A_221 to %scan3A_223 step %scan3A_224 iter_args(%scan3A_241 = %broadcast_in_dim3A_220, %scan3A_242 = %broadcast_in_dim3A_220, %scan3A_243 = %broadcast_in_dim3A_220, %scan3A_244 = %broadcast_in_dim3A_220, %scan3A_245 = %broadcast_in_dim3A_220, %scan3A_246 = %broadcast_in_dim3A_220, %scan3A_247 = %broadcast_in_dim3A_220, %scan3A_248 = %broadcast_in_dim3A_220) -> (vector<16xi32>, vector<16xi32>, vector<16xi32>, vector<16xi32>, vector<16xi32>, vector<16xi32>, vector<16xi32>, vector<16xi32>)  : i32 {
        %get3A = arith.index_cast %scan3A_240 : i32 to index
        %get3A_249 = arith.constant 0 : index
        %get3A_250 = tpu.vector_load %arg4[%get3A, %get3A_249] {strides = array<i32>} : memref<256x128xi32, #tpu.memory_space<vmem>>, vector<1x16xi32>,
        %get3A_251 = vector.shape_cast %get3A_250 : vector<1x16xi32> to vector<16xi32>
        %sub3A_252 = arith.subi %get3A_251, %add3A_218 : vector<16xi32>
        %min3A_253 = arith.minsi %scan3A_241, %sub3A_252 : vector<16xi32>
        %get3A_254 = arith.index_cast %scan3A_240 : i32 to index
        %get3A_255 = arith.constant 16 : index
        %get3A_256 = tpu.vector_load %arg4[%get3A_254, %get3A_255] {strides = array<i32>} : memref<256x128xi32, #tpu.memory_space<vmem>>, vector<1x16xi32>,
        %get3A_257 = vector.shape_cast %get3A_256 : vector<1x16xi32> to vector<16xi32>
        %sub3A_258 = arith.subi %get3A_257, %add3A_218 : vector<16xi32>
        %min3A_259 = arith.minsi %scan3A_242, %sub3A_258 : vector<16xi32>
        %get3A_260 = arith.index_cast %scan3A_240 : i32 to index
        %get3A_261 = arith.constant 32 : index
        %get3A_262 = tpu.vector_load %arg4[%get3A_260, %get3A_261] {strides = array<i32>} : memref<256x128xi32, #tpu.memory_space<vmem>>, vector<1x16xi32>,
        %get3A_263 = vector.shape_cast %get3A_262 : vector<1x16xi32> to vector<16xi32>
        %sub3A_264 = arith.subi %get3A_263, %add3A_218 : vector<16xi32>
        %min3A_265 = arith.minsi %scan3A_243, %sub3A_264 : vector<16xi32>
        %get3A_266 = arith.index_cast %scan3A_240 : i32 to index
        %get3A_267 = arith.constant 48 : index
        %get3A_268 = tpu.vector_load %arg4[%get3A_266, %get3A_267] {strides = array<i32>} : memref<256x128xi32, #tpu.memory_space<vmem>>, vector<1x16xi32>,
        %get3A_269 = vector.shape_cast %get3A_268 : vector<1x16xi32> to vector<16xi32>
        %sub3A_270 = arith.subi %get3A_269, %add3A_218 : vector<16xi32>
        %min3A_271 = arith.minsi %scan3A_244, %sub3A_270 : vector<16xi32>
        %get3A_272 = arith.index_cast %scan3A_240 : i32 to index
        %get3A_273 = arith.constant 64 : index
        %get3A_274 = tpu.vector_load %arg4[%get3A_272, %get3A_273] {strides = array<i32>} : memref<256x128xi32, #tpu.memory_space<vmem>>, vector<1x16xi32>,
        %get3A_275 = vector.shape_cast %get3A_274 : vector<1x16xi32> to vector<16xi32>
        %sub3A_276 = arith.subi %get3A_275, %add3A_218 : vector<16xi32>
        %min3A_277 = arith.minsi %scan3A_245, %sub3A_276 : vector<16xi32>
        %get3A_278 = arith.index_cast %scan3A_240 : i32 to index
        %get3A_279 = arith.constant 80 : index
        %get3A_280 = tpu.vector_load %arg4[%get3A_278, %get3A_279] {strides = array<i32>} : memref<256x128xi32, #tpu.memory_space<vmem>>, vector<1x16xi32>,
        %get3A_281 = vector.shape_cast %get3A_280 : vector<1x16xi32> to vector<16xi32>
        %sub3A_282 = arith.subi %get3A_281, %add3A_218 : vector<16xi32>
        %min3A_283 = arith.minsi %scan3A_246, %sub3A_282 : vector<16xi32>
        %get3A_284 = arith.index_cast %scan3A_240 : i32 to index
        %get3A_285 = arith.constant 96 : index
        %get3A_286 = tpu.vector_load %arg4[%get3A_284, %get3A_285] {strides = array<i32>} : memref<256x128xi32, #tpu.memory_space<vmem>>, vector<1x16xi32>,
        %get3A_287 = vector.shape_cast %get3A_286 : vector<1x16xi32> to vector<16xi32>
        %sub3A_288 = arith.subi %get3A_287, %add3A_218 : vector<16xi32>
        %min3A_289 = arith.minsi %scan3A_247, %sub3A_288 : vector<16xi32>
        %get3A_290 = arith.index_cast %scan3A_240 : i32 to index
        %get3A_291 = arith.constant 112 : index
        %get3A_292 = tpu.vector_load %arg4[%get3A_290, %get3A_291] {strides = array<i32>} : memref<256x128xi32, #tpu.memory_space<vmem>>, vector<1x16xi32>,
        %get3A_293 = vector.shape_cast %get3A_292 : vector<1x16xi32> to vector<16xi32>
        %sub3A_294 = arith.subi %get3A_293, %add3A_218 : vector<16xi32>
        %min3A_295 = arith.minsi %scan3A_248, %sub3A_294 : vector<16xi32>
        %scan3A_296 = arith.constant 1 : i32
        %scan3A_297 = arith.addi %scan3A_240, %scan3A_296 : i32
        %get3A_298 = arith.index_cast %scan3A_297 : i32 to index
        %get3A_299 = arith.constant 0 : index
        %get3A_300 = tpu.vector_load %arg4[%get3A_298, %get3A_299] {strides = array<i32>} : memref<256x128xi32, #tpu.memory_space<vmem>>, vector<1x16xi32>,
        %get3A_301 = vector.shape_cast %get3A_300 : vector<1x16xi32> to vector<16xi32>
        %sub3A_302 = arith.subi %get3A_301, %add3A_218 : vector<16xi32>
        %min3A_303 = arith.minsi %min3A_253, %sub3A_302 : vector<16xi32>
        %get3A_304 = arith.index_cast %scan3A_297 : i32 to index
        %get3A_305 = arith.constant 16 : index
        %get3A_306 = tpu.vector_load %arg4[%get3A_304, %get3A_305] {strides = array<i32>} : memref<256x128xi32, #tpu.memory_space<vmem>>, vector<1x16xi32>,
        %get3A_307 = vector.shape_cast %get3A_306 : vector<1x16xi32> to vector<16xi32>
        %sub3A_308 = arith.subi %get3A_307, %add3A_218 : vector<16xi32>
        %min3A_309 = arith.minsi %min3A_259, %sub3A_308 : vector<16xi32>
        %get3A_310 = arith.index_cast %scan3A_297 : i32 to index
        %get3A_311 = arith.constant 32 : index
        %get3A_312 = tpu.vector_load %arg4[%get3A_310, %get3A_311] {strides = array<i32>} : memref<256x128xi32, #tpu.memory_space<vmem>>, vector<1x16xi32>,
        %get3A_313 = vector.shape_cast %get3A_312 : vector<1x16xi32> to vector<16xi32>
        %sub3A_314 = arith.subi %get3A_313, %add3A_218 : vector<16xi32>
        %min3A_315 = arith.minsi %min3A_265, %sub3A_314 : vector<16xi32>
        %get3A_316 = arith.index_cast %scan3A_297 : i32 to index
        %get3A_317 = arith.constant 48 : index
        %get3A_318 = tpu.vector_load %arg4[%get3A_316, %get3A_317] {strides = array<i32>} : memref<256x128xi32, #tpu.memory_space<vmem>>, vector<1x16xi32>,
        %get3A_319 = vector.shape_cast %get3A_318 : vector<1x16xi32> to vector<16xi32>
        %sub3A_320 = arith.subi %get3A_319, %add3A_218 : vector<16xi32>
        %min3A_321 = arith.minsi %min3A_271, %sub3A_320 : vector<16xi32>
        %get3A_322 = arith.index_cast %scan3A_297 : i32 to index
        %get3A_323 = arith.constant 64 : index
        %get3A_324 = tpu.vector_load %arg4[%get3A_322, %get3A_323] {strides = array<i32>} : memref<256x128xi32, #tpu.memory_space<vmem>>, vector<1x16xi32>,
        %get3A_325 = vector.shape_cast %get3A_324 : vector<1x16xi32> to vector<16xi32>
        %sub3A_326 = arith.subi %get3A_325, %add3A_218 : vector<16xi32>
        %min3A_327 = arith.minsi %min3A_277, %sub3A_326 : vector<16xi32>
        %get3A_328 = arith.index_cast %scan3A_297 : i32 to index
        %get3A_329 = arith.constant 80 : index
        %get3A_330 = tpu.vector_load %arg4[%get3A_328, %get3A_329] {strides = array<i32>} : memref<256x128xi32, #tpu.memory_space<vmem>>, vector<1x16xi32>,
        %get3A_331 = vector.shape_cast %get3A_330 : vector<1x16xi32> to vector<16xi32>
        %sub3A_332 = arith.subi %get3A_331, %add3A_218 : vector<16xi32>
        %min3A_333 = arith.minsi %min3A_283, %sub3A_332 : vector<16xi32>
        %get3A_334 = arith.index_cast %scan3A_297 : i32 to index
        %get3A_335 = arith.constant 96 : index
        %get3A_336 = tpu.vector_load %arg4[%get3A_334, %get3A_335] {strides = array<i32>} : memref<256x128xi32, #tpu.memory_space<vmem>>, vector<1x16xi32>,
        %get3A_337 = vector.shape_cast %get3A_336 : vector<1x16xi32> to vector<16xi32>
        %sub3A_338 = arith.subi %get3A_337, %add3A_218 : vector<16xi32>
        %min3A_339 = arith.minsi %min3A_289, %sub3A_338 : vector<16xi32>
        %get3A_340 = arith.index_cast %scan3A_297 : i32 to index
        %get3A_341 = arith.constant 112 : index
        %get3A_342 = tpu.vector_load %arg4[%get3A_340, %get3A_341] {strides = array<i32>} : memref<256x128xi32, #tpu.memory_space<vmem>>, vector<1x16xi32>,
        %get3A_343 = vector.shape_cast %get3A_342 : vector<1x16xi32> to vector<16xi32>
        %sub3A_344 = arith.subi %get3A_343, %add3A_218 : vector<16xi32>
        %min3A_345 = arith.minsi %min3A_295, %sub3A_344 : vector<16xi32>
        scf.yield %min3A_303, %min3A_309, %min3A_315, %min3A_321, %min3A_327, %min3A_333, %min3A_339, %min3A_345 : vector<16xi32>, vector<16xi32>, vector<16xi32>, vector<16xi32>, vector<16xi32>, vector<16xi32>, vector<16xi32>, vector<16xi32>
      }
      %scan3A_226 = arith.constant 256 : i32
      %min3A = arith.minsi %scan3A_225#0, %scan3A_225#1 : vector<16xi32>
      %min3A_227 = arith.minsi %scan3A_225#2, %scan3A_225#3 : vector<16xi32>
      %min3A_228 = arith.minsi %scan3A_225#4, %scan3A_225#5 : vector<16xi32>
      %min3A_229 = arith.minsi %scan3A_225#6, %scan3A_225#7 : vector<16xi32>
      %min3A_230 = arith.minsi %min3A, %min3A_227 : vector<16xi32>
      %min3A_231 = arith.minsi %min3A_228, %min3A_229 : vector<16xi32>
      %min3A_232 = arith.minsi %min3A_230, %min3A_231 : vector<16xi32>
      %add3A_233 = arith.constant 1 : i32
      %add3A_234 = vector.broadcast %add3A_233 : i32 to vector<16xi32>
      %add3A_235 = arith.addi %scan3A_216, %add3A_234 : vector<16xi32>
      %xor3A = vector.broadcast %scan3A_195 : i32 to vector<16xi32>
      %xor3A_236 = arith.xori %min3A_232, %xor3A : vector<16xi32>
      %add3A_237 = arith.addi %add3A_235, %xor3A_236 : vector<16xi32>
      %bitcast_convert_type3A_238 = tpu.bitcast %add3A_237 : vector<16xi32> -> vector<16xf32>
      %add3A_239 = arith.addf %scan3A_215, %bitcast_convert_type3A_238 : vector<16xf32>
      scf.yield %add3A_239, %add3A_237 : vector<16xf32>, vector<16xi32>
    }
    %scan3A_201 = arith.constant 21 : i32
    %bitcast_convert_type3A_202 = tpu.bitcast %scan3A_200#1 : vector<16xi32> -> vector<16xf32>
    %mul3A_203 = arith.constant -5.200000e-01 : f32
    %mul3A_204 = vector.broadcast %mul3A_203 : f32 to vector<16xf32>
    %mul3A_205 = arith.mulf %bitcast_convert_type3A_202, %mul3A_204 : vector<16xf32>
    %add3A_206 = arith.addf %scan3A_200#0, %mul3A_205 : vector<16xf32>
    %div3A_207 = arith.constant 2.048000e+01 : f32
    %div3A_208 = vector.broadcast %div3A_207 : f32 to vector<16xf32>
    %div3A_209 = arith.divf %add3A_206, %div3A_208 : vector<16xf32>
    %swap3A_210 = arith.constant 112 : index
    %swap3A_211 = tpu.vector_load %arg5[%swap3A_210] {strides = array<i32>} : memref<128xf32, #tpu.memory_space<vmem>>, vector<16xf32>,
    %swap3A_212 = vector.shape_cast %swap3A_211 : vector<16xf32> to vector<16xf32>
    %swap3A_213 = vector.shape_cast %div3A_209 : vector<16xf32> to vector<16xf32>
    tpu.vector_store %arg5[%swap3A_210], %swap3A_213 {strides = array<i32>} : memref<128xf32, #tpu.memory_space<vmem>>, vector<16xf32>,
    "tpu.region"() ({
      %run_scoped3A = tpu.sem_alloc : memref<!tpu.dma_semaphore, #tpu.memory_space<semaphore_mem>>
      %dma_start3A = arith.constant 0 : i32
      %dma_start3A_214 = tpu.memref_slice %arg3[%add3A, %dma_start3A] : memref<32x128xf32, #tpu.memory_space<hbm>> -> memref<1x128xf32, #tpu.memory_space<hbm>>
      %dma_start3A_215 = tpu.memref_squeeze %dma_start3A_214 : memref<1x128xf32, #tpu.memory_space<hbm>> -> memref<128xf32, #tpu.memory_space<hbm>>
      %dma_start3A_216 = arith.constant 0 : i32
      %dma_start3A_217 = tpu.memref_slice %arg3[%add3A, %dma_start3A_216] : memref<32x128xf32, #tpu.memory_space<hbm>> -> memref<1x128xf32, #tpu.memory_space<hbm>>
      %dma_start3A_218 = tpu.memref_squeeze %dma_start3A_217 : memref<1x128xf32, #tpu.memory_space<hbm>> -> memref<128xf32, #tpu.memory_space<hbm>>
      tpu.enqueue_dma source(%arg5 : memref<128xf32, #tpu.memory_space<vmem>>) target(%dma_start3A_218 : memref<128xf32, #tpu.memory_space<hbm>>) target_semaphore(%run_scoped3A : memref<!tpu.dma_semaphore, #tpu.memory_space<semaphore_mem>>)
      %dma_wait3A = arith.constant 0 : i32
      %dma_wait3A_219 = tpu.memref_slice %arg3[%add3A, %dma_wait3A] : memref<32x128xf32, #tpu.memory_space<hbm>> -> memref<1x128xf32, #tpu.memory_space<hbm>>
      %dma_wait3A_220 = tpu.memref_squeeze %dma_wait3A_219 : memref<1x128xf32, #tpu.memory_space<hbm>> -> memref<128xf32, #tpu.memory_space<hbm>>
      %dma_wait3A_221 = arith.constant 0 : i32
      %dma_wait3A_222 = tpu.memref_slice %arg3[%add3A, %dma_wait3A_221] : memref<32x128xf32, #tpu.memory_space<hbm>> -> memref<1x128xf32, #tpu.memory_space<hbm>>
      %dma_wait3A_223 = tpu.memref_squeeze %dma_wait3A_222 : memref<1x128xf32, #tpu.memory_space<hbm>> -> memref<128xf32, #tpu.memory_space<hbm>>
      tpu.wait_dma2 semaphore(%run_scoped3A : memref<!tpu.dma_semaphore, #tpu.memory_space<semaphore_mem>>) src(%arg5 : memref<128xf32, #tpu.memory_space<vmem>>) dst(%dma_wait3A_223 : memref<128xf32, #tpu.memory_space<hbm>>)
      tpu.yield
    }) : () -> ()
    return
  }
}

module attributes {stable_mosaic.version = 14 : i64} {
  func.func @_keygen_kernel(%arg0: i32, %arg1: memref<2x2048xf32, #tpu.memory_space<vmem>>, %arg2: memref<1x128x2048xi32, #tpu.memory_space<vmem>>) attributes {dimension_semantics = [#tpu.dimension_semantics<arbitrary>], iteration_bounds = array<i64: 32>, scalar_prefetch = 0 : i64, scratch_operands = 0 : i64, tpu.core_type = #tpu.core_type<tc>, window_params = [{pipeline_mode = #tpu.pipeline_mode<synchronous>, transform_indices = @transform_0, window_bounds = array<i64: 2, 2048>}, {transform_indices = @transform_1, window_bounds = array<i64: 1, 128, 2048>}]} {
    %iota3A = tpu.iota {dimensions = array<i32: 0>} : vector<128x1xi32>
    %convert_element_type3A = arith.sitofp %iota3A : vector<128x1xi32> to vector<128x1xf32>
    %mul3A = arith.constant 0.0157480314 : f32
    %mul3A_0 = vector.broadcast %mul3A : f32 to vector<128x1xf32>
    %mul3A_1 = arith.mulf %convert_element_type3A, %mul3A_0 : vector<128x1xf32>
    %add3A = arith.constant -1.000000e+00 : f32
    %add3A_2 = vector.broadcast %add3A : f32 to vector<128x1xf32>
    %add3A_3 = arith.addf %add3A_2, %mul3A_1 : vector<128x1xf32>
    %get3A = arith.constant 0 : index
    %get3A_4 = arith.constant 0 : index
    %get3A_5 = vector.load %arg1[%get3A, %get3A_4] : memref<2x2048xf32, #tpu.memory_space<vmem>>, vector<1x2048xf32>
    %get3A_6 = arith.constant 1 : index
    %get3A_7 = arith.constant 0 : index
    %get3A_8 = vector.load %arg1[%get3A_6, %get3A_7] : memref<2x2048xf32, #tpu.memory_space<vmem>>, vector<1x2048xf32>
    %add3A_9 = arith.constant 96 : i32
    %add3A_10 = arith.addi %add3A_9, %arg0 : i32
    %convert_element_type3A_11 = arith.sitofp %add3A_10 : i32 to f32
    %mul3A_12 = arith.constant 0.0157480314 : f32
    %mul3A_13 = arith.mulf %convert_element_type3A_11, %mul3A_12 : f32
    %sub3A = arith.constant 1.000000e+00 : f32
    %sub3A_14 = arith.subf %sub3A, %mul3A_13 : f32
    %sub3A_15 = vector.broadcast %add3A_3 : vector<128x1xf32> to vector<128x2048xf32>
    %sub3A_16 = vector.broadcast %get3A_5 : vector<1x2048xf32> to vector<128x2048xf32>
    %sub3A_17 = arith.subf %sub3A_15, %sub3A_16 : vector<128x2048xf32>
    %sub3A_18 = vector.broadcast %sub3A_14 : f32 to vector<1x2048xf32>
    %sub3A_19 = arith.subf %sub3A_18, %get3A_8 : vector<1x2048xf32>
    %mul3A_20 = arith.mulf %sub3A_17, %sub3A_17 : vector<128x2048xf32>
    %mul3A_21 = arith.mulf %sub3A_19, %sub3A_19 : vector<1x2048xf32>
    %add3A_22 = vector.broadcast %mul3A_21 : vector<1x2048xf32> to vector<128x2048xf32>
    %add3A_23 = arith.addf %mul3A_20, %add3A_22 : vector<128x2048xf32>
    %iota3A_24 = tpu.iota {dimensions = array<i32: 1>} : vector<1x2048xi32>
    %bitcast_convert_type3A = tpu.bitcast %add3A_23 : vector<128x2048xf32> -> vector<128x2048xi32>
    %and3A = arith.constant -2048 : i32
    %and3A_25 = vector.broadcast %and3A : i32 to vector<128x2048xi32>
    %and3A_26 = arith.andi %bitcast_convert_type3A, %and3A_25 : vector<128x2048xi32>
    %or3A = vector.broadcast %iota3A_24 : vector<1x2048xi32> to vector<128x2048xi32>
    %or3A_27 = arith.ori %and3A_26, %or3A : vector<128x2048xi32>
    %swap3A = arith.constant 0 : index
    %swap3A_28 = arith.constant 0 : index
    %swap3A_29 = arith.constant 0 : index
    %swap3A_30 = vector.load %arg2[%swap3A, %swap3A_28, %swap3A_29] : memref<1x128x2048xi32, #tpu.memory_space<vmem>>, vector<1x128x2048xi32>
    %swap3A_31 = vector.shape_cast %swap3A_30 : vector<1x128x2048xi32> to vector<128x2048xi32>
    %swap3A_32 = vector.shape_cast %or3A_27 : vector<128x2048xi32> to vector<1x128x2048xi32>
    tpu.vector_store %arg2[%swap3A, %swap3A_28, %swap3A_29], %swap3A_32 {strides = array<i32>} : memref<1x128x2048xi32, #tpu.memory_space<vmem>>, vector<1x128x2048xi32>,
    return
  }
  func.func @transform_0(%arg0: i32) -> (i32, i32) {
    %c0_i32 = arith.constant 0 : i32
    %c0_i32_0 = arith.constant 0 : i32
    %c0_i32_1 = arith.constant 0 : i32
    return %c0_i32, %c0_i32_0 : i32, i32
  }
  func.func @transform_1(%arg0: i32) -> (i32, i32, i32) {
    %c0_i32 = arith.constant 0 : i32
    %c0_i32_0 = arith.constant 0 : i32
    %c0_i32_1 = arith.constant 0 : i32
    return %arg0, %c0_i32, %c0_i32_0 : i32, i32, i32
  }
}

module attributes {stable_mosaic.version = 14 : i64} {
  func.func @_dtm_tc_kernel(%arg0: i32, %arg1: memref<2048x2xf32, #tpu.memory_space<vmem>>, %arg2: memref<1x8x128xf32, #tpu.memory_space<vmem>>, %arg3: memref<2048x128xi32, #tpu.memory_space<vmem>>, %arg4: memref<2048x128xi32, #tpu.memory_space<vmem>>, %arg5: memref<2048x128xi32, #tpu.memory_space<vmem>>, %arg6: memref<2048x128xi32, #tpu.memory_space<vmem>>, %arg7: memref<2048x128xi32, #tpu.memory_space<vmem>>, %arg8: memref<2048x128xi32, #tpu.memory_space<vmem>>, %arg9: memref<2048x128xi32, #tpu.memory_space<vmem>>, %arg10: memref<2048x128xi32, #tpu.memory_space<vmem>>, %arg11: memref<2048x128xf32, #tpu.memory_space<vmem>>) attributes {dimension_semantics = [#tpu.dimension_semantics<arbitrary>], iteration_bounds = array<i64: 12>, scalar_prefetch = 0 : i64, scratch_operands = 9 : i64, tpu.core_type = #tpu.core_type<tc>, window_params = [{pipeline_mode = #tpu.pipeline_mode<synchronous>, transform_indices = @transform_0, window_bounds = array<i64: 2048, 2>}, {transform_indices = @transform_1, window_bounds = array<i64: 1, 8, 128>}]} {
    %sub3A = arith.constant 1 : i32
    %sub3A_0 = arith.constant -2147483648 : i32
    %sub3A_1 = arith.subi %sub3A, %sub3A_0 : i32
    %iota3A = tpu.iota {dimensions = array<i32: 1>} : vector<1x128xi32>
    %convert_element_type3A = arith.sitofp %iota3A : vector<1x128xi32> to vector<1x128xf32>
    %mul3A = arith.constant 0.0157480314 : f32
    %mul3A_2 = vector.broadcast %mul3A : f32 to vector<1x128xf32>
    %mul3A_3 = arith.mulf %convert_element_type3A, %mul3A_2 : vector<1x128xf32>
    %add3A = arith.constant -1.000000e+00 : f32
    %add3A_4 = vector.broadcast %add3A : f32 to vector<1x128xf32>
    %add3A_5 = arith.addf %add3A_4, %mul3A_3 : vector<1x128xf32>
    %get3A = arith.constant 0 : index
    %get3A_6 = arith.constant 0 : index
    %get3A_7 = vector.load %arg1[%get3A, %get3A_6] : memref<2048x2xf32, #tpu.memory_space<vmem>>, vector<2048x1xf32>
    %get3A_8 = arith.constant 0 : index
    %get3A_9 = arith.constant 1 : index
    %get3A_10 = vector.load %arg1[%get3A_8, %get3A_9] : memref<2048x2xf32, #tpu.memory_space<vmem>>, vector<2048x1xf32>
    %eq3A = arith.constant 0 : i32
    %eq3A_11 = arith.cmpi eq, %arg0, %eq3A : i32
    %convert_element_type3A_12 = arith.extui %eq3A_11 : i1 to i32
    %cond3A = arith.constant 0 : i32
    %cond3A_13 = arith.cmpi ne, %convert_element_type3A_12, %cond3A : i32
    scf.if %cond3A_13 {
      %sub3A_324 = vector.broadcast %get3A_7 : vector<2048x1xf32> to vector<2048x128xf32>
      %sub3A_325 = vector.broadcast %add3A_5 : vector<1x128xf32> to vector<2048x128xf32>
      %sub3A_326 = arith.subf %sub3A_324, %sub3A_325 : vector<2048x128xf32>
      %mul3A_327 = arith.mulf %sub3A_326, %sub3A_326 : vector<2048x128xf32>
      %swap3A_328 = arith.constant 0 : index
      %swap3A_329 = arith.constant 0 : index
      %swap3A_330 = vector.load %arg11[%swap3A_328, %swap3A_329] : memref<2048x128xf32, #tpu.memory_space<vmem>>, vector<2048x128xf32>
      tpu.vector_store %arg11[%swap3A_328, %swap3A_329], %mul3A_327 {strides = array<i32>} : memref<2048x128xf32, #tpu.memory_space<vmem>>, vector<2048x128xf32>,
    } else {
    }
    %get3A_14 = arith.constant 0 : index
    %get3A_15 = arith.constant 0 : index
    %get3A_16 = vector.load %arg11[%get3A_14, %get3A_15] : memref<2048x128xf32, #tpu.memory_space<vmem>>, vector<2048x128xf32>
    %iota3A_17 = tpu.iota {dimensions = array<i32: 0>} : vector<2048x1xi32>
    %mul3A_18 = arith.constant 8 : i32
    %mul3A_19 = arith.muli %mul3A_18, %arg0 : i32
    %add3A_20 = arith.constant 0 : i32
    %add3A_21 = arith.addi %mul3A_19, %add3A_20 : i32
    %convert_element_type3A_22 = arith.sitofp %add3A_21 : i32 to f32
    %mul3A_23 = arith.constant 0.0157480314 : f32
    %mul3A_24 = arith.mulf %convert_element_type3A_22, %mul3A_23 : f32
    %sub3A_25 = arith.constant 1.000000e+00 : f32
    %sub3A_26 = arith.subf %sub3A_25, %mul3A_24 : f32
    %sub3A_27 = vector.broadcast %sub3A_26 : f32 to vector<2048x1xf32>
    %sub3A_28 = arith.subf %get3A_10, %sub3A_27 : vector<2048x1xf32>
    %mul3A_29 = arith.mulf %sub3A_28, %sub3A_28 : vector<2048x1xf32>
    %add3A_30 = vector.broadcast %mul3A_29 : vector<2048x1xf32> to vector<2048x128xf32>
    %add3A_31 = arith.addf %get3A_16, %add3A_30 : vector<2048x128xf32>
    %bitcast_convert_type3A = tpu.bitcast %add3A_31 : vector<2048x128xf32> -> vector<2048x128xi32>
    %and3A = arith.constant -2048 : i32
    %and3A_32 = vector.broadcast %and3A : i32 to vector<2048x128xi32>
    %and3A_33 = arith.andi %bitcast_convert_type3A, %and3A_32 : vector<2048x128xi32>
    %or3A = vector.broadcast %iota3A_17 : vector<2048x1xi32> to vector<2048x128xi32>
    %or3A_34 = arith.ori %and3A_33, %or3A : vector<2048x128xi32>
    %swap3A = arith.constant 0 : index
    %swap3A_35 = arith.constant 0 : index
    %swap3A_36 = vector.load %arg3[%swap3A, %swap3A_35] : memref<2048x128xi32, #tpu.memory_space<vmem>>, vector<2048x128xi32>
    tpu.vector_store %arg3[%swap3A, %swap3A_35], %or3A_34 {strides = array<i32>} : memref<2048x128xi32, #tpu.memory_space<vmem>>, vector<2048x128xi32>,
    %mul3A_37 = arith.constant 8 : i32
    %mul3A_38 = arith.muli %mul3A_37, %arg0 : i32
    %add3A_39 = arith.constant 1 : i32
    %add3A_40 = arith.addi %mul3A_38, %add3A_39 : i32
    %convert_element_type3A_41 = arith.sitofp %add3A_40 : i32 to f32
    %mul3A_42 = arith.constant 0.0157480314 : f32
    %mul3A_43 = arith.mulf %convert_element_type3A_41, %mul3A_42 : f32
    %sub3A_44 = arith.constant 1.000000e+00 : f32
    %sub3A_45 = arith.subf %sub3A_44, %mul3A_43 : f32
    %sub3A_46 = vector.broadcast %sub3A_45 : f32 to vector<2048x1xf32>
    %sub3A_47 = arith.subf %get3A_10, %sub3A_46 : vector<2048x1xf32>
    %mul3A_48 = arith.mulf %sub3A_47, %sub3A_47 : vector<2048x1xf32>
    %add3A_49 = vector.broadcast %mul3A_48 : vector<2048x1xf32> to vector<2048x128xf32>
    %add3A_50 = arith.addf %get3A_16, %add3A_49 : vector<2048x128xf32>
    %bitcast_convert_type3A_51 = tpu.bitcast %add3A_50 : vector<2048x128xf32> -> vector<2048x128xi32>
    %and3A_52 = arith.constant -2048 : i32
    %and3A_53 = vector.broadcast %and3A_52 : i32 to vector<2048x128xi32>
    %and3A_54 = arith.andi %bitcast_convert_type3A_51, %and3A_53 : vector<2048x128xi32>
    %or3A_55 = vector.broadcast %iota3A_17 : vector<2048x1xi32> to vector<2048x128xi32>
    %or3A_56 = arith.ori %and3A_54, %or3A_55 : vector<2048x128xi32>
    %swap3A_57 = arith.constant 0 : index
    %swap3A_58 = arith.constant 0 : index
    %swap3A_59 = vector.load %arg4[%swap3A_57, %swap3A_58] : memref<2048x128xi32, #tpu.memory_space<vmem>>, vector<2048x128xi32>
    tpu.vector_store %arg4[%swap3A_57, %swap3A_58], %or3A_56 {strides = array<i32>} : memref<2048x128xi32, #tpu.memory_space<vmem>>, vector<2048x128xi32>,
    %mul3A_60 = arith.constant 8 : i32
    %mul3A_61 = arith.muli %mul3A_60, %arg0 : i32
    %add3A_62 = arith.constant 2 : i32
    %add3A_63 = arith.addi %mul3A_61, %add3A_62 : i32
    %convert_element_type3A_64 = arith.sitofp %add3A_63 : i32 to f32
    %mul3A_65 = arith.constant 0.0157480314 : f32
    %mul3A_66 = arith.mulf %convert_element_type3A_64, %mul3A_65 : f32
    %sub3A_67 = arith.constant 1.000000e+00 : f32
    %sub3A_68 = arith.subf %sub3A_67, %mul3A_66 : f32
    %sub3A_69 = vector.broadcast %sub3A_68 : f32 to vector<2048x1xf32>
    %sub3A_70 = arith.subf %get3A_10, %sub3A_69 : vector<2048x1xf32>
    %mul3A_71 = arith.mulf %sub3A_70, %sub3A_70 : vector<2048x1xf32>
    %add3A_72 = vector.broadcast %mul3A_71 : vector<2048x1xf32> to vector<2048x128xf32>
    %add3A_73 = arith.addf %get3A_16, %add3A_72 : vector<2048x128xf32>
    %bitcast_convert_type3A_74 = tpu.bitcast %add3A_73 : vector<2048x128xf32> -> vector<2048x128xi32>
    %and3A_75 = arith.constant -2048 : i32
    %and3A_76 = vector.broadcast %and3A_75 : i32 to vector<2048x128xi32>
    %and3A_77 = arith.andi %bitcast_convert_type3A_74, %and3A_76 : vector<2048x128xi32>
    %or3A_78 = vector.broadcast %iota3A_17 : vector<2048x1xi32> to vector<2048x128xi32>
    %or3A_79 = arith.ori %and3A_77, %or3A_78 : vector<2048x128xi32>
    %swap3A_80 = arith.constant 0 : index
    %swap3A_81 = arith.constant 0 : index
    %swap3A_82 = vector.load %arg5[%swap3A_80, %swap3A_81] : memref<2048x128xi32, #tpu.memory_space<vmem>>, vector<2048x128xi32>
    tpu.vector_store %arg5[%swap3A_80, %swap3A_81], %or3A_79 {strides = array<i32>} : memref<2048x128xi32, #tpu.memory_space<vmem>>, vector<2048x128xi32>,
    %mul3A_83 = arith.constant 8 : i32
    %mul3A_84 = arith.muli %mul3A_83, %arg0 : i32
    %add3A_85 = arith.constant 3 : i32
    %add3A_86 = arith.addi %mul3A_84, %add3A_85 : i32
    %convert_element_type3A_87 = arith.sitofp %add3A_86 : i32 to f32
    %mul3A_88 = arith.constant 0.0157480314 : f32
    %mul3A_89 = arith.mulf %convert_element_type3A_87, %mul3A_88 : f32
    %sub3A_90 = arith.constant 1.000000e+00 : f32
    %sub3A_91 = arith.subf %sub3A_90, %mul3A_89 : f32
    %sub3A_92 = vector.broadcast %sub3A_91 : f32 to vector<2048x1xf32>
    %sub3A_93 = arith.subf %get3A_10, %sub3A_92 : vector<2048x1xf32>
    %mul3A_94 = arith.mulf %sub3A_93, %sub3A_93 : vector<2048x1xf32>
    %add3A_95 = vector.broadcast %mul3A_94 : vector<2048x1xf32> to vector<2048x128xf32>
    %add3A_96 = arith.addf %get3A_16, %add3A_95 : vector<2048x128xf32>
    %bitcast_convert_type3A_97 = tpu.bitcast %add3A_96 : vector<2048x128xf32> -> vector<2048x128xi32>
    %and3A_98 = arith.constant -2048 : i32
    %and3A_99 = vector.broadcast %and3A_98 : i32 to vector<2048x128xi32>
    %and3A_100 = arith.andi %bitcast_convert_type3A_97, %and3A_99 : vector<2048x128xi32>
    %or3A_101 = vector.broadcast %iota3A_17 : vector<2048x1xi32> to vector<2048x128xi32>
    %or3A_102 = arith.ori %and3A_100, %or3A_101 : vector<2048x128xi32>
    %swap3A_103 = arith.constant 0 : index
    %swap3A_104 = arith.constant 0 : index
    %swap3A_105 = vector.load %arg6[%swap3A_103, %swap3A_104] : memref<2048x128xi32, #tpu.memory_space<vmem>>, vector<2048x128xi32>
    tpu.vector_store %arg6[%swap3A_103, %swap3A_104], %or3A_102 {strides = array<i32>} : memref<2048x128xi32, #tpu.memory_space<vmem>>, vector<2048x128xi32>,
    %mul3A_106 = arith.constant 8 : i32
    %mul3A_107 = arith.muli %mul3A_106, %arg0 : i32
    %add3A_108 = arith.constant 4 : i32
    %add3A_109 = arith.addi %mul3A_107, %add3A_108 : i32
    %convert_element_type3A_110 = arith.sitofp %add3A_109 : i32 to f32
    %mul3A_111 = arith.constant 0.0157480314 : f32
    %mul3A_112 = arith.mulf %convert_element_type3A_110, %mul3A_111 : f32
    %sub3A_113 = arith.constant 1.000000e+00 : f32
    %sub3A_114 = arith.subf %sub3A_113, %mul3A_112 : f32
    %sub3A_115 = vector.broadcast %sub3A_114 : f32 to vector<2048x1xf32>
    %sub3A_116 = arith.subf %get3A_10, %sub3A_115 : vector<2048x1xf32>
    %mul3A_117 = arith.mulf %sub3A_116, %sub3A_116 : vector<2048x1xf32>
    %add3A_118 = vector.broadcast %mul3A_117 : vector<2048x1xf32> to vector<2048x128xf32>
    %add3A_119 = arith.addf %get3A_16, %add3A_118 : vector<2048x128xf32>
    %bitcast_convert_type3A_120 = tpu.bitcast %add3A_119 : vector<2048x128xf32> -> vector<2048x128xi32>
    %and3A_121 = arith.constant -2048 : i32
    %and3A_122 = vector.broadcast %and3A_121 : i32 to vector<2048x128xi32>
    %and3A_123 = arith.andi %bitcast_convert_type3A_120, %and3A_122 : vector<2048x128xi32>
    %or3A_124 = vector.broadcast %iota3A_17 : vector<2048x1xi32> to vector<2048x128xi32>
    %or3A_125 = arith.ori %and3A_123, %or3A_124 : vector<2048x128xi32>
    %swap3A_126 = arith.constant 0 : index
    %swap3A_127 = arith.constant 0 : index
    %swap3A_128 = vector.load %arg7[%swap3A_126, %swap3A_127] : memref<2048x128xi32, #tpu.memory_space<vmem>>, vector<2048x128xi32>
    tpu.vector_store %arg7[%swap3A_126, %swap3A_127], %or3A_125 {strides = array<i32>} : memref<2048x128xi32, #tpu.memory_space<vmem>>, vector<2048x128xi32>,
    %mul3A_129 = arith.constant 8 : i32
    %mul3A_130 = arith.muli %mul3A_129, %arg0 : i32
    %add3A_131 = arith.constant 5 : i32
    %add3A_132 = arith.addi %mul3A_130, %add3A_131 : i32
    %convert_element_type3A_133 = arith.sitofp %add3A_132 : i32 to f32
    %mul3A_134 = arith.constant 0.0157480314 : f32
    %mul3A_135 = arith.mulf %convert_element_type3A_133, %mul3A_134 : f32
    %sub3A_136 = arith.constant 1.000000e+00 : f32
    %sub3A_137 = arith.subf %sub3A_136, %mul3A_135 : f32
    %sub3A_138 = vector.broadcast %sub3A_137 : f32 to vector<2048x1xf32>
    %sub3A_139 = arith.subf %get3A_10, %sub3A_138 : vector<2048x1xf32>
    %mul3A_140 = arith.mulf %sub3A_139, %sub3A_139 : vector<2048x1xf32>
    %add3A_141 = vector.broadcast %mul3A_140 : vector<2048x1xf32> to vector<2048x128xf32>
    %add3A_142 = arith.addf %get3A_16, %add3A_141 : vector<2048x128xf32>
    %bitcast_convert_type3A_143 = tpu.bitcast %add3A_142 : vector<2048x128xf32> -> vector<2048x128xi32>
    %and3A_144 = arith.constant -2048 : i32
    %and3A_145 = vector.broadcast %and3A_144 : i32 to vector<2048x128xi32>
    %and3A_146 = arith.andi %bitcast_convert_type3A_143, %and3A_145 : vector<2048x128xi32>
    %or3A_147 = vector.broadcast %iota3A_17 : vector<2048x1xi32> to vector<2048x128xi32>
    %or3A_148 = arith.ori %and3A_146, %or3A_147 : vector<2048x128xi32>
    %swap3A_149 = arith.constant 0 : index
    %swap3A_150 = arith.constant 0 : index
    %swap3A_151 = vector.load %arg8[%swap3A_149, %swap3A_150] : memref<2048x128xi32, #tpu.memory_space<vmem>>, vector<2048x128xi32>
    tpu.vector_store %arg8[%swap3A_149, %swap3A_150], %or3A_148 {strides = array<i32>} : memref<2048x128xi32, #tpu.memory_space<vmem>>, vector<2048x128xi32>,
    %mul3A_152 = arith.constant 8 : i32
    %mul3A_153 = arith.muli %mul3A_152, %arg0 : i32
    %add3A_154 = arith.constant 6 : i32
    %add3A_155 = arith.addi %mul3A_153, %add3A_154 : i32
    %convert_element_type3A_156 = arith.sitofp %add3A_155 : i32 to f32
    %mul3A_157 = arith.constant 0.0157480314 : f32
    %mul3A_158 = arith.mulf %convert_element_type3A_156, %mul3A_157 : f32
    %sub3A_159 = arith.constant 1.000000e+00 : f32
    %sub3A_160 = arith.subf %sub3A_159, %mul3A_158 : f32
    %sub3A_161 = vector.broadcast %sub3A_160 : f32 to vector<2048x1xf32>
    %sub3A_162 = arith.subf %get3A_10, %sub3A_161 : vector<2048x1xf32>
    %mul3A_163 = arith.mulf %sub3A_162, %sub3A_162 : vector<2048x1xf32>
    %add3A_164 = vector.broadcast %mul3A_163 : vector<2048x1xf32> to vector<2048x128xf32>
    %add3A_165 = arith.addf %get3A_16, %add3A_164 : vector<2048x128xf32>
    %bitcast_convert_type3A_166 = tpu.bitcast %add3A_165 : vector<2048x128xf32> -> vector<2048x128xi32>
    %and3A_167 = arith.constant -2048 : i32
    %and3A_168 = vector.broadcast %and3A_167 : i32 to vector<2048x128xi32>
    %and3A_169 = arith.andi %bitcast_convert_type3A_166, %and3A_168 : vector<2048x128xi32>
    %or3A_170 = vector.broadcast %iota3A_17 : vector<2048x1xi32> to vector<2048x128xi32>
    %or3A_171 = arith.ori %and3A_169, %or3A_170 : vector<2048x128xi32>
    %swap3A_172 = arith.constant 0 : index
    %swap3A_173 = arith.constant 0 : index
    %swap3A_174 = vector.load %arg9[%swap3A_172, %swap3A_173] : memref<2048x128xi32, #tpu.memory_space<vmem>>, vector<2048x128xi32>
    tpu.vector_store %arg9[%swap3A_172, %swap3A_173], %or3A_171 {strides = array<i32>} : memref<2048x128xi32, #tpu.memory_space<vmem>>, vector<2048x128xi32>,
    %mul3A_175 = arith.constant 8 : i32
    %mul3A_176 = arith.muli %mul3A_175, %arg0 : i32
    %add3A_177 = arith.constant 7 : i32
    %add3A_178 = arith.addi %mul3A_176, %add3A_177 : i32
    %convert_element_type3A_179 = arith.sitofp %add3A_178 : i32 to f32
    %mul3A_180 = arith.constant 0.0157480314 : f32
    %mul3A_181 = arith.mulf %convert_element_type3A_179, %mul3A_180 : f32
    %sub3A_182 = arith.constant 1.000000e+00 : f32
    %sub3A_183 = arith.subf %sub3A_182, %mul3A_181 : f32
    %sub3A_184 = vector.broadcast %sub3A_183 : f32 to vector<2048x1xf32>
    %sub3A_185 = arith.subf %get3A_10, %sub3A_184 : vector<2048x1xf32>
    %mul3A_186 = arith.mulf %sub3A_185, %sub3A_185 : vector<2048x1xf32>
    %add3A_187 = vector.broadcast %mul3A_186 : vector<2048x1xf32> to vector<2048x128xf32>
    %add3A_188 = arith.addf %get3A_16, %add3A_187 : vector<2048x128xf32>
    %bitcast_convert_type3A_189 = tpu.bitcast %add3A_188 : vector<2048x128xf32> -> vector<2048x128xi32>
    %and3A_190 = arith.constant -2048 : i32
    %and3A_191 = vector.broadcast %and3A_190 : i32 to vector<2048x128xi32>
    %and3A_192 = arith.andi %bitcast_convert_type3A_189, %and3A_191 : vector<2048x128xi32>
    %or3A_193 = vector.broadcast %iota3A_17 : vector<2048x1xi32> to vector<2048x128xi32>
    %or3A_194 = arith.ori %and3A_192, %or3A_193 : vector<2048x128xi32>
    %swap3A_195 = arith.constant 0 : index
    %swap3A_196 = arith.constant 0 : index
    %swap3A_197 = vector.load %arg10[%swap3A_195, %swap3A_196] : memref<2048x128xi32, #tpu.memory_space<vmem>>, vector<2048x128xi32>
    tpu.vector_store %arg10[%swap3A_195, %swap3A_196], %or3A_194 {strides = array<i32>} : memref<2048x128xi32, #tpu.memory_space<vmem>>, vector<2048x128xi32>,
    %broadcast_in_dim3A = arith.constant 0.000000e+00 : f32
    %broadcast_in_dim3A_198 = vector.broadcast %broadcast_in_dim3A : f32 to vector<1x128xf32>
    %broadcast_in_dim3A_199 = arith.constant -1 : i32
    %broadcast_in_dim3A_200 = vector.broadcast %broadcast_in_dim3A_199 : i32 to vector<1x128xi32>
    %scan3A = arith.constant -2147483648 : i32
    %scan3A_201 = arith.constant 0 : i32
    %scan3A_202 = arith.constant 21 : i32
    %scan3A_203 = arith.addi %scan3A_201, %scan3A_202 : i32
    %scan3A_204 = arith.constant 1 : i32
    %scan3A_205:16 = scf.for %scan3A_324 = %scan3A_201 to %scan3A_203 step %scan3A_204 iter_args(%scan3A_325 = %broadcast_in_dim3A_198, %scan3A_326 = %broadcast_in_dim3A_198, %scan3A_327 = %broadcast_in_dim3A_198, %scan3A_328 = %broadcast_in_dim3A_198, %scan3A_329 = %broadcast_in_dim3A_198, %scan3A_330 = %broadcast_in_dim3A_198, %scan3A_331 = %broadcast_in_dim3A_198, %scan3A_332 = %broadcast_in_dim3A_198, %scan3A_333 = %broadcast_in_dim3A_200, %scan3A_334 = %broadcast_in_dim3A_200, %scan3A_335 = %broadcast_in_dim3A_200, %scan3A_336 = %broadcast_in_dim3A_200, %scan3A_337 = %broadcast_in_dim3A_200, %scan3A_338 = %broadcast_in_dim3A_200, %scan3A_339 = %broadcast_in_dim3A_200, %scan3A_340 = %broadcast_in_dim3A_200) -> (vector<1x128xf32>, vector<1x128xf32>, vector<1x128xf32>, vector<1x128xf32>, vector<1x128xf32>, vector<1x128xf32>, vector<1x128xf32>, vector<1x128xf32>, vector<1x128xi32>, vector<1x128xi32>, vector<1x128xi32>, vector<1x128xi32>, vector<1x128xi32>, vector<1x128xi32>, vector<1x128xi32>, vector<1x128xi32>)  : i32 {
      %add3A_341 = vector.broadcast %sub3A_1 : i32 to vector<1x128xi32>
      %add3A_342 = arith.addi %scan3A_333, %add3A_341 : vector<1x128xi32>
      %get3A_343 = arith.constant 0 : index
      %get3A_344 = arith.constant 0 : index
      %get3A_345 = vector.load %arg3[%get3A_343, %get3A_344] : memref<2048x128xi32, #tpu.memory_space<vmem>>, vector<128x128xi32>
      %sub3A_346 = vector.broadcast %add3A_342 : vector<1x128xi32> to vector<128x128xi32>
      %sub3A_347 = arith.subi %get3A_345, %sub3A_346 : vector<128x128xi32>
      %slice3A = vector.extract_strided_slice %sub3A_347 {offsets = [0, 0], sizes = [64, 128], strides = [1, 1]} : vector<128x128xi32> to vector<64x128xi32>
      %slice3A_348 = vector.extract_strided_slice %sub3A_347 {offsets = [64, 0], sizes = [64, 128], strides = [1, 1]} : vector<128x128xi32> to vector<64x128xi32>
      %min3A = arith.minsi %slice3A, %slice3A_348 : vector<64x128xi32>
      %slice3A_349 = vector.extract_strided_slice %min3A {offsets = [0, 0], sizes = [32, 128], strides = [1, 1]} : vector<64x128xi32> to vector<32x128xi32>
      %slice3A_350 = vector.extract_strided_slice %min3A {offsets = [32, 0], sizes = [32, 128], strides = [1, 1]} : vector<64x128xi32> to vector<32x128xi32>
      %min3A_351 = arith.minsi %slice3A_349, %slice3A_350 : vector<32x128xi32>
      %slice3A_352 = vector.extract_strided_slice %min3A_351 {offsets = [0, 0], sizes = [16, 128], strides = [1, 1]} : vector<32x128xi32> to vector<16x128xi32>
      %slice3A_353 = vector.extract_strided_slice %min3A_351 {offsets = [16, 0], sizes = [16, 128], strides = [1, 1]} : vector<32x128xi32> to vector<16x128xi32>
      %min3A_354 = arith.minsi %slice3A_352, %slice3A_353 : vector<16x128xi32>
      %slice3A_355 = vector.extract_strided_slice %min3A_354 {offsets = [0, 0], sizes = [8, 128], strides = [1, 1]} : vector<16x128xi32> to vector<8x128xi32>
      %slice3A_356 = vector.extract_strided_slice %min3A_354 {offsets = [8, 0], sizes = [8, 128], strides = [1, 1]} : vector<16x128xi32> to vector<8x128xi32>
      %min3A_357 = arith.minsi %slice3A_355, %slice3A_356 : vector<8x128xi32>
      %get3A_358 = arith.constant 128 : index
      %get3A_359 = arith.constant 0 : index
      %get3A_360 = vector.load %arg3[%get3A_358, %get3A_359] : memref<2048x128xi32, #tpu.memory_space<vmem>>, vector<128x128xi32>
      %sub3A_361 = vector.broadcast %add3A_342 : vector<1x128xi32> to vector<128x128xi32>
      %sub3A_362 = arith.subi %get3A_360, %sub3A_361 : vector<128x128xi32>
      %slice3A_363 = vector.extract_strided_slice %sub3A_362 {offsets = [0, 0], sizes = [64, 128], strides = [1, 1]} : vector<128x128xi32> to vector<64x128xi32>
      %slice3A_364 = vector.extract_strided_slice %sub3A_362 {offsets = [64, 0], sizes = [64, 128], strides = [1, 1]} : vector<128x128xi32> to vector<64x128xi32>
      %min3A_365 = arith.minsi %slice3A_363, %slice3A_364 : vector<64x128xi32>
      %slice3A_366 = vector.extract_strided_slice %min3A_365 {offsets = [0, 0], sizes = [32, 128], strides = [1, 1]} : vector<64x128xi32> to vector<32x128xi32>
      %slice3A_367 = vector.extract_strided_slice %min3A_365 {offsets = [32, 0], sizes = [32, 128], strides = [1, 1]} : vector<64x128xi32> to vector<32x128xi32>
      %min3A_368 = arith.minsi %slice3A_366, %slice3A_367 : vector<32x128xi32>
      %slice3A_369 = vector.extract_strided_slice %min3A_368 {offsets = [0, 0], sizes = [16, 128], strides = [1, 1]} : vector<32x128xi32> to vector<16x128xi32>
      %slice3A_370 = vector.extract_strided_slice %min3A_368 {offsets = [16, 0], sizes = [16, 128], strides = [1, 1]} : vector<32x128xi32> to vector<16x128xi32>
      %min3A_371 = arith.minsi %slice3A_369, %slice3A_370 : vector<16x128xi32>
      %slice3A_372 = vector.extract_strided_slice %min3A_371 {offsets = [0, 0], sizes = [8, 128], strides = [1, 1]} : vector<16x128xi32> to vector<8x128xi32>
      %slice3A_373 = vector.extract_strided_slice %min3A_371 {offsets = [8, 0], sizes = [8, 128], strides = [1, 1]} : vector<16x128xi32> to vector<8x128xi32>
      %min3A_374 = arith.minsi %slice3A_372, %slice3A_373 : vector<8x128xi32>
      %min3A_375 = arith.minsi %min3A_357, %min3A_374 : vector<8x128xi32>
      %get3A_376 = arith.constant 256 : index
      %get3A_377 = arith.constant 0 : index
      %get3A_378 = vector.load %arg3[%get3A_376, %get3A_377] : memref<2048x128xi32, #tpu.memory_space<vmem>>, vector<128x128xi32>
      %sub3A_379 = vector.broadcast %add3A_342 : vector<1x128xi32> to vector<128x128xi32>
      %sub3A_380 = arith.subi %get3A_378, %sub3A_379 : vector<128x128xi32>
      %slice3A_381 = vector.extract_strided_slice %sub3A_380 {offsets = [0, 0], sizes = [64, 128], strides = [1, 1]} : vector<128x128xi32> to vector<64x128xi32>
      %slice3A_382 = vector.extract_strided_slice %sub3A_380 {offsets = [64, 0], sizes = [64, 128], strides = [1, 1]} : vector<128x128xi32> to vector<64x128xi32>
      %min3A_383 = arith.minsi %slice3A_381, %slice3A_382 : vector<64x128xi32>
      %slice3A_384 = vector.extract_strided_slice %min3A_383 {offsets = [0, 0], sizes = [32, 128], strides = [1, 1]} : vector<64x128xi32> to vector<32x128xi32>
      %slice3A_385 = vector.extract_strided_slice %min3A_383 {offsets = [32, 0], sizes = [32, 128], strides = [1, 1]} : vector<64x128xi32> to vector<32x128xi32>
      %min3A_386 = arith.minsi %slice3A_384, %slice3A_385 : vector<32x128xi32>
      %slice3A_387 = vector.extract_strided_slice %min3A_386 {offsets = [0, 0], sizes = [16, 128], strides = [1, 1]} : vector<32x128xi32> to vector<16x128xi32>
      %slice3A_388 = vector.extract_strided_slice %min3A_386 {offsets = [16, 0], sizes = [16, 128], strides = [1, 1]} : vector<32x128xi32> to vector<16x128xi32>
      %min3A_389 = arith.minsi %slice3A_387, %slice3A_388 : vector<16x128xi32>
      %slice3A_390 = vector.extract_strided_slice %min3A_389 {offsets = [0, 0], sizes = [8, 128], strides = [1, 1]} : vector<16x128xi32> to vector<8x128xi32>
      %slice3A_391 = vector.extract_strided_slice %min3A_389 {offsets = [8, 0], sizes = [8, 128], strides = [1, 1]} : vector<16x128xi32> to vector<8x128xi32>
      %min3A_392 = arith.minsi %slice3A_390, %slice3A_391 : vector<8x128xi32>
      %min3A_393 = arith.minsi %min3A_375, %min3A_392 : vector<8x128xi32>
      %get3A_394 = arith.constant 384 : index
      %get3A_395 = arith.constant 0 : index
      %get3A_396 = vector.load %arg3[%get3A_394, %get3A_395] : memref<2048x128xi32, #tpu.memory_space<vmem>>, vector<128x128xi32>
      %sub3A_397 = vector.broadcast %add3A_342 : vector<1x128xi32> to vector<128x128xi32>
      %sub3A_398 = arith.subi %get3A_396, %sub3A_397 : vector<128x128xi32>
      %slice3A_399 = vector.extract_strided_slice %sub3A_398 {offsets = [0, 0], sizes = [64, 128], strides = [1, 1]} : vector<128x128xi32> to vector<64x128xi32>
      %slice3A_400 = vector.extract_strided_slice %sub3A_398 {offsets = [64, 0], sizes = [64, 128], strides = [1, 1]} : vector<128x128xi32> to vector<64x128xi32>
      %min3A_401 = arith.minsi %slice3A_399, %slice3A_400 : vector<64x128xi32>
      %slice3A_402 = vector.extract_strided_slice %min3A_401 {offsets = [0, 0], sizes = [32, 128], strides = [1, 1]} : vector<64x128xi32> to vector<32x128xi32>
      %slice3A_403 = vector.extract_strided_slice %min3A_401 {offsets = [32, 0], sizes = [32, 128], strides = [1, 1]} : vector<64x128xi32> to vector<32x128xi32>
      %min3A_404 = arith.minsi %slice3A_402, %slice3A_403 : vector<32x128xi32>
      %slice3A_405 = vector.extract_strided_slice %min3A_404 {offsets = [0, 0], sizes = [16, 128], strides = [1, 1]} : vector<32x128xi32> to vector<16x128xi32>
      %slice3A_406 = vector.extract_strided_slice %min3A_404 {offsets = [16, 0], sizes = [16, 128], strides = [1, 1]} : vector<32x128xi32> to vector<16x128xi32>
      %min3A_407 = arith.minsi %slice3A_405, %slice3A_406 : vector<16x128xi32>
      %slice3A_408 = vector.extract_strided_slice %min3A_407 {offsets = [0, 0], sizes = [8, 128], strides = [1, 1]} : vector<16x128xi32> to vector<8x128xi32>
      %slice3A_409 = vector.extract_strided_slice %min3A_407 {offsets = [8, 0], sizes = [8, 128], strides = [1, 1]} : vector<16x128xi32> to vector<8x128xi32>
      %min3A_410 = arith.minsi %slice3A_408, %slice3A_409 : vector<8x128xi32>
      %min3A_411 = arith.minsi %min3A_393, %min3A_410 : vector<8x128xi32>
      %get3A_412 = arith.constant 512 : index
      %get3A_413 = arith.constant 0 : index
      %get3A_414 = vector.load %arg3[%get3A_412, %get3A_413] : memref<2048x128xi32, #tpu.memory_space<vmem>>, vector<128x128xi32>
      %sub3A_415 = vector.broadcast %add3A_342 : vector<1x128xi32> to vector<128x128xi32>
      %sub3A_416 = arith.subi %get3A_414, %sub3A_415 : vector<128x128xi32>
      %slice3A_417 = vector.extract_strided_slice %sub3A_416 {offsets = [0, 0], sizes = [64, 128], strides = [1, 1]} : vector<128x128xi32> to vector<64x128xi32>
      %slice3A_418 = vector.extract_strided_slice %sub3A_416 {offsets = [64, 0], sizes = [64, 128], strides = [1, 1]} : vector<128x128xi32> to vector<64x128xi32>
      %min3A_419 = arith.minsi %slice3A_417, %slice3A_418 : vector<64x128xi32>
      %slice3A_420 = vector.extract_strided_slice %min3A_419 {offsets = [0, 0], sizes = [32, 128], strides = [1, 1]} : vector<64x128xi32> to vector<32x128xi32>
      %slice3A_421 = vector.extract_strided_slice %min3A_419 {offsets = [32, 0], sizes = [32, 128], strides = [1, 1]} : vector<64x128xi32> to vector<32x128xi32>
      %min3A_422 = arith.minsi %slice3A_420, %slice3A_421 : vector<32x128xi32>
      %slice3A_423 = vector.extract_strided_slice %min3A_422 {offsets = [0, 0], sizes = [16, 128], strides = [1, 1]} : vector<32x128xi32> to vector<16x128xi32>
      %slice3A_424 = vector.extract_strided_slice %min3A_422 {offsets = [16, 0], sizes = [16, 128], strides = [1, 1]} : vector<32x128xi32> to vector<16x128xi32>
      %min3A_425 = arith.minsi %slice3A_423, %slice3A_424 : vector<16x128xi32>
      %slice3A_426 = vector.extract_strided_slice %min3A_425 {offsets = [0, 0], sizes = [8, 128], strides = [1, 1]} : vector<16x128xi32> to vector<8x128xi32>
      %slice3A_427 = vector.extract_strided_slice %min3A_425 {offsets = [8, 0], sizes = [8, 128], strides = [1, 1]} : vector<16x128xi32> to vector<8x128xi32>
      %min3A_428 = arith.minsi %slice3A_426, %slice3A_427 : vector<8x128xi32>
      %min3A_429 = arith.minsi %min3A_411, %min3A_428 : vector<8x128xi32>
      %get3A_430 = arith.constant 640 : index
      %get3A_431 = arith.constant 0 : index
      %get3A_432 = vector.load %arg3[%get3A_430, %get3A_431] : memref<2048x128xi32, #tpu.memory_space<vmem>>, vector<128x128xi32>
      %sub3A_433 = vector.broadcast %add3A_342 : vector<1x128xi32> to vector<128x128xi32>
      %sub3A_434 = arith.subi %get3A_432, %sub3A_433 : vector<128x128xi32>
      %slice3A_435 = vector.extract_strided_slice %sub3A_434 {offsets = [0, 0], sizes = [64, 128], strides = [1, 1]} : vector<128x128xi32> to vector<64x128xi32>
      %slice3A_436 = vector.extract_strided_slice %sub3A_434 {offsets = [64, 0], sizes = [64, 128], strides = [1, 1]} : vector<128x128xi32> to vector<64x128xi32>
      %min3A_437 = arith.minsi %slice3A_435, %slice3A_436 : vector<64x128xi32>
      %slice3A_438 = vector.extract_strided_slice %min3A_437 {offsets = [0, 0], sizes = [32, 128], strides = [1, 1]} : vector<64x128xi32> to vector<32x128xi32>
      %slice3A_439 = vector.extract_strided_slice %min3A_437 {offsets = [32, 0], sizes = [32, 128], strides = [1, 1]} : vector<64x128xi32> to vector<32x128xi32>
      %min3A_440 = arith.minsi %slice3A_438, %slice3A_439 : vector<32x128xi32>
      %slice3A_441 = vector.extract_strided_slice %min3A_440 {offsets = [0, 0], sizes = [16, 128], strides = [1, 1]} : vector<32x128xi32> to vector<16x128xi32>
      %slice3A_442 = vector.extract_strided_slice %min3A_440 {offsets = [16, 0], sizes = [16, 128], strides = [1, 1]} : vector<32x128xi32> to vector<16x128xi32>
      %min3A_443 = arith.minsi %slice3A_441, %slice3A_442 : vector<16x128xi32>
      %slice3A_444 = vector.extract_strided_slice %min3A_443 {offsets = [0, 0], sizes = [8, 128], strides = [1, 1]} : vector<16x128xi32> to vector<8x128xi32>
      %slice3A_445 = vector.extract_strided_slice %min3A_443 {offsets = [8, 0], sizes = [8, 128], strides = [1, 1]} : vector<16x128xi32> to vector<8x128xi32>
      %min3A_446 = arith.minsi %slice3A_444, %slice3A_445 : vector<8x128xi32>
      %min3A_447 = arith.minsi %min3A_429, %min3A_446 : vector<8x128xi32>
      %get3A_448 = arith.constant 768 : index
      %get3A_449 = arith.constant 0 : index
      %get3A_450 = vector.load %arg3[%get3A_448, %get3A_449] : memref<2048x128xi32, #tpu.memory_space<vmem>>, vector<128x128xi32>
      %sub3A_451 = vector.broadcast %add3A_342 : vector<1x128xi32> to vector<128x128xi32>
      %sub3A_452 = arith.subi %get3A_450, %sub3A_451 : vector<128x128xi32>
      %slice3A_453 = vector.extract_strided_slice %sub3A_452 {offsets = [0, 0], sizes = [64, 128], strides = [1, 1]} : vector<128x128xi32> to vector<64x128xi32>
      %slice3A_454 = vector.extract_strided_slice %sub3A_452 {offsets = [64, 0], sizes = [64, 128], strides = [1, 1]} : vector<128x128xi32> to vector<64x128xi32>
      %min3A_455 = arith.minsi %slice3A_453, %slice3A_454 : vector<64x128xi32>
      %slice3A_456 = vector.extract_strided_slice %min3A_455 {offsets = [0, 0], sizes = [32, 128], strides = [1, 1]} : vector<64x128xi32> to vector<32x128xi32>
      %slice3A_457 = vector.extract_strided_slice %min3A_455 {offsets = [32, 0], sizes = [32, 128], strides = [1, 1]} : vector<64x128xi32> to vector<32x128xi32>
      %min3A_458 = arith.minsi %slice3A_456, %slice3A_457 : vector<32x128xi32>
      %slice3A_459 = vector.extract_strided_slice %min3A_458 {offsets = [0, 0], sizes = [16, 128], strides = [1, 1]} : vector<32x128xi32> to vector<16x128xi32>
      %slice3A_460 = vector.extract_strided_slice %min3A_458 {offsets = [16, 0], sizes = [16, 128], strides = [1, 1]} : vector<32x128xi32> to vector<16x128xi32>
      %min3A_461 = arith.minsi %slice3A_459, %slice3A_460 : vector<16x128xi32>
      %slice3A_462 = vector.extract_strided_slice %min3A_461 {offsets = [0, 0], sizes = [8, 128], strides = [1, 1]} : vector<16x128xi32> to vector<8x128xi32>
      %slice3A_463 = vector.extract_strided_slice %min3A_461 {offsets = [8, 0], sizes = [8, 128], strides = [1, 1]} : vector<16x128xi32> to vector<8x128xi32>
      %min3A_464 = arith.minsi %slice3A_462, %slice3A_463 : vector<8x128xi32>
      %min3A_465 = arith.minsi %min3A_447, %min3A_464 : vector<8x128xi32>
      %get3A_466 = arith.constant 896 : index
      %get3A_467 = arith.constant 0 : index
      %get3A_468 = vector.load %arg3[%get3A_466, %get3A_467] : memref<2048x128xi32, #tpu.memory_space<vmem>>, vector<128x128xi32>
      %sub3A_469 = vector.broadcast %add3A_342 : vector<1x128xi32> to vector<128x128xi32>
      %sub3A_470 = arith.subi %get3A_468, %sub3A_469 : vector<128x128xi32>
      %slice3A_471 = vector.extract_strided_slice %sub3A_470 {offsets = [0, 0], sizes = [64, 128], strides = [1, 1]} : vector<128x128xi32> to vector<64x128xi32>
      %slice3A_472 = vector.extract_strided_slice %sub3A_470 {offsets = [64, 0], sizes = [64, 128], strides = [1, 1]} : vector<128x128xi32> to vector<64x128xi32>
      %min3A_473 = arith.minsi %slice3A_471, %slice3A_472 : vector<64x128xi32>
      %slice3A_474 = vector.extract_strided_slice %min3A_473 {offsets = [0, 0], sizes = [32, 128], strides = [1, 1]} : vector<64x128xi32> to vector<32x128xi32>
      %slice3A_475 = vector.extract_strided_slice %min3A_473 {offsets = [32, 0], sizes = [32, 128], strides = [1, 1]} : vector<64x128xi32> to vector<32x128xi32>
      %min3A_476 = arith.minsi %slice3A_474, %slice3A_475 : vector<32x128xi32>
      %slice3A_477 = vector.extract_strided_slice %min3A_476 {offsets = [0, 0], sizes = [16, 128], strides = [1, 1]} : vector<32x128xi32> to vector<16x128xi32>
      %slice3A_478 = vector.extract_strided_slice %min3A_476 {offsets = [16, 0], sizes = [16, 128], strides = [1, 1]} : vector<32x128xi32> to vector<16x128xi32>
      %min3A_479 = arith.minsi %slice3A_477, %slice3A_478 : vector<16x128xi32>
      %slice3A_480 = vector.extract_strided_slice %min3A_479 {offsets = [0, 0], sizes = [8, 128], strides = [1, 1]} : vector<16x128xi32> to vector<8x128xi32>
      %slice3A_481 = vector.extract_strided_slice %min3A_479 {offsets = [8, 0], sizes = [8, 128], strides = [1, 1]} : vector<16x128xi32> to vector<8x128xi32>
      %min3A_482 = arith.minsi %slice3A_480, %slice3A_481 : vector<8x128xi32>
      %min3A_483 = arith.minsi %min3A_465, %min3A_482 : vector<8x128xi32>
      %get3A_484 = arith.constant 1024 : index
      %get3A_485 = arith.constant 0 : index
      %get3A_486 = vector.load %arg3[%get3A_484, %get3A_485] : memref<2048x128xi32, #tpu.memory_space<vmem>>, vector<128x128xi32>
      %sub3A_487 = vector.broadcast %add3A_342 : vector<1x128xi32> to vector<128x128xi32>
      %sub3A_488 = arith.subi %get3A_486, %sub3A_487 : vector<128x128xi32>
      %slice3A_489 = vector.extract_strided_slice %sub3A_488 {offsets = [0, 0], sizes = [64, 128], strides = [1, 1]} : vector<128x128xi32> to vector<64x128xi32>
      %slice3A_490 = vector.extract_strided_slice %sub3A_488 {offsets = [64, 0], sizes = [64, 128], strides = [1, 1]} : vector<128x128xi32> to vector<64x128xi32>
      %min3A_491 = arith.minsi %slice3A_489, %slice3A_490 : vector<64x128xi32>
      %slice3A_492 = vector.extract_strided_slice %min3A_491 {offsets = [0, 0], sizes = [32, 128], strides = [1, 1]} : vector<64x128xi32> to vector<32x128xi32>
      %slice3A_493 = vector.extract_strided_slice %min3A_491 {offsets = [32, 0], sizes = [32, 128], strides = [1, 1]} : vector<64x128xi32> to vector<32x128xi32>
      %min3A_494 = arith.minsi %slice3A_492, %slice3A_493 : vector<32x128xi32>
      %slice3A_495 = vector.extract_strided_slice %min3A_494 {offsets = [0, 0], sizes = [16, 128], strides = [1, 1]} : vector<32x128xi32> to vector<16x128xi32>
      %slice3A_496 = vector.extract_strided_slice %min3A_494 {offsets = [16, 0], sizes = [16, 128], strides = [1, 1]} : vector<32x128xi32> to vector<16x128xi32>
      %min3A_497 = arith.minsi %slice3A_495, %slice3A_496 : vector<16x128xi32>
      %slice3A_498 = vector.extract_strided_slice %min3A_497 {offsets = [0, 0], sizes = [8, 128], strides = [1, 1]} : vector<16x128xi32> to vector<8x128xi32>
      %slice3A_499 = vector.extract_strided_slice %min3A_497 {offsets = [8, 0], sizes = [8, 128], strides = [1, 1]} : vector<16x128xi32> to vector<8x128xi32>
      %min3A_500 = arith.minsi %slice3A_498, %slice3A_499 : vector<8x128xi32>
      %min3A_501 = arith.minsi %min3A_483, %min3A_500 : vector<8x128xi32>
      %get3A_502 = arith.constant 1152 : index
      %get3A_503 = arith.constant 0 : index
      %get3A_504 = vector.load %arg3[%get3A_502, %get3A_503] : memref<2048x128xi32, #tpu.memory_space<vmem>>, vector<128x128xi32>
      %sub3A_505 = vector.broadcast %add3A_342 : vector<1x128xi32> to vector<128x128xi32>
      %sub3A_506 = arith.subi %get3A_504, %sub3A_505 : vector<128x128xi32>
      %slice3A_507 = vector.extract_strided_slice %sub3A_506 {offsets = [0, 0], sizes = [64, 128], strides = [1, 1]} : vector<128x128xi32> to vector<64x128xi32>
      %slice3A_508 = vector.extract_strided_slice %sub3A_506 {offsets = [64, 0], sizes = [64, 128], strides = [1, 1]} : vector<128x128xi32> to vector<64x128xi32>
      %min3A_509 = arith.minsi %slice3A_507, %slice3A_508 : vector<64x128xi32>
      %slice3A_510 = vector.extract_strided_slice %min3A_509 {offsets = [0, 0], sizes = [32, 128], strides = [1, 1]} : vector<64x128xi32> to vector<32x128xi32>
      %slice3A_511 = vector.extract_strided_slice %min3A_509 {offsets = [32, 0], sizes = [32, 128], strides = [1, 1]} : vector<64x128xi32> to vector<32x128xi32>
      %min3A_512 = arith.minsi %slice3A_510, %slice3A_511 : vector<32x128xi32>
      %slice3A_513 = vector.extract_strided_slice %min3A_512 {offsets = [0, 0], sizes = [16, 128], strides = [1, 1]} : vector<32x128xi32> to vector<16x128xi32>
      %slice3A_514 = vector.extract_strided_slice %min3A_512 {offsets = [16, 0], sizes = [16, 128], strides = [1, 1]} : vector<32x128xi32> to vector<16x128xi32>
      %min3A_515 = arith.minsi %slice3A_513, %slice3A_514 : vector<16x128xi32>
      %slice3A_516 = vector.extract_strided_slice %min3A_515 {offsets = [0, 0], sizes = [8, 128], strides = [1, 1]} : vector<16x128xi32> to vector<8x128xi32>
      %slice3A_517 = vector.extract_strided_slice %min3A_515 {offsets = [8, 0], sizes = [8, 128], strides = [1, 1]} : vector<16x128xi32> to vector<8x128xi32>
      %min3A_518 = arith.minsi %slice3A_516, %slice3A_517 : vector<8x128xi32>
      %min3A_519 = arith.minsi %min3A_501, %min3A_518 : vector<8x128xi32>
      %get3A_520 = arith.constant 1280 : index
      %get3A_521 = arith.constant 0 : index
      %get3A_522 = vector.load %arg3[%get3A_520, %get3A_521] : memref<2048x128xi32, #tpu.memory_space<vmem>>, vector<128x128xi32>
      %sub3A_523 = vector.broadcast %add3A_342 : vector<1x128xi32> to vector<128x128xi32>
      %sub3A_524 = arith.subi %get3A_522, %sub3A_523 : vector<128x128xi32>
      %slice3A_525 = vector.extract_strided_slice %sub3A_524 {offsets = [0, 0], sizes = [64, 128], strides = [1, 1]} : vector<128x128xi32> to vector<64x128xi32>
      %slice3A_526 = vector.extract_strided_slice %sub3A_524 {offsets = [64, 0], sizes = [64, 128], strides = [1, 1]} : vector<128x128xi32> to vector<64x128xi32>
      %min3A_527 = arith.minsi %slice3A_525, %slice3A_526 : vector<64x128xi32>
      %slice3A_528 = vector.extract_strided_slice %min3A_527 {offsets = [0, 0], sizes = [32, 128], strides = [1, 1]} : vector<64x128xi32> to vector<32x128xi32>
      %slice3A_529 = vector.extract_strided_slice %min3A_527 {offsets = [32, 0], sizes = [32, 128], strides = [1, 1]} : vector<64x128xi32> to vector<32x128xi32>
      %min3A_530 = arith.minsi %slice3A_528, %slice3A_529 : vector<32x128xi32>
      %slice3A_531 = vector.extract_strided_slice %min3A_530 {offsets = [0, 0], sizes = [16, 128], strides = [1, 1]} : vector<32x128xi32> to vector<16x128xi32>
      %slice3A_532 = vector.extract_strided_slice %min3A_530 {offsets = [16, 0], sizes = [16, 128], strides = [1, 1]} : vector<32x128xi32> to vector<16x128xi32>
      %min3A_533 = arith.minsi %slice3A_531, %slice3A_532 : vector<16x128xi32>
      %slice3A_534 = vector.extract_strided_slice %min3A_533 {offsets = [0, 0], sizes = [8, 128], strides = [1, 1]} : vector<16x128xi32> to vector<8x128xi32>
      %slice3A_535 = vector.extract_strided_slice %min3A_533 {offsets = [8, 0], sizes = [8, 128], strides = [1, 1]} : vector<16x128xi32> to vector<8x128xi32>
      %min3A_536 = arith.minsi %slice3A_534, %slice3A_535 : vector<8x128xi32>
      %min3A_537 = arith.minsi %min3A_519, %min3A_536 : vector<8x128xi32>
      %get3A_538 = arith.constant 1408 : index
      %get3A_539 = arith.constant 0 : index
      %get3A_540 = vector.load %arg3[%get3A_538, %get3A_539] : memref<2048x128xi32, #tpu.memory_space<vmem>>, vector<128x128xi32>
      %sub3A_541 = vector.broadcast %add3A_342 : vector<1x128xi32> to vector<128x128xi32>
      %sub3A_542 = arith.subi %get3A_540, %sub3A_541 : vector<128x128xi32>
      %slice3A_543 = vector.extract_strided_slice %sub3A_542 {offsets = [0, 0], sizes = [64, 128], strides = [1, 1]} : vector<128x128xi32> to vector<64x128xi32>
      %slice3A_544 = vector.extract_strided_slice %sub3A_542 {offsets = [64, 0], sizes = [64, 128], strides = [1, 1]} : vector<128x128xi32> to vector<64x128xi32>
      %min3A_545 = arith.minsi %slice3A_543, %slice3A_544 : vector<64x128xi32>
      %slice3A_546 = vector.extract_strided_slice %min3A_545 {offsets = [0, 0], sizes = [32, 128], strides = [1, 1]} : vector<64x128xi32> to vector<32x128xi32>
      %slice3A_547 = vector.extract_strided_slice %min3A_545 {offsets = [32, 0], sizes = [32, 128], strides = [1, 1]} : vector<64x128xi32> to vector<32x128xi32>
      %min3A_548 = arith.minsi %slice3A_546, %slice3A_547 : vector<32x128xi32>
      %slice3A_549 = vector.extract_strided_slice %min3A_548 {offsets = [0, 0], sizes = [16, 128], strides = [1, 1]} : vector<32x128xi32> to vector<16x128xi32>
      %slice3A_550 = vector.extract_strided_slice %min3A_548 {offsets = [16, 0], sizes = [16, 128], strides = [1, 1]} : vector<32x128xi32> to vector<16x128xi32>
      %min3A_551 = arith.minsi %slice3A_549, %slice3A_550 : vector<16x128xi32>
      %slice3A_552 = vector.extract_strided_slice %min3A_551 {offsets = [0, 0], sizes = [8, 128], strides = [1, 1]} : vector<16x128xi32> to vector<8x128xi32>
      %slice3A_553 = vector.extract_strided_slice %min3A_551 {offsets = [8, 0], sizes = [8, 128], strides = [1, 1]} : vector<16x128xi32> to vector<8x128xi32>
      %min3A_554 = arith.minsi %slice3A_552, %slice3A_553 : vector<8x128xi32>
      %min3A_555 = arith.minsi %min3A_537, %min3A_554 : vector<8x128xi32>
      %get3A_556 = arith.constant 1536 : index
      %get3A_557 = arith.constant 0 : index
      %get3A_558 = vector.load %arg3[%get3A_556, %get3A_557] : memref<2048x128xi32, #tpu.memory_space<vmem>>, vector<128x128xi32>
      %sub3A_559 = vector.broadcast %add3A_342 : vector<1x128xi32> to vector<128x128xi32>
      %sub3A_560 = arith.subi %get3A_558, %sub3A_559 : vector<128x128xi32>
      %slice3A_561 = vector.extract_strided_slice %sub3A_560 {offsets = [0, 0], sizes = [64, 128], strides = [1, 1]} : vector<128x128xi32> to vector<64x128xi32>
      %slice3A_562 = vector.extract_strided_slice %sub3A_560 {offsets = [64, 0], sizes = [64, 128], strides = [1, 1]} : vector<128x128xi32> to vector<64x128xi32>
      %min3A_563 = arith.minsi %slice3A_561, %slice3A_562 : vector<64x128xi32>
      %slice3A_564 = vector.extract_strided_slice %min3A_563 {offsets = [0, 0], sizes = [32, 128], strides = [1, 1]} : vector<64x128xi32> to vector<32x128xi32>
      %slice3A_565 = vector.extract_strided_slice %min3A_563 {offsets = [32, 0], sizes = [32, 128], strides = [1, 1]} : vector<64x128xi32> to vector<32x128xi32>
      %min3A_566 = arith.minsi %slice3A_564, %slice3A_565 : vector<32x128xi32>
      %slice3A_567 = vector.extract_strided_slice %min3A_566 {offsets = [0, 0], sizes = [16, 128], strides = [1, 1]} : vector<32x128xi32> to vector<16x128xi32>
      %slice3A_568 = vector.extract_strided_slice %min3A_566 {offsets = [16, 0], sizes = [16, 128], strides = [1, 1]} : vector<32x128xi32> to vector<16x128xi32>
      %min3A_569 = arith.minsi %slice3A_567, %slice3A_568 : vector<16x128xi32>
      %slice3A_570 = vector.extract_strided_slice %min3A_569 {offsets = [0, 0], sizes = [8, 128], strides = [1, 1]} : vector<16x128xi32> to vector<8x128xi32>
      %slice3A_571 = vector.extract_strided_slice %min3A_569 {offsets = [8, 0], sizes = [8, 128], strides = [1, 1]} : vector<16x128xi32> to vector<8x128xi32>
      %min3A_572 = arith.minsi %slice3A_570, %slice3A_571 : vector<8x128xi32>
      %min3A_573 = arith.minsi %min3A_555, %min3A_572 : vector<8x128xi32>
      %get3A_574 = arith.constant 1664 : index
      %get3A_575 = arith.constant 0 : index
      %get3A_576 = vector.load %arg3[%get3A_574, %get3A_575] : memref<2048x128xi32, #tpu.memory_space<vmem>>, vector<128x128xi32>
      %sub3A_577 = vector.broadcast %add3A_342 : vector<1x128xi32> to vector<128x128xi32>
      %sub3A_578 = arith.subi %get3A_576, %sub3A_577 : vector<128x128xi32>
      %slice3A_579 = vector.extract_strided_slice %sub3A_578 {offsets = [0, 0], sizes = [64, 128], strides = [1, 1]} : vector<128x128xi32> to vector<64x128xi32>
      %slice3A_580 = vector.extract_strided_slice %sub3A_578 {offsets = [64, 0], sizes = [64, 128], strides = [1, 1]} : vector<128x128xi32> to vector<64x128xi32>
      %min3A_581 = arith.minsi %slice3A_579, %slice3A_580 : vector<64x128xi32>
      %slice3A_582 = vector.extract_strided_slice %min3A_581 {offsets = [0, 0], sizes = [32, 128], strides = [1, 1]} : vector<64x128xi32> to vector<32x128xi32>
      %slice3A_583 = vector.extract_strided_slice %min3A_581 {offsets = [32, 0], sizes = [32, 128], strides = [1, 1]} : vector<64x128xi32> to vector<32x128xi32>
      %min3A_584 = arith.minsi %slice3A_582, %slice3A_583 : vector<32x128xi32>
      %slice3A_585 = vector.extract_strided_slice %min3A_584 {offsets = [0, 0], sizes = [16, 128], strides = [1, 1]} : vector<32x128xi32> to vector<16x128xi32>
      %slice3A_586 = vector.extract_strided_slice %min3A_584 {offsets = [16, 0], sizes = [16, 128], strides = [1, 1]} : vector<32x128xi32> to vector<16x128xi32>
      %min3A_587 = arith.minsi %slice3A_585, %slice3A_586 : vector<16x128xi32>
      %slice3A_588 = vector.extract_strided_slice %min3A_587 {offsets = [0, 0], sizes = [8, 128], strides = [1, 1]} : vector<16x128xi32> to vector<8x128xi32>
      %slice3A_589 = vector.extract_strided_slice %min3A_587 {offsets = [8, 0], sizes = [8, 128], strides = [1, 1]} : vector<16x128xi32> to vector<8x128xi32>
      %min3A_590 = arith.minsi %slice3A_588, %slice3A_589 : vector<8x128xi32>
      %min3A_591 = arith.minsi %min3A_573, %min3A_590 : vector<8x128xi32>
      %get3A_592 = arith.constant 1792 : index
      %get3A_593 = arith.constant 0 : index
      %get3A_594 = vector.load %arg3[%get3A_592, %get3A_593] : memref<2048x128xi32, #tpu.memory_space<vmem>>, vector<128x128xi32>
      %sub3A_595 = vector.broadcast %add3A_342 : vector<1x128xi32> to vector<128x128xi32>
      %sub3A_596 = arith.subi %get3A_594, %sub3A_595 : vector<128x128xi32>
      %slice3A_597 = vector.extract_strided_slice %sub3A_596 {offsets = [0, 0], sizes = [64, 128], strides = [1, 1]} : vector<128x128xi32> to vector<64x128xi32>
      %slice3A_598 = vector.extract_strided_slice %sub3A_596 {offsets = [64, 0], sizes = [64, 128], strides = [1, 1]} : vector<128x128xi32> to vector<64x128xi32>
      %min3A_599 = arith.minsi %slice3A_597, %slice3A_598 : vector<64x128xi32>
      %slice3A_600 = vector.extract_strided_slice %min3A_599 {offsets = [0, 0], sizes = [32, 128], strides = [1, 1]} : vector<64x128xi32> to vector<32x128xi32>
      %slice3A_601 = vector.extract_strided_slice %min3A_599 {offsets = [32, 0], sizes = [32, 128], strides = [1, 1]} : vector<64x128xi32> to vector<32x128xi32>
      %min3A_602 = arith.minsi %slice3A_600, %slice3A_601 : vector<32x128xi32>
      %slice3A_603 = vector.extract_strided_slice %min3A_602 {offsets = [0, 0], sizes = [16, 128], strides = [1, 1]} : vector<32x128xi32> to vector<16x128xi32>
      %slice3A_604 = vector.extract_strided_slice %min3A_602 {offsets = [16, 0], sizes = [16, 128], strides = [1, 1]} : vector<32x128xi32> to vector<16x128xi32>
      %min3A_605 = arith.minsi %slice3A_603, %slice3A_604 : vector<16x128xi32>
      %slice3A_606 = vector.extract_strided_slice %min3A_605 {offsets = [0, 0], sizes = [8, 128], strides = [1, 1]} : vector<16x128xi32> to vector<8x128xi32>
      %slice3A_607 = vector.extract_strided_slice %min3A_605 {offsets = [8, 0], sizes = [8, 128], strides = [1, 1]} : vector<16x128xi32> to vector<8x128xi32>
      %min3A_608 = arith.minsi %slice3A_606, %slice3A_607 : vector<8x128xi32>
      %min3A_609 = arith.minsi %min3A_591, %min3A_608 : vector<8x128xi32>
      %get3A_610 = arith.constant 1920 : index
      %get3A_611 = arith.constant 0 : index
      %get3A_612 = vector.load %arg3[%get3A_610, %get3A_611] : memref<2048x128xi32, #tpu.memory_space<vmem>>, vector<128x128xi32>
      %sub3A_613 = vector.broadcast %add3A_342 : vector<1x128xi32> to vector<128x128xi32>
      %sub3A_614 = arith.subi %get3A_612, %sub3A_613 : vector<128x128xi32>
      %slice3A_615 = vector.extract_strided_slice %sub3A_614 {offsets = [0, 0], sizes = [64, 128], strides = [1, 1]} : vector<128x128xi32> to vector<64x128xi32>
      %slice3A_616 = vector.extract_strided_slice %sub3A_614 {offsets = [64, 0], sizes = [64, 128], strides = [1, 1]} : vector<128x128xi32> to vector<64x128xi32>
      %min3A_617 = arith.minsi %slice3A_615, %slice3A_616 : vector<64x128xi32>
      %slice3A_618 = vector.extract_strided_slice %min3A_617 {offsets = [0, 0], sizes = [32, 128], strides = [1, 1]} : vector<64x128xi32> to vector<32x128xi32>
      %slice3A_619 = vector.extract_strided_slice %min3A_617 {offsets = [32, 0], sizes = [32, 128], strides = [1, 1]} : vector<64x128xi32> to vector<32x128xi32>
      %min3A_620 = arith.minsi %slice3A_618, %slice3A_619 : vector<32x128xi32>
      %slice3A_621 = vector.extract_strided_slice %min3A_620 {offsets = [0, 0], sizes = [16, 128], strides = [1, 1]} : vector<32x128xi32> to vector<16x128xi32>
      %slice3A_622 = vector.extract_strided_slice %min3A_620 {offsets = [16, 0], sizes = [16, 128], strides = [1, 1]} : vector<32x128xi32> to vector<16x128xi32>
      %min3A_623 = arith.minsi %slice3A_621, %slice3A_622 : vector<16x128xi32>
      %slice3A_624 = vector.extract_strided_slice %min3A_623 {offsets = [0, 0], sizes = [8, 128], strides = [1, 1]} : vector<16x128xi32> to vector<8x128xi32>
      %slice3A_625 = vector.extract_strided_slice %min3A_623 {offsets = [8, 0], sizes = [8, 128], strides = [1, 1]} : vector<16x128xi32> to vector<8x128xi32>
      %min3A_626 = arith.minsi %slice3A_624, %slice3A_625 : vector<8x128xi32>
      %min3A_627 = arith.minsi %min3A_609, %min3A_626 : vector<8x128xi32>
      %slice3A_628 = vector.extract_strided_slice %min3A_627 {offsets = [0, 0], sizes = [4, 128], strides = [1, 1]} : vector<8x128xi32> to vector<4x128xi32>
      %slice3A_629 = vector.extract_strided_slice %min3A_627 {offsets = [4, 0], sizes = [4, 128], strides = [1, 1]} : vector<8x128xi32> to vector<4x128xi32>
      %min3A_630 = arith.minsi %slice3A_628, %slice3A_629 : vector<4x128xi32>
      %slice3A_631 = vector.extract_strided_slice %min3A_630 {offsets = [0, 0], sizes = [2, 128], strides = [1, 1]} : vector<4x128xi32> to vector<2x128xi32>
      %slice3A_632 = vector.extract_strided_slice %min3A_630 {offsets = [2, 0], sizes = [2, 128], strides = [1, 1]} : vector<4x128xi32> to vector<2x128xi32>
      %min3A_633 = arith.minsi %slice3A_631, %slice3A_632 : vector<2x128xi32>
      %slice3A_634 = vector.extract_strided_slice %min3A_633 {offsets = [0, 0], sizes = [1, 128], strides = [1, 1]} : vector<2x128xi32> to vector<1x128xi32>
      %slice3A_635 = vector.extract_strided_slice %min3A_633 {offsets = [1, 0], sizes = [1, 128], strides = [1, 1]} : vector<2x128xi32> to vector<1x128xi32>
      %min3A_636 = arith.minsi %slice3A_634, %slice3A_635 : vector<1x128xi32>
      %add3A_637 = vector.broadcast %sub3A_1 : i32 to vector<1x128xi32>
      %add3A_638 = arith.addi %scan3A_334, %add3A_637 : vector<1x128xi32>
      %get3A_639 = arith.constant 0 : index
      %get3A_640 = arith.constant 0 : index
      %get3A_641 = vector.load %arg4[%get3A_639, %get3A_640] : memref<2048x128xi32, #tpu.memory_space<vmem>>, vector<128x128xi32>
      %sub3A_642 = vector.broadcast %add3A_638 : vector<1x128xi32> to vector<128x128xi32>
      %sub3A_643 = arith.subi %get3A_641, %sub3A_642 : vector<128x128xi32>
      %slice3A_644 = vector.extract_strided_slice %sub3A_643 {offsets = [0, 0], sizes = [64, 128], strides = [1, 1]} : vector<128x128xi32> to vector<64x128xi32>
      %slice3A_645 = vector.extract_strided_slice %sub3A_643 {offsets = [64, 0], sizes = [64, 128], strides = [1, 1]} : vector<128x128xi32> to vector<64x128xi32>
      %min3A_646 = arith.minsi %slice3A_644, %slice3A_645 : vector<64x128xi32>
      %slice3A_647 = vector.extract_strided_slice %min3A_646 {offsets = [0, 0], sizes = [32, 128], strides = [1, 1]} : vector<64x128xi32> to vector<32x128xi32>
      %slice3A_648 = vector.extract_strided_slice %min3A_646 {offsets = [32, 0], sizes = [32, 128], strides = [1, 1]} : vector<64x128xi32> to vector<32x128xi32>
      %min3A_649 = arith.minsi %slice3A_647, %slice3A_648 : vector<32x128xi32>
      %slice3A_650 = vector.extract_strided_slice %min3A_649 {offsets = [0, 0], sizes = [16, 128], strides = [1, 1]} : vector<32x128xi32> to vector<16x128xi32>
      %slice3A_651 = vector.extract_strided_slice %min3A_649 {offsets = [16, 0], sizes = [16, 128], strides = [1, 1]} : vector<32x128xi32> to vector<16x128xi32>
      %min3A_652 = arith.minsi %slice3A_650, %slice3A_651 : vector<16x128xi32>
      %slice3A_653 = vector.extract_strided_slice %min3A_652 {offsets = [0, 0], sizes = [8, 128], strides = [1, 1]} : vector<16x128xi32> to vector<8x128xi32>
      %slice3A_654 = vector.extract_strided_slice %min3A_652 {offsets = [8, 0], sizes = [8, 128], strides = [1, 1]} : vector<16x128xi32> to vector<8x128xi32>
      %min3A_655 = arith.minsi %slice3A_653, %slice3A_654 : vector<8x128xi32>
      %get3A_656 = arith.constant 128 : index
      %get3A_657 = arith.constant 0 : index
      %get3A_658 = vector.load %arg4[%get3A_656, %get3A_657] : memref<2048x128xi32, #tpu.memory_space<vmem>>, vector<128x128xi32>
      %sub3A_659 = vector.broadcast %add3A_638 : vector<1x128xi32> to vector<128x128xi32>
      %sub3A_660 = arith.subi %get3A_658, %sub3A_659 : vector<128x128xi32>
      %slice3A_661 = vector.extract_strided_slice %sub3A_660 {offsets = [0, 0], sizes = [64, 128], strides = [1, 1]} : vector<128x128xi32> to vector<64x128xi32>
      %slice3A_662 = vector.extract_strided_slice %sub3A_660 {offsets = [64, 0], sizes = [64, 128], strides = [1, 1]} : vector<128x128xi32> to vector<64x128xi32>
      %min3A_663 = arith.minsi %slice3A_661, %slice3A_662 : vector<64x128xi32>
      %slice3A_664 = vector.extract_strided_slice %min3A_663 {offsets = [0, 0], sizes = [32, 128], strides = [1, 1]} : vector<64x128xi32> to vector<32x128xi32>
      %slice3A_665 = vector.extract_strided_slice %min3A_663 {offsets = [32, 0], sizes = [32, 128], strides = [1, 1]} : vector<64x128xi32> to vector<32x128xi32>
      %min3A_666 = arith.minsi %slice3A_664, %slice3A_665 : vector<32x128xi32>
      %slice3A_667 = vector.extract_strided_slice %min3A_666 {offsets = [0, 0], sizes = [16, 128], strides = [1, 1]} : vector<32x128xi32> to vector<16x128xi32>
      %slice3A_668 = vector.extract_strided_slice %min3A_666 {offsets = [16, 0], sizes = [16, 128], strides = [1, 1]} : vector<32x128xi32> to vector<16x128xi32>
      %min3A_669 = arith.minsi %slice3A_667, %slice3A_668 : vector<16x128xi32>
      %slice3A_670 = vector.extract_strided_slice %min3A_669 {offsets = [0, 0], sizes = [8, 128], strides = [1, 1]} : vector<16x128xi32> to vector<8x128xi32>
      %slice3A_671 = vector.extract_strided_slice %min3A_669 {offsets = [8, 0], sizes = [8, 128], strides = [1, 1]} : vector<16x128xi32> to vector<8x128xi32>
      %min3A_672 = arith.minsi %slice3A_670, %slice3A_671 : vector<8x128xi32>
      %min3A_673 = arith.minsi %min3A_655, %min3A_672 : vector<8x128xi32>
      %get3A_674 = arith.constant 256 : index
      %get3A_675 = arith.constant 0 : index
      %get3A_676 = vector.load %arg4[%get3A_674, %get3A_675] : memref<2048x128xi32, #tpu.memory_space<vmem>>, vector<128x128xi32>
      %sub3A_677 = vector.broadcast %add3A_638 : vector<1x128xi32> to vector<128x128xi32>
      %sub3A_678 = arith.subi %get3A_676, %sub3A_677 : vector<128x128xi32>
      %slice3A_679 = vector.extract_strided_slice %sub3A_678 {offsets = [0, 0], sizes = [64, 128], strides = [1, 1]} : vector<128x128xi32> to vector<64x128xi32>
      %slice3A_680 = vector.extract_strided_slice %sub3A_678 {offsets = [64, 0], sizes = [64, 128], strides = [1, 1]} : vector<128x128xi32> to vector<64x128xi32>
      %min3A_681 = arith.minsi %slice3A_679, %slice3A_680 : vector<64x128xi32>
      %slice3A_682 = vector.extract_strided_slice %min3A_681 {offsets = [0, 0], sizes = [32, 128], strides = [1, 1]} : vector<64x128xi32> to vector<32x128xi32>
      %slice3A_683 = vector.extract_strided_slice %min3A_681 {offsets = [32, 0], sizes = [32, 128], strides = [1, 1]} : vector<64x128xi32> to vector<32x128xi32>
      %min3A_684 = arith.minsi %slice3A_682, %slice3A_683 : vector<32x128xi32>
      %slice3A_685 = vector.extract_strided_slice %min3A_684 {offsets = [0, 0], sizes = [16, 128], strides = [1, 1]} : vector<32x128xi32> to vector<16x128xi32>
      %slice3A_686 = vector.extract_strided_slice %min3A_684 {offsets = [16, 0], sizes = [16, 128], strides = [1, 1]} : vector<32x128xi32> to vector<16x128xi32>
      %min3A_687 = arith.minsi %slice3A_685, %slice3A_686 : vector<16x128xi32>
      %slice3A_688 = vector.extract_strided_slice %min3A_687 {offsets = [0, 0], sizes = [8, 128], strides = [1, 1]} : vector<16x128xi32> to vector<8x128xi32>
      %slice3A_689 = vector.extract_strided_slice %min3A_687 {offsets = [8, 0], sizes = [8, 128], strides = [1, 1]} : vector<16x128xi32> to vector<8x128xi32>
      %min3A_690 = arith.minsi %slice3A_688, %slice3A_689 : vector<8x128xi32>
      %min3A_691 = arith.minsi %min3A_673, %min3A_690 : vector<8x128xi32>
      %get3A_692 = arith.constant 384 : index
      %get3A_693 = arith.constant 0 : index
      %get3A_694 = vector.load %arg4[%get3A_692, %get3A_693] : memref<2048x128xi32, #tpu.memory_space<vmem>>, vector<128x128xi32>
      %sub3A_695 = vector.broadcast %add3A_638 : vector<1x128xi32> to vector<128x128xi32>
      %sub3A_696 = arith.subi %get3A_694, %sub3A_695 : vector<128x128xi32>
      %slice3A_697 = vector.extract_strided_slice %sub3A_696 {offsets = [0, 0], sizes = [64, 128], strides = [1, 1]} : vector<128x128xi32> to vector<64x128xi32>
      %slice3A_698 = vector.extract_strided_slice %sub3A_696 {offsets = [64, 0], sizes = [64, 128], strides = [1, 1]} : vector<128x128xi32> to vector<64x128xi32>
      %min3A_699 = arith.minsi %slice3A_697, %slice3A_698 : vector<64x128xi32>
      %slice3A_700 = vector.extract_strided_slice %min3A_699 {offsets = [0, 0], sizes = [32, 128], strides = [1, 1]} : vector<64x128xi32> to vector<32x128xi32>
      %slice3A_701 = vector.extract_strided_slice %min3A_699 {offsets = [32, 0], sizes = [32, 128], strides = [1, 1]} : vector<64x128xi32> to vector<32x128xi32>
      %min3A_702 = arith.minsi %slice3A_700, %slice3A_701 : vector<32x128xi32>
      %slice3A_703 = vector.extract_strided_slice %min3A_702 {offsets = [0, 0], sizes = [16, 128], strides = [1, 1]} : vector<32x128xi32> to vector<16x128xi32>
      %slice3A_704 = vector.extract_strided_slice %min3A_702 {offsets = [16, 0], sizes = [16, 128], strides = [1, 1]} : vector<32x128xi32> to vector<16x128xi32>
      %min3A_705 = arith.minsi %slice3A_703, %slice3A_704 : vector<16x128xi32>
      %slice3A_706 = vector.extract_strided_slice %min3A_705 {offsets = [0, 0], sizes = [8, 128], strides = [1, 1]} : vector<16x128xi32> to vector<8x128xi32>
      %slice3A_707 = vector.extract_strided_slice %min3A_705 {offsets = [8, 0], sizes = [8, 128], strides = [1, 1]} : vector<16x128xi32> to vector<8x128xi32>
      %min3A_708 = arith.minsi %slice3A_706, %slice3A_707 : vector<8x128xi32>
      %min3A_709 = arith.minsi %min3A_691, %min3A_708 : vector<8x128xi32>
      %get3A_710 = arith.constant 512 : index
      %get3A_711 = arith.constant 0 : index
      %get3A_712 = vector.load %arg4[%get3A_710, %get3A_711] : memref<2048x128xi32, #tpu.memory_space<vmem>>, vector<128x128xi32>
      %sub3A_713 = vector.broadcast %add3A_638 : vector<1x128xi32> to vector<128x128xi32>
      %sub3A_714 = arith.subi %get3A_712, %sub3A_713 : vector<128x128xi32>
      %slice3A_715 = vector.extract_strided_slice %sub3A_714 {offsets = [0, 0], sizes = [64, 128], strides = [1, 1]} : vector<128x128xi32> to vector<64x128xi32>
      %slice3A_716 = vector.extract_strided_slice %sub3A_714 {offsets = [64, 0], sizes = [64, 128], strides = [1, 1]} : vector<128x128xi32> to vector<64x128xi32>
      %min3A_717 = arith.minsi %slice3A_715, %slice3A_716 : vector<64x128xi32>
      %slice3A_718 = vector.extract_strided_slice %min3A_717 {offsets = [0, 0], sizes = [32, 128], strides = [1, 1]} : vector<64x128xi32> to vector<32x128xi32>
      %slice3A_719 = vector.extract_strided_slice %min3A_717 {offsets = [32, 0], sizes = [32, 128], strides = [1, 1]} : vector<64x128xi32> to vector<32x128xi32>
      %min3A_720 = arith.minsi %slice3A_718, %slice3A_719 : vector<32x128xi32>
      %slice3A_721 = vector.extract_strided_slice %min3A_720 {offsets = [0, 0], sizes = [16, 128], strides = [1, 1]} : vector<32x128xi32> to vector<16x128xi32>
      %slice3A_722 = vector.extract_strided_slice %min3A_720 {offsets = [16, 0], sizes = [16, 128], strides = [1, 1]} : vector<32x128xi32> to vector<16x128xi32>
      %min3A_723 = arith.minsi %slice3A_721, %slice3A_722 : vector<16x128xi32>
      %slice3A_724 = vector.extract_strided_slice %min3A_723 {offsets = [0, 0], sizes = [8, 128], strides = [1, 1]} : vector<16x128xi32> to vector<8x128xi32>
      %slice3A_725 = vector.extract_strided_slice %min3A_723 {offsets = [8, 0], sizes = [8, 128], strides = [1, 1]} : vector<16x128xi32> to vector<8x128xi32>
      %min3A_726 = arith.minsi %slice3A_724, %slice3A_725 : vector<8x128xi32>
      %min3A_727 = arith.minsi %min3A_709, %min3A_726 : vector<8x128xi32>
      %get3A_728 = arith.constant 640 : index
      %get3A_729 = arith.constant 0 : index
      %get3A_730 = vector.load %arg4[%get3A_728, %get3A_729] : memref<2048x128xi32, #tpu.memory_space<vmem>>, vector<128x128xi32>
      %sub3A_731 = vector.broadcast %add3A_638 : vector<1x128xi32> to vector<128x128xi32>
      %sub3A_732 = arith.subi %get3A_730, %sub3A_731 : vector<128x128xi32>
      %slice3A_733 = vector.extract_strided_slice %sub3A_732 {offsets = [0, 0], sizes = [64, 128], strides = [1, 1]} : vector<128x128xi32> to vector<64x128xi32>
      %slice3A_734 = vector.extract_strided_slice %sub3A_732 {offsets = [64, 0], sizes = [64, 128], strides = [1, 1]} : vector<128x128xi32> to vector<64x128xi32>
      %min3A_735 = arith.minsi %slice3A_733, %slice3A_734 : vector<64x128xi32>
      %slice3A_736 = vector.extract_strided_slice %min3A_735 {offsets = [0, 0], sizes = [32, 128], strides = [1, 1]} : vector<64x128xi32> to vector<32x128xi32>
      %slice3A_737 = vector.extract_strided_slice %min3A_735 {offsets = [32, 0], sizes = [32, 128], strides = [1, 1]} : vector<64x128xi32> to vector<32x128xi32>
      %min3A_738 = arith.minsi %slice3A_736, %slice3A_737 : vector<32x128xi32>
      %slice3A_739 = vector.extract_strided_slice %min3A_738 {offsets = [0, 0], sizes = [16, 128], strides = [1, 1]} : vector<32x128xi32> to vector<16x128xi32>
      %slice3A_740 = vector.extract_strided_slice %min3A_738 {offsets = [16, 0], sizes = [16, 128], strides = [1, 1]} : vector<32x128xi32> to vector<16x128xi32>
      %min3A_741 = arith.minsi %slice3A_739, %slice3A_740 : vector<16x128xi32>
      %slice3A_742 = vector.extract_strided_slice %min3A_741 {offsets = [0, 0], sizes = [8, 128], strides = [1, 1]} : vector<16x128xi32> to vector<8x128xi32>
      %slice3A_743 = vector.extract_strided_slice %min3A_741 {offsets = [8, 0], sizes = [8, 128], strides = [1, 1]} : vector<16x128xi32> to vector<8x128xi32>
      %min3A_744 = arith.minsi %slice3A_742, %slice3A_743 : vector<8x128xi32>
      %min3A_745 = arith.minsi %min3A_727, %min3A_744 : vector<8x128xi32>
      %get3A_746 = arith.constant 768 : index
      %get3A_747 = arith.constant 0 : index
      %get3A_748 = vector.load %arg4[%get3A_746, %get3A_747] : memref<2048x128xi32, #tpu.memory_space<vmem>>, vector<128x128xi32>
      %sub3A_749 = vector.broadcast %add3A_638 : vector<1x128xi32> to vector<128x128xi32>
      %sub3A_750 = arith.subi %get3A_748, %sub3A_749 : vector<128x128xi32>
      %slice3A_751 = vector.extract_strided_slice %sub3A_750 {offsets = [0, 0], sizes = [64, 128], strides = [1, 1]} : vector<128x128xi32> to vector<64x128xi32>
      %slice3A_752 = vector.extract_strided_slice %sub3A_750 {offsets = [64, 0], sizes = [64, 128], strides = [1, 1]} : vector<128x128xi32> to vector<64x128xi32>
      %min3A_753 = arith.minsi %slice3A_751, %slice3A_752 : vector<64x128xi32>
      %slice3A_754 = vector.extract_strided_slice %min3A_753 {offsets = [0, 0], sizes = [32, 128], strides = [1, 1]} : vector<64x128xi32> to vector<32x128xi32>
      %slice3A_755 = vector.extract_strided_slice %min3A_753 {offsets = [32, 0], sizes = [32, 128], strides = [1, 1]} : vector<64x128xi32> to vector<32x128xi32>
      %min3A_756 = arith.minsi %slice3A_754, %slice3A_755 : vector<32x128xi32>
      %slice3A_757 = vector.extract_strided_slice %min3A_756 {offsets = [0, 0], sizes = [16, 128], strides = [1, 1]} : vector<32x128xi32> to vector<16x128xi32>
      %slice3A_758 = vector.extract_strided_slice %min3A_756 {offsets = [16, 0], sizes = [16, 128], strides = [1, 1]} : vector<32x128xi32> to vector<16x128xi32>
      %min3A_759 = arith.minsi %slice3A_757, %slice3A_758 : vector<16x128xi32>
      %slice3A_760 = vector.extract_strided_slice %min3A_759 {offsets = [0, 0], sizes = [8, 128], strides = [1, 1]} : vector<16x128xi32> to vector<8x128xi32>
      %slice3A_761 = vector.extract_strided_slice %min3A_759 {offsets = [8, 0], sizes = [8, 128], strides = [1, 1]} : vector<16x128xi32> to vector<8x128xi32>
      %min3A_762 = arith.minsi %slice3A_760, %slice3A_761 : vector<8x128xi32>
      %min3A_763 = arith.minsi %min3A_745, %min3A_762 : vector<8x128xi32>
      %get3A_764 = arith.constant 896 : index
      %get3A_765 = arith.constant 0 : index
      %get3A_766 = vector.load %arg4[%get3A_764, %get3A_765] : memref<2048x128xi32, #tpu.memory_space<vmem>>, vector<128x128xi32>
      %sub3A_767 = vector.broadcast %add3A_638 : vector<1x128xi32> to vector<128x128xi32>
      %sub3A_768 = arith.subi %get3A_766, %sub3A_767 : vector<128x128xi32>
      %slice3A_769 = vector.extract_strided_slice %sub3A_768 {offsets = [0, 0], sizes = [64, 128], strides = [1, 1]} : vector<128x128xi32> to vector<64x128xi32>
      %slice3A_770 = vector.extract_strided_slice %sub3A_768 {offsets = [64, 0], sizes = [64, 128], strides = [1, 1]} : vector<128x128xi32> to vector<64x128xi32>
      %min3A_771 = arith.minsi %slice3A_769, %slice3A_770 : vector<64x128xi32>
      %slice3A_772 = vector.extract_strided_slice %min3A_771 {offsets = [0, 0], sizes = [32, 128], strides = [1, 1]} : vector<64x128xi32> to vector<32x128xi32>
      %slice3A_773 = vector.extract_strided_slice %min3A_771 {offsets = [32, 0], sizes = [32, 128], strides = [1, 1]} : vector<64x128xi32> to vector<32x128xi32>
      %min3A_774 = arith.minsi %slice3A_772, %slice3A_773 : vector<32x128xi32>
      %slice3A_775 = vector.extract_strided_slice %min3A_774 {offsets = [0, 0], sizes = [16, 128], strides = [1, 1]} : vector<32x128xi32> to vector<16x128xi32>
      %slice3A_776 = vector.extract_strided_slice %min3A_774 {offsets = [16, 0], sizes = [16, 128], strides = [1, 1]} : vector<32x128xi32> to vector<16x128xi32>
      %min3A_777 = arith.minsi %slice3A_775, %slice3A_776 : vector<16x128xi32>
      %slice3A_778 = vector.extract_strided_slice %min3A_777 {offsets = [0, 0], sizes = [8, 128], strides = [1, 1]} : vector<16x128xi32> to vector<8x128xi32>
      %slice3A_779 = vector.extract_strided_slice %min3A_777 {offsets = [8, 0], sizes = [8, 128], strides = [1, 1]} : vector<16x128xi32> to vector<8x128xi32>
      %min3A_780 = arith.minsi %slice3A_778, %slice3A_779 : vector<8x128xi32>
      %min3A_781 = arith.minsi %min3A_763, %min3A_780 : vector<8x128xi32>
      %get3A_782 = arith.constant 1024 : index
      %get3A_783 = arith.constant 0 : index
      %get3A_784 = vector.load %arg4[%get3A_782, %get3A_783] : memref<2048x128xi32, #tpu.memory_space<vmem>>, vector<128x128xi32>
      %sub3A_785 = vector.broadcast %add3A_638 : vector<1x128xi32> to vector<128x128xi32>
      %sub3A_786 = arith.subi %get3A_784, %sub3A_785 : vector<128x128xi32>
      %slice3A_787 = vector.extract_strided_slice %sub3A_786 {offsets = [0, 0], sizes = [64, 128], strides = [1, 1]} : vector<128x128xi32> to vector<64x128xi32>
      %slice3A_788 = vector.extract_strided_slice %sub3A_786 {offsets = [64, 0], sizes = [64, 128], strides = [1, 1]} : vector<128x128xi32> to vector<64x128xi32>
      %min3A_789 = arith.minsi %slice3A_787, %slice3A_788 : vector<64x128xi32>
      %slice3A_790 = vector.extract_strided_slice %min3A_789 {offsets = [0, 0], sizes = [32, 128], strides = [1, 1]} : vector<64x128xi32> to vector<32x128xi32>
      %slice3A_791 = vector.extract_strided_slice %min3A_789 {offsets = [32, 0], sizes = [32, 128], strides = [1, 1]} : vector<64x128xi32> to vector<32x128xi32>
      %min3A_792 = arith.minsi %slice3A_790, %slice3A_791 : vector<32x128xi32>
      %slice3A_793 = vector.extract_strided_slice %min3A_792 {offsets = [0, 0], sizes = [16, 128], strides = [1, 1]} : vector<32x128xi32> to vector<16x128xi32>
      %slice3A_794 = vector.extract_strided_slice %min3A_792 {offsets = [16, 0], sizes = [16, 128], strides = [1, 1]} : vector<32x128xi32> to vector<16x128xi32>
      %min3A_795 = arith.minsi %slice3A_793, %slice3A_794 : vector<16x128xi32>
      %slice3A_796 = vector.extract_strided_slice %min3A_795 {offsets = [0, 0], sizes = [8, 128], strides = [1, 1]} : vector<16x128xi32> to vector<8x128xi32>
      %slice3A_797 = vector.extract_strided_slice %min3A_795 {offsets = [8, 0], sizes = [8, 128], strides = [1, 1]} : vector<16x128xi32> to vector<8x128xi32>
      %min3A_798 = arith.minsi %slice3A_796, %slice3A_797 : vector<8x128xi32>
      %min3A_799 = arith.minsi %min3A_781, %min3A_798 : vector<8x128xi32>
      %get3A_800 = arith.constant 1152 : index
      %get3A_801 = arith.constant 0 : index
      %get3A_802 = vector.load %arg4[%get3A_800, %get3A_801] : memref<2048x128xi32, #tpu.memory_space<vmem>>, vector<128x128xi32>
      %sub3A_803 = vector.broadcast %add3A_638 : vector<1x128xi32> to vector<128x128xi32>
      %sub3A_804 = arith.subi %get3A_802, %sub3A_803 : vector<128x128xi32>
      %slice3A_805 = vector.extract_strided_slice %sub3A_804 {offsets = [0, 0], sizes = [64, 128], strides = [1, 1]} : vector<128x128xi32> to vector<64x128xi32>
      %slice3A_806 = vector.extract_strided_slice %sub3A_804 {offsets = [64, 0], sizes = [64, 128], strides = [1, 1]} : vector<128x128xi32> to vector<64x128xi32>
      %min3A_807 = arith.minsi %slice3A_805, %slice3A_806 : vector<64x128xi32>
      %slice3A_808 = vector.extract_strided_slice %min3A_807 {offsets = [0, 0], sizes = [32, 128], strides = [1, 1]} : vector<64x128xi32> to vector<32x128xi32>
      %slice3A_809 = vector.extract_strided_slice %min3A_807 {offsets = [32, 0], sizes = [32, 128], strides = [1, 1]} : vector<64x128xi32> to vector<32x128xi32>
      %min3A_810 = arith.minsi %slice3A_808, %slice3A_809 : vector<32x128xi32>
      %slice3A_811 = vector.extract_strided_slice %min3A_810 {offsets = [0, 0], sizes = [16, 128], strides = [1, 1]} : vector<32x128xi32> to vector<16x128xi32>
      %slice3A_812 = vector.extract_strided_slice %min3A_810 {offsets = [16, 0], sizes = [16, 128], strides = [1, 1]} : vector<32x128xi32> to vector<16x128xi32>
      %min3A_813 = arith.minsi %slice3A_811, %slice3A_812 : vector<16x128xi32>
      %slice3A_814 = vector.extract_strided_slice %min3A_813 {offsets = [0, 0], sizes = [8, 128], strides = [1, 1]} : vector<16x128xi32> to vector<8x128xi32>
      %slice3A_815 = vector.extract_strided_slice %min3A_813 {offsets = [8, 0], sizes = [8, 128], strides = [1, 1]} : vector<16x128xi32> to vector<8x128xi32>
      %min3A_816 = arith.minsi %slice3A_814, %slice3A_815 : vector<8x128xi32>
      %min3A_817 = arith.minsi %min3A_799, %min3A_816 : vector<8x128xi32>
      %get3A_818 = arith.constant 1280 : index
      %get3A_819 = arith.constant 0 : index
      %get3A_820 = vector.load %arg4[%get3A_818, %get3A_819] : memref<2048x128xi32, #tpu.memory_space<vmem>>, vector<128x128xi32>
      %sub3A_821 = vector.broadcast %add3A_638 : vector<1x128xi32> to vector<128x128xi32>
      %sub3A_822 = arith.subi %get3A_820, %sub3A_821 : vector<128x128xi32>
      %slice3A_823 = vector.extract_strided_slice %sub3A_822 {offsets = [0, 0], sizes = [64, 128], strides = [1, 1]} : vector<128x128xi32> to vector<64x128xi32>
      %slice3A_824 = vector.extract_strided_slice %sub3A_822 {offsets = [64, 0], sizes = [64, 128], strides = [1, 1]} : vector<128x128xi32> to vector<64x128xi32>
      %min3A_825 = arith.minsi %slice3A_823, %slice3A_824 : vector<64x128xi32>
      %slice3A_826 = vector.extract_strided_slice %min3A_825 {offsets = [0, 0], sizes = [32, 128], strides = [1, 1]} : vector<64x128xi32> to vector<32x128xi32>
      %slice3A_827 = vector.extract_strided_slice %min3A_825 {offsets = [32, 0], sizes = [32, 128], strides = [1, 1]} : vector<64x128xi32> to vector<32x128xi32>
      %min3A_828 = arith.minsi %slice3A_826, %slice3A_827 : vector<32x128xi32>
      %slice3A_829 = vector.extract_strided_slice %min3A_828 {offsets = [0, 0], sizes = [16, 128], strides = [1, 1]} : vector<32x128xi32> to vector<16x128xi32>
      %slice3A_830 = vector.extract_strided_slice %min3A_828 {offsets = [16, 0], sizes = [16, 128], strides = [1, 1]} : vector<32x128xi32> to vector<16x128xi32>
      %min3A_831 = arith.minsi %slice3A_829, %slice3A_830 : vector<16x128xi32>
      %slice3A_832 = vector.extract_strided_slice %min3A_831 {offsets = [0, 0], sizes = [8, 128], strides = [1, 1]} : vector<16x128xi32> to vector<8x128xi32>
      %slice3A_833 = vector.extract_strided_slice %min3A_831 {offsets = [8, 0], sizes = [8, 128], strides = [1, 1]} : vector<16x128xi32> to vector<8x128xi32>
      %min3A_834 = arith.minsi %slice3A_832, %slice3A_833 : vector<8x128xi32>
      %min3A_835 = arith.minsi %min3A_817, %min3A_834 : vector<8x128xi32>
      %get3A_836 = arith.constant 1408 : index
      %get3A_837 = arith.constant 0 : index
      %get3A_838 = vector.load %arg4[%get3A_836, %get3A_837] : memref<2048x128xi32, #tpu.memory_space<vmem>>, vector<128x128xi32>
      %sub3A_839 = vector.broadcast %add3A_638 : vector<1x128xi32> to vector<128x128xi32>
      %sub3A_840 = arith.subi %get3A_838, %sub3A_839 : vector<128x128xi32>
      %slice3A_841 = vector.extract_strided_slice %sub3A_840 {offsets = [0, 0], sizes = [64, 128], strides = [1, 1]} : vector<128x128xi32> to vector<64x128xi32>
      %slice3A_842 = vector.extract_strided_slice %sub3A_840 {offsets = [64, 0], sizes = [64, 128], strides = [1, 1]} : vector<128x128xi32> to vector<64x128xi32>
      %min3A_843 = arith.minsi %slice3A_841, %slice3A_842 : vector<64x128xi32>
      %slice3A_844 = vector.extract_strided_slice %min3A_843 {offsets = [0, 0], sizes = [32, 128], strides = [1, 1]} : vector<64x128xi32> to vector<32x128xi32>
      %slice3A_845 = vector.extract_strided_slice %min3A_843 {offsets = [32, 0], sizes = [32, 128], strides = [1, 1]} : vector<64x128xi32> to vector<32x128xi32>
      %min3A_846 = arith.minsi %slice3A_844, %slice3A_845 : vector<32x128xi32>
      %slice3A_847 = vector.extract_strided_slice %min3A_846 {offsets = [0, 0], sizes = [16, 128], strides = [1, 1]} : vector<32x128xi32> to vector<16x128xi32>
      %slice3A_848 = vector.extract_strided_slice %min3A_846 {offsets = [16, 0], sizes = [16, 128], strides = [1, 1]} : vector<32x128xi32> to vector<16x128xi32>
      %min3A_849 = arith.minsi %slice3A_847, %slice3A_848 : vector<16x128xi32>
      %slice3A_850 = vector.extract_strided_slice %min3A_849 {offsets = [0, 0], sizes = [8, 128], strides = [1, 1]} : vector<16x128xi32> to vector<8x128xi32>
      %slice3A_851 = vector.extract_strided_slice %min3A_849 {offsets = [8, 0], sizes = [8, 128], strides = [1, 1]} : vector<16x128xi32> to vector<8x128xi32>
      %min3A_852 = arith.minsi %slice3A_850, %slice3A_851 : vector<8x128xi32>
      %min3A_853 = arith.minsi %min3A_835, %min3A_852 : vector<8x128xi32>
      %get3A_854 = arith.constant 1536 : index
      %get3A_855 = arith.constant 0 : index
      %get3A_856 = vector.load %arg4[%get3A_854, %get3A_855] : memref<2048x128xi32, #tpu.memory_space<vmem>>, vector<128x128xi32>
      %sub3A_857 = vector.broadcast %add3A_638 : vector<1x128xi32> to vector<128x128xi32>
      %sub3A_858 = arith.subi %get3A_856, %sub3A_857 : vector<128x128xi32>
      %slice3A_859 = vector.extract_strided_slice %sub3A_858 {offsets = [0, 0], sizes = [64, 128], strides = [1, 1]} : vector<128x128xi32> to vector<64x128xi32>
      %slice3A_860 = vector.extract_strided_slice %sub3A_858 {offsets = [64, 0], sizes = [64, 128], strides = [1, 1]} : vector<128x128xi32> to vector<64x128xi32>
      %min3A_861 = arith.minsi %slice3A_859, %slice3A_860 : vector<64x128xi32>
      %slice3A_862 = vector.extract_strided_slice %min3A_861 {offsets = [0, 0], sizes = [32, 128], strides = [1, 1]} : vector<64x128xi32> to vector<32x128xi32>
      %slice3A_863 = vector.extract_strided_slice %min3A_861 {offsets = [32, 0], sizes = [32, 128], strides = [1, 1]} : vector<64x128xi32> to vector<32x128xi32>
      %min3A_864 = arith.minsi %slice3A_862, %slice3A_863 : vector<32x128xi32>
      %slice3A_865 = vector.extract_strided_slice %min3A_864 {offsets = [0, 0], sizes = [16, 128], strides = [1, 1]} : vector<32x128xi32> to vector<16x128xi32>
      %slice3A_866 = vector.extract_strided_slice %min3A_864 {offsets = [16, 0], sizes = [16, 128], strides = [1, 1]} : vector<32x128xi32> to vector<16x128xi32>
      %min3A_867 = arith.minsi %slice3A_865, %slice3A_866 : vector<16x128xi32>
      %slice3A_868 = vector.extract_strided_slice %min3A_867 {offsets = [0, 0], sizes = [8, 128], strides = [1, 1]} : vector<16x128xi32> to vector<8x128xi32>
      %slice3A_869 = vector.extract_strided_slice %min3A_867 {offsets = [8, 0], sizes = [8, 128], strides = [1, 1]} : vector<16x128xi32> to vector<8x128xi32>
      %min3A_870 = arith.minsi %slice3A_868, %slice3A_869 : vector<8x128xi32>
      %min3A_871 = arith.minsi %min3A_853, %min3A_870 : vector<8x128xi32>
      %get3A_872 = arith.constant 1664 : index
      %get3A_873 = arith.constant 0 : index
      %get3A_874 = vector.load %arg4[%get3A_872, %get3A_873] : memref<2048x128xi32, #tpu.memory_space<vmem>>, vector<128x128xi32>
      %sub3A_875 = vector.broadcast %add3A_638 : vector<1x128xi32> to vector<128x128xi32>
      %sub3A_876 = arith.subi %get3A_874, %sub3A_875 : vector<128x128xi32>
      %slice3A_877 = vector.extract_strided_slice %sub3A_876 {offsets = [0, 0], sizes = [64, 128], strides = [1, 1]} : vector<128x128xi32> to vector<64x128xi32>
      %slice3A_878 = vector.extract_strided_slice %sub3A_876 {offsets = [64, 0], sizes = [64, 128], strides = [1, 1]} : vector<128x128xi32> to vector<64x128xi32>
      %min3A_879 = arith.minsi %slice3A_877, %slice3A_878 : vector<64x128xi32>
      %slice3A_880 = vector.extract_strided_slice %min3A_879 {offsets = [0, 0], sizes = [32, 128], strides = [1, 1]} : vector<64x128xi32> to vector<32x128xi32>
      %slice3A_881 = vector.extract_strided_slice %min3A_879 {offsets = [32, 0], sizes = [32, 128], strides = [1, 1]} : vector<64x128xi32> to vector<32x128xi32>
      %min3A_882 = arith.minsi %slice3A_880, %slice3A_881 : vector<32x128xi32>
      %slice3A_883 = vector.extract_strided_slice %min3A_882 {offsets = [0, 0], sizes = [16, 128], strides = [1, 1]} : vector<32x128xi32> to vector<16x128xi32>
      %slice3A_884 = vector.extract_strided_slice %min3A_882 {offsets = [16, 0], sizes = [16, 128], strides = [1, 1]} : vector<32x128xi32> to vector<16x128xi32>
      %min3A_885 = arith.minsi %slice3A_883, %slice3A_884 : vector<16x128xi32>
      %slice3A_886 = vector.extract_strided_slice %min3A_885 {offsets = [0, 0], sizes = [8, 128], strides = [1, 1]} : vector<16x128xi32> to vector<8x128xi32>
      %slice3A_887 = vector.extract_strided_slice %min3A_885 {offsets = [8, 0], sizes = [8, 128], strides = [1, 1]} : vector<16x128xi32> to vector<8x128xi32>
      %min3A_888 = arith.minsi %slice3A_886, %slice3A_887 : vector<8x128xi32>
      %min3A_889 = arith.minsi %min3A_871, %min3A_888 : vector<8x128xi32>
      %get3A_890 = arith.constant 1792 : index
      %get3A_891 = arith.constant 0 : index
      %get3A_892 = vector.load %arg4[%get3A_890, %get3A_891] : memref<2048x128xi32, #tpu.memory_space<vmem>>, vector<128x128xi32>
      %sub3A_893 = vector.broadcast %add3A_638 : vector<1x128xi32> to vector<128x128xi32>
      %sub3A_894 = arith.subi %get3A_892, %sub3A_893 : vector<128x128xi32>
      %slice3A_895 = vector.extract_strided_slice %sub3A_894 {offsets = [0, 0], sizes = [64, 128], strides = [1, 1]} : vector<128x128xi32> to vector<64x128xi32>
      %slice3A_896 = vector.extract_strided_slice %sub3A_894 {offsets = [64, 0], sizes = [64, 128], strides = [1, 1]} : vector<128x128xi32> to vector<64x128xi32>
      %min3A_897 = arith.minsi %slice3A_895, %slice3A_896 : vector<64x128xi32>
      %slice3A_898 = vector.extract_strided_slice %min3A_897 {offsets = [0, 0], sizes = [32, 128], strides = [1, 1]} : vector<64x128xi32> to vector<32x128xi32>
      %slice3A_899 = vector.extract_strided_slice %min3A_897 {offsets = [32, 0], sizes = [32, 128], strides = [1, 1]} : vector<64x128xi32> to vector<32x128xi32>
      %min3A_900 = arith.minsi %slice3A_898, %slice3A_899 : vector<32x128xi32>
      %slice3A_901 = vector.extract_strided_slice %min3A_900 {offsets = [0, 0], sizes = [16, 128], strides = [1, 1]} : vector<32x128xi32> to vector<16x128xi32>
      %slice3A_902 = vector.extract_strided_slice %min3A_900 {offsets = [16, 0], sizes = [16, 128], strides = [1, 1]} : vector<32x128xi32> to vector<16x128xi32>
      %min3A_903 = arith.minsi %slice3A_901, %slice3A_902 : vector<16x128xi32>
      %slice3A_904 = vector.extract_strided_slice %min3A_903 {offsets = [0, 0], sizes = [8, 128], strides = [1, 1]} : vector<16x128xi32> to vector<8x128xi32>
      %slice3A_905 = vector.extract_strided_slice %min3A_903 {offsets = [8, 0], sizes = [8, 128], strides = [1, 1]} : vector<16x128xi32> to vector<8x128xi32>
      %min3A_906 = arith.minsi %slice3A_904, %slice3A_905 : vector<8x128xi32>
      %min3A_907 = arith.minsi %min3A_889, %min3A_906 : vector<8x128xi32>
      %get3A_908 = arith.constant 1920 : index
      %get3A_909 = arith.constant 0 : index
      %get3A_910 = vector.load %arg4[%get3A_908, %get3A_909] : memref<2048x128xi32, #tpu.memory_space<vmem>>, vector<128x128xi32>
      %sub3A_911 = vector.broadcast %add3A_638 : vector<1x128xi32> to vector<128x128xi32>
      %sub3A_912 = arith.subi %get3A_910, %sub3A_911 : vector<128x128xi32>
      %slice3A_913 = vector.extract_strided_slice %sub3A_912 {offsets = [0, 0], sizes = [64, 128], strides = [1, 1]} : vector<128x128xi32> to vector<64x128xi32>
      %slice3A_914 = vector.extract_strided_slice %sub3A_912 {offsets = [64, 0], sizes = [64, 128], strides = [1, 1]} : vector<128x128xi32> to vector<64x128xi32>
      %min3A_915 = arith.minsi %slice3A_913, %slice3A_914 : vector<64x128xi32>
      %slice3A_916 = vector.extract_strided_slice %min3A_915 {offsets = [0, 0], sizes = [32, 128], strides = [1, 1]} : vector<64x128xi32> to vector<32x128xi32>
      %slice3A_917 = vector.extract_strided_slice %min3A_915 {offsets = [32, 0], sizes = [32, 128], strides = [1, 1]} : vector<64x128xi32> to vector<32x128xi32>
      %min3A_918 = arith.minsi %slice3A_916, %slice3A_917 : vector<32x128xi32>
      %slice3A_919 = vector.extract_strided_slice %min3A_918 {offsets = [0, 0], sizes = [16, 128], strides = [1, 1]} : vector<32x128xi32> to vector<16x128xi32>
      %slice3A_920 = vector.extract_strided_slice %min3A_918 {offsets = [16, 0], sizes = [16, 128], strides = [1, 1]} : vector<32x128xi32> to vector<16x128xi32>
      %min3A_921 = arith.minsi %slice3A_919, %slice3A_920 : vector<16x128xi32>
      %slice3A_922 = vector.extract_strided_slice %min3A_921 {offsets = [0, 0], sizes = [8, 128], strides = [1, 1]} : vector<16x128xi32> to vector<8x128xi32>
      %slice3A_923 = vector.extract_strided_slice %min3A_921 {offsets = [8, 0], sizes = [8, 128], strides = [1, 1]} : vector<16x128xi32> to vector<8x128xi32>
      %min3A_924 = arith.minsi %slice3A_922, %slice3A_923 : vector<8x128xi32>
      %min3A_925 = arith.minsi %min3A_907, %min3A_924 : vector<8x128xi32>
      %slice3A_926 = vector.extract_strided_slice %min3A_925 {offsets = [0, 0], sizes = [4, 128], strides = [1, 1]} : vector<8x128xi32> to vector<4x128xi32>
      %slice3A_927 = vector.extract_strided_slice %min3A_925 {offsets = [4, 0], sizes = [4, 128], strides = [1, 1]} : vector<8x128xi32> to vector<4x128xi32>
      %min3A_928 = arith.minsi %slice3A_926, %slice3A_927 : vector<4x128xi32>
      %slice3A_929 = vector.extract_strided_slice %min3A_928 {offsets = [0, 0], sizes = [2, 128], strides = [1, 1]} : vector<4x128xi32> to vector<2x128xi32>
      %slice3A_930 = vector.extract_strided_slice %min3A_928 {offsets = [2, 0], sizes = [2, 128], strides = [1, 1]} : vector<4x128xi32> to vector<2x128xi32>
      %min3A_931 = arith.minsi %slice3A_929, %slice3A_930 : vector<2x128xi32>
      %slice3A_932 = vector.extract_strided_slice %min3A_931 {offsets = [0, 0], sizes = [1, 128], strides = [1, 1]} : vector<2x128xi32> to vector<1x128xi32>
      %slice3A_933 = vector.extract_strided_slice %min3A_931 {offsets = [1, 0], sizes = [1, 128], strides = [1, 1]} : vector<2x128xi32> to vector<1x128xi32>
      %min3A_934 = arith.minsi %slice3A_932, %slice3A_933 : vector<1x128xi32>
      %add3A_935 = vector.broadcast %sub3A_1 : i32 to vector<1x128xi32>
      %add3A_936 = arith.addi %scan3A_335, %add3A_935 : vector<1x128xi32>
      %get3A_937 = arith.constant 0 : index
      %get3A_938 = arith.constant 0 : index
      %get3A_939 = vector.load %arg5[%get3A_937, %get3A_938] : memref<2048x128xi32, #tpu.memory_space<vmem>>, vector<128x128xi32>
      %sub3A_940 = vector.broadcast %add3A_936 : vector<1x128xi32> to vector<128x128xi32>
      %sub3A_941 = arith.subi %get3A_939, %sub3A_940 : vector<128x128xi32>
      %slice3A_942 = vector.extract_strided_slice %sub3A_941 {offsets = [0, 0], sizes = [64, 128], strides = [1, 1]} : vector<128x128xi32> to vector<64x128xi32>
      %slice3A_943 = vector.extract_strided_slice %sub3A_941 {offsets = [64, 0], sizes = [64, 128], strides = [1, 1]} : vector<128x128xi32> to vector<64x128xi32>
      %min3A_944 = arith.minsi %slice3A_942, %slice3A_943 : vector<64x128xi32>
      %slice3A_945 = vector.extract_strided_slice %min3A_944 {offsets = [0, 0], sizes = [32, 128], strides = [1, 1]} : vector<64x128xi32> to vector<32x128xi32>
      %slice3A_946 = vector.extract_strided_slice %min3A_944 {offsets = [32, 0], sizes = [32, 128], strides = [1, 1]} : vector<64x128xi32> to vector<32x128xi32>
      %min3A_947 = arith.minsi %slice3A_945, %slice3A_946 : vector<32x128xi32>
      %slice3A_948 = vector.extract_strided_slice %min3A_947 {offsets = [0, 0], sizes = [16, 128], strides = [1, 1]} : vector<32x128xi32> to vector<16x128xi32>
      %slice3A_949 = vector.extract_strided_slice %min3A_947 {offsets = [16, 0], sizes = [16, 128], strides = [1, 1]} : vector<32x128xi32> to vector<16x128xi32>
      %min3A_950 = arith.minsi %slice3A_948, %slice3A_949 : vector<16x128xi32>
      %slice3A_951 = vector.extract_strided_slice %min3A_950 {offsets = [0, 0], sizes = [8, 128], strides = [1, 1]} : vector<16x128xi32> to vector<8x128xi32>
      %slice3A_952 = vector.extract_strided_slice %min3A_950 {offsets = [8, 0], sizes = [8, 128], strides = [1, 1]} : vector<16x128xi32> to vector<8x128xi32>
      %min3A_953 = arith.minsi %slice3A_951, %slice3A_952 : vector<8x128xi32>
      %get3A_954 = arith.constant 128 : index
      %get3A_955 = arith.constant 0 : index
      %get3A_956 = vector.load %arg5[%get3A_954, %get3A_955] : memref<2048x128xi32, #tpu.memory_space<vmem>>, vector<128x128xi32>
      %sub3A_957 = vector.broadcast %add3A_936 : vector<1x128xi32> to vector<128x128xi32>
      %sub3A_958 = arith.subi %get3A_956, %sub3A_957 : vector<128x128xi32>
      %slice3A_959 = vector.extract_strided_slice %sub3A_958 {offsets = [0, 0], sizes = [64, 128], strides = [1, 1]} : vector<128x128xi32> to vector<64x128xi32>
      %slice3A_960 = vector.extract_strided_slice %sub3A_958 {offsets = [64, 0], sizes = [64, 128], strides = [1, 1]} : vector<128x128xi32> to vector<64x128xi32>
      %min3A_961 = arith.minsi %slice3A_959, %slice3A_960 : vector<64x128xi32>
      %slice3A_962 = vector.extract_strided_slice %min3A_961 {offsets = [0, 0], sizes = [32, 128], strides = [1, 1]} : vector<64x128xi32> to vector<32x128xi32>
      %slice3A_963 = vector.extract_strided_slice %min3A_961 {offsets = [32, 0], sizes = [32, 128], strides = [1, 1]} : vector<64x128xi32> to vector<32x128xi32>
      %min3A_964 = arith.minsi %slice3A_962, %slice3A_963 : vector<32x128xi32>
      %slice3A_965 = vector.extract_strided_slice %min3A_964 {offsets = [0, 0], sizes = [16, 128], strides = [1, 1]} : vector<32x128xi32> to vector<16x128xi32>
      %slice3A_966 = vector.extract_strided_slice %min3A_964 {offsets = [16, 0], sizes = [16, 128], strides = [1, 1]} : vector<32x128xi32> to vector<16x128xi32>
      %min3A_967 = arith.minsi %slice3A_965, %slice3A_966 : vector<16x128xi32>
      %slice3A_968 = vector.extract_strided_slice %min3A_967 {offsets = [0, 0], sizes = [8, 128], strides = [1, 1]} : vector<16x128xi32> to vector<8x128xi32>
      %slice3A_969 = vector.extract_strided_slice %min3A_967 {offsets = [8, 0], sizes = [8, 128], strides = [1, 1]} : vector<16x128xi32> to vector<8x128xi32>
      %min3A_970 = arith.minsi %slice3A_968, %slice3A_969 : vector<8x128xi32>
      %min3A_971 = arith.minsi %min3A_953, %min3A_970 : vector<8x128xi32>
      %get3A_972 = arith.constant 256 : index
      %get3A_973 = arith.constant 0 : index
      %get3A_974 = vector.load %arg5[%get3A_972, %get3A_973] : memref<2048x128xi32, #tpu.memory_space<vmem>>, vector<128x128xi32>
      %sub3A_975 = vector.broadcast %add3A_936 : vector<1x128xi32> to vector<128x128xi32>
      %sub3A_976 = arith.subi %get3A_974, %sub3A_975 : vector<128x128xi32>
      %slice3A_977 = vector.extract_strided_slice %sub3A_976 {offsets = [0, 0], sizes = [64, 128], strides = [1, 1]} : vector<128x128xi32> to vector<64x128xi32>
      %slice3A_978 = vector.extract_strided_slice %sub3A_976 {offsets = [64, 0], sizes = [64, 128], strides = [1, 1]} : vector<128x128xi32> to vector<64x128xi32>
      %min3A_979 = arith.minsi %slice3A_977, %slice3A_978 : vector<64x128xi32>
      %slice3A_980 = vector.extract_strided_slice %min3A_979 {offsets = [0, 0], sizes = [32, 128], strides = [1, 1]} : vector<64x128xi32> to vector<32x128xi32>
      %slice3A_981 = vector.extract_strided_slice %min3A_979 {offsets = [32, 0], sizes = [32, 128], strides = [1, 1]} : vector<64x128xi32> to vector<32x128xi32>
      %min3A_982 = arith.minsi %slice3A_980, %slice3A_981 : vector<32x128xi32>
      %slice3A_983 = vector.extract_strided_slice %min3A_982 {offsets = [0, 0], sizes = [16, 128], strides = [1, 1]} : vector<32x128xi32> to vector<16x128xi32>
      %slice3A_984 = vector.extract_strided_slice %min3A_982 {offsets = [16, 0], sizes = [16, 128], strides = [1, 1]} : vector<32x128xi32> to vector<16x128xi32>
      %min3A_985 = arith.minsi %slice3A_983, %slice3A_984 : vector<16x128xi32>
      %slice3A_986 = vector.extract_strided_slice %min3A_985 {offsets = [0, 0], sizes = [8, 128], strides = [1, 1]} : vector<16x128xi32> to vector<8x128xi32>
      %slice3A_987 = vector.extract_strided_slice %min3A_985 {offsets = [8, 0], sizes = [8, 128], strides = [1, 1]} : vector<16x128xi32> to vector<8x128xi32>
      %min3A_988 = arith.minsi %slice3A_986, %slice3A_987 : vector<8x128xi32>
      %min3A_989 = arith.minsi %min3A_971, %min3A_988 : vector<8x128xi32>
      %get3A_990 = arith.constant 384 : index
      %get3A_991 = arith.constant 0 : index
      %get3A_992 = vector.load %arg5[%get3A_990, %get3A_991] : memref<2048x128xi32, #tpu.memory_space<vmem>>, vector<128x128xi32>
      %sub3A_993 = vector.broadcast %add3A_936 : vector<1x128xi32> to vector<128x128xi32>
      %sub3A_994 = arith.subi %get3A_992, %sub3A_993 : vector<128x128xi32>
      %slice3A_995 = vector.extract_strided_slice %sub3A_994 {offsets = [0, 0], sizes = [64, 128], strides = [1, 1]} : vector<128x128xi32> to vector<64x128xi32>
      %slice3A_996 = vector.extract_strided_slice %sub3A_994 {offsets = [64, 0], sizes = [64, 128], strides = [1, 1]} : vector<128x128xi32> to vector<64x128xi32>
      %min3A_997 = arith.minsi %slice3A_995, %slice3A_996 : vector<64x128xi32>
      %slice3A_998 = vector.extract_strided_slice %min3A_997 {offsets = [0, 0], sizes = [32, 128], strides = [1, 1]} : vector<64x128xi32> to vector<32x128xi32>
      %slice3A_999 = vector.extract_strided_slice %min3A_997 {offsets = [32, 0], sizes = [32, 128], strides = [1, 1]} : vector<64x128xi32> to vector<32x128xi32>
      %min3A_1000 = arith.minsi %slice3A_998, %slice3A_999 : vector<32x128xi32>
      %slice3A_1001 = vector.extract_strided_slice %min3A_1000 {offsets = [0, 0], sizes = [16, 128], strides = [1, 1]} : vector<32x128xi32> to vector<16x128xi32>
      %slice3A_1002 = vector.extract_strided_slice %min3A_1000 {offsets = [16, 0], sizes = [16, 128], strides = [1, 1]} : vector<32x128xi32> to vector<16x128xi32>
      %min3A_1003 = arith.minsi %slice3A_1001, %slice3A_1002 : vector<16x128xi32>
      %slice3A_1004 = vector.extract_strided_slice %min3A_1003 {offsets = [0, 0], sizes = [8, 128], strides = [1, 1]} : vector<16x128xi32> to vector<8x128xi32>
      %slice3A_1005 = vector.extract_strided_slice %min3A_1003 {offsets = [8, 0], sizes = [8, 128], strides = [1, 1]} : vector<16x128xi32> to vector<8x128xi32>
      %min3A_1006 = arith.minsi %slice3A_1004, %slice3A_1005 : vector<8x128xi32>
      %min3A_1007 = arith.minsi %min3A_989, %min3A_1006 : vector<8x128xi32>
      %get3A_1008 = arith.constant 512 : index
      %get3A_1009 = arith.constant 0 : index
      %get3A_1010 = vector.load %arg5[%get3A_1008, %get3A_1009] : memref<2048x128xi32, #tpu.memory_space<vmem>>, vector<128x128xi32>
      %sub3A_1011 = vector.broadcast %add3A_936 : vector<1x128xi32> to vector<128x128xi32>
      %sub3A_1012 = arith.subi %get3A_1010, %sub3A_1011 : vector<128x128xi32>
      %slice3A_1013 = vector.extract_strided_slice %sub3A_1012 {offsets = [0, 0], sizes = [64, 128], strides = [1, 1]} : vector<128x128xi32> to vector<64x128xi32>
      %slice3A_1014 = vector.extract_strided_slice %sub3A_1012 {offsets = [64, 0], sizes = [64, 128], strides = [1, 1]} : vector<128x128xi32> to vector<64x128xi32>
      %min3A_1015 = arith.minsi %slice3A_1013, %slice3A_1014 : vector<64x128xi32>
      %slice3A_1016 = vector.extract_strided_slice %min3A_1015 {offsets = [0, 0], sizes = [32, 128], strides = [1, 1]} : vector<64x128xi32> to vector<32x128xi32>
      %slice3A_1017 = vector.extract_strided_slice %min3A_1015 {offsets = [32, 0], sizes = [32, 128], strides = [1, 1]} : vector<64x128xi32> to vector<32x128xi32>
      %min3A_1018 = arith.minsi %slice3A_1016, %slice3A_1017 : vector<32x128xi32>
      %slice3A_1019 = vector.extract_strided_slice %min3A_1018 {offsets = [0, 0], sizes = [16, 128], strides = [1, 1]} : vector<32x128xi32> to vector<16x128xi32>
      %slice3A_1020 = vector.extract_strided_slice %min3A_1018 {offsets = [16, 0], sizes = [16, 128], strides = [1, 1]} : vector<32x128xi32> to vector<16x128xi32>
      %min3A_1021 = arith.minsi %slice3A_1019, %slice3A_1020 : vector<16x128xi32>
      %slice3A_1022 = vector.extract_strided_slice %min3A_1021 {offsets = [0, 0], sizes = [8, 128], strides = [1, 1]} : vector<16x128xi32> to vector<8x128xi32>
      %slice3A_1023 = vector.extract_strided_slice %min3A_1021 {offsets = [8, 0], sizes = [8, 128], strides = [1, 1]} : vector<16x128xi32> to vector<8x128xi32>
      %min3A_1024 = arith.minsi %slice3A_1022, %slice3A_1023 : vector<8x128xi32>
      %min3A_1025 = arith.minsi %min3A_1007, %min3A_1024 : vector<8x128xi32>
      %get3A_1026 = arith.constant 640 : index
      %get3A_1027 = arith.constant 0 : index
      %get3A_1028 = vector.load %arg5[%get3A_1026, %get3A_1027] : memref<2048x128xi32, #tpu.memory_space<vmem>>, vector<128x128xi32>
      %sub3A_1029 = vector.broadcast %add3A_936 : vector<1x128xi32> to vector<128x128xi32>
      %sub3A_1030 = arith.subi %get3A_1028, %sub3A_1029 : vector<128x128xi32>
      %slice3A_1031 = vector.extract_strided_slice %sub3A_1030 {offsets = [0, 0], sizes = [64, 128], strides = [1, 1]} : vector<128x128xi32> to vector<64x128xi32>
      %slice3A_1032 = vector.extract_strided_slice %sub3A_1030 {offsets = [64, 0], sizes = [64, 128], strides = [1, 1]} : vector<128x128xi32> to vector<64x128xi32>
      %min3A_1033 = arith.minsi %slice3A_1031, %slice3A_1032 : vector<64x128xi32>
      %slice3A_1034 = vector.extract_strided_slice %min3A_1033 {offsets = [0, 0], sizes = [32, 128], strides = [1, 1]} : vector<64x128xi32> to vector<32x128xi32>
      %slice3A_1035 = vector.extract_strided_slice %min3A_1033 {offsets = [32, 0], sizes = [32, 128], strides = [1, 1]} : vector<64x128xi32> to vector<32x128xi32>
      %min3A_1036 = arith.minsi %slice3A_1034, %slice3A_1035 : vector<32x128xi32>
      %slice3A_1037 = vector.extract_strided_slice %min3A_1036 {offsets = [0, 0], sizes = [16, 128], strides = [1, 1]} : vector<32x128xi32> to vector<16x128xi32>
      %slice3A_1038 = vector.extract_strided_slice %min3A_1036 {offsets = [16, 0], sizes = [16, 128], strides = [1, 1]} : vector<32x128xi32> to vector<16x128xi32>
      %min3A_1039 = arith.minsi %slice3A_1037, %slice3A_1038 : vector<16x128xi32>
      %slice3A_1040 = vector.extract_strided_slice %min3A_1039 {offsets = [0, 0], sizes = [8, 128], strides = [1, 1]} : vector<16x128xi32> to vector<8x128xi32>
      %slice3A_1041 = vector.extract_strided_slice %min3A_1039 {offsets = [8, 0], sizes = [8, 128], strides = [1, 1]} : vector<16x128xi32> to vector<8x128xi32>
      %min3A_1042 = arith.minsi %slice3A_1040, %slice3A_1041 : vector<8x128xi32>
      %min3A_1043 = arith.minsi %min3A_1025, %min3A_1042 : vector<8x128xi32>
      %get3A_1044 = arith.constant 768 : index
      %get3A_1045 = arith.constant 0 : index
      %get3A_1046 = vector.load %arg5[%get3A_1044, %get3A_1045] : memref<2048x128xi32, #tpu.memory_space<vmem>>, vector<128x128xi32>
      %sub3A_1047 = vector.broadcast %add3A_936 : vector<1x128xi32> to vector<128x128xi32>
      %sub3A_1048 = arith.subi %get3A_1046, %sub3A_1047 : vector<128x128xi32>
      %slice3A_1049 = vector.extract_strided_slice %sub3A_1048 {offsets = [0, 0], sizes = [64, 128], strides = [1, 1]} : vector<128x128xi32> to vector<64x128xi32>
      %slice3A_1050 = vector.extract_strided_slice %sub3A_1048 {offsets = [64, 0], sizes = [64, 128], strides = [1, 1]} : vector<128x128xi32> to vector<64x128xi32>
      %min3A_1051 = arith.minsi %slice3A_1049, %slice3A_1050 : vector<64x128xi32>
      %slice3A_1052 = vector.extract_strided_slice %min3A_1051 {offsets = [0, 0], sizes = [32, 128], strides = [1, 1]} : vector<64x128xi32> to vector<32x128xi32>
      %slice3A_1053 = vector.extract_strided_slice %min3A_1051 {offsets = [32, 0], sizes = [32, 128], strides = [1, 1]} : vector<64x128xi32> to vector<32x128xi32>
      %min3A_1054 = arith.minsi %slice3A_1052, %slice3A_1053 : vector<32x128xi32>
      %slice3A_1055 = vector.extract_strided_slice %min3A_1054 {offsets = [0, 0], sizes = [16, 128], strides = [1, 1]} : vector<32x128xi32> to vector<16x128xi32>
      %slice3A_1056 = vector.extract_strided_slice %min3A_1054 {offsets = [16, 0], sizes = [16, 128], strides = [1, 1]} : vector<32x128xi32> to vector<16x128xi32>
      %min3A_1057 = arith.minsi %slice3A_1055, %slice3A_1056 : vector<16x128xi32>
      %slice3A_1058 = vector.extract_strided_slice %min3A_1057 {offsets = [0, 0], sizes = [8, 128], strides = [1, 1]} : vector<16x128xi32> to vector<8x128xi32>
      %slice3A_1059 = vector.extract_strided_slice %min3A_1057 {offsets = [8, 0], sizes = [8, 128], strides = [1, 1]} : vector<16x128xi32> to vector<8x128xi32>
      %min3A_1060 = arith.minsi %slice3A_1058, %slice3A_1059 : vector<8x128xi32>
      %min3A_1061 = arith.minsi %min3A_1043, %min3A_1060 : vector<8x128xi32>
      %get3A_1062 = arith.constant 896 : index
      %get3A_1063 = arith.constant 0 : index
      %get3A_1064 = vector.load %arg5[%get3A_1062, %get3A_1063] : memref<2048x128xi32, #tpu.memory_space<vmem>>, vector<128x128xi32>
      %sub3A_1065 = vector.broadcast %add3A_936 : vector<1x128xi32> to vector<128x128xi32>
      %sub3A_1066 = arith.subi %get3A_1064, %sub3A_1065 : vector<128x128xi32>
      %slice3A_1067 = vector.extract_strided_slice %sub3A_1066 {offsets = [0, 0], sizes = [64, 128], strides = [1, 1]} : vector<128x128xi32> to vector<64x128xi32>
      %slice3A_1068 = vector.extract_strided_slice %sub3A_1066 {offsets = [64, 0], sizes = [64, 128], strides = [1, 1]} : vector<128x128xi32> to vector<64x128xi32>
      %min3A_1069 = arith.minsi %slice3A_1067, %slice3A_1068 : vector<64x128xi32>
      %slice3A_1070 = vector.extract_strided_slice %min3A_1069 {offsets = [0, 0], sizes = [32, 128], strides = [1, 1]} : vector<64x128xi32> to vector<32x128xi32>
      %slice3A_1071 = vector.extract_strided_slice %min3A_1069 {offsets = [32, 0], sizes = [32, 128], strides = [1, 1]} : vector<64x128xi32> to vector<32x128xi32>
      %min3A_1072 = arith.minsi %slice3A_1070, %slice3A_1071 : vector<32x128xi32>
      %slice3A_1073 = vector.extract_strided_slice %min3A_1072 {offsets = [0, 0], sizes = [16, 128], strides = [1, 1]} : vector<32x128xi32> to vector<16x128xi32>
      %slice3A_1074 = vector.extract_strided_slice %min3A_1072 {offsets = [16, 0], sizes = [16, 128], strides = [1, 1]} : vector<32x128xi32> to vector<16x128xi32>
      %min3A_1075 = arith.minsi %slice3A_1073, %slice3A_1074 : vector<16x128xi32>
      %slice3A_1076 = vector.extract_strided_slice %min3A_1075 {offsets = [0, 0], sizes = [8, 128], strides = [1, 1]} : vector<16x128xi32> to vector<8x128xi32>
      %slice3A_1077 = vector.extract_strided_slice %min3A_1075 {offsets = [8, 0], sizes = [8, 128], strides = [1, 1]} : vector<16x128xi32> to vector<8x128xi32>
      %min3A_1078 = arith.minsi %slice3A_1076, %slice3A_1077 : vector<8x128xi32>
      %min3A_1079 = arith.minsi %min3A_1061, %min3A_1078 : vector<8x128xi32>
      %get3A_1080 = arith.constant 1024 : index
      %get3A_1081 = arith.constant 0 : index
      %get3A_1082 = vector.load %arg5[%get3A_1080, %get3A_1081] : memref<2048x128xi32, #tpu.memory_space<vmem>>, vector<128x128xi32>
      %sub3A_1083 = vector.broadcast %add3A_936 : vector<1x128xi32> to vector<128x128xi32>
      %sub3A_1084 = arith.subi %get3A_1082, %sub3A_1083 : vector<128x128xi32>
      %slice3A_1085 = vector.extract_strided_slice %sub3A_1084 {offsets = [0, 0], sizes = [64, 128], strides = [1, 1]} : vector<128x128xi32> to vector<64x128xi32>
      %slice3A_1086 = vector.extract_strided_slice %sub3A_1084 {offsets = [64, 0], sizes = [64, 128], strides = [1, 1]} : vector<128x128xi32> to vector<64x128xi32>
      %min3A_1087 = arith.minsi %slice3A_1085, %slice3A_1086 : vector<64x128xi32>
      %slice3A_1088 = vector.extract_strided_slice %min3A_1087 {offsets = [0, 0], sizes = [32, 128], strides = [1, 1]} : vector<64x128xi32> to vector<32x128xi32>
      %slice3A_1089 = vector.extract_strided_slice %min3A_1087 {offsets = [32, 0], sizes = [32, 128], strides = [1, 1]} : vector<64x128xi32> to vector<32x128xi32>
      %min3A_1090 = arith.minsi %slice3A_1088, %slice3A_1089 : vector<32x128xi32>
      %slice3A_1091 = vector.extract_strided_slice %min3A_1090 {offsets = [0, 0], sizes = [16, 128], strides = [1, 1]} : vector<32x128xi32> to vector<16x128xi32>
      %slice3A_1092 = vector.extract_strided_slice %min3A_1090 {offsets = [16, 0], sizes = [16, 128], strides = [1, 1]} : vector<32x128xi32> to vector<16x128xi32>
      %min3A_1093 = arith.minsi %slice3A_1091, %slice3A_1092 : vector<16x128xi32>
      %slice3A_1094 = vector.extract_strided_slice %min3A_1093 {offsets = [0, 0], sizes = [8, 128], strides = [1, 1]} : vector<16x128xi32> to vector<8x128xi32>
      %slice3A_1095 = vector.extract_strided_slice %min3A_1093 {offsets = [8, 0], sizes = [8, 128], strides = [1, 1]} : vector<16x128xi32> to vector<8x128xi32>
      %min3A_1096 = arith.minsi %slice3A_1094, %slice3A_1095 : vector<8x128xi32>
      %min3A_1097 = arith.minsi %min3A_1079, %min3A_1096 : vector<8x128xi32>
      %get3A_1098 = arith.constant 1152 : index
      %get3A_1099 = arith.constant 0 : index
      %get3A_1100 = vector.load %arg5[%get3A_1098, %get3A_1099] : memref<2048x128xi32, #tpu.memory_space<vmem>>, vector<128x128xi32>
      %sub3A_1101 = vector.broadcast %add3A_936 : vector<1x128xi32> to vector<128x128xi32>
      %sub3A_1102 = arith.subi %get3A_1100, %sub3A_1101 : vector<128x128xi32>
      %slice3A_1103 = vector.extract_strided_slice %sub3A_1102 {offsets = [0, 0], sizes = [64, 128], strides = [1, 1]} : vector<128x128xi32> to vector<64x128xi32>
      %slice3A_1104 = vector.extract_strided_slice %sub3A_1102 {offsets = [64, 0], sizes = [64, 128], strides = [1, 1]} : vector<128x128xi32> to vector<64x128xi32>
      %min3A_1105 = arith.minsi %slice3A_1103, %slice3A_1104 : vector<64x128xi32>
      %slice3A_1106 = vector.extract_strided_slice %min3A_1105 {offsets = [0, 0], sizes = [32, 128], strides = [1, 1]} : vector<64x128xi32> to vector<32x128xi32>
      %slice3A_1107 = vector.extract_strided_slice %min3A_1105 {offsets = [32, 0], sizes = [32, 128], strides = [1, 1]} : vector<64x128xi32> to vector<32x128xi32>
      %min3A_1108 = arith.minsi %slice3A_1106, %slice3A_1107 : vector<32x128xi32>
      %slice3A_1109 = vector.extract_strided_slice %min3A_1108 {offsets = [0, 0], sizes = [16, 128], strides = [1, 1]} : vector<32x128xi32> to vector<16x128xi32>
      %slice3A_1110 = vector.extract_strided_slice %min3A_1108 {offsets = [16, 0], sizes = [16, 128], strides = [1, 1]} : vector<32x128xi32> to vector<16x128xi32>
      %min3A_1111 = arith.minsi %slice3A_1109, %slice3A_1110 : vector<16x128xi32>
      %slice3A_1112 = vector.extract_strided_slice %min3A_1111 {offsets = [0, 0], sizes = [8, 128], strides = [1, 1]} : vector<16x128xi32> to vector<8x128xi32>
      %slice3A_1113 = vector.extract_strided_slice %min3A_1111 {offsets = [8, 0], sizes = [8, 128], strides = [1, 1]} : vector<16x128xi32> to vector<8x128xi32>
      %min3A_1114 = arith.minsi %slice3A_1112, %slice3A_1113 : vector<8x128xi32>
      %min3A_1115 = arith.minsi %min3A_1097, %min3A_1114 : vector<8x128xi32>
      %get3A_1116 = arith.constant 1280 : index
      %get3A_1117 = arith.constant 0 : index
      %get3A_1118 = vector.load %arg5[%get3A_1116, %get3A_1117] : memref<2048x128xi32, #tpu.memory_space<vmem>>, vector<128x128xi32>
      %sub3A_1119 = vector.broadcast %add3A_936 : vector<1x128xi32> to vector<128x128xi32>
      %sub3A_1120 = arith.subi %get3A_1118, %sub3A_1119 : vector<128x128xi32>
      %slice3A_1121 = vector.extract_strided_slice %sub3A_1120 {offsets = [0, 0], sizes = [64, 128], strides = [1, 1]} : vector<128x128xi32> to vector<64x128xi32>
      %slice3A_1122 = vector.extract_strided_slice %sub3A_1120 {offsets = [64, 0], sizes = [64, 128], strides = [1, 1]} : vector<128x128xi32> to vector<64x128xi32>
      %min3A_1123 = arith.minsi %slice3A_1121, %slice3A_1122 : vector<64x128xi32>
      %slice3A_1124 = vector.extract_strided_slice %min3A_1123 {offsets = [0, 0], sizes = [32, 128], strides = [1, 1]} : vector<64x128xi32> to vector<32x128xi32>
      %slice3A_1125 = vector.extract_strided_slice %min3A_1123 {offsets = [32, 0], sizes = [32, 128], strides = [1, 1]} : vector<64x128xi32> to vector<32x128xi32>
      %min3A_1126 = arith.minsi %slice3A_1124, %slice3A_1125 : vector<32x128xi32>
      %slice3A_1127 = vector.extract_strided_slice %min3A_1126 {offsets = [0, 0], sizes = [16, 128], strides = [1, 1]} : vector<32x128xi32> to vector<16x128xi32>
      %slice3A_1128 = vector.extract_strided_slice %min3A_1126 {offsets = [16, 0], sizes = [16, 128], strides = [1, 1]} : vector<32x128xi32> to vector<16x128xi32>
      %min3A_1129 = arith.minsi %slice3A_1127, %slice3A_1128 : vector<16x128xi32>
      %slice3A_1130 = vector.extract_strided_slice %min3A_1129 {offsets = [0, 0], sizes = [8, 128], strides = [1, 1]} : vector<16x128xi32> to vector<8x128xi32>
      %slice3A_1131 = vector.extract_strided_slice %min3A_1129 {offsets = [8, 0], sizes = [8, 128], strides = [1, 1]} : vector<16x128xi32> to vector<8x128xi32>
      %min3A_1132 = arith.minsi %slice3A_1130, %slice3A_1131 : vector<8x128xi32>
      %min3A_1133 = arith.minsi %min3A_1115, %min3A_1132 : vector<8x128xi32>
      %get3A_1134 = arith.constant 1408 : index
      %get3A_1135 = arith.constant 0 : index
      %get3A_1136 = vector.load %arg5[%get3A_1134, %get3A_1135] : memref<2048x128xi32, #tpu.memory_space<vmem>>, vector<128x128xi32>
      %sub3A_1137 = vector.broadcast %add3A_936 : vector<1x128xi32> to vector<128x128xi32>
      %sub3A_1138 = arith.subi %get3A_1136, %sub3A_1137 : vector<128x128xi32>
      %slice3A_1139 = vector.extract_strided_slice %sub3A_1138 {offsets = [0, 0], sizes = [64, 128], strides = [1, 1]} : vector<128x128xi32> to vector<64x128xi32>
      %slice3A_1140 = vector.extract_strided_slice %sub3A_1138 {offsets = [64, 0], sizes = [64, 128], strides = [1, 1]} : vector<128x128xi32> to vector<64x128xi32>
      %min3A_1141 = arith.minsi %slice3A_1139, %slice3A_1140 : vector<64x128xi32>
      %slice3A_1142 = vector.extract_strided_slice %min3A_1141 {offsets = [0, 0], sizes = [32, 128], strides = [1, 1]} : vector<64x128xi32> to vector<32x128xi32>
      %slice3A_1143 = vector.extract_strided_slice %min3A_1141 {offsets = [32, 0], sizes = [32, 128], strides = [1, 1]} : vector<64x128xi32> to vector<32x128xi32>
      %min3A_1144 = arith.minsi %slice3A_1142, %slice3A_1143 : vector<32x128xi32>
      %slice3A_1145 = vector.extract_strided_slice %min3A_1144 {offsets = [0, 0], sizes = [16, 128], strides = [1, 1]} : vector<32x128xi32> to vector<16x128xi32>
      %slice3A_1146 = vector.extract_strided_slice %min3A_1144 {offsets = [16, 0], sizes = [16, 128], strides = [1, 1]} : vector<32x128xi32> to vector<16x128xi32>
      %min3A_1147 = arith.minsi %slice3A_1145, %slice3A_1146 : vector<16x128xi32>
      %slice3A_1148 = vector.extract_strided_slice %min3A_1147 {offsets = [0, 0], sizes = [8, 128], strides = [1, 1]} : vector<16x128xi32> to vector<8x128xi32>
      %slice3A_1149 = vector.extract_strided_slice %min3A_1147 {offsets = [8, 0], sizes = [8, 128], strides = [1, 1]} : vector<16x128xi32> to vector<8x128xi32>
      %min3A_1150 = arith.minsi %slice3A_1148, %slice3A_1149 : vector<8x128xi32>
      %min3A_1151 = arith.minsi %min3A_1133, %min3A_1150 : vector<8x128xi32>
      %get3A_1152 = arith.constant 1536 : index
      %get3A_1153 = arith.constant 0 : index
      %get3A_1154 = vector.load %arg5[%get3A_1152, %get3A_1153] : memref<2048x128xi32, #tpu.memory_space<vmem>>, vector<128x128xi32>
      %sub3A_1155 = vector.broadcast %add3A_936 : vector<1x128xi32> to vector<128x128xi32>
      %sub3A_1156 = arith.subi %get3A_1154, %sub3A_1155 : vector<128x128xi32>
      %slice3A_1157 = vector.extract_strided_slice %sub3A_1156 {offsets = [0, 0], sizes = [64, 128], strides = [1, 1]} : vector<128x128xi32> to vector<64x128xi32>
      %slice3A_1158 = vector.extract_strided_slice %sub3A_1156 {offsets = [64, 0], sizes = [64, 128], strides = [1, 1]} : vector<128x128xi32> to vector<64x128xi32>
      %min3A_1159 = arith.minsi %slice3A_1157, %slice3A_1158 : vector<64x128xi32>
      %slice3A_1160 = vector.extract_strided_slice %min3A_1159 {offsets = [0, 0], sizes = [32, 128], strides = [1, 1]} : vector<64x128xi32> to vector<32x128xi32>
      %slice3A_1161 = vector.extract_strided_slice %min3A_1159 {offsets = [32, 0], sizes = [32, 128], strides = [1, 1]} : vector<64x128xi32> to vector<32x128xi32>
      %min3A_1162 = arith.minsi %slice3A_1160, %slice3A_1161 : vector<32x128xi32>
      %slice3A_1163 = vector.extract_strided_slice %min3A_1162 {offsets = [0, 0], sizes = [16, 128], strides = [1, 1]} : vector<32x128xi32> to vector<16x128xi32>
      %slice3A_1164 = vector.extract_strided_slice %min3A_1162 {offsets = [16, 0], sizes = [16, 128], strides = [1, 1]} : vector<32x128xi32> to vector<16x128xi32>
      %min3A_1165 = arith.minsi %slice3A_1163, %slice3A_1164 : vector<16x128xi32>
      %slice3A_1166 = vector.extract_strided_slice %min3A_1165 {offsets = [0, 0], sizes = [8, 128], strides = [1, 1]} : vector<16x128xi32> to vector<8x128xi32>
      %slice3A_1167 = vector.extract_strided_slice %min3A_1165 {offsets = [8, 0], sizes = [8, 128], strides = [1, 1]} : vector<16x128xi32> to vector<8x128xi32>
      %min3A_1168 = arith.minsi %slice3A_1166, %slice3A_1167 : vector<8x128xi32>
      %min3A_1169 = arith.minsi %min3A_1151, %min3A_1168 : vector<8x128xi32>
      %get3A_1170 = arith.constant 1664 : index
      %get3A_1171 = arith.constant 0 : index
      %get3A_1172 = vector.load %arg5[%get3A_1170, %get3A_1171] : memref<2048x128xi32, #tpu.memory_space<vmem>>, vector<128x128xi32>
      %sub3A_1173 = vector.broadcast %add3A_936 : vector<1x128xi32> to vector<128x128xi32>
      %sub3A_1174 = arith.subi %get3A_1172, %sub3A_1173 : vector<128x128xi32>
      %slice3A_1175 = vector.extract_strided_slice %sub3A_1174 {offsets = [0, 0], sizes = [64, 128], strides = [1, 1]} : vector<128x128xi32> to vector<64x128xi32>
      %slice3A_1176 = vector.extract_strided_slice %sub3A_1174 {offsets = [64, 0], sizes = [64, 128], strides = [1, 1]} : vector<128x128xi32> to vector<64x128xi32>
      %min3A_1177 = arith.minsi %slice3A_1175, %slice3A_1176 : vector<64x128xi32>
      %slice3A_1178 = vector.extract_strided_slice %min3A_1177 {offsets = [0, 0], sizes = [32, 128], strides = [1, 1]} : vector<64x128xi32> to vector<32x128xi32>
      %slice3A_1179 = vector.extract_strided_slice %min3A_1177 {offsets = [32, 0], sizes = [32, 128], strides = [1, 1]} : vector<64x128xi32> to vector<32x128xi32>
      %min3A_1180 = arith.minsi %slice3A_1178, %slice3A_1179 : vector<32x128xi32>
      %slice3A_1181 = vector.extract_strided_slice %min3A_1180 {offsets = [0, 0], sizes = [16, 128], strides = [1, 1]} : vector<32x128xi32> to vector<16x128xi32>
      %slice3A_1182 = vector.extract_strided_slice %min3A_1180 {offsets = [16, 0], sizes = [16, 128], strides = [1, 1]} : vector<32x128xi32> to vector<16x128xi32>
      %min3A_1183 = arith.minsi %slice3A_1181, %slice3A_1182 : vector<16x128xi32>
      %slice3A_1184 = vector.extract_strided_slice %min3A_1183 {offsets = [0, 0], sizes = [8, 128], strides = [1, 1]} : vector<16x128xi32> to vector<8x128xi32>
      %slice3A_1185 = vector.extract_strided_slice %min3A_1183 {offsets = [8, 0], sizes = [8, 128], strides = [1, 1]} : vector<16x128xi32> to vector<8x128xi32>
      %min3A_1186 = arith.minsi %slice3A_1184, %slice3A_1185 : vector<8x128xi32>
      %min3A_1187 = arith.minsi %min3A_1169, %min3A_1186 : vector<8x128xi32>
      %get3A_1188 = arith.constant 1792 : index
      %get3A_1189 = arith.constant 0 : index
      %get3A_1190 = vector.load %arg5[%get3A_1188, %get3A_1189] : memref<2048x128xi32, #tpu.memory_space<vmem>>, vector<128x128xi32>
      %sub3A_1191 = vector.broadcast %add3A_936 : vector<1x128xi32> to vector<128x128xi32>
      %sub3A_1192 = arith.subi %get3A_1190, %sub3A_1191 : vector<128x128xi32>
      %slice3A_1193 = vector.extract_strided_slice %sub3A_1192 {offsets = [0, 0], sizes = [64, 128], strides = [1, 1]} : vector<128x128xi32> to vector<64x128xi32>
      %slice3A_1194 = vector.extract_strided_slice %sub3A_1192 {offsets = [64, 0], sizes = [64, 128], strides = [1, 1]} : vector<128x128xi32> to vector<64x128xi32>
      %min3A_1195 = arith.minsi %slice3A_1193, %slice3A_1194 : vector<64x128xi32>
      %slice3A_1196 = vector.extract_strided_slice %min3A_1195 {offsets = [0, 0], sizes = [32, 128], strides = [1, 1]} : vector<64x128xi32> to vector<32x128xi32>
      %slice3A_1197 = vector.extract_strided_slice %min3A_1195 {offsets = [32, 0], sizes = [32, 128], strides = [1, 1]} : vector<64x128xi32> to vector<32x128xi32>
      %min3A_1198 = arith.minsi %slice3A_1196, %slice3A_1197 : vector<32x128xi32>
      %slice3A_1199 = vector.extract_strided_slice %min3A_1198 {offsets = [0, 0], sizes = [16, 128], strides = [1, 1]} : vector<32x128xi32> to vector<16x128xi32>
      %slice3A_1200 = vector.extract_strided_slice %min3A_1198 {offsets = [16, 0], sizes = [16, 128], strides = [1, 1]} : vector<32x128xi32> to vector<16x128xi32>
      %min3A_1201 = arith.minsi %slice3A_1199, %slice3A_1200 : vector<16x128xi32>
      %slice3A_1202 = vector.extract_strided_slice %min3A_1201 {offsets = [0, 0], sizes = [8, 128], strides = [1, 1]} : vector<16x128xi32> to vector<8x128xi32>
      %slice3A_1203 = vector.extract_strided_slice %min3A_1201 {offsets = [8, 0], sizes = [8, 128], strides = [1, 1]} : vector<16x128xi32> to vector<8x128xi32>
      %min3A_1204 = arith.minsi %slice3A_1202, %slice3A_1203 : vector<8x128xi32>
      %min3A_1205 = arith.minsi %min3A_1187, %min3A_1204 : vector<8x128xi32>
      %get3A_1206 = arith.constant 1920 : index
      %get3A_1207 = arith.constant 0 : index
      %get3A_1208 = vector.load %arg5[%get3A_1206, %get3A_1207] : memref<2048x128xi32, #tpu.memory_space<vmem>>, vector<128x128xi32>
      %sub3A_1209 = vector.broadcast %add3A_936 : vector<1x128xi32> to vector<128x128xi32>
      %sub3A_1210 = arith.subi %get3A_1208, %sub3A_1209 : vector<128x128xi32>
      %slice3A_1211 = vector.extract_strided_slice %sub3A_1210 {offsets = [0, 0], sizes = [64, 128], strides = [1, 1]} : vector<128x128xi32> to vector<64x128xi32>
      %slice3A_1212 = vector.extract_strided_slice %sub3A_1210 {offsets = [64, 0], sizes = [64, 128], strides = [1, 1]} : vector<128x128xi32> to vector<64x128xi32>
      %min3A_1213 = arith.minsi %slice3A_1211, %slice3A_1212 : vector<64x128xi32>
      %slice3A_1214 = vector.extract_strided_slice %min3A_1213 {offsets = [0, 0], sizes = [32, 128], strides = [1, 1]} : vector<64x128xi32> to vector<32x128xi32>
      %slice3A_1215 = vector.extract_strided_slice %min3A_1213 {offsets = [32, 0], sizes = [32, 128], strides = [1, 1]} : vector<64x128xi32> to vector<32x128xi32>
      %min3A_1216 = arith.minsi %slice3A_1214, %slice3A_1215 : vector<32x128xi32>
      %slice3A_1217 = vector.extract_strided_slice %min3A_1216 {offsets = [0, 0], sizes = [16, 128], strides = [1, 1]} : vector<32x128xi32> to vector<16x128xi32>
      %slice3A_1218 = vector.extract_strided_slice %min3A_1216 {offsets = [16, 0], sizes = [16, 128], strides = [1, 1]} : vector<32x128xi32> to vector<16x128xi32>
      %min3A_1219 = arith.minsi %slice3A_1217, %slice3A_1218 : vector<16x128xi32>
      %slice3A_1220 = vector.extract_strided_slice %min3A_1219 {offsets = [0, 0], sizes = [8, 128], strides = [1, 1]} : vector<16x128xi32> to vector<8x128xi32>
      %slice3A_1221 = vector.extract_strided_slice %min3A_1219 {offsets = [8, 0], sizes = [8, 128], strides = [1, 1]} : vector<16x128xi32> to vector<8x128xi32>
      %min3A_1222 = arith.minsi %slice3A_1220, %slice3A_1221 : vector<8x128xi32>
      %min3A_1223 = arith.minsi %min3A_1205, %min3A_1222 : vector<8x128xi32>
      %slice3A_1224 = vector.extract_strided_slice %min3A_1223 {offsets = [0, 0], sizes = [4, 128], strides = [1, 1]} : vector<8x128xi32> to vector<4x128xi32>
      %slice3A_1225 = vector.extract_strided_slice %min3A_1223 {offsets = [4, 0], sizes = [4, 128], strides = [1, 1]} : vector<8x128xi32> to vector<4x128xi32>
      %min3A_1226 = arith.minsi %slice3A_1224, %slice3A_1225 : vector<4x128xi32>
      %slice3A_1227 = vector.extract_strided_slice %min3A_1226 {offsets = [0, 0], sizes = [2, 128], strides = [1, 1]} : vector<4x128xi32> to vector<2x128xi32>
      %slice3A_1228 = vector.extract_strided_slice %min3A_1226 {offsets = [2, 0], sizes = [2, 128], strides = [1, 1]} : vector<4x128xi32> to vector<2x128xi32>
      %min3A_1229 = arith.minsi %slice3A_1227, %slice3A_1228 : vector<2x128xi32>
      %slice3A_1230 = vector.extract_strided_slice %min3A_1229 {offsets = [0, 0], sizes = [1, 128], strides = [1, 1]} : vector<2x128xi32> to vector<1x128xi32>
      %slice3A_1231 = vector.extract_strided_slice %min3A_1229 {offsets = [1, 0], sizes = [1, 128], strides = [1, 1]} : vector<2x128xi32> to vector<1x128xi32>
      %min3A_1232 = arith.minsi %slice3A_1230, %slice3A_1231 : vector<1x128xi32>
      %add3A_1233 = vector.broadcast %sub3A_1 : i32 to vector<1x128xi32>
      %add3A_1234 = arith.addi %scan3A_336, %add3A_1233 : vector<1x128xi32>
      %get3A_1235 = arith.constant 0 : index
      %get3A_1236 = arith.constant 0 : index
      %get3A_1237 = vector.load %arg6[%get3A_1235, %get3A_1236] : memref<2048x128xi32, #tpu.memory_space<vmem>>, vector<128x128xi32>
      %sub3A_1238 = vector.broadcast %add3A_1234 : vector<1x128xi32> to vector<128x128xi32>
      %sub3A_1239 = arith.subi %get3A_1237, %sub3A_1238 : vector<128x128xi32>
      %slice3A_1240 = vector.extract_strided_slice %sub3A_1239 {offsets = [0, 0], sizes = [64, 128], strides = [1, 1]} : vector<128x128xi32> to vector<64x128xi32>
      %slice3A_1241 = vector.extract_strided_slice %sub3A_1239 {offsets = [64, 0], sizes = [64, 128], strides = [1, 1]} : vector<128x128xi32> to vector<64x128xi32>
      %min3A_1242 = arith.minsi %slice3A_1240, %slice3A_1241 : vector<64x128xi32>
      %slice3A_1243 = vector.extract_strided_slice %min3A_1242 {offsets = [0, 0], sizes = [32, 128], strides = [1, 1]} : vector<64x128xi32> to vector<32x128xi32>
      %slice3A_1244 = vector.extract_strided_slice %min3A_1242 {offsets = [32, 0], sizes = [32, 128], strides = [1, 1]} : vector<64x128xi32> to vector<32x128xi32>
      %min3A_1245 = arith.minsi %slice3A_1243, %slice3A_1244 : vector<32x128xi32>
      %slice3A_1246 = vector.extract_strided_slice %min3A_1245 {offsets = [0, 0], sizes = [16, 128], strides = [1, 1]} : vector<32x128xi32> to vector<16x128xi32>
      %slice3A_1247 = vector.extract_strided_slice %min3A_1245 {offsets = [16, 0], sizes = [16, 128], strides = [1, 1]} : vector<32x128xi32> to vector<16x128xi32>
      %min3A_1248 = arith.minsi %slice3A_1246, %slice3A_1247 : vector<16x128xi32>
      %slice3A_1249 = vector.extract_strided_slice %min3A_1248 {offsets = [0, 0], sizes = [8, 128], strides = [1, 1]} : vector<16x128xi32> to vector<8x128xi32>
      %slice3A_1250 = vector.extract_strided_slice %min3A_1248 {offsets = [8, 0], sizes = [8, 128], strides = [1, 1]} : vector<16x128xi32> to vector<8x128xi32>
      %min3A_1251 = arith.minsi %slice3A_1249, %slice3A_1250 : vector<8x128xi32>
      %get3A_1252 = arith.constant 128 : index
      %get3A_1253 = arith.constant 0 : index
      %get3A_1254 = vector.load %arg6[%get3A_1252, %get3A_1253] : memref<2048x128xi32, #tpu.memory_space<vmem>>, vector<128x128xi32>
      %sub3A_1255 = vector.broadcast %add3A_1234 : vector<1x128xi32> to vector<128x128xi32>
      %sub3A_1256 = arith.subi %get3A_1254, %sub3A_1255 : vector<128x128xi32>
      %slice3A_1257 = vector.extract_strided_slice %sub3A_1256 {offsets = [0, 0], sizes = [64, 128], strides = [1, 1]} : vector<128x128xi32> to vector<64x128xi32>
      %slice3A_1258 = vector.extract_strided_slice %sub3A_1256 {offsets = [64, 0], sizes = [64, 128], strides = [1, 1]} : vector<128x128xi32> to vector<64x128xi32>
      %min3A_1259 = arith.minsi %slice3A_1257, %slice3A_1258 : vector<64x128xi32>
      %slice3A_1260 = vector.extract_strided_slice %min3A_1259 {offsets = [0, 0], sizes = [32, 128], strides = [1, 1]} : vector<64x128xi32> to vector<32x128xi32>
      %slice3A_1261 = vector.extract_strided_slice %min3A_1259 {offsets = [32, 0], sizes = [32, 128], strides = [1, 1]} : vector<64x128xi32> to vector<32x128xi32>
      %min3A_1262 = arith.minsi %slice3A_1260, %slice3A_1261 : vector<32x128xi32>
      %slice3A_1263 = vector.extract_strided_slice %min3A_1262 {offsets = [0, 0], sizes = [16, 128], strides = [1, 1]} : vector<32x128xi32> to vector<16x128xi32>
      %slice3A_1264 = vector.extract_strided_slice %min3A_1262 {offsets = [16, 0], sizes = [16, 128], strides = [1, 1]} : vector<32x128xi32> to vector<16x128xi32>
      %min3A_1265 = arith.minsi %slice3A_1263, %slice3A_1264 : vector<16x128xi32>
      %slice3A_1266 = vector.extract_strided_slice %min3A_1265 {offsets = [0, 0], sizes = [8, 128], strides = [1, 1]} : vector<16x128xi32> to vector<8x128xi32>
      %slice3A_1267 = vector.extract_strided_slice %min3A_1265 {offsets = [8, 0], sizes = [8, 128], strides = [1, 1]} : vector<16x128xi32> to vector<8x128xi32>
      %min3A_1268 = arith.minsi %slice3A_1266, %slice3A_1267 : vector<8x128xi32>
      %min3A_1269 = arith.minsi %min3A_1251, %min3A_1268 : vector<8x128xi32>
      %get3A_1270 = arith.constant 256 : index
      %get3A_1271 = arith.constant 0 : index
      %get3A_1272 = vector.load %arg6[%get3A_1270, %get3A_1271] : memref<2048x128xi32, #tpu.memory_space<vmem>>, vector<128x128xi32>
      %sub3A_1273 = vector.broadcast %add3A_1234 : vector<1x128xi32> to vector<128x128xi32>
      %sub3A_1274 = arith.subi %get3A_1272, %sub3A_1273 : vector<128x128xi32>
      %slice3A_1275 = vector.extract_strided_slice %sub3A_1274 {offsets = [0, 0], sizes = [64, 128], strides = [1, 1]} : vector<128x128xi32> to vector<64x128xi32>
      %slice3A_1276 = vector.extract_strided_slice %sub3A_1274 {offsets = [64, 0], sizes = [64, 128], strides = [1, 1]} : vector<128x128xi32> to vector<64x128xi32>
      %min3A_1277 = arith.minsi %slice3A_1275, %slice3A_1276 : vector<64x128xi32>
      %slice3A_1278 = vector.extract_strided_slice %min3A_1277 {offsets = [0, 0], sizes = [32, 128], strides = [1, 1]} : vector<64x128xi32> to vector<32x128xi32>
      %slice3A_1279 = vector.extract_strided_slice %min3A_1277 {offsets = [32, 0], sizes = [32, 128], strides = [1, 1]} : vector<64x128xi32> to vector<32x128xi32>
      %min3A_1280 = arith.minsi %slice3A_1278, %slice3A_1279 : vector<32x128xi32>
      %slice3A_1281 = vector.extract_strided_slice %min3A_1280 {offsets = [0, 0], sizes = [16, 128], strides = [1, 1]} : vector<32x128xi32> to vector<16x128xi32>
      %slice3A_1282 = vector.extract_strided_slice %min3A_1280 {offsets = [16, 0], sizes = [16, 128], strides = [1, 1]} : vector<32x128xi32> to vector<16x128xi32>
      %min3A_1283 = arith.minsi %slice3A_1281, %slice3A_1282 : vector<16x128xi32>
      %slice3A_1284 = vector.extract_strided_slice %min3A_1283 {offsets = [0, 0], sizes = [8, 128], strides = [1, 1]} : vector<16x128xi32> to vector<8x128xi32>
      %slice3A_1285 = vector.extract_strided_slice %min3A_1283 {offsets = [8, 0], sizes = [8, 128], strides = [1, 1]} : vector<16x128xi32> to vector<8x128xi32>
      %min3A_1286 = arith.minsi %slice3A_1284, %slice3A_1285 : vector<8x128xi32>
      %min3A_1287 = arith.minsi %min3A_1269, %min3A_1286 : vector<8x128xi32>
      %get3A_1288 = arith.constant 384 : index
      %get3A_1289 = arith.constant 0 : index
      %get3A_1290 = vector.load %arg6[%get3A_1288, %get3A_1289] : memref<2048x128xi32, #tpu.memory_space<vmem>>, vector<128x128xi32>
      %sub3A_1291 = vector.broadcast %add3A_1234 : vector<1x128xi32> to vector<128x128xi32>
      %sub3A_1292 = arith.subi %get3A_1290, %sub3A_1291 : vector<128x128xi32>
      %slice3A_1293 = vector.extract_strided_slice %sub3A_1292 {offsets = [0, 0], sizes = [64, 128], strides = [1, 1]} : vector<128x128xi32> to vector<64x128xi32>
      %slice3A_1294 = vector.extract_strided_slice %sub3A_1292 {offsets = [64, 0], sizes = [64, 128], strides = [1, 1]} : vector<128x128xi32> to vector<64x128xi32>
      %min3A_1295 = arith.minsi %slice3A_1293, %slice3A_1294 : vector<64x128xi32>
      %slice3A_1296 = vector.extract_strided_slice %min3A_1295 {offsets = [0, 0], sizes = [32, 128], strides = [1, 1]} : vector<64x128xi32> to vector<32x128xi32>
      %slice3A_1297 = vector.extract_strided_slice %min3A_1295 {offsets = [32, 0], sizes = [32, 128], strides = [1, 1]} : vector<64x128xi32> to vector<32x128xi32>
      %min3A_1298 = arith.minsi %slice3A_1296, %slice3A_1297 : vector<32x128xi32>
      %slice3A_1299 = vector.extract_strided_slice %min3A_1298 {offsets = [0, 0], sizes = [16, 128], strides = [1, 1]} : vector<32x128xi32> to vector<16x128xi32>
      %slice3A_1300 = vector.extract_strided_slice %min3A_1298 {offsets = [16, 0], sizes = [16, 128], strides = [1, 1]} : vector<32x128xi32> to vector<16x128xi32>
      %min3A_1301 = arith.minsi %slice3A_1299, %slice3A_1300 : vector<16x128xi32>
      %slice3A_1302 = vector.extract_strided_slice %min3A_1301 {offsets = [0, 0], sizes = [8, 128], strides = [1, 1]} : vector<16x128xi32> to vector<8x128xi32>
      %slice3A_1303 = vector.extract_strided_slice %min3A_1301 {offsets = [8, 0], sizes = [8, 128], strides = [1, 1]} : vector<16x128xi32> to vector<8x128xi32>
      %min3A_1304 = arith.minsi %slice3A_1302, %slice3A_1303 : vector<8x128xi32>
      %min3A_1305 = arith.minsi %min3A_1287, %min3A_1304 : vector<8x128xi32>
      %get3A_1306 = arith.constant 512 : index
      %get3A_1307 = arith.constant 0 : index
      %get3A_1308 = vector.load %arg6[%get3A_1306, %get3A_1307] : memref<2048x128xi32, #tpu.memory_space<vmem>>, vector<128x128xi32>
      %sub3A_1309 = vector.broadcast %add3A_1234 : vector<1x128xi32> to vector<128x128xi32>
      %sub3A_1310 = arith.subi %get3A_1308, %sub3A_1309 : vector<128x128xi32>
      %slice3A_1311 = vector.extract_strided_slice %sub3A_1310 {offsets = [0, 0], sizes = [64, 128], strides = [1, 1]} : vector<128x128xi32> to vector<64x128xi32>
      %slice3A_1312 = vector.extract_strided_slice %sub3A_1310 {offsets = [64, 0], sizes = [64, 128], strides = [1, 1]} : vector<128x128xi32> to vector<64x128xi32>
      %min3A_1313 = arith.minsi %slice3A_1311, %slice3A_1312 : vector<64x128xi32>
      %slice3A_1314 = vector.extract_strided_slice %min3A_1313 {offsets = [0, 0], sizes = [32, 128], strides = [1, 1]} : vector<64x128xi32> to vector<32x128xi32>
      %slice3A_1315 = vector.extract_strided_slice %min3A_1313 {offsets = [32, 0], sizes = [32, 128], strides = [1, 1]} : vector<64x128xi32> to vector<32x128xi32>
      %min3A_1316 = arith.minsi %slice3A_1314, %slice3A_1315 : vector<32x128xi32>
      %slice3A_1317 = vector.extract_strided_slice %min3A_1316 {offsets = [0, 0], sizes = [16, 128], strides = [1, 1]} : vector<32x128xi32> to vector<16x128xi32>
      %slice3A_1318 = vector.extract_strided_slice %min3A_1316 {offsets = [16, 0], sizes = [16, 128], strides = [1, 1]} : vector<32x128xi32> to vector<16x128xi32>
      %min3A_1319 = arith.minsi %slice3A_1317, %slice3A_1318 : vector<16x128xi32>
      %slice3A_1320 = vector.extract_strided_slice %min3A_1319 {offsets = [0, 0], sizes = [8, 128], strides = [1, 1]} : vector<16x128xi32> to vector<8x128xi32>
      %slice3A_1321 = vector.extract_strided_slice %min3A_1319 {offsets = [8, 0], sizes = [8, 128], strides = [1, 1]} : vector<16x128xi32> to vector<8x128xi32>
      %min3A_1322 = arith.minsi %slice3A_1320, %slice3A_1321 : vector<8x128xi32>
      %min3A_1323 = arith.minsi %min3A_1305, %min3A_1322 : vector<8x128xi32>
      %get3A_1324 = arith.constant 640 : index
      %get3A_1325 = arith.constant 0 : index
      %get3A_1326 = vector.load %arg6[%get3A_1324, %get3A_1325] : memref<2048x128xi32, #tpu.memory_space<vmem>>, vector<128x128xi32>
      %sub3A_1327 = vector.broadcast %add3A_1234 : vector<1x128xi32> to vector<128x128xi32>
      %sub3A_1328 = arith.subi %get3A_1326, %sub3A_1327 : vector<128x128xi32>
      %slice3A_1329 = vector.extract_strided_slice %sub3A_1328 {offsets = [0, 0], sizes = [64, 128], strides = [1, 1]} : vector<128x128xi32> to vector<64x128xi32>
      %slice3A_1330 = vector.extract_strided_slice %sub3A_1328 {offsets = [64, 0], sizes = [64, 128], strides = [1, 1]} : vector<128x128xi32> to vector<64x128xi32>
      %min3A_1331 = arith.minsi %slice3A_1329, %slice3A_1330 : vector<64x128xi32>
      %slice3A_1332 = vector.extract_strided_slice %min3A_1331 {offsets = [0, 0], sizes = [32, 128], strides = [1, 1]} : vector<64x128xi32> to vector<32x128xi32>
      %slice3A_1333 = vector.extract_strided_slice %min3A_1331 {offsets = [32, 0], sizes = [32, 128], strides = [1, 1]} : vector<64x128xi32> to vector<32x128xi32>
      %min3A_1334 = arith.minsi %slice3A_1332, %slice3A_1333 : vector<32x128xi32>
      %slice3A_1335 = vector.extract_strided_slice %min3A_1334 {offsets = [0, 0], sizes = [16, 128], strides = [1, 1]} : vector<32x128xi32> to vector<16x128xi32>
      %slice3A_1336 = vector.extract_strided_slice %min3A_1334 {offsets = [16, 0], sizes = [16, 128], strides = [1, 1]} : vector<32x128xi32> to vector<16x128xi32>
      %min3A_1337 = arith.minsi %slice3A_1335, %slice3A_1336 : vector<16x128xi32>
      %slice3A_1338 = vector.extract_strided_slice %min3A_1337 {offsets = [0, 0], sizes = [8, 128], strides = [1, 1]} : vector<16x128xi32> to vector<8x128xi32>
      %slice3A_1339 = vector.extract_strided_slice %min3A_1337 {offsets = [8, 0], sizes = [8, 128], strides = [1, 1]} : vector<16x128xi32> to vector<8x128xi32>
      %min3A_1340 = arith.minsi %slice3A_1338, %slice3A_1339 : vector<8x128xi32>
      %min3A_1341 = arith.minsi %min3A_1323, %min3A_1340 : vector<8x128xi32>
      %get3A_1342 = arith.constant 768 : index
      %get3A_1343 = arith.constant 0 : index
      %get3A_1344 = vector.load %arg6[%get3A_1342, %get3A_1343] : memref<2048x128xi32, #tpu.memory_space<vmem>>, vector<128x128xi32>
      %sub3A_1345 = vector.broadcast %add3A_1234 : vector<1x128xi32> to vector<128x128xi32>
      %sub3A_1346 = arith.subi %get3A_1344, %sub3A_1345 : vector<128x128xi32>
      %slice3A_1347 = vector.extract_strided_slice %sub3A_1346 {offsets = [0, 0], sizes = [64, 128], strides = [1, 1]} : vector<128x128xi32> to vector<64x128xi32>
      %slice3A_1348 = vector.extract_strided_slice %sub3A_1346 {offsets = [64, 0], sizes = [64, 128], strides = [1, 1]} : vector<128x128xi32> to vector<64x128xi32>
      %min3A_1349 = arith.minsi %slice3A_1347, %slice3A_1348 : vector<64x128xi32>
      %slice3A_1350 = vector.extract_strided_slice %min3A_1349 {offsets = [0, 0], sizes = [32, 128], strides = [1, 1]} : vector<64x128xi32> to vector<32x128xi32>
      %slice3A_1351 = vector.extract_strided_slice %min3A_1349 {offsets = [32, 0], sizes = [32, 128], strides = [1, 1]} : vector<64x128xi32> to vector<32x128xi32>
      %min3A_1352 = arith.minsi %slice3A_1350, %slice3A_1351 : vector<32x128xi32>
      %slice3A_1353 = vector.extract_strided_slice %min3A_1352 {offsets = [0, 0], sizes = [16, 128], strides = [1, 1]} : vector<32x128xi32> to vector<16x128xi32>
      %slice3A_1354 = vector.extract_strided_slice %min3A_1352 {offsets = [16, 0], sizes = [16, 128], strides = [1, 1]} : vector<32x128xi32> to vector<16x128xi32>
      %min3A_1355 = arith.minsi %slice3A_1353, %slice3A_1354 : vector<16x128xi32>
      %slice3A_1356 = vector.extract_strided_slice %min3A_1355 {offsets = [0, 0], sizes = [8, 128], strides = [1, 1]} : vector<16x128xi32> to vector<8x128xi32>
      %slice3A_1357 = vector.extract_strided_slice %min3A_1355 {offsets = [8, 0], sizes = [8, 128], strides = [1, 1]} : vector<16x128xi32> to vector<8x128xi32>
      %min3A_1358 = arith.minsi %slice3A_1356, %slice3A_1357 : vector<8x128xi32>
      %min3A_1359 = arith.minsi %min3A_1341, %min3A_1358 : vector<8x128xi32>
      %get3A_1360 = arith.constant 896 : index
      %get3A_1361 = arith.constant 0 : index
      %get3A_1362 = vector.load %arg6[%get3A_1360, %get3A_1361] : memref<2048x128xi32, #tpu.memory_space<vmem>>, vector<128x128xi32>
      %sub3A_1363 = vector.broadcast %add3A_1234 : vector<1x128xi32> to vector<128x128xi32>
      %sub3A_1364 = arith.subi %get3A_1362, %sub3A_1363 : vector<128x128xi32>
      %slice3A_1365 = vector.extract_strided_slice %sub3A_1364 {offsets = [0, 0], sizes = [64, 128], strides = [1, 1]} : vector<128x128xi32> to vector<64x128xi32>
      %slice3A_1366 = vector.extract_strided_slice %sub3A_1364 {offsets = [64, 0], sizes = [64, 128], strides = [1, 1]} : vector<128x128xi32> to vector<64x128xi32>
      %min3A_1367 = arith.minsi %slice3A_1365, %slice3A_1366 : vector<64x128xi32>
      %slice3A_1368 = vector.extract_strided_slice %min3A_1367 {offsets = [0, 0], sizes = [32, 128], strides = [1, 1]} : vector<64x128xi32> to vector<32x128xi32>
      %slice3A_1369 = vector.extract_strided_slice %min3A_1367 {offsets = [32, 0], sizes = [32, 128], strides = [1, 1]} : vector<64x128xi32> to vector<32x128xi32>
      %min3A_1370 = arith.minsi %slice3A_1368, %slice3A_1369 : vector<32x128xi32>
      %slice3A_1371 = vector.extract_strided_slice %min3A_1370 {offsets = [0, 0], sizes = [16, 128], strides = [1, 1]} : vector<32x128xi32> to vector<16x128xi32>
      %slice3A_1372 = vector.extract_strided_slice %min3A_1370 {offsets = [16, 0], sizes = [16, 128], strides = [1, 1]} : vector<32x128xi32> to vector<16x128xi32>
      %min3A_1373 = arith.minsi %slice3A_1371, %slice3A_1372 : vector<16x128xi32>
      %slice3A_1374 = vector.extract_strided_slice %min3A_1373 {offsets = [0, 0], sizes = [8, 128], strides = [1, 1]} : vector<16x128xi32> to vector<8x128xi32>
      %slice3A_1375 = vector.extract_strided_slice %min3A_1373 {offsets = [8, 0], sizes = [8, 128], strides = [1, 1]} : vector<16x128xi32> to vector<8x128xi32>
      %min3A_1376 = arith.minsi %slice3A_1374, %slice3A_1375 : vector<8x128xi32>
      %min3A_1377 = arith.minsi %min3A_1359, %min3A_1376 : vector<8x128xi32>
      %get3A_1378 = arith.constant 1024 : index
      %get3A_1379 = arith.constant 0 : index
      %get3A_1380 = vector.load %arg6[%get3A_1378, %get3A_1379] : memref<2048x128xi32, #tpu.memory_space<vmem>>, vector<128x128xi32>
      %sub3A_1381 = vector.broadcast %add3A_1234 : vector<1x128xi32> to vector<128x128xi32>
      %sub3A_1382 = arith.subi %get3A_1380, %sub3A_1381 : vector<128x128xi32>
      %slice3A_1383 = vector.extract_strided_slice %sub3A_1382 {offsets = [0, 0], sizes = [64, 128], strides = [1, 1]} : vector<128x128xi32> to vector<64x128xi32>
      %slice3A_1384 = vector.extract_strided_slice %sub3A_1382 {offsets = [64, 0], sizes = [64, 128], strides = [1, 1]} : vector<128x128xi32> to vector<64x128xi32>
      %min3A_1385 = arith.minsi %slice3A_1383, %slice3A_1384 : vector<64x128xi32>
      %slice3A_1386 = vector.extract_strided_slice %min3A_1385 {offsets = [0, 0], sizes = [32, 128], strides = [1, 1]} : vector<64x128xi32> to vector<32x128xi32>
      %slice3A_1387 = vector.extract_strided_slice %min3A_1385 {offsets = [32, 0], sizes = [32, 128], strides = [1, 1]} : vector<64x128xi32> to vector<32x128xi32>
      %min3A_1388 = arith.minsi %slice3A_1386, %slice3A_1387 : vector<32x128xi32>
      %slice3A_1389 = vector.extract_strided_slice %min3A_1388 {offsets = [0, 0], sizes = [16, 128], strides = [1, 1]} : vector<32x128xi32> to vector<16x128xi32>
      %slice3A_1390 = vector.extract_strided_slice %min3A_1388 {offsets = [16, 0], sizes = [16, 128], strides = [1, 1]} : vector<32x128xi32> to vector<16x128xi32>
      %min3A_1391 = arith.minsi %slice3A_1389, %slice3A_1390 : vector<16x128xi32>
      %slice3A_1392 = vector.extract_strided_slice %min3A_1391 {offsets = [0, 0], sizes = [8, 128], strides = [1, 1]} : vector<16x128xi32> to vector<8x128xi32>
      %slice3A_1393 = vector.extract_strided_slice %min3A_1391 {offsets = [8, 0], sizes = [8, 128], strides = [1, 1]} : vector<16x128xi32> to vector<8x128xi32>
      %min3A_1394 = arith.minsi %slice3A_1392, %slice3A_1393 : vector<8x128xi32>
      %min3A_1395 = arith.minsi %min3A_1377, %min3A_1394 : vector<8x128xi32>
      %get3A_1396 = arith.constant 1152 : index
      %get3A_1397 = arith.constant 0 : index
      %get3A_1398 = vector.load %arg6[%get3A_1396, %get3A_1397] : memref<2048x128xi32, #tpu.memory_space<vmem>>, vector<128x128xi32>
      %sub3A_1399 = vector.broadcast %add3A_1234 : vector<1x128xi32> to vector<128x128xi32>
      %sub3A_1400 = arith.subi %get3A_1398, %sub3A_1399 : vector<128x128xi32>
      %slice3A_1401 = vector.extract_strided_slice %sub3A_1400 {offsets = [0, 0], sizes = [64, 128], strides = [1, 1]} : vector<128x128xi32> to vector<64x128xi32>
      %slice3A_1402 = vector.extract_strided_slice %sub3A_1400 {offsets = [64, 0], sizes = [64, 128], strides = [1, 1]} : vector<128x128xi32> to vector<64x128xi32>
      %min3A_1403 = arith.minsi %slice3A_1401, %slice3A_1402 : vector<64x128xi32>
      %slice3A_1404 = vector.extract_strided_slice %min3A_1403 {offsets = [0, 0], sizes = [32, 128], strides = [1, 1]} : vector<64x128xi32> to vector<32x128xi32>
      %slice3A_1405 = vector.extract_strided_slice %min3A_1403 {offsets = [32, 0], sizes = [32, 128], strides = [1, 1]} : vector<64x128xi32> to vector<32x128xi32>
      %min3A_1406 = arith.minsi %slice3A_1404, %slice3A_1405 : vector<32x128xi32>
      %slice3A_1407 = vector.extract_strided_slice %min3A_1406 {offsets = [0, 0], sizes = [16, 128], strides = [1, 1]} : vector<32x128xi32> to vector<16x128xi32>
      %slice3A_1408 = vector.extract_strided_slice %min3A_1406 {offsets = [16, 0], sizes = [16, 128], strides = [1, 1]} : vector<32x128xi32> to vector<16x128xi32>
      %min3A_1409 = arith.minsi %slice3A_1407, %slice3A_1408 : vector<16x128xi32>
      %slice3A_1410 = vector.extract_strided_slice %min3A_1409 {offsets = [0, 0], sizes = [8, 128], strides = [1, 1]} : vector<16x128xi32> to vector<8x128xi32>
      %slice3A_1411 = vector.extract_strided_slice %min3A_1409 {offsets = [8, 0], sizes = [8, 128], strides = [1, 1]} : vector<16x128xi32> to vector<8x128xi32>
      %min3A_1412 = arith.minsi %slice3A_1410, %slice3A_1411 : vector<8x128xi32>
      %min3A_1413 = arith.minsi %min3A_1395, %min3A_1412 : vector<8x128xi32>
      %get3A_1414 = arith.constant 1280 : index
      %get3A_1415 = arith.constant 0 : index
      %get3A_1416 = vector.load %arg6[%get3A_1414, %get3A_1415] : memref<2048x128xi32, #tpu.memory_space<vmem>>, vector<128x128xi32>
      %sub3A_1417 = vector.broadcast %add3A_1234 : vector<1x128xi32> to vector<128x128xi32>
      %sub3A_1418 = arith.subi %get3A_1416, %sub3A_1417 : vector<128x128xi32>
      %slice3A_1419 = vector.extract_strided_slice %sub3A_1418 {offsets = [0, 0], sizes = [64, 128], strides = [1, 1]} : vector<128x128xi32> to vector<64x128xi32>
      %slice3A_1420 = vector.extract_strided_slice %sub3A_1418 {offsets = [64, 0], sizes = [64, 128], strides = [1, 1]} : vector<128x128xi32> to vector<64x128xi32>
      %min3A_1421 = arith.minsi %slice3A_1419, %slice3A_1420 : vector<64x128xi32>
      %slice3A_1422 = vector.extract_strided_slice %min3A_1421 {offsets = [0, 0], sizes = [32, 128], strides = [1, 1]} : vector<64x128xi32> to vector<32x128xi32>
      %slice3A_1423 = vector.extract_strided_slice %min3A_1421 {offsets = [32, 0], sizes = [32, 128], strides = [1, 1]} : vector<64x128xi32> to vector<32x128xi32>
      %min3A_1424 = arith.minsi %slice3A_1422, %slice3A_1423 : vector<32x128xi32>
      %slice3A_1425 = vector.extract_strided_slice %min3A_1424 {offsets = [0, 0], sizes = [16, 128], strides = [1, 1]} : vector<32x128xi32> to vector<16x128xi32>
      %slice3A_1426 = vector.extract_strided_slice %min3A_1424 {offsets = [16, 0], sizes = [16, 128], strides = [1, 1]} : vector<32x128xi32> to vector<16x128xi32>
      %min3A_1427 = arith.minsi %slice3A_1425, %slice3A_1426 : vector<16x128xi32>
      %slice3A_1428 = vector.extract_strided_slice %min3A_1427 {offsets = [0, 0], sizes = [8, 128], strides = [1, 1]} : vector<16x128xi32> to vector<8x128xi32>
      %slice3A_1429 = vector.extract_strided_slice %min3A_1427 {offsets = [8, 0], sizes = [8, 128], strides = [1, 1]} : vector<16x128xi32> to vector<8x128xi32>
      %min3A_1430 = arith.minsi %slice3A_1428, %slice3A_1429 : vector<8x128xi32>
      %min3A_1431 = arith.minsi %min3A_1413, %min3A_1430 : vector<8x128xi32>
      %get3A_1432 = arith.constant 1408 : index
      %get3A_1433 = arith.constant 0 : index
      %get3A_1434 = vector.load %arg6[%get3A_1432, %get3A_1433] : memref<2048x128xi32, #tpu.memory_space<vmem>>, vector<128x128xi32>
      %sub3A_1435 = vector.broadcast %add3A_1234 : vector<1x128xi32> to vector<128x128xi32>
      %sub3A_1436 = arith.subi %get3A_1434, %sub3A_1435 : vector<128x128xi32>
      %slice3A_1437 = vector.extract_strided_slice %sub3A_1436 {offsets = [0, 0], sizes = [64, 128], strides = [1, 1]} : vector<128x128xi32> to vector<64x128xi32>
      %slice3A_1438 = vector.extract_strided_slice %sub3A_1436 {offsets = [64, 0], sizes = [64, 128], strides = [1, 1]} : vector<128x128xi32> to vector<64x128xi32>
      %min3A_1439 = arith.minsi %slice3A_1437, %slice3A_1438 : vector<64x128xi32>
      %slice3A_1440 = vector.extract_strided_slice %min3A_1439 {offsets = [0, 0], sizes = [32, 128], strides = [1, 1]} : vector<64x128xi32> to vector<32x128xi32>
      %slice3A_1441 = vector.extract_strided_slice %min3A_1439 {offsets = [32, 0], sizes = [32, 128], strides = [1, 1]} : vector<64x128xi32> to vector<32x128xi32>
      %min3A_1442 = arith.minsi %slice3A_1440, %slice3A_1441 : vector<32x128xi32>
      %slice3A_1443 = vector.extract_strided_slice %min3A_1442 {offsets = [0, 0], sizes = [16, 128], strides = [1, 1]} : vector<32x128xi32> to vector<16x128xi32>
      %slice3A_1444 = vector.extract_strided_slice %min3A_1442 {offsets = [16, 0], sizes = [16, 128], strides = [1, 1]} : vector<32x128xi32> to vector<16x128xi32>
      %min3A_1445 = arith.minsi %slice3A_1443, %slice3A_1444 : vector<16x128xi32>
      %slice3A_1446 = vector.extract_strided_slice %min3A_1445 {offsets = [0, 0], sizes = [8, 128], strides = [1, 1]} : vector<16x128xi32> to vector<8x128xi32>
      %slice3A_1447 = vector.extract_strided_slice %min3A_1445 {offsets = [8, 0], sizes = [8, 128], strides = [1, 1]} : vector<16x128xi32> to vector<8x128xi32>
      %min3A_1448 = arith.minsi %slice3A_1446, %slice3A_1447 : vector<8x128xi32>
      %min3A_1449 = arith.minsi %min3A_1431, %min3A_1448 : vector<8x128xi32>
      %get3A_1450 = arith.constant 1536 : index
      %get3A_1451 = arith.constant 0 : index
      %get3A_1452 = vector.load %arg6[%get3A_1450, %get3A_1451] : memref<2048x128xi32, #tpu.memory_space<vmem>>, vector<128x128xi32>
      %sub3A_1453 = vector.broadcast %add3A_1234 : vector<1x128xi32> to vector<128x128xi32>
      %sub3A_1454 = arith.subi %get3A_1452, %sub3A_1453 : vector<128x128xi32>
      %slice3A_1455 = vector.extract_strided_slice %sub3A_1454 {offsets = [0, 0], sizes = [64, 128], strides = [1, 1]} : vector<128x128xi32> to vector<64x128xi32>
      %slice3A_1456 = vector.extract_strided_slice %sub3A_1454 {offsets = [64, 0], sizes = [64, 128], strides = [1, 1]} : vector<128x128xi32> to vector<64x128xi32>
      %min3A_1457 = arith.minsi %slice3A_1455, %slice3A_1456 : vector<64x128xi32>
      %slice3A_1458 = vector.extract_strided_slice %min3A_1457 {offsets = [0, 0], sizes = [32, 128], strides = [1, 1]} : vector<64x128xi32> to vector<32x128xi32>
      %slice3A_1459 = vector.extract_strided_slice %min3A_1457 {offsets = [32, 0], sizes = [32, 128], strides = [1, 1]} : vector<64x128xi32> to vector<32x128xi32>
      %min3A_1460 = arith.minsi %slice3A_1458, %slice3A_1459 : vector<32x128xi32>
      %slice3A_1461 = vector.extract_strided_slice %min3A_1460 {offsets = [0, 0], sizes = [16, 128], strides = [1, 1]} : vector<32x128xi32> to vector<16x128xi32>
      %slice3A_1462 = vector.extract_strided_slice %min3A_1460 {offsets = [16, 0], sizes = [16, 128], strides = [1, 1]} : vector<32x128xi32> to vector<16x128xi32>
      %min3A_1463 = arith.minsi %slice3A_1461, %slice3A_1462 : vector<16x128xi32>
      %slice3A_1464 = vector.extract_strided_slice %min3A_1463 {offsets = [0, 0], sizes = [8, 128], strides = [1, 1]} : vector<16x128xi32> to vector<8x128xi32>
      %slice3A_1465 = vector.extract_strided_slice %min3A_1463 {offsets = [8, 0], sizes = [8, 128], strides = [1, 1]} : vector<16x128xi32> to vector<8x128xi32>
      %min3A_1466 = arith.minsi %slice3A_1464, %slice3A_1465 : vector<8x128xi32>
      %min3A_1467 = arith.minsi %min3A_1449, %min3A_1466 : vector<8x128xi32>
      %get3A_1468 = arith.constant 1664 : index
      %get3A_1469 = arith.constant 0 : index
      %get3A_1470 = vector.load %arg6[%get3A_1468, %get3A_1469] : memref<2048x128xi32, #tpu.memory_space<vmem>>, vector<128x128xi32>
      %sub3A_1471 = vector.broadcast %add3A_1234 : vector<1x128xi32> to vector<128x128xi32>
      %sub3A_1472 = arith.subi %get3A_1470, %sub3A_1471 : vector<128x128xi32>
      %slice3A_1473 = vector.extract_strided_slice %sub3A_1472 {offsets = [0, 0], sizes = [64, 128], strides = [1, 1]} : vector<128x128xi32> to vector<64x128xi32>
      %slice3A_1474 = vector.extract_strided_slice %sub3A_1472 {offsets = [64, 0], sizes = [64, 128], strides = [1, 1]} : vector<128x128xi32> to vector<64x128xi32>
      %min3A_1475 = arith.minsi %slice3A_1473, %slice3A_1474 : vector<64x128xi32>
      %slice3A_1476 = vector.extract_strided_slice %min3A_1475 {offsets = [0, 0], sizes = [32, 128], strides = [1, 1]} : vector<64x128xi32> to vector<32x128xi32>
      %slice3A_1477 = vector.extract_strided_slice %min3A_1475 {offsets = [32, 0], sizes = [32, 128], strides = [1, 1]} : vector<64x128xi32> to vector<32x128xi32>
      %min3A_1478 = arith.minsi %slice3A_1476, %slice3A_1477 : vector<32x128xi32>
      %slice3A_1479 = vector.extract_strided_slice %min3A_1478 {offsets = [0, 0], sizes = [16, 128], strides = [1, 1]} : vector<32x128xi32> to vector<16x128xi32>
      %slice3A_1480 = vector.extract_strided_slice %min3A_1478 {offsets = [16, 0], sizes = [16, 128], strides = [1, 1]} : vector<32x128xi32> to vector<16x128xi32>
      %min3A_1481 = arith.minsi %slice3A_1479, %slice3A_1480 : vector<16x128xi32>
      %slice3A_1482 = vector.extract_strided_slice %min3A_1481 {offsets = [0, 0], sizes = [8, 128], strides = [1, 1]} : vector<16x128xi32> to vector<8x128xi32>
      %slice3A_1483 = vector.extract_strided_slice %min3A_1481 {offsets = [8, 0], sizes = [8, 128], strides = [1, 1]} : vector<16x128xi32> to vector<8x128xi32>
      %min3A_1484 = arith.minsi %slice3A_1482, %slice3A_1483 : vector<8x128xi32>
      %min3A_1485 = arith.minsi %min3A_1467, %min3A_1484 : vector<8x128xi32>
      %get3A_1486 = arith.constant 1792 : index
      %get3A_1487 = arith.constant 0 : index
      %get3A_1488 = vector.load %arg6[%get3A_1486, %get3A_1487] : memref<2048x128xi32, #tpu.memory_space<vmem>>, vector<128x128xi32>
      %sub3A_1489 = vector.broadcast %add3A_1234 : vector<1x128xi32> to vector<128x128xi32>
      %sub3A_1490 = arith.subi %get3A_1488, %sub3A_1489 : vector<128x128xi32>
      %slice3A_1491 = vector.extract_strided_slice %sub3A_1490 {offsets = [0, 0], sizes = [64, 128], strides = [1, 1]} : vector<128x128xi32> to vector<64x128xi32>
      %slice3A_1492 = vector.extract_strided_slice %sub3A_1490 {offsets = [64, 0], sizes = [64, 128], strides = [1, 1]} : vector<128x128xi32> to vector<64x128xi32>
      %min3A_1493 = arith.minsi %slice3A_1491, %slice3A_1492 : vector<64x128xi32>
      %slice3A_1494 = vector.extract_strided_slice %min3A_1493 {offsets = [0, 0], sizes = [32, 128], strides = [1, 1]} : vector<64x128xi32> to vector<32x128xi32>
      %slice3A_1495 = vector.extract_strided_slice %min3A_1493 {offsets = [32, 0], sizes = [32, 128], strides = [1, 1]} : vector<64x128xi32> to vector<32x128xi32>
      %min3A_1496 = arith.minsi %slice3A_1494, %slice3A_1495 : vector<32x128xi32>
      %slice3A_1497 = vector.extract_strided_slice %min3A_1496 {offsets = [0, 0], sizes = [16, 128], strides = [1, 1]} : vector<32x128xi32> to vector<16x128xi32>
      %slice3A_1498 = vector.extract_strided_slice %min3A_1496 {offsets = [16, 0], sizes = [16, 128], strides = [1, 1]} : vector<32x128xi32> to vector<16x128xi32>
      %min3A_1499 = arith.minsi %slice3A_1497, %slice3A_1498 : vector<16x128xi32>
      %slice3A_1500 = vector.extract_strided_slice %min3A_1499 {offsets = [0, 0], sizes = [8, 128], strides = [1, 1]} : vector<16x128xi32> to vector<8x128xi32>
      %slice3A_1501 = vector.extract_strided_slice %min3A_1499 {offsets = [8, 0], sizes = [8, 128], strides = [1, 1]} : vector<16x128xi32> to vector<8x128xi32>
      %min3A_1502 = arith.minsi %slice3A_1500, %slice3A_1501 : vector<8x128xi32>
      %min3A_1503 = arith.minsi %min3A_1485, %min3A_1502 : vector<8x128xi32>
      %get3A_1504 = arith.constant 1920 : index
      %get3A_1505 = arith.constant 0 : index
      %get3A_1506 = vector.load %arg6[%get3A_1504, %get3A_1505] : memref<2048x128xi32, #tpu.memory_space<vmem>>, vector<128x128xi32>
      %sub3A_1507 = vector.broadcast %add3A_1234 : vector<1x128xi32> to vector<128x128xi32>
      %sub3A_1508 = arith.subi %get3A_1506, %sub3A_1507 : vector<128x128xi32>
      %slice3A_1509 = vector.extract_strided_slice %sub3A_1508 {offsets = [0, 0], sizes = [64, 128], strides = [1, 1]} : vector<128x128xi32> to vector<64x128xi32>
      %slice3A_1510 = vector.extract_strided_slice %sub3A_1508 {offsets = [64, 0], sizes = [64, 128], strides = [1, 1]} : vector<128x128xi32> to vector<64x128xi32>
      %min3A_1511 = arith.minsi %slice3A_1509, %slice3A_1510 : vector<64x128xi32>
      %slice3A_1512 = vector.extract_strided_slice %min3A_1511 {offsets = [0, 0], sizes = [32, 128], strides = [1, 1]} : vector<64x128xi32> to vector<32x128xi32>
      %slice3A_1513 = vector.extract_strided_slice %min3A_1511 {offsets = [32, 0], sizes = [32, 128], strides = [1, 1]} : vector<64x128xi32> to vector<32x128xi32>
      %min3A_1514 = arith.minsi %slice3A_1512, %slice3A_1513 : vector<32x128xi32>
      %slice3A_1515 = vector.extract_strided_slice %min3A_1514 {offsets = [0, 0], sizes = [16, 128], strides = [1, 1]} : vector<32x128xi32> to vector<16x128xi32>
      %slice3A_1516 = vector.extract_strided_slice %min3A_1514 {offsets = [16, 0], sizes = [16, 128], strides = [1, 1]} : vector<32x128xi32> to vector<16x128xi32>
      %min3A_1517 = arith.minsi %slice3A_1515, %slice3A_1516 : vector<16x128xi32>
      %slice3A_1518 = vector.extract_strided_slice %min3A_1517 {offsets = [0, 0], sizes = [8, 128], strides = [1, 1]} : vector<16x128xi32> to vector<8x128xi32>
      %slice3A_1519 = vector.extract_strided_slice %min3A_1517 {offsets = [8, 0], sizes = [8, 128], strides = [1, 1]} : vector<16x128xi32> to vector<8x128xi32>
      %min3A_1520 = arith.minsi %slice3A_1518, %slice3A_1519 : vector<8x128xi32>
      %min3A_1521 = arith.minsi %min3A_1503, %min3A_1520 : vector<8x128xi32>
      %slice3A_1522 = vector.extract_strided_slice %min3A_1521 {offsets = [0, 0], sizes = [4, 128], strides = [1, 1]} : vector<8x128xi32> to vector<4x128xi32>
      %slice3A_1523 = vector.extract_strided_slice %min3A_1521 {offsets = [4, 0], sizes = [4, 128], strides = [1, 1]} : vector<8x128xi32> to vector<4x128xi32>
      %min3A_1524 = arith.minsi %slice3A_1522, %slice3A_1523 : vector<4x128xi32>
      %slice3A_1525 = vector.extract_strided_slice %min3A_1524 {offsets = [0, 0], sizes = [2, 128], strides = [1, 1]} : vector<4x128xi32> to vector<2x128xi32>
      %slice3A_1526 = vector.extract_strided_slice %min3A_1524 {offsets = [2, 0], sizes = [2, 128], strides = [1, 1]} : vector<4x128xi32> to vector<2x128xi32>
      %min3A_1527 = arith.minsi %slice3A_1525, %slice3A_1526 : vector<2x128xi32>
      %slice3A_1528 = vector.extract_strided_slice %min3A_1527 {offsets = [0, 0], sizes = [1, 128], strides = [1, 1]} : vector<2x128xi32> to vector<1x128xi32>
      %slice3A_1529 = vector.extract_strided_slice %min3A_1527 {offsets = [1, 0], sizes = [1, 128], strides = [1, 1]} : vector<2x128xi32> to vector<1x128xi32>
      %min3A_1530 = arith.minsi %slice3A_1528, %slice3A_1529 : vector<1x128xi32>
      %add3A_1531 = vector.broadcast %sub3A_1 : i32 to vector<1x128xi32>
      %add3A_1532 = arith.addi %scan3A_337, %add3A_1531 : vector<1x128xi32>
      %get3A_1533 = arith.constant 0 : index
      %get3A_1534 = arith.constant 0 : index
      %get3A_1535 = vector.load %arg7[%get3A_1533, %get3A_1534] : memref<2048x128xi32, #tpu.memory_space<vmem>>, vector<128x128xi32>
      %sub3A_1536 = vector.broadcast %add3A_1532 : vector<1x128xi32> to vector<128x128xi32>
      %sub3A_1537 = arith.subi %get3A_1535, %sub3A_1536 : vector<128x128xi32>
      %slice3A_1538 = vector.extract_strided_slice %sub3A_1537 {offsets = [0, 0], sizes = [64, 128], strides = [1, 1]} : vector<128x128xi32> to vector<64x128xi32>
      %slice3A_1539 = vector.extract_strided_slice %sub3A_1537 {offsets = [64, 0], sizes = [64, 128], strides = [1, 1]} : vector<128x128xi32> to vector<64x128xi32>
      %min3A_1540 = arith.minsi %slice3A_1538, %slice3A_1539 : vector<64x128xi32>
      %slice3A_1541 = vector.extract_strided_slice %min3A_1540 {offsets = [0, 0], sizes = [32, 128], strides = [1, 1]} : vector<64x128xi32> to vector<32x128xi32>
      %slice3A_1542 = vector.extract_strided_slice %min3A_1540 {offsets = [32, 0], sizes = [32, 128], strides = [1, 1]} : vector<64x128xi32> to vector<32x128xi32>
      %min3A_1543 = arith.minsi %slice3A_1541, %slice3A_1542 : vector<32x128xi32>
      %slice3A_1544 = vector.extract_strided_slice %min3A_1543 {offsets = [0, 0], sizes = [16, 128], strides = [1, 1]} : vector<32x128xi32> to vector<16x128xi32>
      %slice3A_1545 = vector.extract_strided_slice %min3A_1543 {offsets = [16, 0], sizes = [16, 128], strides = [1, 1]} : vector<32x128xi32> to vector<16x128xi32>
      %min3A_1546 = arith.minsi %slice3A_1544, %slice3A_1545 : vector<16x128xi32>
      %slice3A_1547 = vector.extract_strided_slice %min3A_1546 {offsets = [0, 0], sizes = [8, 128], strides = [1, 1]} : vector<16x128xi32> to vector<8x128xi32>
      %slice3A_1548 = vector.extract_strided_slice %min3A_1546 {offsets = [8, 0], sizes = [8, 128], strides = [1, 1]} : vector<16x128xi32> to vector<8x128xi32>
      %min3A_1549 = arith.minsi %slice3A_1547, %slice3A_1548 : vector<8x128xi32>
      %get3A_1550 = arith.constant 128 : index
      %get3A_1551 = arith.constant 0 : index
      %get3A_1552 = vector.load %arg7[%get3A_1550, %get3A_1551] : memref<2048x128xi32, #tpu.memory_space<vmem>>, vector<128x128xi32>
      %sub3A_1553 = vector.broadcast %add3A_1532 : vector<1x128xi32> to vector<128x128xi32>
      %sub3A_1554 = arith.subi %get3A_1552, %sub3A_1553 : vector<128x128xi32>
      %slice3A_1555 = vector.extract_strided_slice %sub3A_1554 {offsets = [0, 0], sizes = [64, 128], strides = [1, 1]} : vector<128x128xi32> to vector<64x128xi32>
      %slice3A_1556 = vector.extract_strided_slice %sub3A_1554 {offsets = [64, 0], sizes = [64, 128], strides = [1, 1]} : vector<128x128xi32> to vector<64x128xi32>
      %min3A_1557 = arith.minsi %slice3A_1555, %slice3A_1556 : vector<64x128xi32>
      %slice3A_1558 = vector.extract_strided_slice %min3A_1557 {offsets = [0, 0], sizes = [32, 128], strides = [1, 1]} : vector<64x128xi32> to vector<32x128xi32>
      %slice3A_1559 = vector.extract_strided_slice %min3A_1557 {offsets = [32, 0], sizes = [32, 128], strides = [1, 1]} : vector<64x128xi32> to vector<32x128xi32>
      %min3A_1560 = arith.minsi %slice3A_1558, %slice3A_1559 : vector<32x128xi32>
      %slice3A_1561 = vector.extract_strided_slice %min3A_1560 {offsets = [0, 0], sizes = [16, 128], strides = [1, 1]} : vector<32x128xi32> to vector<16x128xi32>
      %slice3A_1562 = vector.extract_strided_slice %min3A_1560 {offsets = [16, 0], sizes = [16, 128], strides = [1, 1]} : vector<32x128xi32> to vector<16x128xi32>
      %min3A_1563 = arith.minsi %slice3A_1561, %slice3A_1562 : vector<16x128xi32>
      %slice3A_1564 = vector.extract_strided_slice %min3A_1563 {offsets = [0, 0], sizes = [8, 128], strides = [1, 1]} : vector<16x128xi32> to vector<8x128xi32>
      %slice3A_1565 = vector.extract_strided_slice %min3A_1563 {offsets = [8, 0], sizes = [8, 128], strides = [1, 1]} : vector<16x128xi32> to vector<8x128xi32>
      %min3A_1566 = arith.minsi %slice3A_1564, %slice3A_1565 : vector<8x128xi32>
      %min3A_1567 = arith.minsi %min3A_1549, %min3A_1566 : vector<8x128xi32>
      %get3A_1568 = arith.constant 256 : index
      %get3A_1569 = arith.constant 0 : index
      %get3A_1570 = vector.load %arg7[%get3A_1568, %get3A_1569] : memref<2048x128xi32, #tpu.memory_space<vmem>>, vector<128x128xi32>
      %sub3A_1571 = vector.broadcast %add3A_1532 : vector<1x128xi32> to vector<128x128xi32>
      %sub3A_1572 = arith.subi %get3A_1570, %sub3A_1571 : vector<128x128xi32>
      %slice3A_1573 = vector.extract_strided_slice %sub3A_1572 {offsets = [0, 0], sizes = [64, 128], strides = [1, 1]} : vector<128x128xi32> to vector<64x128xi32>
      %slice3A_1574 = vector.extract_strided_slice %sub3A_1572 {offsets = [64, 0], sizes = [64, 128], strides = [1, 1]} : vector<128x128xi32> to vector<64x128xi32>
      %min3A_1575 = arith.minsi %slice3A_1573, %slice3A_1574 : vector<64x128xi32>
      %slice3A_1576 = vector.extract_strided_slice %min3A_1575 {offsets = [0, 0], sizes = [32, 128], strides = [1, 1]} : vector<64x128xi32> to vector<32x128xi32>
      %slice3A_1577 = vector.extract_strided_slice %min3A_1575 {offsets = [32, 0], sizes = [32, 128], strides = [1, 1]} : vector<64x128xi32> to vector<32x128xi32>
      %min3A_1578 = arith.minsi %slice3A_1576, %slice3A_1577 : vector<32x128xi32>
      %slice3A_1579 = vector.extract_strided_slice %min3A_1578 {offsets = [0, 0], sizes = [16, 128], strides = [1, 1]} : vector<32x128xi32> to vector<16x128xi32>
      %slice3A_1580 = vector.extract_strided_slice %min3A_1578 {offsets = [16, 0], sizes = [16, 128], strides = [1, 1]} : vector<32x128xi32> to vector<16x128xi32>
      %min3A_1581 = arith.minsi %slice3A_1579, %slice3A_1580 : vector<16x128xi32>
      %slice3A_1582 = vector.extract_strided_slice %min3A_1581 {offsets = [0, 0], sizes = [8, 128], strides = [1, 1]} : vector<16x128xi32> to vector<8x128xi32>
      %slice3A_1583 = vector.extract_strided_slice %min3A_1581 {offsets = [8, 0], sizes = [8, 128], strides = [1, 1]} : vector<16x128xi32> to vector<8x128xi32>
      %min3A_1584 = arith.minsi %slice3A_1582, %slice3A_1583 : vector<8x128xi32>
      %min3A_1585 = arith.minsi %min3A_1567, %min3A_1584 : vector<8x128xi32>
      %get3A_1586 = arith.constant 384 : index
      %get3A_1587 = arith.constant 0 : index
      %get3A_1588 = vector.load %arg7[%get3A_1586, %get3A_1587] : memref<2048x128xi32, #tpu.memory_space<vmem>>, vector<128x128xi32>
      %sub3A_1589 = vector.broadcast %add3A_1532 : vector<1x128xi32> to vector<128x128xi32>
      %sub3A_1590 = arith.subi %get3A_1588, %sub3A_1589 : vector<128x128xi32>
      %slice3A_1591 = vector.extract_strided_slice %sub3A_1590 {offsets = [0, 0], sizes = [64, 128], strides = [1, 1]} : vector<128x128xi32> to vector<64x128xi32>
      %slice3A_1592 = vector.extract_strided_slice %sub3A_1590 {offsets = [64, 0], sizes = [64, 128], strides = [1, 1]} : vector<128x128xi32> to vector<64x128xi32>
      %min3A_1593 = arith.minsi %slice3A_1591, %slice3A_1592 : vector<64x128xi32>
      %slice3A_1594 = vector.extract_strided_slice %min3A_1593 {offsets = [0, 0], sizes = [32, 128], strides = [1, 1]} : vector<64x128xi32> to vector<32x128xi32>
      %slice3A_1595 = vector.extract_strided_slice %min3A_1593 {offsets = [32, 0], sizes = [32, 128], strides = [1, 1]} : vector<64x128xi32> to vector<32x128xi32>
      %min3A_1596 = arith.minsi %slice3A_1594, %slice3A_1595 : vector<32x128xi32>
      %slice3A_1597 = vector.extract_strided_slice %min3A_1596 {offsets = [0, 0], sizes = [16, 128], strides = [1, 1]} : vector<32x128xi32> to vector<16x128xi32>
      %slice3A_1598 = vector.extract_strided_slice %min3A_1596 {offsets = [16, 0], sizes = [16, 128], strides = [1, 1]} : vector<32x128xi32> to vector<16x128xi32>
      %min3A_1599 = arith.minsi %slice3A_1597, %slice3A_1598 : vector<16x128xi32>
      %slice3A_1600 = vector.extract_strided_slice %min3A_1599 {offsets = [0, 0], sizes = [8, 128], strides = [1, 1]} : vector<16x128xi32> to vector<8x128xi32>
      %slice3A_1601 = vector.extract_strided_slice %min3A_1599 {offsets = [8, 0], sizes = [8, 128], strides = [1, 1]} : vector<16x128xi32> to vector<8x128xi32>
      %min3A_1602 = arith.minsi %slice3A_1600, %slice3A_1601 : vector<8x128xi32>
      %min3A_1603 = arith.minsi %min3A_1585, %min3A_1602 : vector<8x128xi32>
      %get3A_1604 = arith.constant 512 : index
      %get3A_1605 = arith.constant 0 : index
      %get3A_1606 = vector.load %arg7[%get3A_1604, %get3A_1605] : memref<2048x128xi32, #tpu.memory_space<vmem>>, vector<128x128xi32>
      %sub3A_1607 = vector.broadcast %add3A_1532 : vector<1x128xi32> to vector<128x128xi32>
      %sub3A_1608 = arith.subi %get3A_1606, %sub3A_1607 : vector<128x128xi32>
      %slice3A_1609 = vector.extract_strided_slice %sub3A_1608 {offsets = [0, 0], sizes = [64, 128], strides = [1, 1]} : vector<128x128xi32> to vector<64x128xi32>
      %slice3A_1610 = vector.extract_strided_slice %sub3A_1608 {offsets = [64, 0], sizes = [64, 128], strides = [1, 1]} : vector<128x128xi32> to vector<64x128xi32>
      %min3A_1611 = arith.minsi %slice3A_1609, %slice3A_1610 : vector<64x128xi32>
      %slice3A_1612 = vector.extract_strided_slice %min3A_1611 {offsets = [0, 0], sizes = [32, 128], strides = [1, 1]} : vector<64x128xi32> to vector<32x128xi32>
      %slice3A_1613 = vector.extract_strided_slice %min3A_1611 {offsets = [32, 0], sizes = [32, 128], strides = [1, 1]} : vector<64x128xi32> to vector<32x128xi32>
      %min3A_1614 = arith.minsi %slice3A_1612, %slice3A_1613 : vector<32x128xi32>
      %slice3A_1615 = vector.extract_strided_slice %min3A_1614 {offsets = [0, 0], sizes = [16, 128], strides = [1, 1]} : vector<32x128xi32> to vector<16x128xi32>
      %slice3A_1616 = vector.extract_strided_slice %min3A_1614 {offsets = [16, 0], sizes = [16, 128], strides = [1, 1]} : vector<32x128xi32> to vector<16x128xi32>
      %min3A_1617 = arith.minsi %slice3A_1615, %slice3A_1616 : vector<16x128xi32>
      %slice3A_1618 = vector.extract_strided_slice %min3A_1617 {offsets = [0, 0], sizes = [8, 128], strides = [1, 1]} : vector<16x128xi32> to vector<8x128xi32>
      %slice3A_1619 = vector.extract_strided_slice %min3A_1617 {offsets = [8, 0], sizes = [8, 128], strides = [1, 1]} : vector<16x128xi32> to vector<8x128xi32>
      %min3A_1620 = arith.minsi %slice3A_1618, %slice3A_1619 : vector<8x128xi32>
      %min3A_1621 = arith.minsi %min3A_1603, %min3A_1620 : vector<8x128xi32>
      %get3A_1622 = arith.constant 640 : index
      %get3A_1623 = arith.constant 0 : index
      %get3A_1624 = vector.load %arg7[%get3A_1622, %get3A_1623] : memref<2048x128xi32, #tpu.memory_space<vmem>>, vector<128x128xi32>
      %sub3A_1625 = vector.broadcast %add3A_1532 : vector<1x128xi32> to vector<128x128xi32>
      %sub3A_1626 = arith.subi %get3A_1624, %sub3A_1625 : vector<128x128xi32>
      %slice3A_1627 = vector.extract_strided_slice %sub3A_1626 {offsets = [0, 0], sizes = [64, 128], strides = [1, 1]} : vector<128x128xi32> to vector<64x128xi32>
      %slice3A_1628 = vector.extract_strided_slice %sub3A_1626 {offsets = [64, 0], sizes = [64, 128], strides = [1, 1]} : vector<128x128xi32> to vector<64x128xi32>
      %min3A_1629 = arith.minsi %slice3A_1627, %slice3A_1628 : vector<64x128xi32>
      %slice3A_1630 = vector.extract_strided_slice %min3A_1629 {offsets = [0, 0], sizes = [32, 128], strides = [1, 1]} : vector<64x128xi32> to vector<32x128xi32>
      %slice3A_1631 = vector.extract_strided_slice %min3A_1629 {offsets = [32, 0], sizes = [32, 128], strides = [1, 1]} : vector<64x128xi32> to vector<32x128xi32>
      %min3A_1632 = arith.minsi %slice3A_1630, %slice3A_1631 : vector<32x128xi32>
      %slice3A_1633 = vector.extract_strided_slice %min3A_1632 {offsets = [0, 0], sizes = [16, 128], strides = [1, 1]} : vector<32x128xi32> to vector<16x128xi32>
      %slice3A_1634 = vector.extract_strided_slice %min3A_1632 {offsets = [16, 0], sizes = [16, 128], strides = [1, 1]} : vector<32x128xi32> to vector<16x128xi32>
      %min3A_1635 = arith.minsi %slice3A_1633, %slice3A_1634 : vector<16x128xi32>
      %slice3A_1636 = vector.extract_strided_slice %min3A_1635 {offsets = [0, 0], sizes = [8, 128], strides = [1, 1]} : vector<16x128xi32> to vector<8x128xi32>
      %slice3A_1637 = vector.extract_strided_slice %min3A_1635 {offsets = [8, 0], sizes = [8, 128], strides = [1, 1]} : vector<16x128xi32> to vector<8x128xi32>
      %min3A_1638 = arith.minsi %slice3A_1636, %slice3A_1637 : vector<8x128xi32>
      %min3A_1639 = arith.minsi %min3A_1621, %min3A_1638 : vector<8x128xi32>
      %get3A_1640 = arith.constant 768 : index
      %get3A_1641 = arith.constant 0 : index
      %get3A_1642 = vector.load %arg7[%get3A_1640, %get3A_1641] : memref<2048x128xi32, #tpu.memory_space<vmem>>, vector<128x128xi32>
      %sub3A_1643 = vector.broadcast %add3A_1532 : vector<1x128xi32> to vector<128x128xi32>
      %sub3A_1644 = arith.subi %get3A_1642, %sub3A_1643 : vector<128x128xi32>
      %slice3A_1645 = vector.extract_strided_slice %sub3A_1644 {offsets = [0, 0], sizes = [64, 128], strides = [1, 1]} : vector<128x128xi32> to vector<64x128xi32>
      %slice3A_1646 = vector.extract_strided_slice %sub3A_1644 {offsets = [64, 0], sizes = [64, 128], strides = [1, 1]} : vector<128x128xi32> to vector<64x128xi32>
      %min3A_1647 = arith.minsi %slice3A_1645, %slice3A_1646 : vector<64x128xi32>
      %slice3A_1648 = vector.extract_strided_slice %min3A_1647 {offsets = [0, 0], sizes = [32, 128], strides = [1, 1]} : vector<64x128xi32> to vector<32x128xi32>
      %slice3A_1649 = vector.extract_strided_slice %min3A_1647 {offsets = [32, 0], sizes = [32, 128], strides = [1, 1]} : vector<64x128xi32> to vector<32x128xi32>
      %min3A_1650 = arith.minsi %slice3A_1648, %slice3A_1649 : vector<32x128xi32>
      %slice3A_1651 = vector.extract_strided_slice %min3A_1650 {offsets = [0, 0], sizes = [16, 128], strides = [1, 1]} : vector<32x128xi32> to vector<16x128xi32>
      %slice3A_1652 = vector.extract_strided_slice %min3A_1650 {offsets = [16, 0], sizes = [16, 128], strides = [1, 1]} : vector<32x128xi32> to vector<16x128xi32>
      %min3A_1653 = arith.minsi %slice3A_1651, %slice3A_1652 : vector<16x128xi32>
      %slice3A_1654 = vector.extract_strided_slice %min3A_1653 {offsets = [0, 0], sizes = [8, 128], strides = [1, 1]} : vector<16x128xi32> to vector<8x128xi32>
      %slice3A_1655 = vector.extract_strided_slice %min3A_1653 {offsets = [8, 0], sizes = [8, 128], strides = [1, 1]} : vector<16x128xi32> to vector<8x128xi32>
      %min3A_1656 = arith.minsi %slice3A_1654, %slice3A_1655 : vector<8x128xi32>
      %min3A_1657 = arith.minsi %min3A_1639, %min3A_1656 : vector<8x128xi32>
      %get3A_1658 = arith.constant 896 : index
      %get3A_1659 = arith.constant 0 : index
      %get3A_1660 = vector.load %arg7[%get3A_1658, %get3A_1659] : memref<2048x128xi32, #tpu.memory_space<vmem>>, vector<128x128xi32>
      %sub3A_1661 = vector.broadcast %add3A_1532 : vector<1x128xi32> to vector<128x128xi32>
      %sub3A_1662 = arith.subi %get3A_1660, %sub3A_1661 : vector<128x128xi32>
      %slice3A_1663 = vector.extract_strided_slice %sub3A_1662 {offsets = [0, 0], sizes = [64, 128], strides = [1, 1]} : vector<128x128xi32> to vector<64x128xi32>
      %slice3A_1664 = vector.extract_strided_slice %sub3A_1662 {offsets = [64, 0], sizes = [64, 128], strides = [1, 1]} : vector<128x128xi32> to vector<64x128xi32>
      %min3A_1665 = arith.minsi %slice3A_1663, %slice3A_1664 : vector<64x128xi32>
      %slice3A_1666 = vector.extract_strided_slice %min3A_1665 {offsets = [0, 0], sizes = [32, 128], strides = [1, 1]} : vector<64x128xi32> to vector<32x128xi32>
      %slice3A_1667 = vector.extract_strided_slice %min3A_1665 {offsets = [32, 0], sizes = [32, 128], strides = [1, 1]} : vector<64x128xi32> to vector<32x128xi32>
      %min3A_1668 = arith.minsi %slice3A_1666, %slice3A_1667 : vector<32x128xi32>
      %slice3A_1669 = vector.extract_strided_slice %min3A_1668 {offsets = [0, 0], sizes = [16, 128], strides = [1, 1]} : vector<32x128xi32> to vector<16x128xi32>
      %slice3A_1670 = vector.extract_strided_slice %min3A_1668 {offsets = [16, 0], sizes = [16, 128], strides = [1, 1]} : vector<32x128xi32> to vector<16x128xi32>
      %min3A_1671 = arith.minsi %slice3A_1669, %slice3A_1670 : vector<16x128xi32>
      %slice3A_1672 = vector.extract_strided_slice %min3A_1671 {offsets = [0, 0], sizes = [8, 128], strides = [1, 1]} : vector<16x128xi32> to vector<8x128xi32>
      %slice3A_1673 = vector.extract_strided_slice %min3A_1671 {offsets = [8, 0], sizes = [8, 128], strides = [1, 1]} : vector<16x128xi32> to vector<8x128xi32>
      %min3A_1674 = arith.minsi %slice3A_1672, %slice3A_1673 : vector<8x128xi32>
      %min3A_1675 = arith.minsi %min3A_1657, %min3A_1674 : vector<8x128xi32>
      %get3A_1676 = arith.constant 1024 : index
      %get3A_1677 = arith.constant 0 : index
      %get3A_1678 = vector.load %arg7[%get3A_1676, %get3A_1677] : memref<2048x128xi32, #tpu.memory_space<vmem>>, vector<128x128xi32>
      %sub3A_1679 = vector.broadcast %add3A_1532 : vector<1x128xi32> to vector<128x128xi32>
      %sub3A_1680 = arith.subi %get3A_1678, %sub3A_1679 : vector<128x128xi32>
      %slice3A_1681 = vector.extract_strided_slice %sub3A_1680 {offsets = [0, 0], sizes = [64, 128], strides = [1, 1]} : vector<128x128xi32> to vector<64x128xi32>
      %slice3A_1682 = vector.extract_strided_slice %sub3A_1680 {offsets = [64, 0], sizes = [64, 128], strides = [1, 1]} : vector<128x128xi32> to vector<64x128xi32>
      %min3A_1683 = arith.minsi %slice3A_1681, %slice3A_1682 : vector<64x128xi32>
      %slice3A_1684 = vector.extract_strided_slice %min3A_1683 {offsets = [0, 0], sizes = [32, 128], strides = [1, 1]} : vector<64x128xi32> to vector<32x128xi32>
      %slice3A_1685 = vector.extract_strided_slice %min3A_1683 {offsets = [32, 0], sizes = [32, 128], strides = [1, 1]} : vector<64x128xi32> to vector<32x128xi32>
      %min3A_1686 = arith.minsi %slice3A_1684, %slice3A_1685 : vector<32x128xi32>
      %slice3A_1687 = vector.extract_strided_slice %min3A_1686 {offsets = [0, 0], sizes = [16, 128], strides = [1, 1]} : vector<32x128xi32> to vector<16x128xi32>
      %slice3A_1688 = vector.extract_strided_slice %min3A_1686 {offsets = [16, 0], sizes = [16, 128], strides = [1, 1]} : vector<32x128xi32> to vector<16x128xi32>
      %min3A_1689 = arith.minsi %slice3A_1687, %slice3A_1688 : vector<16x128xi32>
      %slice3A_1690 = vector.extract_strided_slice %min3A_1689 {offsets = [0, 0], sizes = [8, 128], strides = [1, 1]} : vector<16x128xi32> to vector<8x128xi32>
      %slice3A_1691 = vector.extract_strided_slice %min3A_1689 {offsets = [8, 0], sizes = [8, 128], strides = [1, 1]} : vector<16x128xi32> to vector<8x128xi32>
      %min3A_1692 = arith.minsi %slice3A_1690, %slice3A_1691 : vector<8x128xi32>
      %min3A_1693 = arith.minsi %min3A_1675, %min3A_1692 : vector<8x128xi32>
      %get3A_1694 = arith.constant 1152 : index
      %get3A_1695 = arith.constant 0 : index
      %get3A_1696 = vector.load %arg7[%get3A_1694, %get3A_1695] : memref<2048x128xi32, #tpu.memory_space<vmem>>, vector<128x128xi32>
      %sub3A_1697 = vector.broadcast %add3A_1532 : vector<1x128xi32> to vector<128x128xi32>
      %sub3A_1698 = arith.subi %get3A_1696, %sub3A_1697 : vector<128x128xi32>
      %slice3A_1699 = vector.extract_strided_slice %sub3A_1698 {offsets = [0, 0], sizes = [64, 128], strides = [1, 1]} : vector<128x128xi32> to vector<64x128xi32>
      %slice3A_1700 = vector.extract_strided_slice %sub3A_1698 {offsets = [64, 0], sizes = [64, 128], strides = [1, 1]} : vector<128x128xi32> to vector<64x128xi32>
      %min3A_1701 = arith.minsi %slice3A_1699, %slice3A_1700 : vector<64x128xi32>
      %slice3A_1702 = vector.extract_strided_slice %min3A_1701 {offsets = [0, 0], sizes = [32, 128], strides = [1, 1]} : vector<64x128xi32> to vector<32x128xi32>
      %slice3A_1703 = vector.extract_strided_slice %min3A_1701 {offsets = [32, 0], sizes = [32, 128], strides = [1, 1]} : vector<64x128xi32> to vector<32x128xi32>
      %min3A_1704 = arith.minsi %slice3A_1702, %slice3A_1703 : vector<32x128xi32>
      %slice3A_1705 = vector.extract_strided_slice %min3A_1704 {offsets = [0, 0], sizes = [16, 128], strides = [1, 1]} : vector<32x128xi32> to vector<16x128xi32>
      %slice3A_1706 = vector.extract_strided_slice %min3A_1704 {offsets = [16, 0], sizes = [16, 128], strides = [1, 1]} : vector<32x128xi32> to vector<16x128xi32>
      %min3A_1707 = arith.minsi %slice3A_1705, %slice3A_1706 : vector<16x128xi32>
      %slice3A_1708 = vector.extract_strided_slice %min3A_1707 {offsets = [0, 0], sizes = [8, 128], strides = [1, 1]} : vector<16x128xi32> to vector<8x128xi32>
      %slice3A_1709 = vector.extract_strided_slice %min3A_1707 {offsets = [8, 0], sizes = [8, 128], strides = [1, 1]} : vector<16x128xi32> to vector<8x128xi32>
      %min3A_1710 = arith.minsi %slice3A_1708, %slice3A_1709 : vector<8x128xi32>
      %min3A_1711 = arith.minsi %min3A_1693, %min3A_1710 : vector<8x128xi32>
      %get3A_1712 = arith.constant 1280 : index
      %get3A_1713 = arith.constant 0 : index
      %get3A_1714 = vector.load %arg7[%get3A_1712, %get3A_1713] : memref<2048x128xi32, #tpu.memory_space<vmem>>, vector<128x128xi32>
      %sub3A_1715 = vector.broadcast %add3A_1532 : vector<1x128xi32> to vector<128x128xi32>
      %sub3A_1716 = arith.subi %get3A_1714, %sub3A_1715 : vector<128x128xi32>
      %slice3A_1717 = vector.extract_strided_slice %sub3A_1716 {offsets = [0, 0], sizes = [64, 128], strides = [1, 1]} : vector<128x128xi32> to vector<64x128xi32>
      %slice3A_1718 = vector.extract_strided_slice %sub3A_1716 {offsets = [64, 0], sizes = [64, 128], strides = [1, 1]} : vector<128x128xi32> to vector<64x128xi32>
      %min3A_1719 = arith.minsi %slice3A_1717, %slice3A_1718 : vector<64x128xi32>
      %slice3A_1720 = vector.extract_strided_slice %min3A_1719 {offsets = [0, 0], sizes = [32, 128], strides = [1, 1]} : vector<64x128xi32> to vector<32x128xi32>
      %slice3A_1721 = vector.extract_strided_slice %min3A_1719 {offsets = [32, 0], sizes = [32, 128], strides = [1, 1]} : vector<64x128xi32> to vector<32x128xi32>
      %min3A_1722 = arith.minsi %slice3A_1720, %slice3A_1721 : vector<32x128xi32>
      %slice3A_1723 = vector.extract_strided_slice %min3A_1722 {offsets = [0, 0], sizes = [16, 128], strides = [1, 1]} : vector<32x128xi32> to vector<16x128xi32>
      %slice3A_1724 = vector.extract_strided_slice %min3A_1722 {offsets = [16, 0], sizes = [16, 128], strides = [1, 1]} : vector<32x128xi32> to vector<16x128xi32>
      %min3A_1725 = arith.minsi %slice3A_1723, %slice3A_1724 : vector<16x128xi32>
      %slice3A_1726 = vector.extract_strided_slice %min3A_1725 {offsets = [0, 0], sizes = [8, 128], strides = [1, 1]} : vector<16x128xi32> to vector<8x128xi32>
      %slice3A_1727 = vector.extract_strided_slice %min3A_1725 {offsets = [8, 0], sizes = [8, 128], strides = [1, 1]} : vector<16x128xi32> to vector<8x128xi32>
      %min3A_1728 = arith.minsi %slice3A_1726, %slice3A_1727 : vector<8x128xi32>
      %min3A_1729 = arith.minsi %min3A_1711, %min3A_1728 : vector<8x128xi32>
      %get3A_1730 = arith.constant 1408 : index
      %get3A_1731 = arith.constant 0 : index
      %get3A_1732 = vector.load %arg7[%get3A_1730, %get3A_1731] : memref<2048x128xi32, #tpu.memory_space<vmem>>, vector<128x128xi32>
      %sub3A_1733 = vector.broadcast %add3A_1532 : vector<1x128xi32> to vector<128x128xi32>
      %sub3A_1734 = arith.subi %get3A_1732, %sub3A_1733 : vector<128x128xi32>
      %slice3A_1735 = vector.extract_strided_slice %sub3A_1734 {offsets = [0, 0], sizes = [64, 128], strides = [1, 1]} : vector<128x128xi32> to vector<64x128xi32>
      %slice3A_1736 = vector.extract_strided_slice %sub3A_1734 {offsets = [64, 0], sizes = [64, 128], strides = [1, 1]} : vector<128x128xi32> to vector<64x128xi32>
      %min3A_1737 = arith.minsi %slice3A_1735, %slice3A_1736 : vector<64x128xi32>
      %slice3A_1738 = vector.extract_strided_slice %min3A_1737 {offsets = [0, 0], sizes = [32, 128], strides = [1, 1]} : vector<64x128xi32> to vector<32x128xi32>
      %slice3A_1739 = vector.extract_strided_slice %min3A_1737 {offsets = [32, 0], sizes = [32, 128], strides = [1, 1]} : vector<64x128xi32> to vector<32x128xi32>
      %min3A_1740 = arith.minsi %slice3A_1738, %slice3A_1739 : vector<32x128xi32>
      %slice3A_1741 = vector.extract_strided_slice %min3A_1740 {offsets = [0, 0], sizes = [16, 128], strides = [1, 1]} : vector<32x128xi32> to vector<16x128xi32>
      %slice3A_1742 = vector.extract_strided_slice %min3A_1740 {offsets = [16, 0], sizes = [16, 128], strides = [1, 1]} : vector<32x128xi32> to vector<16x128xi32>
      %min3A_1743 = arith.minsi %slice3A_1741, %slice3A_1742 : vector<16x128xi32>
      %slice3A_1744 = vector.extract_strided_slice %min3A_1743 {offsets = [0, 0], sizes = [8, 128], strides = [1, 1]} : vector<16x128xi32> to vector<8x128xi32>
      %slice3A_1745 = vector.extract_strided_slice %min3A_1743 {offsets = [8, 0], sizes = [8, 128], strides = [1, 1]} : vector<16x128xi32> to vector<8x128xi32>
      %min3A_1746 = arith.minsi %slice3A_1744, %slice3A_1745 : vector<8x128xi32>
      %min3A_1747 = arith.minsi %min3A_1729, %min3A_1746 : vector<8x128xi32>
      %get3A_1748 = arith.constant 1536 : index
      %get3A_1749 = arith.constant 0 : index
      %get3A_1750 = vector.load %arg7[%get3A_1748, %get3A_1749] : memref<2048x128xi32, #tpu.memory_space<vmem>>, vector<128x128xi32>
      %sub3A_1751 = vector.broadcast %add3A_1532 : vector<1x128xi32> to vector<128x128xi32>
      %sub3A_1752 = arith.subi %get3A_1750, %sub3A_1751 : vector<128x128xi32>
      %slice3A_1753 = vector.extract_strided_slice %sub3A_1752 {offsets = [0, 0], sizes = [64, 128], strides = [1, 1]} : vector<128x128xi32> to vector<64x128xi32>
      %slice3A_1754 = vector.extract_strided_slice %sub3A_1752 {offsets = [64, 0], sizes = [64, 128], strides = [1, 1]} : vector<128x128xi32> to vector<64x128xi32>
      %min3A_1755 = arith.minsi %slice3A_1753, %slice3A_1754 : vector<64x128xi32>
      %slice3A_1756 = vector.extract_strided_slice %min3A_1755 {offsets = [0, 0], sizes = [32, 128], strides = [1, 1]} : vector<64x128xi32> to vector<32x128xi32>
      %slice3A_1757 = vector.extract_strided_slice %min3A_1755 {offsets = [32, 0], sizes = [32, 128], strides = [1, 1]} : vector<64x128xi32> to vector<32x128xi32>
      %min3A_1758 = arith.minsi %slice3A_1756, %slice3A_1757 : vector<32x128xi32>
      %slice3A_1759 = vector.extract_strided_slice %min3A_1758 {offsets = [0, 0], sizes = [16, 128], strides = [1, 1]} : vector<32x128xi32> to vector<16x128xi32>
      %slice3A_1760 = vector.extract_strided_slice %min3A_1758 {offsets = [16, 0], sizes = [16, 128], strides = [1, 1]} : vector<32x128xi32> to vector<16x128xi32>
      %min3A_1761 = arith.minsi %slice3A_1759, %slice3A_1760 : vector<16x128xi32>
      %slice3A_1762 = vector.extract_strided_slice %min3A_1761 {offsets = [0, 0], sizes = [8, 128], strides = [1, 1]} : vector<16x128xi32> to vector<8x128xi32>
      %slice3A_1763 = vector.extract_strided_slice %min3A_1761 {offsets = [8, 0], sizes = [8, 128], strides = [1, 1]} : vector<16x128xi32> to vector<8x128xi32>
      %min3A_1764 = arith.minsi %slice3A_1762, %slice3A_1763 : vector<8x128xi32>
      %min3A_1765 = arith.minsi %min3A_1747, %min3A_1764 : vector<8x128xi32>
      %get3A_1766 = arith.constant 1664 : index
      %get3A_1767 = arith.constant 0 : index
      %get3A_1768 = vector.load %arg7[%get3A_1766, %get3A_1767] : memref<2048x128xi32, #tpu.memory_space<vmem>>, vector<128x128xi32>
      %sub3A_1769 = vector.broadcast %add3A_1532 : vector<1x128xi32> to vector<128x128xi32>
      %sub3A_1770 = arith.subi %get3A_1768, %sub3A_1769 : vector<128x128xi32>
      %slice3A_1771 = vector.extract_strided_slice %sub3A_1770 {offsets = [0, 0], sizes = [64, 128], strides = [1, 1]} : vector<128x128xi32> to vector<64x128xi32>
      %slice3A_1772 = vector.extract_strided_slice %sub3A_1770 {offsets = [64, 0], sizes = [64, 128], strides = [1, 1]} : vector<128x128xi32> to vector<64x128xi32>
      %min3A_1773 = arith.minsi %slice3A_1771, %slice3A_1772 : vector<64x128xi32>
      %slice3A_1774 = vector.extract_strided_slice %min3A_1773 {offsets = [0, 0], sizes = [32, 128], strides = [1, 1]} : vector<64x128xi32> to vector<32x128xi32>
      %slice3A_1775 = vector.extract_strided_slice %min3A_1773 {offsets = [32, 0], sizes = [32, 128], strides = [1, 1]} : vector<64x128xi32> to vector<32x128xi32>
      %min3A_1776 = arith.minsi %slice3A_1774, %slice3A_1775 : vector<32x128xi32>
      %slice3A_1777 = vector.extract_strided_slice %min3A_1776 {offsets = [0, 0], sizes = [16, 128], strides = [1, 1]} : vector<32x128xi32> to vector<16x128xi32>
      %slice3A_1778 = vector.extract_strided_slice %min3A_1776 {offsets = [16, 0], sizes = [16, 128], strides = [1, 1]} : vector<32x128xi32> to vector<16x128xi32>
      %min3A_1779 = arith.minsi %slice3A_1777, %slice3A_1778 : vector<16x128xi32>
      %slice3A_1780 = vector.extract_strided_slice %min3A_1779 {offsets = [0, 0], sizes = [8, 128], strides = [1, 1]} : vector<16x128xi32> to vector<8x128xi32>
      %slice3A_1781 = vector.extract_strided_slice %min3A_1779 {offsets = [8, 0], sizes = [8, 128], strides = [1, 1]} : vector<16x128xi32> to vector<8x128xi32>
      %min3A_1782 = arith.minsi %slice3A_1780, %slice3A_1781 : vector<8x128xi32>
      %min3A_1783 = arith.minsi %min3A_1765, %min3A_1782 : vector<8x128xi32>
      %get3A_1784 = arith.constant 1792 : index
      %get3A_1785 = arith.constant 0 : index
      %get3A_1786 = vector.load %arg7[%get3A_1784, %get3A_1785] : memref<2048x128xi32, #tpu.memory_space<vmem>>, vector<128x128xi32>
      %sub3A_1787 = vector.broadcast %add3A_1532 : vector<1x128xi32> to vector<128x128xi32>
      %sub3A_1788 = arith.subi %get3A_1786, %sub3A_1787 : vector<128x128xi32>
      %slice3A_1789 = vector.extract_strided_slice %sub3A_1788 {offsets = [0, 0], sizes = [64, 128], strides = [1, 1]} : vector<128x128xi32> to vector<64x128xi32>
      %slice3A_1790 = vector.extract_strided_slice %sub3A_1788 {offsets = [64, 0], sizes = [64, 128], strides = [1, 1]} : vector<128x128xi32> to vector<64x128xi32>
      %min3A_1791 = arith.minsi %slice3A_1789, %slice3A_1790 : vector<64x128xi32>
      %slice3A_1792 = vector.extract_strided_slice %min3A_1791 {offsets = [0, 0], sizes = [32, 128], strides = [1, 1]} : vector<64x128xi32> to vector<32x128xi32>
      %slice3A_1793 = vector.extract_strided_slice %min3A_1791 {offsets = [32, 0], sizes = [32, 128], strides = [1, 1]} : vector<64x128xi32> to vector<32x128xi32>
      %min3A_1794 = arith.minsi %slice3A_1792, %slice3A_1793 : vector<32x128xi32>
      %slice3A_1795 = vector.extract_strided_slice %min3A_1794 {offsets = [0, 0], sizes = [16, 128], strides = [1, 1]} : vector<32x128xi32> to vector<16x128xi32>
      %slice3A_1796 = vector.extract_strided_slice %min3A_1794 {offsets = [16, 0], sizes = [16, 128], strides = [1, 1]} : vector<32x128xi32> to vector<16x128xi32>
      %min3A_1797 = arith.minsi %slice3A_1795, %slice3A_1796 : vector<16x128xi32>
      %slice3A_1798 = vector.extract_strided_slice %min3A_1797 {offsets = [0, 0], sizes = [8, 128], strides = [1, 1]} : vector<16x128xi32> to vector<8x128xi32>
      %slice3A_1799 = vector.extract_strided_slice %min3A_1797 {offsets = [8, 0], sizes = [8, 128], strides = [1, 1]} : vector<16x128xi32> to vector<8x128xi32>
      %min3A_1800 = arith.minsi %slice3A_1798, %slice3A_1799 : vector<8x128xi32>
      %min3A_1801 = arith.minsi %min3A_1783, %min3A_1800 : vector<8x128xi32>
      %get3A_1802 = arith.constant 1920 : index
      %get3A_1803 = arith.constant 0 : index
      %get3A_1804 = vector.load %arg7[%get3A_1802, %get3A_1803] : memref<2048x128xi32, #tpu.memory_space<vmem>>, vector<128x128xi32>
      %sub3A_1805 = vector.broadcast %add3A_1532 : vector<1x128xi32> to vector<128x128xi32>
      %sub3A_1806 = arith.subi %get3A_1804, %sub3A_1805 : vector<128x128xi32>
      %slice3A_1807 = vector.extract_strided_slice %sub3A_1806 {offsets = [0, 0], sizes = [64, 128], strides = [1, 1]} : vector<128x128xi32> to vector<64x128xi32>
      %slice3A_1808 = vector.extract_strided_slice %sub3A_1806 {offsets = [64, 0], sizes = [64, 128], strides = [1, 1]} : vector<128x128xi32> to vector<64x128xi32>
      %min3A_1809 = arith.minsi %slice3A_1807, %slice3A_1808 : vector<64x128xi32>
      %slice3A_1810 = vector.extract_strided_slice %min3A_1809 {offsets = [0, 0], sizes = [32, 128], strides = [1, 1]} : vector<64x128xi32> to vector<32x128xi32>
      %slice3A_1811 = vector.extract_strided_slice %min3A_1809 {offsets = [32, 0], sizes = [32, 128], strides = [1, 1]} : vector<64x128xi32> to vector<32x128xi32>
      %min3A_1812 = arith.minsi %slice3A_1810, %slice3A_1811 : vector<32x128xi32>
      %slice3A_1813 = vector.extract_strided_slice %min3A_1812 {offsets = [0, 0], sizes = [16, 128], strides = [1, 1]} : vector<32x128xi32> to vector<16x128xi32>
      %slice3A_1814 = vector.extract_strided_slice %min3A_1812 {offsets = [16, 0], sizes = [16, 128], strides = [1, 1]} : vector<32x128xi32> to vector<16x128xi32>
      %min3A_1815 = arith.minsi %slice3A_1813, %slice3A_1814 : vector<16x128xi32>
      %slice3A_1816 = vector.extract_strided_slice %min3A_1815 {offsets = [0, 0], sizes = [8, 128], strides = [1, 1]} : vector<16x128xi32> to vector<8x128xi32>
      %slice3A_1817 = vector.extract_strided_slice %min3A_1815 {offsets = [8, 0], sizes = [8, 128], strides = [1, 1]} : vector<16x128xi32> to vector<8x128xi32>
      %min3A_1818 = arith.minsi %slice3A_1816, %slice3A_1817 : vector<8x128xi32>
      %min3A_1819 = arith.minsi %min3A_1801, %min3A_1818 : vector<8x128xi32>
      %slice3A_1820 = vector.extract_strided_slice %min3A_1819 {offsets = [0, 0], sizes = [4, 128], strides = [1, 1]} : vector<8x128xi32> to vector<4x128xi32>
      %slice3A_1821 = vector.extract_strided_slice %min3A_1819 {offsets = [4, 0], sizes = [4, 128], strides = [1, 1]} : vector<8x128xi32> to vector<4x128xi32>
      %min3A_1822 = arith.minsi %slice3A_1820, %slice3A_1821 : vector<4x128xi32>
      %slice3A_1823 = vector.extract_strided_slice %min3A_1822 {offsets = [0, 0], sizes = [2, 128], strides = [1, 1]} : vector<4x128xi32> to vector<2x128xi32>
      %slice3A_1824 = vector.extract_strided_slice %min3A_1822 {offsets = [2, 0], sizes = [2, 128], strides = [1, 1]} : vector<4x128xi32> to vector<2x128xi32>
      %min3A_1825 = arith.minsi %slice3A_1823, %slice3A_1824 : vector<2x128xi32>
      %slice3A_1826 = vector.extract_strided_slice %min3A_1825 {offsets = [0, 0], sizes = [1, 128], strides = [1, 1]} : vector<2x128xi32> to vector<1x128xi32>
      %slice3A_1827 = vector.extract_strided_slice %min3A_1825 {offsets = [1, 0], sizes = [1, 128], strides = [1, 1]} : vector<2x128xi32> to vector<1x128xi32>
      %min3A_1828 = arith.minsi %slice3A_1826, %slice3A_1827 : vector<1x128xi32>
      %add3A_1829 = vector.broadcast %sub3A_1 : i32 to vector<1x128xi32>
      %add3A_1830 = arith.addi %scan3A_338, %add3A_1829 : vector<1x128xi32>
      %get3A_1831 = arith.constant 0 : index
      %get3A_1832 = arith.constant 0 : index
      %get3A_1833 = vector.load %arg8[%get3A_1831, %get3A_1832] : memref<2048x128xi32, #tpu.memory_space<vmem>>, vector<128x128xi32>
      %sub3A_1834 = vector.broadcast %add3A_1830 : vector<1x128xi32> to vector<128x128xi32>
      %sub3A_1835 = arith.subi %get3A_1833, %sub3A_1834 : vector<128x128xi32>
      %slice3A_1836 = vector.extract_strided_slice %sub3A_1835 {offsets = [0, 0], sizes = [64, 128], strides = [1, 1]} : vector<128x128xi32> to vector<64x128xi32>
      %slice3A_1837 = vector.extract_strided_slice %sub3A_1835 {offsets = [64, 0], sizes = [64, 128], strides = [1, 1]} : vector<128x128xi32> to vector<64x128xi32>
      %min3A_1838 = arith.minsi %slice3A_1836, %slice3A_1837 : vector<64x128xi32>
      %slice3A_1839 = vector.extract_strided_slice %min3A_1838 {offsets = [0, 0], sizes = [32, 128], strides = [1, 1]} : vector<64x128xi32> to vector<32x128xi32>
      %slice3A_1840 = vector.extract_strided_slice %min3A_1838 {offsets = [32, 0], sizes = [32, 128], strides = [1, 1]} : vector<64x128xi32> to vector<32x128xi32>
      %min3A_1841 = arith.minsi %slice3A_1839, %slice3A_1840 : vector<32x128xi32>
      %slice3A_1842 = vector.extract_strided_slice %min3A_1841 {offsets = [0, 0], sizes = [16, 128], strides = [1, 1]} : vector<32x128xi32> to vector<16x128xi32>
      %slice3A_1843 = vector.extract_strided_slice %min3A_1841 {offsets = [16, 0], sizes = [16, 128], strides = [1, 1]} : vector<32x128xi32> to vector<16x128xi32>
      %min3A_1844 = arith.minsi %slice3A_1842, %slice3A_1843 : vector<16x128xi32>
      %slice3A_1845 = vector.extract_strided_slice %min3A_1844 {offsets = [0, 0], sizes = [8, 128], strides = [1, 1]} : vector<16x128xi32> to vector<8x128xi32>
      %slice3A_1846 = vector.extract_strided_slice %min3A_1844 {offsets = [8, 0], sizes = [8, 128], strides = [1, 1]} : vector<16x128xi32> to vector<8x128xi32>
      %min3A_1847 = arith.minsi %slice3A_1845, %slice3A_1846 : vector<8x128xi32>
      %get3A_1848 = arith.constant 128 : index
      %get3A_1849 = arith.constant 0 : index
      %get3A_1850 = vector.load %arg8[%get3A_1848, %get3A_1849] : memref<2048x128xi32, #tpu.memory_space<vmem>>, vector<128x128xi32>
      %sub3A_1851 = vector.broadcast %add3A_1830 : vector<1x128xi32> to vector<128x128xi32>
      %sub3A_1852 = arith.subi %get3A_1850, %sub3A_1851 : vector<128x128xi32>
      %slice3A_1853 = vector.extract_strided_slice %sub3A_1852 {offsets = [0, 0], sizes = [64, 128], strides = [1, 1]} : vector<128x128xi32> to vector<64x128xi32>
      %slice3A_1854 = vector.extract_strided_slice %sub3A_1852 {offsets = [64, 0], sizes = [64, 128], strides = [1, 1]} : vector<128x128xi32> to vector<64x128xi32>
      %min3A_1855 = arith.minsi %slice3A_1853, %slice3A_1854 : vector<64x128xi32>
      %slice3A_1856 = vector.extract_strided_slice %min3A_1855 {offsets = [0, 0], sizes = [32, 128], strides = [1, 1]} : vector<64x128xi32> to vector<32x128xi32>
      %slice3A_1857 = vector.extract_strided_slice %min3A_1855 {offsets = [32, 0], sizes = [32, 128], strides = [1, 1]} : vector<64x128xi32> to vector<32x128xi32>
      %min3A_1858 = arith.minsi %slice3A_1856, %slice3A_1857 : vector<32x128xi32>
      %slice3A_1859 = vector.extract_strided_slice %min3A_1858 {offsets = [0, 0], sizes = [16, 128], strides = [1, 1]} : vector<32x128xi32> to vector<16x128xi32>
      %slice3A_1860 = vector.extract_strided_slice %min3A_1858 {offsets = [16, 0], sizes = [16, 128], strides = [1, 1]} : vector<32x128xi32> to vector<16x128xi32>
      %min3A_1861 = arith.minsi %slice3A_1859, %slice3A_1860 : vector<16x128xi32>
      %slice3A_1862 = vector.extract_strided_slice %min3A_1861 {offsets = [0, 0], sizes = [8, 128], strides = [1, 1]} : vector<16x128xi32> to vector<8x128xi32>
      %slice3A_1863 = vector.extract_strided_slice %min3A_1861 {offsets = [8, 0], sizes = [8, 128], strides = [1, 1]} : vector<16x128xi32> to vector<8x128xi32>
      %min3A_1864 = arith.minsi %slice3A_1862, %slice3A_1863 : vector<8x128xi32>
      %min3A_1865 = arith.minsi %min3A_1847, %min3A_1864 : vector<8x128xi32>
      %get3A_1866 = arith.constant 256 : index
      %get3A_1867 = arith.constant 0 : index
      %get3A_1868 = vector.load %arg8[%get3A_1866, %get3A_1867] : memref<2048x128xi32, #tpu.memory_space<vmem>>, vector<128x128xi32>
      %sub3A_1869 = vector.broadcast %add3A_1830 : vector<1x128xi32> to vector<128x128xi32>
      %sub3A_1870 = arith.subi %get3A_1868, %sub3A_1869 : vector<128x128xi32>
      %slice3A_1871 = vector.extract_strided_slice %sub3A_1870 {offsets = [0, 0], sizes = [64, 128], strides = [1, 1]} : vector<128x128xi32> to vector<64x128xi32>
      %slice3A_1872 = vector.extract_strided_slice %sub3A_1870 {offsets = [64, 0], sizes = [64, 128], strides = [1, 1]} : vector<128x128xi32> to vector<64x128xi32>
      %min3A_1873 = arith.minsi %slice3A_1871, %slice3A_1872 : vector<64x128xi32>
      %slice3A_1874 = vector.extract_strided_slice %min3A_1873 {offsets = [0, 0], sizes = [32, 128], strides = [1, 1]} : vector<64x128xi32> to vector<32x128xi32>
      %slice3A_1875 = vector.extract_strided_slice %min3A_1873 {offsets = [32, 0], sizes = [32, 128], strides = [1, 1]} : vector<64x128xi32> to vector<32x128xi32>
      %min3A_1876 = arith.minsi %slice3A_1874, %slice3A_1875 : vector<32x128xi32>
      %slice3A_1877 = vector.extract_strided_slice %min3A_1876 {offsets = [0, 0], sizes = [16, 128], strides = [1, 1]} : vector<32x128xi32> to vector<16x128xi32>
      %slice3A_1878 = vector.extract_strided_slice %min3A_1876 {offsets = [16, 0], sizes = [16, 128], strides = [1, 1]} : vector<32x128xi32> to vector<16x128xi32>
      %min3A_1879 = arith.minsi %slice3A_1877, %slice3A_1878 : vector<16x128xi32>
      %slice3A_1880 = vector.extract_strided_slice %min3A_1879 {offsets = [0, 0], sizes = [8, 128], strides = [1, 1]} : vector<16x128xi32> to vector<8x128xi32>
      %slice3A_1881 = vector.extract_strided_slice %min3A_1879 {offsets = [8, 0], sizes = [8, 128], strides = [1, 1]} : vector<16x128xi32> to vector<8x128xi32>
      %min3A_1882 = arith.minsi %slice3A_1880, %slice3A_1881 : vector<8x128xi32>
      %min3A_1883 = arith.minsi %min3A_1865, %min3A_1882 : vector<8x128xi32>
      %get3A_1884 = arith.constant 384 : index
      %get3A_1885 = arith.constant 0 : index
      %get3A_1886 = vector.load %arg8[%get3A_1884, %get3A_1885] : memref<2048x128xi32, #tpu.memory_space<vmem>>, vector<128x128xi32>
      %sub3A_1887 = vector.broadcast %add3A_1830 : vector<1x128xi32> to vector<128x128xi32>
      %sub3A_1888 = arith.subi %get3A_1886, %sub3A_1887 : vector<128x128xi32>
      %slice3A_1889 = vector.extract_strided_slice %sub3A_1888 {offsets = [0, 0], sizes = [64, 128], strides = [1, 1]} : vector<128x128xi32> to vector<64x128xi32>
      %slice3A_1890 = vector.extract_strided_slice %sub3A_1888 {offsets = [64, 0], sizes = [64, 128], strides = [1, 1]} : vector<128x128xi32> to vector<64x128xi32>
      %min3A_1891 = arith.minsi %slice3A_1889, %slice3A_1890 : vector<64x128xi32>
      %slice3A_1892 = vector.extract_strided_slice %min3A_1891 {offsets = [0, 0], sizes = [32, 128], strides = [1, 1]} : vector<64x128xi32> to vector<32x128xi32>
      %slice3A_1893 = vector.extract_strided_slice %min3A_1891 {offsets = [32, 0], sizes = [32, 128], strides = [1, 1]} : vector<64x128xi32> to vector<32x128xi32>
      %min3A_1894 = arith.minsi %slice3A_1892, %slice3A_1893 : vector<32x128xi32>
      %slice3A_1895 = vector.extract_strided_slice %min3A_1894 {offsets = [0, 0], sizes = [16, 128], strides = [1, 1]} : vector<32x128xi32> to vector<16x128xi32>
      %slice3A_1896 = vector.extract_strided_slice %min3A_1894 {offsets = [16, 0], sizes = [16, 128], strides = [1, 1]} : vector<32x128xi32> to vector<16x128xi32>
      %min3A_1897 = arith.minsi %slice3A_1895, %slice3A_1896 : vector<16x128xi32>
      %slice3A_1898 = vector.extract_strided_slice %min3A_1897 {offsets = [0, 0], sizes = [8, 128], strides = [1, 1]} : vector<16x128xi32> to vector<8x128xi32>
      %slice3A_1899 = vector.extract_strided_slice %min3A_1897 {offsets = [8, 0], sizes = [8, 128], strides = [1, 1]} : vector<16x128xi32> to vector<8x128xi32>
      %min3A_1900 = arith.minsi %slice3A_1898, %slice3A_1899 : vector<8x128xi32>
      %min3A_1901 = arith.minsi %min3A_1883, %min3A_1900 : vector<8x128xi32>
      %get3A_1902 = arith.constant 512 : index
      %get3A_1903 = arith.constant 0 : index
      %get3A_1904 = vector.load %arg8[%get3A_1902, %get3A_1903] : memref<2048x128xi32, #tpu.memory_space<vmem>>, vector<128x128xi32>
      %sub3A_1905 = vector.broadcast %add3A_1830 : vector<1x128xi32> to vector<128x128xi32>
      %sub3A_1906 = arith.subi %get3A_1904, %sub3A_1905 : vector<128x128xi32>
      %slice3A_1907 = vector.extract_strided_slice %sub3A_1906 {offsets = [0, 0], sizes = [64, 128], strides = [1, 1]} : vector<128x128xi32> to vector<64x128xi32>
      %slice3A_1908 = vector.extract_strided_slice %sub3A_1906 {offsets = [64, 0], sizes = [64, 128], strides = [1, 1]} : vector<128x128xi32> to vector<64x128xi32>
      %min3A_1909 = arith.minsi %slice3A_1907, %slice3A_1908 : vector<64x128xi32>
      %slice3A_1910 = vector.extract_strided_slice %min3A_1909 {offsets = [0, 0], sizes = [32, 128], strides = [1, 1]} : vector<64x128xi32> to vector<32x128xi32>
      %slice3A_1911 = vector.extract_strided_slice %min3A_1909 {offsets = [32, 0], sizes = [32, 128], strides = [1, 1]} : vector<64x128xi32> to vector<32x128xi32>
      %min3A_1912 = arith.minsi %slice3A_1910, %slice3A_1911 : vector<32x128xi32>
      %slice3A_1913 = vector.extract_strided_slice %min3A_1912 {offsets = [0, 0], sizes = [16, 128], strides = [1, 1]} : vector<32x128xi32> to vector<16x128xi32>
      %slice3A_1914 = vector.extract_strided_slice %min3A_1912 {offsets = [16, 0], sizes = [16, 128], strides = [1, 1]} : vector<32x128xi32> to vector<16x128xi32>
      %min3A_1915 = arith.minsi %slice3A_1913, %slice3A_1914 : vector<16x128xi32>
      %slice3A_1916 = vector.extract_strided_slice %min3A_1915 {offsets = [0, 0], sizes = [8, 128], strides = [1, 1]} : vector<16x128xi32> to vector<8x128xi32>
      %slice3A_1917 = vector.extract_strided_slice %min3A_1915 {offsets = [8, 0], sizes = [8, 128], strides = [1, 1]} : vector<16x128xi32> to vector<8x128xi32>
      %min3A_1918 = arith.minsi %slice3A_1916, %slice3A_1917 : vector<8x128xi32>
      %min3A_1919 = arith.minsi %min3A_1901, %min3A_1918 : vector<8x128xi32>
      %get3A_1920 = arith.constant 640 : index
      %get3A_1921 = arith.constant 0 : index
      %get3A_1922 = vector.load %arg8[%get3A_1920, %get3A_1921] : memref<2048x128xi32, #tpu.memory_space<vmem>>, vector<128x128xi32>
      %sub3A_1923 = vector.broadcast %add3A_1830 : vector<1x128xi32> to vector<128x128xi32>
      %sub3A_1924 = arith.subi %get3A_1922, %sub3A_1923 : vector<128x128xi32>
      %slice3A_1925 = vector.extract_strided_slice %sub3A_1924 {offsets = [0, 0], sizes = [64, 128], strides = [1, 1]} : vector<128x128xi32> to vector<64x128xi32>
      %slice3A_1926 = vector.extract_strided_slice %sub3A_1924 {offsets = [64, 0], sizes = [64, 128], strides = [1, 1]} : vector<128x128xi32> to vector<64x128xi32>
      %min3A_1927 = arith.minsi %slice3A_1925, %slice3A_1926 : vector<64x128xi32>
      %slice3A_1928 = vector.extract_strided_slice %min3A_1927 {offsets = [0, 0], sizes = [32, 128], strides = [1, 1]} : vector<64x128xi32> to vector<32x128xi32>
      %slice3A_1929 = vector.extract_strided_slice %min3A_1927 {offsets = [32, 0], sizes = [32, 128], strides = [1, 1]} : vector<64x128xi32> to vector<32x128xi32>
      %min3A_1930 = arith.minsi %slice3A_1928, %slice3A_1929 : vector<32x128xi32>
      %slice3A_1931 = vector.extract_strided_slice %min3A_1930 {offsets = [0, 0], sizes = [16, 128], strides = [1, 1]} : vector<32x128xi32> to vector<16x128xi32>
      %slice3A_1932 = vector.extract_strided_slice %min3A_1930 {offsets = [16, 0], sizes = [16, 128], strides = [1, 1]} : vector<32x128xi32> to vector<16x128xi32>
      %min3A_1933 = arith.minsi %slice3A_1931, %slice3A_1932 : vector<16x128xi32>
      %slice3A_1934 = vector.extract_strided_slice %min3A_1933 {offsets = [0, 0], sizes = [8, 128], strides = [1, 1]} : vector<16x128xi32> to vector<8x128xi32>
      %slice3A_1935 = vector.extract_strided_slice %min3A_1933 {offsets = [8, 0], sizes = [8, 128], strides = [1, 1]} : vector<16x128xi32> to vector<8x128xi32>
      %min3A_1936 = arith.minsi %slice3A_1934, %slice3A_1935 : vector<8x128xi32>
      %min3A_1937 = arith.minsi %min3A_1919, %min3A_1936 : vector<8x128xi32>
      %get3A_1938 = arith.constant 768 : index
      %get3A_1939 = arith.constant 0 : index
      %get3A_1940 = vector.load %arg8[%get3A_1938, %get3A_1939] : memref<2048x128xi32, #tpu.memory_space<vmem>>, vector<128x128xi32>
      %sub3A_1941 = vector.broadcast %add3A_1830 : vector<1x128xi32> to vector<128x128xi32>
      %sub3A_1942 = arith.subi %get3A_1940, %sub3A_1941 : vector<128x128xi32>
      %slice3A_1943 = vector.extract_strided_slice %sub3A_1942 {offsets = [0, 0], sizes = [64, 128], strides = [1, 1]} : vector<128x128xi32> to vector<64x128xi32>
      %slice3A_1944 = vector.extract_strided_slice %sub3A_1942 {offsets = [64, 0], sizes = [64, 128], strides = [1, 1]} : vector<128x128xi32> to vector<64x128xi32>
      %min3A_1945 = arith.minsi %slice3A_1943, %slice3A_1944 : vector<64x128xi32>
      %slice3A_1946 = vector.extract_strided_slice %min3A_1945 {offsets = [0, 0], sizes = [32, 128], strides = [1, 1]} : vector<64x128xi32> to vector<32x128xi32>
      %slice3A_1947 = vector.extract_strided_slice %min3A_1945 {offsets = [32, 0], sizes = [32, 128], strides = [1, 1]} : vector<64x128xi32> to vector<32x128xi32>
      %min3A_1948 = arith.minsi %slice3A_1946, %slice3A_1947 : vector<32x128xi32>
      %slice3A_1949 = vector.extract_strided_slice %min3A_1948 {offsets = [0, 0], sizes = [16, 128], strides = [1, 1]} : vector<32x128xi32> to vector<16x128xi32>
      %slice3A_1950 = vector.extract_strided_slice %min3A_1948 {offsets = [16, 0], sizes = [16, 128], strides = [1, 1]} : vector<32x128xi32> to vector<16x128xi32>
      %min3A_1951 = arith.minsi %slice3A_1949, %slice3A_1950 : vector<16x128xi32>
      %slice3A_1952 = vector.extract_strided_slice %min3A_1951 {offsets = [0, 0], sizes = [8, 128], strides = [1, 1]} : vector<16x128xi32> to vector<8x128xi32>
      %slice3A_1953 = vector.extract_strided_slice %min3A_1951 {offsets = [8, 0], sizes = [8, 128], strides = [1, 1]} : vector<16x128xi32> to vector<8x128xi32>
      %min3A_1954 = arith.minsi %slice3A_1952, %slice3A_1953 : vector<8x128xi32>
      %min3A_1955 = arith.minsi %min3A_1937, %min3A_1954 : vector<8x128xi32>
      %get3A_1956 = arith.constant 896 : index
      %get3A_1957 = arith.constant 0 : index
      %get3A_1958 = vector.load %arg8[%get3A_1956, %get3A_1957] : memref<2048x128xi32, #tpu.memory_space<vmem>>, vector<128x128xi32>
      %sub3A_1959 = vector.broadcast %add3A_1830 : vector<1x128xi32> to vector<128x128xi32>
      %sub3A_1960 = arith.subi %get3A_1958, %sub3A_1959 : vector<128x128xi32>
      %slice3A_1961 = vector.extract_strided_slice %sub3A_1960 {offsets = [0, 0], sizes = [64, 128], strides = [1, 1]} : vector<128x128xi32> to vector<64x128xi32>
      %slice3A_1962 = vector.extract_strided_slice %sub3A_1960 {offsets = [64, 0], sizes = [64, 128], strides = [1, 1]} : vector<128x128xi32> to vector<64x128xi32>
      %min3A_1963 = arith.minsi %slice3A_1961, %slice3A_1962 : vector<64x128xi32>
      %slice3A_1964 = vector.extract_strided_slice %min3A_1963 {offsets = [0, 0], sizes = [32, 128], strides = [1, 1]} : vector<64x128xi32> to vector<32x128xi32>
      %slice3A_1965 = vector.extract_strided_slice %min3A_1963 {offsets = [32, 0], sizes = [32, 128], strides = [1, 1]} : vector<64x128xi32> to vector<32x128xi32>
      %min3A_1966 = arith.minsi %slice3A_1964, %slice3A_1965 : vector<32x128xi32>
      %slice3A_1967 = vector.extract_strided_slice %min3A_1966 {offsets = [0, 0], sizes = [16, 128], strides = [1, 1]} : vector<32x128xi32> to vector<16x128xi32>
      %slice3A_1968 = vector.extract_strided_slice %min3A_1966 {offsets = [16, 0], sizes = [16, 128], strides = [1, 1]} : vector<32x128xi32> to vector<16x128xi32>
      %min3A_1969 = arith.minsi %slice3A_1967, %slice3A_1968 : vector<16x128xi32>
      %slice3A_1970 = vector.extract_strided_slice %min3A_1969 {offsets = [0, 0], sizes = [8, 128], strides = [1, 1]} : vector<16x128xi32> to vector<8x128xi32>
      %slice3A_1971 = vector.extract_strided_slice %min3A_1969 {offsets = [8, 0], sizes = [8, 128], strides = [1, 1]} : vector<16x128xi32> to vector<8x128xi32>
      %min3A_1972 = arith.minsi %slice3A_1970, %slice3A_1971 : vector<8x128xi32>
      %min3A_1973 = arith.minsi %min3A_1955, %min3A_1972 : vector<8x128xi32>
      %get3A_1974 = arith.constant 1024 : index
      %get3A_1975 = arith.constant 0 : index
      %get3A_1976 = vector.load %arg8[%get3A_1974, %get3A_1975] : memref<2048x128xi32, #tpu.memory_space<vmem>>, vector<128x128xi32>
      %sub3A_1977 = vector.broadcast %add3A_1830 : vector<1x128xi32> to vector<128x128xi32>
      %sub3A_1978 = arith.subi %get3A_1976, %sub3A_1977 : vector<128x128xi32>
      %slice3A_1979 = vector.extract_strided_slice %sub3A_1978 {offsets = [0, 0], sizes = [64, 128], strides = [1, 1]} : vector<128x128xi32> to vector<64x128xi32>
      %slice3A_1980 = vector.extract_strided_slice %sub3A_1978 {offsets = [64, 0], sizes = [64, 128], strides = [1, 1]} : vector<128x128xi32> to vector<64x128xi32>
      %min3A_1981 = arith.minsi %slice3A_1979, %slice3A_1980 : vector<64x128xi32>
      %slice3A_1982 = vector.extract_strided_slice %min3A_1981 {offsets = [0, 0], sizes = [32, 128], strides = [1, 1]} : vector<64x128xi32> to vector<32x128xi32>
      %slice3A_1983 = vector.extract_strided_slice %min3A_1981 {offsets = [32, 0], sizes = [32, 128], strides = [1, 1]} : vector<64x128xi32> to vector<32x128xi32>
      %min3A_1984 = arith.minsi %slice3A_1982, %slice3A_1983 : vector<32x128xi32>
      %slice3A_1985 = vector.extract_strided_slice %min3A_1984 {offsets = [0, 0], sizes = [16, 128], strides = [1, 1]} : vector<32x128xi32> to vector<16x128xi32>
      %slice3A_1986 = vector.extract_strided_slice %min3A_1984 {offsets = [16, 0], sizes = [16, 128], strides = [1, 1]} : vector<32x128xi32> to vector<16x128xi32>
      %min3A_1987 = arith.minsi %slice3A_1985, %slice3A_1986 : vector<16x128xi32>
      %slice3A_1988 = vector.extract_strided_slice %min3A_1987 {offsets = [0, 0], sizes = [8, 128], strides = [1, 1]} : vector<16x128xi32> to vector<8x128xi32>
      %slice3A_1989 = vector.extract_strided_slice %min3A_1987 {offsets = [8, 0], sizes = [8, 128], strides = [1, 1]} : vector<16x128xi32> to vector<8x128xi32>
      %min3A_1990 = arith.minsi %slice3A_1988, %slice3A_1989 : vector<8x128xi32>
      %min3A_1991 = arith.minsi %min3A_1973, %min3A_1990 : vector<8x128xi32>
      %get3A_1992 = arith.constant 1152 : index
      %get3A_1993 = arith.constant 0 : index
      %get3A_1994 = vector.load %arg8[%get3A_1992, %get3A_1993] : memref<2048x128xi32, #tpu.memory_space<vmem>>, vector<128x128xi32>
      %sub3A_1995 = vector.broadcast %add3A_1830 : vector<1x128xi32> to vector<128x128xi32>
      %sub3A_1996 = arith.subi %get3A_1994, %sub3A_1995 : vector<128x128xi32>
      %slice3A_1997 = vector.extract_strided_slice %sub3A_1996 {offsets = [0, 0], sizes = [64, 128], strides = [1, 1]} : vector<128x128xi32> to vector<64x128xi32>
      %slice3A_1998 = vector.extract_strided_slice %sub3A_1996 {offsets = [64, 0], sizes = [64, 128], strides = [1, 1]} : vector<128x128xi32> to vector<64x128xi32>
      %min3A_1999 = arith.minsi %slice3A_1997, %slice3A_1998 : vector<64x128xi32>
      %slice3A_2000 = vector.extract_strided_slice %min3A_1999 {offsets = [0, 0], sizes = [32, 128], strides = [1, 1]} : vector<64x128xi32> to vector<32x128xi32>
      %slice3A_2001 = vector.extract_strided_slice %min3A_1999 {offsets = [32, 0], sizes = [32, 128], strides = [1, 1]} : vector<64x128xi32> to vector<32x128xi32>
      %min3A_2002 = arith.minsi %slice3A_2000, %slice3A_2001 : vector<32x128xi32>
      %slice3A_2003 = vector.extract_strided_slice %min3A_2002 {offsets = [0, 0], sizes = [16, 128], strides = [1, 1]} : vector<32x128xi32> to vector<16x128xi32>
      %slice3A_2004 = vector.extract_strided_slice %min3A_2002 {offsets = [16, 0], sizes = [16, 128], strides = [1, 1]} : vector<32x128xi32> to vector<16x128xi32>
      %min3A_2005 = arith.minsi %slice3A_2003, %slice3A_2004 : vector<16x128xi32>
      %slice3A_2006 = vector.extract_strided_slice %min3A_2005 {offsets = [0, 0], sizes = [8, 128], strides = [1, 1]} : vector<16x128xi32> to vector<8x128xi32>
      %slice3A_2007 = vector.extract_strided_slice %min3A_2005 {offsets = [8, 0], sizes = [8, 128], strides = [1, 1]} : vector<16x128xi32> to vector<8x128xi32>
      %min3A_2008 = arith.minsi %slice3A_2006, %slice3A_2007 : vector<8x128xi32>
      %min3A_2009 = arith.minsi %min3A_1991, %min3A_2008 : vector<8x128xi32>
      %get3A_2010 = arith.constant 1280 : index
      %get3A_2011 = arith.constant 0 : index
      %get3A_2012 = vector.load %arg8[%get3A_2010, %get3A_2011] : memref<2048x128xi32, #tpu.memory_space<vmem>>, vector<128x128xi32>
      %sub3A_2013 = vector.broadcast %add3A_1830 : vector<1x128xi32> to vector<128x128xi32>
      %sub3A_2014 = arith.subi %get3A_2012, %sub3A_2013 : vector<128x128xi32>
      %slice3A_2015 = vector.extract_strided_slice %sub3A_2014 {offsets = [0, 0], sizes = [64, 128], strides = [1, 1]} : vector<128x128xi32> to vector<64x128xi32>
      %slice3A_2016 = vector.extract_strided_slice %sub3A_2014 {offsets = [64, 0], sizes = [64, 128], strides = [1, 1]} : vector<128x128xi32> to vector<64x128xi32>
      %min3A_2017 = arith.minsi %slice3A_2015, %slice3A_2016 : vector<64x128xi32>
      %slice3A_2018 = vector.extract_strided_slice %min3A_2017 {offsets = [0, 0], sizes = [32, 128], strides = [1, 1]} : vector<64x128xi32> to vector<32x128xi32>
      %slice3A_2019 = vector.extract_strided_slice %min3A_2017 {offsets = [32, 0], sizes = [32, 128], strides = [1, 1]} : vector<64x128xi32> to vector<32x128xi32>
      %min3A_2020 = arith.minsi %slice3A_2018, %slice3A_2019 : vector<32x128xi32>
      %slice3A_2021 = vector.extract_strided_slice %min3A_2020 {offsets = [0, 0], sizes = [16, 128], strides = [1, 1]} : vector<32x128xi32> to vector<16x128xi32>
      %slice3A_2022 = vector.extract_strided_slice %min3A_2020 {offsets = [16, 0], sizes = [16, 128], strides = [1, 1]} : vector<32x128xi32> to vector<16x128xi32>
      %min3A_2023 = arith.minsi %slice3A_2021, %slice3A_2022 : vector<16x128xi32>
      %slice3A_2024 = vector.extract_strided_slice %min3A_2023 {offsets = [0, 0], sizes = [8, 128], strides = [1, 1]} : vector<16x128xi32> to vector<8x128xi32>
      %slice3A_2025 = vector.extract_strided_slice %min3A_2023 {offsets = [8, 0], sizes = [8, 128], strides = [1, 1]} : vector<16x128xi32> to vector<8x128xi32>
      %min3A_2026 = arith.minsi %slice3A_2024, %slice3A_2025 : vector<8x128xi32>
      %min3A_2027 = arith.minsi %min3A_2009, %min3A_2026 : vector<8x128xi32>
      %get3A_2028 = arith.constant 1408 : index
      %get3A_2029 = arith.constant 0 : index
      %get3A_2030 = vector.load %arg8[%get3A_2028, %get3A_2029] : memref<2048x128xi32, #tpu.memory_space<vmem>>, vector<128x128xi32>
      %sub3A_2031 = vector.broadcast %add3A_1830 : vector<1x128xi32> to vector<128x128xi32>
      %sub3A_2032 = arith.subi %get3A_2030, %sub3A_2031 : vector<128x128xi32>
      %slice3A_2033 = vector.extract_strided_slice %sub3A_2032 {offsets = [0, 0], sizes = [64, 128], strides = [1, 1]} : vector<128x128xi32> to vector<64x128xi32>
      %slice3A_2034 = vector.extract_strided_slice %sub3A_2032 {offsets = [64, 0], sizes = [64, 128], strides = [1, 1]} : vector<128x128xi32> to vector<64x128xi32>
      %min3A_2035 = arith.minsi %slice3A_2033, %slice3A_2034 : vector<64x128xi32>
      %slice3A_2036 = vector.extract_strided_slice %min3A_2035 {offsets = [0, 0], sizes = [32, 128], strides = [1, 1]} : vector<64x128xi32> to vector<32x128xi32>
      %slice3A_2037 = vector.extract_strided_slice %min3A_2035 {offsets = [32, 0], sizes = [32, 128], strides = [1, 1]} : vector<64x128xi32> to vector<32x128xi32>
      %min3A_2038 = arith.minsi %slice3A_2036, %slice3A_2037 : vector<32x128xi32>
      %slice3A_2039 = vector.extract_strided_slice %min3A_2038 {offsets = [0, 0], sizes = [16, 128], strides = [1, 1]} : vector<32x128xi32> to vector<16x128xi32>
      %slice3A_2040 = vector.extract_strided_slice %min3A_2038 {offsets = [16, 0], sizes = [16, 128], strides = [1, 1]} : vector<32x128xi32> to vector<16x128xi32>
      %min3A_2041 = arith.minsi %slice3A_2039, %slice3A_2040 : vector<16x128xi32>
      %slice3A_2042 = vector.extract_strided_slice %min3A_2041 {offsets = [0, 0], sizes = [8, 128], strides = [1, 1]} : vector<16x128xi32> to vector<8x128xi32>
      %slice3A_2043 = vector.extract_strided_slice %min3A_2041 {offsets = [8, 0], sizes = [8, 128], strides = [1, 1]} : vector<16x128xi32> to vector<8x128xi32>
      %min3A_2044 = arith.minsi %slice3A_2042, %slice3A_2043 : vector<8x128xi32>
      %min3A_2045 = arith.minsi %min3A_2027, %min3A_2044 : vector<8x128xi32>
      %get3A_2046 = arith.constant 1536 : index
      %get3A_2047 = arith.constant 0 : index
      %get3A_2048 = vector.load %arg8[%get3A_2046, %get3A_2047] : memref<2048x128xi32, #tpu.memory_space<vmem>>, vector<128x128xi32>
      %sub3A_2049 = vector.broadcast %add3A_1830 : vector<1x128xi32> to vector<128x128xi32>
      %sub3A_2050 = arith.subi %get3A_2048, %sub3A_2049 : vector<128x128xi32>
      %slice3A_2051 = vector.extract_strided_slice %sub3A_2050 {offsets = [0, 0], sizes = [64, 128], strides = [1, 1]} : vector<128x128xi32> to vector<64x128xi32>
      %slice3A_2052 = vector.extract_strided_slice %sub3A_2050 {offsets = [64, 0], sizes = [64, 128], strides = [1, 1]} : vector<128x128xi32> to vector<64x128xi32>
      %min3A_2053 = arith.minsi %slice3A_2051, %slice3A_2052 : vector<64x128xi32>
      %slice3A_2054 = vector.extract_strided_slice %min3A_2053 {offsets = [0, 0], sizes = [32, 128], strides = [1, 1]} : vector<64x128xi32> to vector<32x128xi32>
      %slice3A_2055 = vector.extract_strided_slice %min3A_2053 {offsets = [32, 0], sizes = [32, 128], strides = [1, 1]} : vector<64x128xi32> to vector<32x128xi32>
      %min3A_2056 = arith.minsi %slice3A_2054, %slice3A_2055 : vector<32x128xi32>
      %slice3A_2057 = vector.extract_strided_slice %min3A_2056 {offsets = [0, 0], sizes = [16, 128], strides = [1, 1]} : vector<32x128xi32> to vector<16x128xi32>
      %slice3A_2058 = vector.extract_strided_slice %min3A_2056 {offsets = [16, 0], sizes = [16, 128], strides = [1, 1]} : vector<32x128xi32> to vector<16x128xi32>
      %min3A_2059 = arith.minsi %slice3A_2057, %slice3A_2058 : vector<16x128xi32>
      %slice3A_2060 = vector.extract_strided_slice %min3A_2059 {offsets = [0, 0], sizes = [8, 128], strides = [1, 1]} : vector<16x128xi32> to vector<8x128xi32>
      %slice3A_2061 = vector.extract_strided_slice %min3A_2059 {offsets = [8, 0], sizes = [8, 128], strides = [1, 1]} : vector<16x128xi32> to vector<8x128xi32>
      %min3A_2062 = arith.minsi %slice3A_2060, %slice3A_2061 : vector<8x128xi32>
      %min3A_2063 = arith.minsi %min3A_2045, %min3A_2062 : vector<8x128xi32>
      %get3A_2064 = arith.constant 1664 : index
      %get3A_2065 = arith.constant 0 : index
      %get3A_2066 = vector.load %arg8[%get3A_2064, %get3A_2065] : memref<2048x128xi32, #tpu.memory_space<vmem>>, vector<128x128xi32>
      %sub3A_2067 = vector.broadcast %add3A_1830 : vector<1x128xi32> to vector<128x128xi32>
      %sub3A_2068 = arith.subi %get3A_2066, %sub3A_2067 : vector<128x128xi32>
      %slice3A_2069 = vector.extract_strided_slice %sub3A_2068 {offsets = [0, 0], sizes = [64, 128], strides = [1, 1]} : vector<128x128xi32> to vector<64x128xi32>
      %slice3A_2070 = vector.extract_strided_slice %sub3A_2068 {offsets = [64, 0], sizes = [64, 128], strides = [1, 1]} : vector<128x128xi32> to vector<64x128xi32>
      %min3A_2071 = arith.minsi %slice3A_2069, %slice3A_2070 : vector<64x128xi32>
      %slice3A_2072 = vector.extract_strided_slice %min3A_2071 {offsets = [0, 0], sizes = [32, 128], strides = [1, 1]} : vector<64x128xi32> to vector<32x128xi32>
      %slice3A_2073 = vector.extract_strided_slice %min3A_2071 {offsets = [32, 0], sizes = [32, 128], strides = [1, 1]} : vector<64x128xi32> to vector<32x128xi32>
      %min3A_2074 = arith.minsi %slice3A_2072, %slice3A_2073 : vector<32x128xi32>
      %slice3A_2075 = vector.extract_strided_slice %min3A_2074 {offsets = [0, 0], sizes = [16, 128], strides = [1, 1]} : vector<32x128xi32> to vector<16x128xi32>
      %slice3A_2076 = vector.extract_strided_slice %min3A_2074 {offsets = [16, 0], sizes = [16, 128], strides = [1, 1]} : vector<32x128xi32> to vector<16x128xi32>
      %min3A_2077 = arith.minsi %slice3A_2075, %slice3A_2076 : vector<16x128xi32>
      %slice3A_2078 = vector.extract_strided_slice %min3A_2077 {offsets = [0, 0], sizes = [8, 128], strides = [1, 1]} : vector<16x128xi32> to vector<8x128xi32>
      %slice3A_2079 = vector.extract_strided_slice %min3A_2077 {offsets = [8, 0], sizes = [8, 128], strides = [1, 1]} : vector<16x128xi32> to vector<8x128xi32>
      %min3A_2080 = arith.minsi %slice3A_2078, %slice3A_2079 : vector<8x128xi32>
      %min3A_2081 = arith.minsi %min3A_2063, %min3A_2080 : vector<8x128xi32>
      %get3A_2082 = arith.constant 1792 : index
      %get3A_2083 = arith.constant 0 : index
      %get3A_2084 = vector.load %arg8[%get3A_2082, %get3A_2083] : memref<2048x128xi32, #tpu.memory_space<vmem>>, vector<128x128xi32>
      %sub3A_2085 = vector.broadcast %add3A_1830 : vector<1x128xi32> to vector<128x128xi32>
      %sub3A_2086 = arith.subi %get3A_2084, %sub3A_2085 : vector<128x128xi32>
      %slice3A_2087 = vector.extract_strided_slice %sub3A_2086 {offsets = [0, 0], sizes = [64, 128], strides = [1, 1]} : vector<128x128xi32> to vector<64x128xi32>
      %slice3A_2088 = vector.extract_strided_slice %sub3A_2086 {offsets = [64, 0], sizes = [64, 128], strides = [1, 1]} : vector<128x128xi32> to vector<64x128xi32>
      %min3A_2089 = arith.minsi %slice3A_2087, %slice3A_2088 : vector<64x128xi32>
      %slice3A_2090 = vector.extract_strided_slice %min3A_2089 {offsets = [0, 0], sizes = [32, 128], strides = [1, 1]} : vector<64x128xi32> to vector<32x128xi32>
      %slice3A_2091 = vector.extract_strided_slice %min3A_2089 {offsets = [32, 0], sizes = [32, 128], strides = [1, 1]} : vector<64x128xi32> to vector<32x128xi32>
      %min3A_2092 = arith.minsi %slice3A_2090, %slice3A_2091 : vector<32x128xi32>
      %slice3A_2093 = vector.extract_strided_slice %min3A_2092 {offsets = [0, 0], sizes = [16, 128], strides = [1, 1]} : vector<32x128xi32> to vector<16x128xi32>
      %slice3A_2094 = vector.extract_strided_slice %min3A_2092 {offsets = [16, 0], sizes = [16, 128], strides = [1, 1]} : vector<32x128xi32> to vector<16x128xi32>
      %min3A_2095 = arith.minsi %slice3A_2093, %slice3A_2094 : vector<16x128xi32>
      %slice3A_2096 = vector.extract_strided_slice %min3A_2095 {offsets = [0, 0], sizes = [8, 128], strides = [1, 1]} : vector<16x128xi32> to vector<8x128xi32>
      %slice3A_2097 = vector.extract_strided_slice %min3A_2095 {offsets = [8, 0], sizes = [8, 128], strides = [1, 1]} : vector<16x128xi32> to vector<8x128xi32>
      %min3A_2098 = arith.minsi %slice3A_2096, %slice3A_2097 : vector<8x128xi32>
      %min3A_2099 = arith.minsi %min3A_2081, %min3A_2098 : vector<8x128xi32>
      %get3A_2100 = arith.constant 1920 : index
      %get3A_2101 = arith.constant 0 : index
      %get3A_2102 = vector.load %arg8[%get3A_2100, %get3A_2101] : memref<2048x128xi32, #tpu.memory_space<vmem>>, vector<128x128xi32>
      %sub3A_2103 = vector.broadcast %add3A_1830 : vector<1x128xi32> to vector<128x128xi32>
      %sub3A_2104 = arith.subi %get3A_2102, %sub3A_2103 : vector<128x128xi32>
      %slice3A_2105 = vector.extract_strided_slice %sub3A_2104 {offsets = [0, 0], sizes = [64, 128], strides = [1, 1]} : vector<128x128xi32> to vector<64x128xi32>
      %slice3A_2106 = vector.extract_strided_slice %sub3A_2104 {offsets = [64, 0], sizes = [64, 128], strides = [1, 1]} : vector<128x128xi32> to vector<64x128xi32>
      %min3A_2107 = arith.minsi %slice3A_2105, %slice3A_2106 : vector<64x128xi32>
      %slice3A_2108 = vector.extract_strided_slice %min3A_2107 {offsets = [0, 0], sizes = [32, 128], strides = [1, 1]} : vector<64x128xi32> to vector<32x128xi32>
      %slice3A_2109 = vector.extract_strided_slice %min3A_2107 {offsets = [32, 0], sizes = [32, 128], strides = [1, 1]} : vector<64x128xi32> to vector<32x128xi32>
      %min3A_2110 = arith.minsi %slice3A_2108, %slice3A_2109 : vector<32x128xi32>
      %slice3A_2111 = vector.extract_strided_slice %min3A_2110 {offsets = [0, 0], sizes = [16, 128], strides = [1, 1]} : vector<32x128xi32> to vector<16x128xi32>
      %slice3A_2112 = vector.extract_strided_slice %min3A_2110 {offsets = [16, 0], sizes = [16, 128], strides = [1, 1]} : vector<32x128xi32> to vector<16x128xi32>
      %min3A_2113 = arith.minsi %slice3A_2111, %slice3A_2112 : vector<16x128xi32>
      %slice3A_2114 = vector.extract_strided_slice %min3A_2113 {offsets = [0, 0], sizes = [8, 128], strides = [1, 1]} : vector<16x128xi32> to vector<8x128xi32>
      %slice3A_2115 = vector.extract_strided_slice %min3A_2113 {offsets = [8, 0], sizes = [8, 128], strides = [1, 1]} : vector<16x128xi32> to vector<8x128xi32>
      %min3A_2116 = arith.minsi %slice3A_2114, %slice3A_2115 : vector<8x128xi32>
      %min3A_2117 = arith.minsi %min3A_2099, %min3A_2116 : vector<8x128xi32>
      %slice3A_2118 = vector.extract_strided_slice %min3A_2117 {offsets = [0, 0], sizes = [4, 128], strides = [1, 1]} : vector<8x128xi32> to vector<4x128xi32>
      %slice3A_2119 = vector.extract_strided_slice %min3A_2117 {offsets = [4, 0], sizes = [4, 128], strides = [1, 1]} : vector<8x128xi32> to vector<4x128xi32>
      %min3A_2120 = arith.minsi %slice3A_2118, %slice3A_2119 : vector<4x128xi32>
      %slice3A_2121 = vector.extract_strided_slice %min3A_2120 {offsets = [0, 0], sizes = [2, 128], strides = [1, 1]} : vector<4x128xi32> to vector<2x128xi32>
      %slice3A_2122 = vector.extract_strided_slice %min3A_2120 {offsets = [2, 0], sizes = [2, 128], strides = [1, 1]} : vector<4x128xi32> to vector<2x128xi32>
      %min3A_2123 = arith.minsi %slice3A_2121, %slice3A_2122 : vector<2x128xi32>
      %slice3A_2124 = vector.extract_strided_slice %min3A_2123 {offsets = [0, 0], sizes = [1, 128], strides = [1, 1]} : vector<2x128xi32> to vector<1x128xi32>
      %slice3A_2125 = vector.extract_strided_slice %min3A_2123 {offsets = [1, 0], sizes = [1, 128], strides = [1, 1]} : vector<2x128xi32> to vector<1x128xi32>
      %min3A_2126 = arith.minsi %slice3A_2124, %slice3A_2125 : vector<1x128xi32>
      %add3A_2127 = vector.broadcast %sub3A_1 : i32 to vector<1x128xi32>
      %add3A_2128 = arith.addi %scan3A_339, %add3A_2127 : vector<1x128xi32>
      %get3A_2129 = arith.constant 0 : index
      %get3A_2130 = arith.constant 0 : index
      %get3A_2131 = vector.load %arg9[%get3A_2129, %get3A_2130] : memref<2048x128xi32, #tpu.memory_space<vmem>>, vector<128x128xi32>
      %sub3A_2132 = vector.broadcast %add3A_2128 : vector<1x128xi32> to vector<128x128xi32>
      %sub3A_2133 = arith.subi %get3A_2131, %sub3A_2132 : vector<128x128xi32>
      %slice3A_2134 = vector.extract_strided_slice %sub3A_2133 {offsets = [0, 0], sizes = [64, 128], strides = [1, 1]} : vector<128x128xi32> to vector<64x128xi32>
      %slice3A_2135 = vector.extract_strided_slice %sub3A_2133 {offsets = [64, 0], sizes = [64, 128], strides = [1, 1]} : vector<128x128xi32> to vector<64x128xi32>
      %min3A_2136 = arith.minsi %slice3A_2134, %slice3A_2135 : vector<64x128xi32>
      %slice3A_2137 = vector.extract_strided_slice %min3A_2136 {offsets = [0, 0], sizes = [32, 128], strides = [1, 1]} : vector<64x128xi32> to vector<32x128xi32>
      %slice3A_2138 = vector.extract_strided_slice %min3A_2136 {offsets = [32, 0], sizes = [32, 128], strides = [1, 1]} : vector<64x128xi32> to vector<32x128xi32>
      %min3A_2139 = arith.minsi %slice3A_2137, %slice3A_2138 : vector<32x128xi32>
      %slice3A_2140 = vector.extract_strided_slice %min3A_2139 {offsets = [0, 0], sizes = [16, 128], strides = [1, 1]} : vector<32x128xi32> to vector<16x128xi32>
      %slice3A_2141 = vector.extract_strided_slice %min3A_2139 {offsets = [16, 0], sizes = [16, 128], strides = [1, 1]} : vector<32x128xi32> to vector<16x128xi32>
      %min3A_2142 = arith.minsi %slice3A_2140, %slice3A_2141 : vector<16x128xi32>
      %slice3A_2143 = vector.extract_strided_slice %min3A_2142 {offsets = [0, 0], sizes = [8, 128], strides = [1, 1]} : vector<16x128xi32> to vector<8x128xi32>
      %slice3A_2144 = vector.extract_strided_slice %min3A_2142 {offsets = [8, 0], sizes = [8, 128], strides = [1, 1]} : vector<16x128xi32> to vector<8x128xi32>
      %min3A_2145 = arith.minsi %slice3A_2143, %slice3A_2144 : vector<8x128xi32>
      %get3A_2146 = arith.constant 128 : index
      %get3A_2147 = arith.constant 0 : index
      %get3A_2148 = vector.load %arg9[%get3A_2146, %get3A_2147] : memref<2048x128xi32, #tpu.memory_space<vmem>>, vector<128x128xi32>
      %sub3A_2149 = vector.broadcast %add3A_2128 : vector<1x128xi32> to vector<128x128xi32>
      %sub3A_2150 = arith.subi %get3A_2148, %sub3A_2149 : vector<128x128xi32>
      %slice3A_2151 = vector.extract_strided_slice %sub3A_2150 {offsets = [0, 0], sizes = [64, 128], strides = [1, 1]} : vector<128x128xi32> to vector<64x128xi32>
      %slice3A_2152 = vector.extract_strided_slice %sub3A_2150 {offsets = [64, 0], sizes = [64, 128], strides = [1, 1]} : vector<128x128xi32> to vector<64x128xi32>
      %min3A_2153 = arith.minsi %slice3A_2151, %slice3A_2152 : vector<64x128xi32>
      %slice3A_2154 = vector.extract_strided_slice %min3A_2153 {offsets = [0, 0], sizes = [32, 128], strides = [1, 1]} : vector<64x128xi32> to vector<32x128xi32>
      %slice3A_2155 = vector.extract_strided_slice %min3A_2153 {offsets = [32, 0], sizes = [32, 128], strides = [1, 1]} : vector<64x128xi32> to vector<32x128xi32>
      %min3A_2156 = arith.minsi %slice3A_2154, %slice3A_2155 : vector<32x128xi32>
      %slice3A_2157 = vector.extract_strided_slice %min3A_2156 {offsets = [0, 0], sizes = [16, 128], strides = [1, 1]} : vector<32x128xi32> to vector<16x128xi32>
      %slice3A_2158 = vector.extract_strided_slice %min3A_2156 {offsets = [16, 0], sizes = [16, 128], strides = [1, 1]} : vector<32x128xi32> to vector<16x128xi32>
      %min3A_2159 = arith.minsi %slice3A_2157, %slice3A_2158 : vector<16x128xi32>
      %slice3A_2160 = vector.extract_strided_slice %min3A_2159 {offsets = [0, 0], sizes = [8, 128], strides = [1, 1]} : vector<16x128xi32> to vector<8x128xi32>
      %slice3A_2161 = vector.extract_strided_slice %min3A_2159 {offsets = [8, 0], sizes = [8, 128], strides = [1, 1]} : vector<16x128xi32> to vector<8x128xi32>
      %min3A_2162 = arith.minsi %slice3A_2160, %slice3A_2161 : vector<8x128xi32>
      %min3A_2163 = arith.minsi %min3A_2145, %min3A_2162 : vector<8x128xi32>
      %get3A_2164 = arith.constant 256 : index
      %get3A_2165 = arith.constant 0 : index
      %get3A_2166 = vector.load %arg9[%get3A_2164, %get3A_2165] : memref<2048x128xi32, #tpu.memory_space<vmem>>, vector<128x128xi32>
      %sub3A_2167 = vector.broadcast %add3A_2128 : vector<1x128xi32> to vector<128x128xi32>
      %sub3A_2168 = arith.subi %get3A_2166, %sub3A_2167 : vector<128x128xi32>
      %slice3A_2169 = vector.extract_strided_slice %sub3A_2168 {offsets = [0, 0], sizes = [64, 128], strides = [1, 1]} : vector<128x128xi32> to vector<64x128xi32>
      %slice3A_2170 = vector.extract_strided_slice %sub3A_2168 {offsets = [64, 0], sizes = [64, 128], strides = [1, 1]} : vector<128x128xi32> to vector<64x128xi32>
      %min3A_2171 = arith.minsi %slice3A_2169, %slice3A_2170 : vector<64x128xi32>
      %slice3A_2172 = vector.extract_strided_slice %min3A_2171 {offsets = [0, 0], sizes = [32, 128], strides = [1, 1]} : vector<64x128xi32> to vector<32x128xi32>
      %slice3A_2173 = vector.extract_strided_slice %min3A_2171 {offsets = [32, 0], sizes = [32, 128], strides = [1, 1]} : vector<64x128xi32> to vector<32x128xi32>
      %min3A_2174 = arith.minsi %slice3A_2172, %slice3A_2173 : vector<32x128xi32>
      %slice3A_2175 = vector.extract_strided_slice %min3A_2174 {offsets = [0, 0], sizes = [16, 128], strides = [1, 1]} : vector<32x128xi32> to vector<16x128xi32>
      %slice3A_2176 = vector.extract_strided_slice %min3A_2174 {offsets = [16, 0], sizes = [16, 128], strides = [1, 1]} : vector<32x128xi32> to vector<16x128xi32>
      %min3A_2177 = arith.minsi %slice3A_2175, %slice3A_2176 : vector<16x128xi32>
      %slice3A_2178 = vector.extract_strided_slice %min3A_2177 {offsets = [0, 0], sizes = [8, 128], strides = [1, 1]} : vector<16x128xi32> to vector<8x128xi32>
      %slice3A_2179 = vector.extract_strided_slice %min3A_2177 {offsets = [8, 0], sizes = [8, 128], strides = [1, 1]} : vector<16x128xi32> to vector<8x128xi32>
      %min3A_2180 = arith.minsi %slice3A_2178, %slice3A_2179 : vector<8x128xi32>
      %min3A_2181 = arith.minsi %min3A_2163, %min3A_2180 : vector<8x128xi32>
      %get3A_2182 = arith.constant 384 : index
      %get3A_2183 = arith.constant 0 : index
      %get3A_2184 = vector.load %arg9[%get3A_2182, %get3A_2183] : memref<2048x128xi32, #tpu.memory_space<vmem>>, vector<128x128xi32>
      %sub3A_2185 = vector.broadcast %add3A_2128 : vector<1x128xi32> to vector<128x128xi32>
      %sub3A_2186 = arith.subi %get3A_2184, %sub3A_2185 : vector<128x128xi32>
      %slice3A_2187 = vector.extract_strided_slice %sub3A_2186 {offsets = [0, 0], sizes = [64, 128], strides = [1, 1]} : vector<128x128xi32> to vector<64x128xi32>
      %slice3A_2188 = vector.extract_strided_slice %sub3A_2186 {offsets = [64, 0], sizes = [64, 128], strides = [1, 1]} : vector<128x128xi32> to vector<64x128xi32>
      %min3A_2189 = arith.minsi %slice3A_2187, %slice3A_2188 : vector<64x128xi32>
      %slice3A_2190 = vector.extract_strided_slice %min3A_2189 {offsets = [0, 0], sizes = [32, 128], strides = [1, 1]} : vector<64x128xi32> to vector<32x128xi32>
      %slice3A_2191 = vector.extract_strided_slice %min3A_2189 {offsets = [32, 0], sizes = [32, 128], strides = [1, 1]} : vector<64x128xi32> to vector<32x128xi32>
      %min3A_2192 = arith.minsi %slice3A_2190, %slice3A_2191 : vector<32x128xi32>
      %slice3A_2193 = vector.extract_strided_slice %min3A_2192 {offsets = [0, 0], sizes = [16, 128], strides = [1, 1]} : vector<32x128xi32> to vector<16x128xi32>
      %slice3A_2194 = vector.extract_strided_slice %min3A_2192 {offsets = [16, 0], sizes = [16, 128], strides = [1, 1]} : vector<32x128xi32> to vector<16x128xi32>
      %min3A_2195 = arith.minsi %slice3A_2193, %slice3A_2194 : vector<16x128xi32>
      %slice3A_2196 = vector.extract_strided_slice %min3A_2195 {offsets = [0, 0], sizes = [8, 128], strides = [1, 1]} : vector<16x128xi32> to vector<8x128xi32>
      %slice3A_2197 = vector.extract_strided_slice %min3A_2195 {offsets = [8, 0], sizes = [8, 128], strides = [1, 1]} : vector<16x128xi32> to vector<8x128xi32>
      %min3A_2198 = arith.minsi %slice3A_2196, %slice3A_2197 : vector<8x128xi32>
      %min3A_2199 = arith.minsi %min3A_2181, %min3A_2198 : vector<8x128xi32>
      %get3A_2200 = arith.constant 512 : index
      %get3A_2201 = arith.constant 0 : index
      %get3A_2202 = vector.load %arg9[%get3A_2200, %get3A_2201] : memref<2048x128xi32, #tpu.memory_space<vmem>>, vector<128x128xi32>
      %sub3A_2203 = vector.broadcast %add3A_2128 : vector<1x128xi32> to vector<128x128xi32>
      %sub3A_2204 = arith.subi %get3A_2202, %sub3A_2203 : vector<128x128xi32>
      %slice3A_2205 = vector.extract_strided_slice %sub3A_2204 {offsets = [0, 0], sizes = [64, 128], strides = [1, 1]} : vector<128x128xi32> to vector<64x128xi32>
      %slice3A_2206 = vector.extract_strided_slice %sub3A_2204 {offsets = [64, 0], sizes = [64, 128], strides = [1, 1]} : vector<128x128xi32> to vector<64x128xi32>
      %min3A_2207 = arith.minsi %slice3A_2205, %slice3A_2206 : vector<64x128xi32>
      %slice3A_2208 = vector.extract_strided_slice %min3A_2207 {offsets = [0, 0], sizes = [32, 128], strides = [1, 1]} : vector<64x128xi32> to vector<32x128xi32>
      %slice3A_2209 = vector.extract_strided_slice %min3A_2207 {offsets = [32, 0], sizes = [32, 128], strides = [1, 1]} : vector<64x128xi32> to vector<32x128xi32>
      %min3A_2210 = arith.minsi %slice3A_2208, %slice3A_2209 : vector<32x128xi32>
      %slice3A_2211 = vector.extract_strided_slice %min3A_2210 {offsets = [0, 0], sizes = [16, 128], strides = [1, 1]} : vector<32x128xi32> to vector<16x128xi32>
      %slice3A_2212 = vector.extract_strided_slice %min3A_2210 {offsets = [16, 0], sizes = [16, 128], strides = [1, 1]} : vector<32x128xi32> to vector<16x128xi32>
      %min3A_2213 = arith.minsi %slice3A_2211, %slice3A_2212 : vector<16x128xi32>
      %slice3A_2214 = vector.extract_strided_slice %min3A_2213 {offsets = [0, 0], sizes = [8, 128], strides = [1, 1]} : vector<16x128xi32> to vector<8x128xi32>
      %slice3A_2215 = vector.extract_strided_slice %min3A_2213 {offsets = [8, 0], sizes = [8, 128], strides = [1, 1]} : vector<16x128xi32> to vector<8x128xi32>
      %min3A_2216 = arith.minsi %slice3A_2214, %slice3A_2215 : vector<8x128xi32>
      %min3A_2217 = arith.minsi %min3A_2199, %min3A_2216 : vector<8x128xi32>
      %get3A_2218 = arith.constant 640 : index
      %get3A_2219 = arith.constant 0 : index
      %get3A_2220 = vector.load %arg9[%get3A_2218, %get3A_2219] : memref<2048x128xi32, #tpu.memory_space<vmem>>, vector<128x128xi32>
      %sub3A_2221 = vector.broadcast %add3A_2128 : vector<1x128xi32> to vector<128x128xi32>
      %sub3A_2222 = arith.subi %get3A_2220, %sub3A_2221 : vector<128x128xi32>
      %slice3A_2223 = vector.extract_strided_slice %sub3A_2222 {offsets = [0, 0], sizes = [64, 128], strides = [1, 1]} : vector<128x128xi32> to vector<64x128xi32>
      %slice3A_2224 = vector.extract_strided_slice %sub3A_2222 {offsets = [64, 0], sizes = [64, 128], strides = [1, 1]} : vector<128x128xi32> to vector<64x128xi32>
      %min3A_2225 = arith.minsi %slice3A_2223, %slice3A_2224 : vector<64x128xi32>
      %slice3A_2226 = vector.extract_strided_slice %min3A_2225 {offsets = [0, 0], sizes = [32, 128], strides = [1, 1]} : vector<64x128xi32> to vector<32x128xi32>
      %slice3A_2227 = vector.extract_strided_slice %min3A_2225 {offsets = [32, 0], sizes = [32, 128], strides = [1, 1]} : vector<64x128xi32> to vector<32x128xi32>
      %min3A_2228 = arith.minsi %slice3A_2226, %slice3A_2227 : vector<32x128xi32>
      %slice3A_2229 = vector.extract_strided_slice %min3A_2228 {offsets = [0, 0], sizes = [16, 128], strides = [1, 1]} : vector<32x128xi32> to vector<16x128xi32>
      %slice3A_2230 = vector.extract_strided_slice %min3A_2228 {offsets = [16, 0], sizes = [16, 128], strides = [1, 1]} : vector<32x128xi32> to vector<16x128xi32>
      %min3A_2231 = arith.minsi %slice3A_2229, %slice3A_2230 : vector<16x128xi32>
      %slice3A_2232 = vector.extract_strided_slice %min3A_2231 {offsets = [0, 0], sizes = [8, 128], strides = [1, 1]} : vector<16x128xi32> to vector<8x128xi32>
      %slice3A_2233 = vector.extract_strided_slice %min3A_2231 {offsets = [8, 0], sizes = [8, 128], strides = [1, 1]} : vector<16x128xi32> to vector<8x128xi32>
      %min3A_2234 = arith.minsi %slice3A_2232, %slice3A_2233 : vector<8x128xi32>
      %min3A_2235 = arith.minsi %min3A_2217, %min3A_2234 : vector<8x128xi32>
      %get3A_2236 = arith.constant 768 : index
      %get3A_2237 = arith.constant 0 : index
      %get3A_2238 = vector.load %arg9[%get3A_2236, %get3A_2237] : memref<2048x128xi32, #tpu.memory_space<vmem>>, vector<128x128xi32>
      %sub3A_2239 = vector.broadcast %add3A_2128 : vector<1x128xi32> to vector<128x128xi32>
      %sub3A_2240 = arith.subi %get3A_2238, %sub3A_2239 : vector<128x128xi32>
      %slice3A_2241 = vector.extract_strided_slice %sub3A_2240 {offsets = [0, 0], sizes = [64, 128], strides = [1, 1]} : vector<128x128xi32> to vector<64x128xi32>
      %slice3A_2242 = vector.extract_strided_slice %sub3A_2240 {offsets = [64, 0], sizes = [64, 128], strides = [1, 1]} : vector<128x128xi32> to vector<64x128xi32>
      %min3A_2243 = arith.minsi %slice3A_2241, %slice3A_2242 : vector<64x128xi32>
      %slice3A_2244 = vector.extract_strided_slice %min3A_2243 {offsets = [0, 0], sizes = [32, 128], strides = [1, 1]} : vector<64x128xi32> to vector<32x128xi32>
      %slice3A_2245 = vector.extract_strided_slice %min3A_2243 {offsets = [32, 0], sizes = [32, 128], strides = [1, 1]} : vector<64x128xi32> to vector<32x128xi32>
      %min3A_2246 = arith.minsi %slice3A_2244, %slice3A_2245 : vector<32x128xi32>
      %slice3A_2247 = vector.extract_strided_slice %min3A_2246 {offsets = [0, 0], sizes = [16, 128], strides = [1, 1]} : vector<32x128xi32> to vector<16x128xi32>
      %slice3A_2248 = vector.extract_strided_slice %min3A_2246 {offsets = [16, 0], sizes = [16, 128], strides = [1, 1]} : vector<32x128xi32> to vector<16x128xi32>
      %min3A_2249 = arith.minsi %slice3A_2247, %slice3A_2248 : vector<16x128xi32>
      %slice3A_2250 = vector.extract_strided_slice %min3A_2249 {offsets = [0, 0], sizes = [8, 128], strides = [1, 1]} : vector<16x128xi32> to vector<8x128xi32>
      %slice3A_2251 = vector.extract_strided_slice %min3A_2249 {offsets = [8, 0], sizes = [8, 128], strides = [1, 1]} : vector<16x128xi32> to vector<8x128xi32>
      %min3A_2252 = arith.minsi %slice3A_2250, %slice3A_2251 : vector<8x128xi32>
      %min3A_2253 = arith.minsi %min3A_2235, %min3A_2252 : vector<8x128xi32>
      %get3A_2254 = arith.constant 896 : index
      %get3A_2255 = arith.constant 0 : index
      %get3A_2256 = vector.load %arg9[%get3A_2254, %get3A_2255] : memref<2048x128xi32, #tpu.memory_space<vmem>>, vector<128x128xi32>
      %sub3A_2257 = vector.broadcast %add3A_2128 : vector<1x128xi32> to vector<128x128xi32>
      %sub3A_2258 = arith.subi %get3A_2256, %sub3A_2257 : vector<128x128xi32>
      %slice3A_2259 = vector.extract_strided_slice %sub3A_2258 {offsets = [0, 0], sizes = [64, 128], strides = [1, 1]} : vector<128x128xi32> to vector<64x128xi32>
      %slice3A_2260 = vector.extract_strided_slice %sub3A_2258 {offsets = [64, 0], sizes = [64, 128], strides = [1, 1]} : vector<128x128xi32> to vector<64x128xi32>
      %min3A_2261 = arith.minsi %slice3A_2259, %slice3A_2260 : vector<64x128xi32>
      %slice3A_2262 = vector.extract_strided_slice %min3A_2261 {offsets = [0, 0], sizes = [32, 128], strides = [1, 1]} : vector<64x128xi32> to vector<32x128xi32>
      %slice3A_2263 = vector.extract_strided_slice %min3A_2261 {offsets = [32, 0], sizes = [32, 128], strides = [1, 1]} : vector<64x128xi32> to vector<32x128xi32>
      %min3A_2264 = arith.minsi %slice3A_2262, %slice3A_2263 : vector<32x128xi32>
      %slice3A_2265 = vector.extract_strided_slice %min3A_2264 {offsets = [0, 0], sizes = [16, 128], strides = [1, 1]} : vector<32x128xi32> to vector<16x128xi32>
      %slice3A_2266 = vector.extract_strided_slice %min3A_2264 {offsets = [16, 0], sizes = [16, 128], strides = [1, 1]} : vector<32x128xi32> to vector<16x128xi32>
      %min3A_2267 = arith.minsi %slice3A_2265, %slice3A_2266 : vector<16x128xi32>
      %slice3A_2268 = vector.extract_strided_slice %min3A_2267 {offsets = [0, 0], sizes = [8, 128], strides = [1, 1]} : vector<16x128xi32> to vector<8x128xi32>
      %slice3A_2269 = vector.extract_strided_slice %min3A_2267 {offsets = [8, 0], sizes = [8, 128], strides = [1, 1]} : vector<16x128xi32> to vector<8x128xi32>
      %min3A_2270 = arith.minsi %slice3A_2268, %slice3A_2269 : vector<8x128xi32>
      %min3A_2271 = arith.minsi %min3A_2253, %min3A_2270 : vector<8x128xi32>
      %get3A_2272 = arith.constant 1024 : index
      %get3A_2273 = arith.constant 0 : index
      %get3A_2274 = vector.load %arg9[%get3A_2272, %get3A_2273] : memref<2048x128xi32, #tpu.memory_space<vmem>>, vector<128x128xi32>
      %sub3A_2275 = vector.broadcast %add3A_2128 : vector<1x128xi32> to vector<128x128xi32>
      %sub3A_2276 = arith.subi %get3A_2274, %sub3A_2275 : vector<128x128xi32>
      %slice3A_2277 = vector.extract_strided_slice %sub3A_2276 {offsets = [0, 0], sizes = [64, 128], strides = [1, 1]} : vector<128x128xi32> to vector<64x128xi32>
      %slice3A_2278 = vector.extract_strided_slice %sub3A_2276 {offsets = [64, 0], sizes = [64, 128], strides = [1, 1]} : vector<128x128xi32> to vector<64x128xi32>
      %min3A_2279 = arith.minsi %slice3A_2277, %slice3A_2278 : vector<64x128xi32>
      %slice3A_2280 = vector.extract_strided_slice %min3A_2279 {offsets = [0, 0], sizes = [32, 128], strides = [1, 1]} : vector<64x128xi32> to vector<32x128xi32>
      %slice3A_2281 = vector.extract_strided_slice %min3A_2279 {offsets = [32, 0], sizes = [32, 128], strides = [1, 1]} : vector<64x128xi32> to vector<32x128xi32>
      %min3A_2282 = arith.minsi %slice3A_2280, %slice3A_2281 : vector<32x128xi32>
      %slice3A_2283 = vector.extract_strided_slice %min3A_2282 {offsets = [0, 0], sizes = [16, 128], strides = [1, 1]} : vector<32x128xi32> to vector<16x128xi32>
      %slice3A_2284 = vector.extract_strided_slice %min3A_2282 {offsets = [16, 0], sizes = [16, 128], strides = [1, 1]} : vector<32x128xi32> to vector<16x128xi32>
      %min3A_2285 = arith.minsi %slice3A_2283, %slice3A_2284 : vector<16x128xi32>
      %slice3A_2286 = vector.extract_strided_slice %min3A_2285 {offsets = [0, 0], sizes = [8, 128], strides = [1, 1]} : vector<16x128xi32> to vector<8x128xi32>
      %slice3A_2287 = vector.extract_strided_slice %min3A_2285 {offsets = [8, 0], sizes = [8, 128], strides = [1, 1]} : vector<16x128xi32> to vector<8x128xi32>
      %min3A_2288 = arith.minsi %slice3A_2286, %slice3A_2287 : vector<8x128xi32>
      %min3A_2289 = arith.minsi %min3A_2271, %min3A_2288 : vector<8x128xi32>
      %get3A_2290 = arith.constant 1152 : index
      %get3A_2291 = arith.constant 0 : index
      %get3A_2292 = vector.load %arg9[%get3A_2290, %get3A_2291] : memref<2048x128xi32, #tpu.memory_space<vmem>>, vector<128x128xi32>
      %sub3A_2293 = vector.broadcast %add3A_2128 : vector<1x128xi32> to vector<128x128xi32>
      %sub3A_2294 = arith.subi %get3A_2292, %sub3A_2293 : vector<128x128xi32>
      %slice3A_2295 = vector.extract_strided_slice %sub3A_2294 {offsets = [0, 0], sizes = [64, 128], strides = [1, 1]} : vector<128x128xi32> to vector<64x128xi32>
      %slice3A_2296 = vector.extract_strided_slice %sub3A_2294 {offsets = [64, 0], sizes = [64, 128], strides = [1, 1]} : vector<128x128xi32> to vector<64x128xi32>
      %min3A_2297 = arith.minsi %slice3A_2295, %slice3A_2296 : vector<64x128xi32>
      %slice3A_2298 = vector.extract_strided_slice %min3A_2297 {offsets = [0, 0], sizes = [32, 128], strides = [1, 1]} : vector<64x128xi32> to vector<32x128xi32>
      %slice3A_2299 = vector.extract_strided_slice %min3A_2297 {offsets = [32, 0], sizes = [32, 128], strides = [1, 1]} : vector<64x128xi32> to vector<32x128xi32>
      %min3A_2300 = arith.minsi %slice3A_2298, %slice3A_2299 : vector<32x128xi32>
      %slice3A_2301 = vector.extract_strided_slice %min3A_2300 {offsets = [0, 0], sizes = [16, 128], strides = [1, 1]} : vector<32x128xi32> to vector<16x128xi32>
      %slice3A_2302 = vector.extract_strided_slice %min3A_2300 {offsets = [16, 0], sizes = [16, 128], strides = [1, 1]} : vector<32x128xi32> to vector<16x128xi32>
      %min3A_2303 = arith.minsi %slice3A_2301, %slice3A_2302 : vector<16x128xi32>
      %slice3A_2304 = vector.extract_strided_slice %min3A_2303 {offsets = [0, 0], sizes = [8, 128], strides = [1, 1]} : vector<16x128xi32> to vector<8x128xi32>
      %slice3A_2305 = vector.extract_strided_slice %min3A_2303 {offsets = [8, 0], sizes = [8, 128], strides = [1, 1]} : vector<16x128xi32> to vector<8x128xi32>
      %min3A_2306 = arith.minsi %slice3A_2304, %slice3A_2305 : vector<8x128xi32>
      %min3A_2307 = arith.minsi %min3A_2289, %min3A_2306 : vector<8x128xi32>
      %get3A_2308 = arith.constant 1280 : index
      %get3A_2309 = arith.constant 0 : index
      %get3A_2310 = vector.load %arg9[%get3A_2308, %get3A_2309] : memref<2048x128xi32, #tpu.memory_space<vmem>>, vector<128x128xi32>
      %sub3A_2311 = vector.broadcast %add3A_2128 : vector<1x128xi32> to vector<128x128xi32>
      %sub3A_2312 = arith.subi %get3A_2310, %sub3A_2311 : vector<128x128xi32>
      %slice3A_2313 = vector.extract_strided_slice %sub3A_2312 {offsets = [0, 0], sizes = [64, 128], strides = [1, 1]} : vector<128x128xi32> to vector<64x128xi32>
      %slice3A_2314 = vector.extract_strided_slice %sub3A_2312 {offsets = [64, 0], sizes = [64, 128], strides = [1, 1]} : vector<128x128xi32> to vector<64x128xi32>
      %min3A_2315 = arith.minsi %slice3A_2313, %slice3A_2314 : vector<64x128xi32>
      %slice3A_2316 = vector.extract_strided_slice %min3A_2315 {offsets = [0, 0], sizes = [32, 128], strides = [1, 1]} : vector<64x128xi32> to vector<32x128xi32>
      %slice3A_2317 = vector.extract_strided_slice %min3A_2315 {offsets = [32, 0], sizes = [32, 128], strides = [1, 1]} : vector<64x128xi32> to vector<32x128xi32>
      %min3A_2318 = arith.minsi %slice3A_2316, %slice3A_2317 : vector<32x128xi32>
      %slice3A_2319 = vector.extract_strided_slice %min3A_2318 {offsets = [0, 0], sizes = [16, 128], strides = [1, 1]} : vector<32x128xi32> to vector<16x128xi32>
      %slice3A_2320 = vector.extract_strided_slice %min3A_2318 {offsets = [16, 0], sizes = [16, 128], strides = [1, 1]} : vector<32x128xi32> to vector<16x128xi32>
      %min3A_2321 = arith.minsi %slice3A_2319, %slice3A_2320 : vector<16x128xi32>
      %slice3A_2322 = vector.extract_strided_slice %min3A_2321 {offsets = [0, 0], sizes = [8, 128], strides = [1, 1]} : vector<16x128xi32> to vector<8x128xi32>
      %slice3A_2323 = vector.extract_strided_slice %min3A_2321 {offsets = [8, 0], sizes = [8, 128], strides = [1, 1]} : vector<16x128xi32> to vector<8x128xi32>
      %min3A_2324 = arith.minsi %slice3A_2322, %slice3A_2323 : vector<8x128xi32>
      %min3A_2325 = arith.minsi %min3A_2307, %min3A_2324 : vector<8x128xi32>
      %get3A_2326 = arith.constant 1408 : index
      %get3A_2327 = arith.constant 0 : index
      %get3A_2328 = vector.load %arg9[%get3A_2326, %get3A_2327] : memref<2048x128xi32, #tpu.memory_space<vmem>>, vector<128x128xi32>
      %sub3A_2329 = vector.broadcast %add3A_2128 : vector<1x128xi32> to vector<128x128xi32>
      %sub3A_2330 = arith.subi %get3A_2328, %sub3A_2329 : vector<128x128xi32>
      %slice3A_2331 = vector.extract_strided_slice %sub3A_2330 {offsets = [0, 0], sizes = [64, 128], strides = [1, 1]} : vector<128x128xi32> to vector<64x128xi32>
      %slice3A_2332 = vector.extract_strided_slice %sub3A_2330 {offsets = [64, 0], sizes = [64, 128], strides = [1, 1]} : vector<128x128xi32> to vector<64x128xi32>
      %min3A_2333 = arith.minsi %slice3A_2331, %slice3A_2332 : vector<64x128xi32>
      %slice3A_2334 = vector.extract_strided_slice %min3A_2333 {offsets = [0, 0], sizes = [32, 128], strides = [1, 1]} : vector<64x128xi32> to vector<32x128xi32>
      %slice3A_2335 = vector.extract_strided_slice %min3A_2333 {offsets = [32, 0], sizes = [32, 128], strides = [1, 1]} : vector<64x128xi32> to vector<32x128xi32>
      %min3A_2336 = arith.minsi %slice3A_2334, %slice3A_2335 : vector<32x128xi32>
      %slice3A_2337 = vector.extract_strided_slice %min3A_2336 {offsets = [0, 0], sizes = [16, 128], strides = [1, 1]} : vector<32x128xi32> to vector<16x128xi32>
      %slice3A_2338 = vector.extract_strided_slice %min3A_2336 {offsets = [16, 0], sizes = [16, 128], strides = [1, 1]} : vector<32x128xi32> to vector<16x128xi32>
      %min3A_2339 = arith.minsi %slice3A_2337, %slice3A_2338 : vector<16x128xi32>
      %slice3A_2340 = vector.extract_strided_slice %min3A_2339 {offsets = [0, 0], sizes = [8, 128], strides = [1, 1]} : vector<16x128xi32> to vector<8x128xi32>
      %slice3A_2341 = vector.extract_strided_slice %min3A_2339 {offsets = [8, 0], sizes = [8, 128], strides = [1, 1]} : vector<16x128xi32> to vector<8x128xi32>
      %min3A_2342 = arith.minsi %slice3A_2340, %slice3A_2341 : vector<8x128xi32>
      %min3A_2343 = arith.minsi %min3A_2325, %min3A_2342 : vector<8x128xi32>
      %get3A_2344 = arith.constant 1536 : index
      %get3A_2345 = arith.constant 0 : index
      %get3A_2346 = vector.load %arg9[%get3A_2344, %get3A_2345] : memref<2048x128xi32, #tpu.memory_space<vmem>>, vector<128x128xi32>
      %sub3A_2347 = vector.broadcast %add3A_2128 : vector<1x128xi32> to vector<128x128xi32>
      %sub3A_2348 = arith.subi %get3A_2346, %sub3A_2347 : vector<128x128xi32>
      %slice3A_2349 = vector.extract_strided_slice %sub3A_2348 {offsets = [0, 0], sizes = [64, 128], strides = [1, 1]} : vector<128x128xi32> to vector<64x128xi32>
      %slice3A_2350 = vector.extract_strided_slice %sub3A_2348 {offsets = [64, 0], sizes = [64, 128], strides = [1, 1]} : vector<128x128xi32> to vector<64x128xi32>
      %min3A_2351 = arith.minsi %slice3A_2349, %slice3A_2350 : vector<64x128xi32>
      %slice3A_2352 = vector.extract_strided_slice %min3A_2351 {offsets = [0, 0], sizes = [32, 128], strides = [1, 1]} : vector<64x128xi32> to vector<32x128xi32>
      %slice3A_2353 = vector.extract_strided_slice %min3A_2351 {offsets = [32, 0], sizes = [32, 128], strides = [1, 1]} : vector<64x128xi32> to vector<32x128xi32>
      %min3A_2354 = arith.minsi %slice3A_2352, %slice3A_2353 : vector<32x128xi32>
      %slice3A_2355 = vector.extract_strided_slice %min3A_2354 {offsets = [0, 0], sizes = [16, 128], strides = [1, 1]} : vector<32x128xi32> to vector<16x128xi32>
      %slice3A_2356 = vector.extract_strided_slice %min3A_2354 {offsets = [16, 0], sizes = [16, 128], strides = [1, 1]} : vector<32x128xi32> to vector<16x128xi32>
      %min3A_2357 = arith.minsi %slice3A_2355, %slice3A_2356 : vector<16x128xi32>
      %slice3A_2358 = vector.extract_strided_slice %min3A_2357 {offsets = [0, 0], sizes = [8, 128], strides = [1, 1]} : vector<16x128xi32> to vector<8x128xi32>
      %slice3A_2359 = vector.extract_strided_slice %min3A_2357 {offsets = [8, 0], sizes = [8, 128], strides = [1, 1]} : vector<16x128xi32> to vector<8x128xi32>
      %min3A_2360 = arith.minsi %slice3A_2358, %slice3A_2359 : vector<8x128xi32>
      %min3A_2361 = arith.minsi %min3A_2343, %min3A_2360 : vector<8x128xi32>
      %get3A_2362 = arith.constant 1664 : index
      %get3A_2363 = arith.constant 0 : index
      %get3A_2364 = vector.load %arg9[%get3A_2362, %get3A_2363] : memref<2048x128xi32, #tpu.memory_space<vmem>>, vector<128x128xi32>
      %sub3A_2365 = vector.broadcast %add3A_2128 : vector<1x128xi32> to vector<128x128xi32>
      %sub3A_2366 = arith.subi %get3A_2364, %sub3A_2365 : vector<128x128xi32>
      %slice3A_2367 = vector.extract_strided_slice %sub3A_2366 {offsets = [0, 0], sizes = [64, 128], strides = [1, 1]} : vector<128x128xi32> to vector<64x128xi32>
      %slice3A_2368 = vector.extract_strided_slice %sub3A_2366 {offsets = [64, 0], sizes = [64, 128], strides = [1, 1]} : vector<128x128xi32> to vector<64x128xi32>
      %min3A_2369 = arith.minsi %slice3A_2367, %slice3A_2368 : vector<64x128xi32>
      %slice3A_2370 = vector.extract_strided_slice %min3A_2369 {offsets = [0, 0], sizes = [32, 128], strides = [1, 1]} : vector<64x128xi32> to vector<32x128xi32>
      %slice3A_2371 = vector.extract_strided_slice %min3A_2369 {offsets = [32, 0], sizes = [32, 128], strides = [1, 1]} : vector<64x128xi32> to vector<32x128xi32>
      %min3A_2372 = arith.minsi %slice3A_2370, %slice3A_2371 : vector<32x128xi32>
      %slice3A_2373 = vector.extract_strided_slice %min3A_2372 {offsets = [0, 0], sizes = [16, 128], strides = [1, 1]} : vector<32x128xi32> to vector<16x128xi32>
      %slice3A_2374 = vector.extract_strided_slice %min3A_2372 {offsets = [16, 0], sizes = [16, 128], strides = [1, 1]} : vector<32x128xi32> to vector<16x128xi32>
      %min3A_2375 = arith.minsi %slice3A_2373, %slice3A_2374 : vector<16x128xi32>
      %slice3A_2376 = vector.extract_strided_slice %min3A_2375 {offsets = [0, 0], sizes = [8, 128], strides = [1, 1]} : vector<16x128xi32> to vector<8x128xi32>
      %slice3A_2377 = vector.extract_strided_slice %min3A_2375 {offsets = [8, 0], sizes = [8, 128], strides = [1, 1]} : vector<16x128xi32> to vector<8x128xi32>
      %min3A_2378 = arith.minsi %slice3A_2376, %slice3A_2377 : vector<8x128xi32>
      %min3A_2379 = arith.minsi %min3A_2361, %min3A_2378 : vector<8x128xi32>
      %get3A_2380 = arith.constant 1792 : index
      %get3A_2381 = arith.constant 0 : index
      %get3A_2382 = vector.load %arg9[%get3A_2380, %get3A_2381] : memref<2048x128xi32, #tpu.memory_space<vmem>>, vector<128x128xi32>
      %sub3A_2383 = vector.broadcast %add3A_2128 : vector<1x128xi32> to vector<128x128xi32>
      %sub3A_2384 = arith.subi %get3A_2382, %sub3A_2383 : vector<128x128xi32>
      %slice3A_2385 = vector.extract_strided_slice %sub3A_2384 {offsets = [0, 0], sizes = [64, 128], strides = [1, 1]} : vector<128x128xi32> to vector<64x128xi32>
      %slice3A_2386 = vector.extract_strided_slice %sub3A_2384 {offsets = [64, 0], sizes = [64, 128], strides = [1, 1]} : vector<128x128xi32> to vector<64x128xi32>
      %min3A_2387 = arith.minsi %slice3A_2385, %slice3A_2386 : vector<64x128xi32>
      %slice3A_2388 = vector.extract_strided_slice %min3A_2387 {offsets = [0, 0], sizes = [32, 128], strides = [1, 1]} : vector<64x128xi32> to vector<32x128xi32>
      %slice3A_2389 = vector.extract_strided_slice %min3A_2387 {offsets = [32, 0], sizes = [32, 128], strides = [1, 1]} : vector<64x128xi32> to vector<32x128xi32>
      %min3A_2390 = arith.minsi %slice3A_2388, %slice3A_2389 : vector<32x128xi32>
      %slice3A_2391 = vector.extract_strided_slice %min3A_2390 {offsets = [0, 0], sizes = [16, 128], strides = [1, 1]} : vector<32x128xi32> to vector<16x128xi32>
      %slice3A_2392 = vector.extract_strided_slice %min3A_2390 {offsets = [16, 0], sizes = [16, 128], strides = [1, 1]} : vector<32x128xi32> to vector<16x128xi32>
      %min3A_2393 = arith.minsi %slice3A_2391, %slice3A_2392 : vector<16x128xi32>
      %slice3A_2394 = vector.extract_strided_slice %min3A_2393 {offsets = [0, 0], sizes = [8, 128], strides = [1, 1]} : vector<16x128xi32> to vector<8x128xi32>
      %slice3A_2395 = vector.extract_strided_slice %min3A_2393 {offsets = [8, 0], sizes = [8, 128], strides = [1, 1]} : vector<16x128xi32> to vector<8x128xi32>
      %min3A_2396 = arith.minsi %slice3A_2394, %slice3A_2395 : vector<8x128xi32>
      %min3A_2397 = arith.minsi %min3A_2379, %min3A_2396 : vector<8x128xi32>
      %get3A_2398 = arith.constant 1920 : index
      %get3A_2399 = arith.constant 0 : index
      %get3A_2400 = vector.load %arg9[%get3A_2398, %get3A_2399] : memref<2048x128xi32, #tpu.memory_space<vmem>>, vector<128x128xi32>
      %sub3A_2401 = vector.broadcast %add3A_2128 : vector<1x128xi32> to vector<128x128xi32>
      %sub3A_2402 = arith.subi %get3A_2400, %sub3A_2401 : vector<128x128xi32>
      %slice3A_2403 = vector.extract_strided_slice %sub3A_2402 {offsets = [0, 0], sizes = [64, 128], strides = [1, 1]} : vector<128x128xi32> to vector<64x128xi32>
      %slice3A_2404 = vector.extract_strided_slice %sub3A_2402 {offsets = [64, 0], sizes = [64, 128], strides = [1, 1]} : vector<128x128xi32> to vector<64x128xi32>
      %min3A_2405 = arith.minsi %slice3A_2403, %slice3A_2404 : vector<64x128xi32>
      %slice3A_2406 = vector.extract_strided_slice %min3A_2405 {offsets = [0, 0], sizes = [32, 128], strides = [1, 1]} : vector<64x128xi32> to vector<32x128xi32>
      %slice3A_2407 = vector.extract_strided_slice %min3A_2405 {offsets = [32, 0], sizes = [32, 128], strides = [1, 1]} : vector<64x128xi32> to vector<32x128xi32>
      %min3A_2408 = arith.minsi %slice3A_2406, %slice3A_2407 : vector<32x128xi32>
      %slice3A_2409 = vector.extract_strided_slice %min3A_2408 {offsets = [0, 0], sizes = [16, 128], strides = [1, 1]} : vector<32x128xi32> to vector<16x128xi32>
      %slice3A_2410 = vector.extract_strided_slice %min3A_2408 {offsets = [16, 0], sizes = [16, 128], strides = [1, 1]} : vector<32x128xi32> to vector<16x128xi32>
      %min3A_2411 = arith.minsi %slice3A_2409, %slice3A_2410 : vector<16x128xi32>
      %slice3A_2412 = vector.extract_strided_slice %min3A_2411 {offsets = [0, 0], sizes = [8, 128], strides = [1, 1]} : vector<16x128xi32> to vector<8x128xi32>
      %slice3A_2413 = vector.extract_strided_slice %min3A_2411 {offsets = [8, 0], sizes = [8, 128], strides = [1, 1]} : vector<16x128xi32> to vector<8x128xi32>
      %min3A_2414 = arith.minsi %slice3A_2412, %slice3A_2413 : vector<8x128xi32>
      %min3A_2415 = arith.minsi %min3A_2397, %min3A_2414 : vector<8x128xi32>
      %slice3A_2416 = vector.extract_strided_slice %min3A_2415 {offsets = [0, 0], sizes = [4, 128], strides = [1, 1]} : vector<8x128xi32> to vector<4x128xi32>
      %slice3A_2417 = vector.extract_strided_slice %min3A_2415 {offsets = [4, 0], sizes = [4, 128], strides = [1, 1]} : vector<8x128xi32> to vector<4x128xi32>
      %min3A_2418 = arith.minsi %slice3A_2416, %slice3A_2417 : vector<4x128xi32>
      %slice3A_2419 = vector.extract_strided_slice %min3A_2418 {offsets = [0, 0], sizes = [2, 128], strides = [1, 1]} : vector<4x128xi32> to vector<2x128xi32>
      %slice3A_2420 = vector.extract_strided_slice %min3A_2418 {offsets = [2, 0], sizes = [2, 128], strides = [1, 1]} : vector<4x128xi32> to vector<2x128xi32>
      %min3A_2421 = arith.minsi %slice3A_2419, %slice3A_2420 : vector<2x128xi32>
      %slice3A_2422 = vector.extract_strided_slice %min3A_2421 {offsets = [0, 0], sizes = [1, 128], strides = [1, 1]} : vector<2x128xi32> to vector<1x128xi32>
      %slice3A_2423 = vector.extract_strided_slice %min3A_2421 {offsets = [1, 0], sizes = [1, 128], strides = [1, 1]} : vector<2x128xi32> to vector<1x128xi32>
      %min3A_2424 = arith.minsi %slice3A_2422, %slice3A_2423 : vector<1x128xi32>
      %add3A_2425 = vector.broadcast %sub3A_1 : i32 to vector<1x128xi32>
      %add3A_2426 = arith.addi %scan3A_340, %add3A_2425 : vector<1x128xi32>
      %get3A_2427 = arith.constant 0 : index
      %get3A_2428 = arith.constant 0 : index
      %get3A_2429 = vector.load %arg10[%get3A_2427, %get3A_2428] : memref<2048x128xi32, #tpu.memory_space<vmem>>, vector<128x128xi32>
      %sub3A_2430 = vector.broadcast %add3A_2426 : vector<1x128xi32> to vector<128x128xi32>
      %sub3A_2431 = arith.subi %get3A_2429, %sub3A_2430 : vector<128x128xi32>
      %slice3A_2432 = vector.extract_strided_slice %sub3A_2431 {offsets = [0, 0], sizes = [64, 128], strides = [1, 1]} : vector<128x128xi32> to vector<64x128xi32>
      %slice3A_2433 = vector.extract_strided_slice %sub3A_2431 {offsets = [64, 0], sizes = [64, 128], strides = [1, 1]} : vector<128x128xi32> to vector<64x128xi32>
      %min3A_2434 = arith.minsi %slice3A_2432, %slice3A_2433 : vector<64x128xi32>
      %slice3A_2435 = vector.extract_strided_slice %min3A_2434 {offsets = [0, 0], sizes = [32, 128], strides = [1, 1]} : vector<64x128xi32> to vector<32x128xi32>
      %slice3A_2436 = vector.extract_strided_slice %min3A_2434 {offsets = [32, 0], sizes = [32, 128], strides = [1, 1]} : vector<64x128xi32> to vector<32x128xi32>
      %min3A_2437 = arith.minsi %slice3A_2435, %slice3A_2436 : vector<32x128xi32>
      %slice3A_2438 = vector.extract_strided_slice %min3A_2437 {offsets = [0, 0], sizes = [16, 128], strides = [1, 1]} : vector<32x128xi32> to vector<16x128xi32>
      %slice3A_2439 = vector.extract_strided_slice %min3A_2437 {offsets = [16, 0], sizes = [16, 128], strides = [1, 1]} : vector<32x128xi32> to vector<16x128xi32>
      %min3A_2440 = arith.minsi %slice3A_2438, %slice3A_2439 : vector<16x128xi32>
      %slice3A_2441 = vector.extract_strided_slice %min3A_2440 {offsets = [0, 0], sizes = [8, 128], strides = [1, 1]} : vector<16x128xi32> to vector<8x128xi32>
      %slice3A_2442 = vector.extract_strided_slice %min3A_2440 {offsets = [8, 0], sizes = [8, 128], strides = [1, 1]} : vector<16x128xi32> to vector<8x128xi32>
      %min3A_2443 = arith.minsi %slice3A_2441, %slice3A_2442 : vector<8x128xi32>
      %get3A_2444 = arith.constant 128 : index
      %get3A_2445 = arith.constant 0 : index
      %get3A_2446 = vector.load %arg10[%get3A_2444, %get3A_2445] : memref<2048x128xi32, #tpu.memory_space<vmem>>, vector<128x128xi32>
      %sub3A_2447 = vector.broadcast %add3A_2426 : vector<1x128xi32> to vector<128x128xi32>
      %sub3A_2448 = arith.subi %get3A_2446, %sub3A_2447 : vector<128x128xi32>
      %slice3A_2449 = vector.extract_strided_slice %sub3A_2448 {offsets = [0, 0], sizes = [64, 128], strides = [1, 1]} : vector<128x128xi32> to vector<64x128xi32>
      %slice3A_2450 = vector.extract_strided_slice %sub3A_2448 {offsets = [64, 0], sizes = [64, 128], strides = [1, 1]} : vector<128x128xi32> to vector<64x128xi32>
      %min3A_2451 = arith.minsi %slice3A_2449, %slice3A_2450 : vector<64x128xi32>
      %slice3A_2452 = vector.extract_strided_slice %min3A_2451 {offsets = [0, 0], sizes = [32, 128], strides = [1, 1]} : vector<64x128xi32> to vector<32x128xi32>
      %slice3A_2453 = vector.extract_strided_slice %min3A_2451 {offsets = [32, 0], sizes = [32, 128], strides = [1, 1]} : vector<64x128xi32> to vector<32x128xi32>
      %min3A_2454 = arith.minsi %slice3A_2452, %slice3A_2453 : vector<32x128xi32>
      %slice3A_2455 = vector.extract_strided_slice %min3A_2454 {offsets = [0, 0], sizes = [16, 128], strides = [1, 1]} : vector<32x128xi32> to vector<16x128xi32>
      %slice3A_2456 = vector.extract_strided_slice %min3A_2454 {offsets = [16, 0], sizes = [16, 128], strides = [1, 1]} : vector<32x128xi32> to vector<16x128xi32>
      %min3A_2457 = arith.minsi %slice3A_2455, %slice3A_2456 : vector<16x128xi32>
      %slice3A_2458 = vector.extract_strided_slice %min3A_2457 {offsets = [0, 0], sizes = [8, 128], strides = [1, 1]} : vector<16x128xi32> to vector<8x128xi32>
      %slice3A_2459 = vector.extract_strided_slice %min3A_2457 {offsets = [8, 0], sizes = [8, 128], strides = [1, 1]} : vector<16x128xi32> to vector<8x128xi32>
      %min3A_2460 = arith.minsi %slice3A_2458, %slice3A_2459 : vector<8x128xi32>
      %min3A_2461 = arith.minsi %min3A_2443, %min3A_2460 : vector<8x128xi32>
      %get3A_2462 = arith.constant 256 : index
      %get3A_2463 = arith.constant 0 : index
      %get3A_2464 = vector.load %arg10[%get3A_2462, %get3A_2463] : memref<2048x128xi32, #tpu.memory_space<vmem>>, vector<128x128xi32>
      %sub3A_2465 = vector.broadcast %add3A_2426 : vector<1x128xi32> to vector<128x128xi32>
      %sub3A_2466 = arith.subi %get3A_2464, %sub3A_2465 : vector<128x128xi32>
      %slice3A_2467 = vector.extract_strided_slice %sub3A_2466 {offsets = [0, 0], sizes = [64, 128], strides = [1, 1]} : vector<128x128xi32> to vector<64x128xi32>
      %slice3A_2468 = vector.extract_strided_slice %sub3A_2466 {offsets = [64, 0], sizes = [64, 128], strides = [1, 1]} : vector<128x128xi32> to vector<64x128xi32>
      %min3A_2469 = arith.minsi %slice3A_2467, %slice3A_2468 : vector<64x128xi32>
      %slice3A_2470 = vector.extract_strided_slice %min3A_2469 {offsets = [0, 0], sizes = [32, 128], strides = [1, 1]} : vector<64x128xi32> to vector<32x128xi32>
      %slice3A_2471 = vector.extract_strided_slice %min3A_2469 {offsets = [32, 0], sizes = [32, 128], strides = [1, 1]} : vector<64x128xi32> to vector<32x128xi32>
      %min3A_2472 = arith.minsi %slice3A_2470, %slice3A_2471 : vector<32x128xi32>
      %slice3A_2473 = vector.extract_strided_slice %min3A_2472 {offsets = [0, 0], sizes = [16, 128], strides = [1, 1]} : vector<32x128xi32> to vector<16x128xi32>
      %slice3A_2474 = vector.extract_strided_slice %min3A_2472 {offsets = [16, 0], sizes = [16, 128], strides = [1, 1]} : vector<32x128xi32> to vector<16x128xi32>
      %min3A_2475 = arith.minsi %slice3A_2473, %slice3A_2474 : vector<16x128xi32>
      %slice3A_2476 = vector.extract_strided_slice %min3A_2475 {offsets = [0, 0], sizes = [8, 128], strides = [1, 1]} : vector<16x128xi32> to vector<8x128xi32>
      %slice3A_2477 = vector.extract_strided_slice %min3A_2475 {offsets = [8, 0], sizes = [8, 128], strides = [1, 1]} : vector<16x128xi32> to vector<8x128xi32>
      %min3A_2478 = arith.minsi %slice3A_2476, %slice3A_2477 : vector<8x128xi32>
      %min3A_2479 = arith.minsi %min3A_2461, %min3A_2478 : vector<8x128xi32>
      %get3A_2480 = arith.constant 384 : index
      %get3A_2481 = arith.constant 0 : index
      %get3A_2482 = vector.load %arg10[%get3A_2480, %get3A_2481] : memref<2048x128xi32, #tpu.memory_space<vmem>>, vector<128x128xi32>
      %sub3A_2483 = vector.broadcast %add3A_2426 : vector<1x128xi32> to vector<128x128xi32>
      %sub3A_2484 = arith.subi %get3A_2482, %sub3A_2483 : vector<128x128xi32>
      %slice3A_2485 = vector.extract_strided_slice %sub3A_2484 {offsets = [0, 0], sizes = [64, 128], strides = [1, 1]} : vector<128x128xi32> to vector<64x128xi32>
      %slice3A_2486 = vector.extract_strided_slice %sub3A_2484 {offsets = [64, 0], sizes = [64, 128], strides = [1, 1]} : vector<128x128xi32> to vector<64x128xi32>
      %min3A_2487 = arith.minsi %slice3A_2485, %slice3A_2486 : vector<64x128xi32>
      %slice3A_2488 = vector.extract_strided_slice %min3A_2487 {offsets = [0, 0], sizes = [32, 128], strides = [1, 1]} : vector<64x128xi32> to vector<32x128xi32>
      %slice3A_2489 = vector.extract_strided_slice %min3A_2487 {offsets = [32, 0], sizes = [32, 128], strides = [1, 1]} : vector<64x128xi32> to vector<32x128xi32>
      %min3A_2490 = arith.minsi %slice3A_2488, %slice3A_2489 : vector<32x128xi32>
      %slice3A_2491 = vector.extract_strided_slice %min3A_2490 {offsets = [0, 0], sizes = [16, 128], strides = [1, 1]} : vector<32x128xi32> to vector<16x128xi32>
      %slice3A_2492 = vector.extract_strided_slice %min3A_2490 {offsets = [16, 0], sizes = [16, 128], strides = [1, 1]} : vector<32x128xi32> to vector<16x128xi32>
      %min3A_2493 = arith.minsi %slice3A_2491, %slice3A_2492 : vector<16x128xi32>
      %slice3A_2494 = vector.extract_strided_slice %min3A_2493 {offsets = [0, 0], sizes = [8, 128], strides = [1, 1]} : vector<16x128xi32> to vector<8x128xi32>
      %slice3A_2495 = vector.extract_strided_slice %min3A_2493 {offsets = [8, 0], sizes = [8, 128], strides = [1, 1]} : vector<16x128xi32> to vector<8x128xi32>
      %min3A_2496 = arith.minsi %slice3A_2494, %slice3A_2495 : vector<8x128xi32>
      %min3A_2497 = arith.minsi %min3A_2479, %min3A_2496 : vector<8x128xi32>
      %get3A_2498 = arith.constant 512 : index
      %get3A_2499 = arith.constant 0 : index
      %get3A_2500 = vector.load %arg10[%get3A_2498, %get3A_2499] : memref<2048x128xi32, #tpu.memory_space<vmem>>, vector<128x128xi32>
      %sub3A_2501 = vector.broadcast %add3A_2426 : vector<1x128xi32> to vector<128x128xi32>
      %sub3A_2502 = arith.subi %get3A_2500, %sub3A_2501 : vector<128x128xi32>
      %slice3A_2503 = vector.extract_strided_slice %sub3A_2502 {offsets = [0, 0], sizes = [64, 128], strides = [1, 1]} : vector<128x128xi32> to vector<64x128xi32>
      %slice3A_2504 = vector.extract_strided_slice %sub3A_2502 {offsets = [64, 0], sizes = [64, 128], strides = [1, 1]} : vector<128x128xi32> to vector<64x128xi32>
      %min3A_2505 = arith.minsi %slice3A_2503, %slice3A_2504 : vector<64x128xi32>
      %slice3A_2506 = vector.extract_strided_slice %min3A_2505 {offsets = [0, 0], sizes = [32, 128], strides = [1, 1]} : vector<64x128xi32> to vector<32x128xi32>
      %slice3A_2507 = vector.extract_strided_slice %min3A_2505 {offsets = [32, 0], sizes = [32, 128], strides = [1, 1]} : vector<64x128xi32> to vector<32x128xi32>
      %min3A_2508 = arith.minsi %slice3A_2506, %slice3A_2507 : vector<32x128xi32>
      %slice3A_2509 = vector.extract_strided_slice %min3A_2508 {offsets = [0, 0], sizes = [16, 128], strides = [1, 1]} : vector<32x128xi32> to vector<16x128xi32>
      %slice3A_2510 = vector.extract_strided_slice %min3A_2508 {offsets = [16, 0], sizes = [16, 128], strides = [1, 1]} : vector<32x128xi32> to vector<16x128xi32>
      %min3A_2511 = arith.minsi %slice3A_2509, %slice3A_2510 : vector<16x128xi32>
      %slice3A_2512 = vector.extract_strided_slice %min3A_2511 {offsets = [0, 0], sizes = [8, 128], strides = [1, 1]} : vector<16x128xi32> to vector<8x128xi32>
      %slice3A_2513 = vector.extract_strided_slice %min3A_2511 {offsets = [8, 0], sizes = [8, 128], strides = [1, 1]} : vector<16x128xi32> to vector<8x128xi32>
      %min3A_2514 = arith.minsi %slice3A_2512, %slice3A_2513 : vector<8x128xi32>
      %min3A_2515 = arith.minsi %min3A_2497, %min3A_2514 : vector<8x128xi32>
      %get3A_2516 = arith.constant 640 : index
      %get3A_2517 = arith.constant 0 : index
      %get3A_2518 = vector.load %arg10[%get3A_2516, %get3A_2517] : memref<2048x128xi32, #tpu.memory_space<vmem>>, vector<128x128xi32>
      %sub3A_2519 = vector.broadcast %add3A_2426 : vector<1x128xi32> to vector<128x128xi32>
      %sub3A_2520 = arith.subi %get3A_2518, %sub3A_2519 : vector<128x128xi32>
      %slice3A_2521 = vector.extract_strided_slice %sub3A_2520 {offsets = [0, 0], sizes = [64, 128], strides = [1, 1]} : vector<128x128xi32> to vector<64x128xi32>
      %slice3A_2522 = vector.extract_strided_slice %sub3A_2520 {offsets = [64, 0], sizes = [64, 128], strides = [1, 1]} : vector<128x128xi32> to vector<64x128xi32>
      %min3A_2523 = arith.minsi %slice3A_2521, %slice3A_2522 : vector<64x128xi32>
      %slice3A_2524 = vector.extract_strided_slice %min3A_2523 {offsets = [0, 0], sizes = [32, 128], strides = [1, 1]} : vector<64x128xi32> to vector<32x128xi32>
      %slice3A_2525 = vector.extract_strided_slice %min3A_2523 {offsets = [32, 0], sizes = [32, 128], strides = [1, 1]} : vector<64x128xi32> to vector<32x128xi32>
      %min3A_2526 = arith.minsi %slice3A_2524, %slice3A_2525 : vector<32x128xi32>
      %slice3A_2527 = vector.extract_strided_slice %min3A_2526 {offsets = [0, 0], sizes = [16, 128], strides = [1, 1]} : vector<32x128xi32> to vector<16x128xi32>
      %slice3A_2528 = vector.extract_strided_slice %min3A_2526 {offsets = [16, 0], sizes = [16, 128], strides = [1, 1]} : vector<32x128xi32> to vector<16x128xi32>
      %min3A_2529 = arith.minsi %slice3A_2527, %slice3A_2528 : vector<16x128xi32>
      %slice3A_2530 = vector.extract_strided_slice %min3A_2529 {offsets = [0, 0], sizes = [8, 128], strides = [1, 1]} : vector<16x128xi32> to vector<8x128xi32>
      %slice3A_2531 = vector.extract_strided_slice %min3A_2529 {offsets = [8, 0], sizes = [8, 128], strides = [1, 1]} : vector<16x128xi32> to vector<8x128xi32>
      %min3A_2532 = arith.minsi %slice3A_2530, %slice3A_2531 : vector<8x128xi32>
      %min3A_2533 = arith.minsi %min3A_2515, %min3A_2532 : vector<8x128xi32>
      %get3A_2534 = arith.constant 768 : index
      %get3A_2535 = arith.constant 0 : index
      %get3A_2536 = vector.load %arg10[%get3A_2534, %get3A_2535] : memref<2048x128xi32, #tpu.memory_space<vmem>>, vector<128x128xi32>
      %sub3A_2537 = vector.broadcast %add3A_2426 : vector<1x128xi32> to vector<128x128xi32>
      %sub3A_2538 = arith.subi %get3A_2536, %sub3A_2537 : vector<128x128xi32>
      %slice3A_2539 = vector.extract_strided_slice %sub3A_2538 {offsets = [0, 0], sizes = [64, 128], strides = [1, 1]} : vector<128x128xi32> to vector<64x128xi32>
      %slice3A_2540 = vector.extract_strided_slice %sub3A_2538 {offsets = [64, 0], sizes = [64, 128], strides = [1, 1]} : vector<128x128xi32> to vector<64x128xi32>
      %min3A_2541 = arith.minsi %slice3A_2539, %slice3A_2540 : vector<64x128xi32>
      %slice3A_2542 = vector.extract_strided_slice %min3A_2541 {offsets = [0, 0], sizes = [32, 128], strides = [1, 1]} : vector<64x128xi32> to vector<32x128xi32>
      %slice3A_2543 = vector.extract_strided_slice %min3A_2541 {offsets = [32, 0], sizes = [32, 128], strides = [1, 1]} : vector<64x128xi32> to vector<32x128xi32>
      %min3A_2544 = arith.minsi %slice3A_2542, %slice3A_2543 : vector<32x128xi32>
      %slice3A_2545 = vector.extract_strided_slice %min3A_2544 {offsets = [0, 0], sizes = [16, 128], strides = [1, 1]} : vector<32x128xi32> to vector<16x128xi32>
      %slice3A_2546 = vector.extract_strided_slice %min3A_2544 {offsets = [16, 0], sizes = [16, 128], strides = [1, 1]} : vector<32x128xi32> to vector<16x128xi32>
      %min3A_2547 = arith.minsi %slice3A_2545, %slice3A_2546 : vector<16x128xi32>
      %slice3A_2548 = vector.extract_strided_slice %min3A_2547 {offsets = [0, 0], sizes = [8, 128], strides = [1, 1]} : vector<16x128xi32> to vector<8x128xi32>
      %slice3A_2549 = vector.extract_strided_slice %min3A_2547 {offsets = [8, 0], sizes = [8, 128], strides = [1, 1]} : vector<16x128xi32> to vector<8x128xi32>
      %min3A_2550 = arith.minsi %slice3A_2548, %slice3A_2549 : vector<8x128xi32>
      %min3A_2551 = arith.minsi %min3A_2533, %min3A_2550 : vector<8x128xi32>
      %get3A_2552 = arith.constant 896 : index
      %get3A_2553 = arith.constant 0 : index
      %get3A_2554 = vector.load %arg10[%get3A_2552, %get3A_2553] : memref<2048x128xi32, #tpu.memory_space<vmem>>, vector<128x128xi32>
      %sub3A_2555 = vector.broadcast %add3A_2426 : vector<1x128xi32> to vector<128x128xi32>
      %sub3A_2556 = arith.subi %get3A_2554, %sub3A_2555 : vector<128x128xi32>
      %slice3A_2557 = vector.extract_strided_slice %sub3A_2556 {offsets = [0, 0], sizes = [64, 128], strides = [1, 1]} : vector<128x128xi32> to vector<64x128xi32>
      %slice3A_2558 = vector.extract_strided_slice %sub3A_2556 {offsets = [64, 0], sizes = [64, 128], strides = [1, 1]} : vector<128x128xi32> to vector<64x128xi32>
      %min3A_2559 = arith.minsi %slice3A_2557, %slice3A_2558 : vector<64x128xi32>
      %slice3A_2560 = vector.extract_strided_slice %min3A_2559 {offsets = [0, 0], sizes = [32, 128], strides = [1, 1]} : vector<64x128xi32> to vector<32x128xi32>
      %slice3A_2561 = vector.extract_strided_slice %min3A_2559 {offsets = [32, 0], sizes = [32, 128], strides = [1, 1]} : vector<64x128xi32> to vector<32x128xi32>
      %min3A_2562 = arith.minsi %slice3A_2560, %slice3A_2561 : vector<32x128xi32>
      %slice3A_2563 = vector.extract_strided_slice %min3A_2562 {offsets = [0, 0], sizes = [16, 128], strides = [1, 1]} : vector<32x128xi32> to vector<16x128xi32>
      %slice3A_2564 = vector.extract_strided_slice %min3A_2562 {offsets = [16, 0], sizes = [16, 128], strides = [1, 1]} : vector<32x128xi32> to vector<16x128xi32>
      %min3A_2565 = arith.minsi %slice3A_2563, %slice3A_2564 : vector<16x128xi32>
      %slice3A_2566 = vector.extract_strided_slice %min3A_2565 {offsets = [0, 0], sizes = [8, 128], strides = [1, 1]} : vector<16x128xi32> to vector<8x128xi32>
      %slice3A_2567 = vector.extract_strided_slice %min3A_2565 {offsets = [8, 0], sizes = [8, 128], strides = [1, 1]} : vector<16x128xi32> to vector<8x128xi32>
      %min3A_2568 = arith.minsi %slice3A_2566, %slice3A_2567 : vector<8x128xi32>
      %min3A_2569 = arith.minsi %min3A_2551, %min3A_2568 : vector<8x128xi32>
      %get3A_2570 = arith.constant 1024 : index
      %get3A_2571 = arith.constant 0 : index
      %get3A_2572 = vector.load %arg10[%get3A_2570, %get3A_2571] : memref<2048x128xi32, #tpu.memory_space<vmem>>, vector<128x128xi32>
      %sub3A_2573 = vector.broadcast %add3A_2426 : vector<1x128xi32> to vector<128x128xi32>
      %sub3A_2574 = arith.subi %get3A_2572, %sub3A_2573 : vector<128x128xi32>
      %slice3A_2575 = vector.extract_strided_slice %sub3A_2574 {offsets = [0, 0], sizes = [64, 128], strides = [1, 1]} : vector<128x128xi32> to vector<64x128xi32>
      %slice3A_2576 = vector.extract_strided_slice %sub3A_2574 {offsets = [64, 0], sizes = [64, 128], strides = [1, 1]} : vector<128x128xi32> to vector<64x128xi32>
      %min3A_2577 = arith.minsi %slice3A_2575, %slice3A_2576 : vector<64x128xi32>
      %slice3A_2578 = vector.extract_strided_slice %min3A_2577 {offsets = [0, 0], sizes = [32, 128], strides = [1, 1]} : vector<64x128xi32> to vector<32x128xi32>
      %slice3A_2579 = vector.extract_strided_slice %min3A_2577 {offsets = [32, 0], sizes = [32, 128], strides = [1, 1]} : vector<64x128xi32> to vector<32x128xi32>
      %min3A_2580 = arith.minsi %slice3A_2578, %slice3A_2579 : vector<32x128xi32>
      %slice3A_2581 = vector.extract_strided_slice %min3A_2580 {offsets = [0, 0], sizes = [16, 128], strides = [1, 1]} : vector<32x128xi32> to vector<16x128xi32>
      %slice3A_2582 = vector.extract_strided_slice %min3A_2580 {offsets = [16, 0], sizes = [16, 128], strides = [1, 1]} : vector<32x128xi32> to vector<16x128xi32>
      %min3A_2583 = arith.minsi %slice3A_2581, %slice3A_2582 : vector<16x128xi32>
      %slice3A_2584 = vector.extract_strided_slice %min3A_2583 {offsets = [0, 0], sizes = [8, 128], strides = [1, 1]} : vector<16x128xi32> to vector<8x128xi32>
      %slice3A_2585 = vector.extract_strided_slice %min3A_2583 {offsets = [8, 0], sizes = [8, 128], strides = [1, 1]} : vector<16x128xi32> to vector<8x128xi32>
      %min3A_2586 = arith.minsi %slice3A_2584, %slice3A_2585 : vector<8x128xi32>
      %min3A_2587 = arith.minsi %min3A_2569, %min3A_2586 : vector<8x128xi32>
      %get3A_2588 = arith.constant 1152 : index
      %get3A_2589 = arith.constant 0 : index
      %get3A_2590 = vector.load %arg10[%get3A_2588, %get3A_2589] : memref<2048x128xi32, #tpu.memory_space<vmem>>, vector<128x128xi32>
      %sub3A_2591 = vector.broadcast %add3A_2426 : vector<1x128xi32> to vector<128x128xi32>
      %sub3A_2592 = arith.subi %get3A_2590, %sub3A_2591 : vector<128x128xi32>
      %slice3A_2593 = vector.extract_strided_slice %sub3A_2592 {offsets = [0, 0], sizes = [64, 128], strides = [1, 1]} : vector<128x128xi32> to vector<64x128xi32>
      %slice3A_2594 = vector.extract_strided_slice %sub3A_2592 {offsets = [64, 0], sizes = [64, 128], strides = [1, 1]} : vector<128x128xi32> to vector<64x128xi32>
      %min3A_2595 = arith.minsi %slice3A_2593, %slice3A_2594 : vector<64x128xi32>
      %slice3A_2596 = vector.extract_strided_slice %min3A_2595 {offsets = [0, 0], sizes = [32, 128], strides = [1, 1]} : vector<64x128xi32> to vector<32x128xi32>
      %slice3A_2597 = vector.extract_strided_slice %min3A_2595 {offsets = [32, 0], sizes = [32, 128], strides = [1, 1]} : vector<64x128xi32> to vector<32x128xi32>
      %min3A_2598 = arith.minsi %slice3A_2596, %slice3A_2597 : vector<32x128xi32>
      %slice3A_2599 = vector.extract_strided_slice %min3A_2598 {offsets = [0, 0], sizes = [16, 128], strides = [1, 1]} : vector<32x128xi32> to vector<16x128xi32>
      %slice3A_2600 = vector.extract_strided_slice %min3A_2598 {offsets = [16, 0], sizes = [16, 128], strides = [1, 1]} : vector<32x128xi32> to vector<16x128xi32>
      %min3A_2601 = arith.minsi %slice3A_2599, %slice3A_2600 : vector<16x128xi32>
      %slice3A_2602 = vector.extract_strided_slice %min3A_2601 {offsets = [0, 0], sizes = [8, 128], strides = [1, 1]} : vector<16x128xi32> to vector<8x128xi32>
      %slice3A_2603 = vector.extract_strided_slice %min3A_2601 {offsets = [8, 0], sizes = [8, 128], strides = [1, 1]} : vector<16x128xi32> to vector<8x128xi32>
      %min3A_2604 = arith.minsi %slice3A_2602, %slice3A_2603 : vector<8x128xi32>
      %min3A_2605 = arith.minsi %min3A_2587, %min3A_2604 : vector<8x128xi32>
      %get3A_2606 = arith.constant 1280 : index
      %get3A_2607 = arith.constant 0 : index
      %get3A_2608 = vector.load %arg10[%get3A_2606, %get3A_2607] : memref<2048x128xi32, #tpu.memory_space<vmem>>, vector<128x128xi32>
      %sub3A_2609 = vector.broadcast %add3A_2426 : vector<1x128xi32> to vector<128x128xi32>
      %sub3A_2610 = arith.subi %get3A_2608, %sub3A_2609 : vector<128x128xi32>
      %slice3A_2611 = vector.extract_strided_slice %sub3A_2610 {offsets = [0, 0], sizes = [64, 128], strides = [1, 1]} : vector<128x128xi32> to vector<64x128xi32>
      %slice3A_2612 = vector.extract_strided_slice %sub3A_2610 {offsets = [64, 0], sizes = [64, 128], strides = [1, 1]} : vector<128x128xi32> to vector<64x128xi32>
      %min3A_2613 = arith.minsi %slice3A_2611, %slice3A_2612 : vector<64x128xi32>
      %slice3A_2614 = vector.extract_strided_slice %min3A_2613 {offsets = [0, 0], sizes = [32, 128], strides = [1, 1]} : vector<64x128xi32> to vector<32x128xi32>
      %slice3A_2615 = vector.extract_strided_slice %min3A_2613 {offsets = [32, 0], sizes = [32, 128], strides = [1, 1]} : vector<64x128xi32> to vector<32x128xi32>
      %min3A_2616 = arith.minsi %slice3A_2614, %slice3A_2615 : vector<32x128xi32>
      %slice3A_2617 = vector.extract_strided_slice %min3A_2616 {offsets = [0, 0], sizes = [16, 128], strides = [1, 1]} : vector<32x128xi32> to vector<16x128xi32>
      %slice3A_2618 = vector.extract_strided_slice %min3A_2616 {offsets = [16, 0], sizes = [16, 128], strides = [1, 1]} : vector<32x128xi32> to vector<16x128xi32>
      %min3A_2619 = arith.minsi %slice3A_2617, %slice3A_2618 : vector<16x128xi32>
      %slice3A_2620 = vector.extract_strided_slice %min3A_2619 {offsets = [0, 0], sizes = [8, 128], strides = [1, 1]} : vector<16x128xi32> to vector<8x128xi32>
      %slice3A_2621 = vector.extract_strided_slice %min3A_2619 {offsets = [8, 0], sizes = [8, 128], strides = [1, 1]} : vector<16x128xi32> to vector<8x128xi32>
      %min3A_2622 = arith.minsi %slice3A_2620, %slice3A_2621 : vector<8x128xi32>
      %min3A_2623 = arith.minsi %min3A_2605, %min3A_2622 : vector<8x128xi32>
      %get3A_2624 = arith.constant 1408 : index
      %get3A_2625 = arith.constant 0 : index
      %get3A_2626 = vector.load %arg10[%get3A_2624, %get3A_2625] : memref<2048x128xi32, #tpu.memory_space<vmem>>, vector<128x128xi32>
      %sub3A_2627 = vector.broadcast %add3A_2426 : vector<1x128xi32> to vector<128x128xi32>
      %sub3A_2628 = arith.subi %get3A_2626, %sub3A_2627 : vector<128x128xi32>
      %slice3A_2629 = vector.extract_strided_slice %sub3A_2628 {offsets = [0, 0], sizes = [64, 128], strides = [1, 1]} : vector<128x128xi32> to vector<64x128xi32>
      %slice3A_2630 = vector.extract_strided_slice %sub3A_2628 {offsets = [64, 0], sizes = [64, 128], strides = [1, 1]} : vector<128x128xi32> to vector<64x128xi32>
      %min3A_2631 = arith.minsi %slice3A_2629, %slice3A_2630 : vector<64x128xi32>
      %slice3A_2632 = vector.extract_strided_slice %min3A_2631 {offsets = [0, 0], sizes = [32, 128], strides = [1, 1]} : vector<64x128xi32> to vector<32x128xi32>
      %slice3A_2633 = vector.extract_strided_slice %min3A_2631 {offsets = [32, 0], sizes = [32, 128], strides = [1, 1]} : vector<64x128xi32> to vector<32x128xi32>
      %min3A_2634 = arith.minsi %slice3A_2632, %slice3A_2633 : vector<32x128xi32>
      %slice3A_2635 = vector.extract_strided_slice %min3A_2634 {offsets = [0, 0], sizes = [16, 128], strides = [1, 1]} : vector<32x128xi32> to vector<16x128xi32>
      %slice3A_2636 = vector.extract_strided_slice %min3A_2634 {offsets = [16, 0], sizes = [16, 128], strides = [1, 1]} : vector<32x128xi32> to vector<16x128xi32>
      %min3A_2637 = arith.minsi %slice3A_2635, %slice3A_2636 : vector<16x128xi32>
      %slice3A_2638 = vector.extract_strided_slice %min3A_2637 {offsets = [0, 0], sizes = [8, 128], strides = [1, 1]} : vector<16x128xi32> to vector<8x128xi32>
      %slice3A_2639 = vector.extract_strided_slice %min3A_2637 {offsets = [8, 0], sizes = [8, 128], strides = [1, 1]} : vector<16x128xi32> to vector<8x128xi32>
      %min3A_2640 = arith.minsi %slice3A_2638, %slice3A_2639 : vector<8x128xi32>
      %min3A_2641 = arith.minsi %min3A_2623, %min3A_2640 : vector<8x128xi32>
      %get3A_2642 = arith.constant 1536 : index
      %get3A_2643 = arith.constant 0 : index
      %get3A_2644 = vector.load %arg10[%get3A_2642, %get3A_2643] : memref<2048x128xi32, #tpu.memory_space<vmem>>, vector<128x128xi32>
      %sub3A_2645 = vector.broadcast %add3A_2426 : vector<1x128xi32> to vector<128x128xi32>
      %sub3A_2646 = arith.subi %get3A_2644, %sub3A_2645 : vector<128x128xi32>
      %slice3A_2647 = vector.extract_strided_slice %sub3A_2646 {offsets = [0, 0], sizes = [64, 128], strides = [1, 1]} : vector<128x128xi32> to vector<64x128xi32>
      %slice3A_2648 = vector.extract_strided_slice %sub3A_2646 {offsets = [64, 0], sizes = [64, 128], strides = [1, 1]} : vector<128x128xi32> to vector<64x128xi32>
      %min3A_2649 = arith.minsi %slice3A_2647, %slice3A_2648 : vector<64x128xi32>
      %slice3A_2650 = vector.extract_strided_slice %min3A_2649 {offsets = [0, 0], sizes = [32, 128], strides = [1, 1]} : vector<64x128xi32> to vector<32x128xi32>
      %slice3A_2651 = vector.extract_strided_slice %min3A_2649 {offsets = [32, 0], sizes = [32, 128], strides = [1, 1]} : vector<64x128xi32> to vector<32x128xi32>
      %min3A_2652 = arith.minsi %slice3A_2650, %slice3A_2651 : vector<32x128xi32>
      %slice3A_2653 = vector.extract_strided_slice %min3A_2652 {offsets = [0, 0], sizes = [16, 128], strides = [1, 1]} : vector<32x128xi32> to vector<16x128xi32>
      %slice3A_2654 = vector.extract_strided_slice %min3A_2652 {offsets = [16, 0], sizes = [16, 128], strides = [1, 1]} : vector<32x128xi32> to vector<16x128xi32>
      %min3A_2655 = arith.minsi %slice3A_2653, %slice3A_2654 : vector<16x128xi32>
      %slice3A_2656 = vector.extract_strided_slice %min3A_2655 {offsets = [0, 0], sizes = [8, 128], strides = [1, 1]} : vector<16x128xi32> to vector<8x128xi32>
      %slice3A_2657 = vector.extract_strided_slice %min3A_2655 {offsets = [8, 0], sizes = [8, 128], strides = [1, 1]} : vector<16x128xi32> to vector<8x128xi32>
      %min3A_2658 = arith.minsi %slice3A_2656, %slice3A_2657 : vector<8x128xi32>
      %min3A_2659 = arith.minsi %min3A_2641, %min3A_2658 : vector<8x128xi32>
      %get3A_2660 = arith.constant 1664 : index
      %get3A_2661 = arith.constant 0 : index
      %get3A_2662 = vector.load %arg10[%get3A_2660, %get3A_2661] : memref<2048x128xi32, #tpu.memory_space<vmem>>, vector<128x128xi32>
      %sub3A_2663 = vector.broadcast %add3A_2426 : vector<1x128xi32> to vector<128x128xi32>
      %sub3A_2664 = arith.subi %get3A_2662, %sub3A_2663 : vector<128x128xi32>
      %slice3A_2665 = vector.extract_strided_slice %sub3A_2664 {offsets = [0, 0], sizes = [64, 128], strides = [1, 1]} : vector<128x128xi32> to vector<64x128xi32>
      %slice3A_2666 = vector.extract_strided_slice %sub3A_2664 {offsets = [64, 0], sizes = [64, 128], strides = [1, 1]} : vector<128x128xi32> to vector<64x128xi32>
      %min3A_2667 = arith.minsi %slice3A_2665, %slice3A_2666 : vector<64x128xi32>
      %slice3A_2668 = vector.extract_strided_slice %min3A_2667 {offsets = [0, 0], sizes = [32, 128], strides = [1, 1]} : vector<64x128xi32> to vector<32x128xi32>
      %slice3A_2669 = vector.extract_strided_slice %min3A_2667 {offsets = [32, 0], sizes = [32, 128], strides = [1, 1]} : vector<64x128xi32> to vector<32x128xi32>
      %min3A_2670 = arith.minsi %slice3A_2668, %slice3A_2669 : vector<32x128xi32>
      %slice3A_2671 = vector.extract_strided_slice %min3A_2670 {offsets = [0, 0], sizes = [16, 128], strides = [1, 1]} : vector<32x128xi32> to vector<16x128xi32>
      %slice3A_2672 = vector.extract_strided_slice %min3A_2670 {offsets = [16, 0], sizes = [16, 128], strides = [1, 1]} : vector<32x128xi32> to vector<16x128xi32>
      %min3A_2673 = arith.minsi %slice3A_2671, %slice3A_2672 : vector<16x128xi32>
      %slice3A_2674 = vector.extract_strided_slice %min3A_2673 {offsets = [0, 0], sizes = [8, 128], strides = [1, 1]} : vector<16x128xi32> to vector<8x128xi32>
      %slice3A_2675 = vector.extract_strided_slice %min3A_2673 {offsets = [8, 0], sizes = [8, 128], strides = [1, 1]} : vector<16x128xi32> to vector<8x128xi32>
      %min3A_2676 = arith.minsi %slice3A_2674, %slice3A_2675 : vector<8x128xi32>
      %min3A_2677 = arith.minsi %min3A_2659, %min3A_2676 : vector<8x128xi32>
      %get3A_2678 = arith.constant 1792 : index
      %get3A_2679 = arith.constant 0 : index
      %get3A_2680 = vector.load %arg10[%get3A_2678, %get3A_2679] : memref<2048x128xi32, #tpu.memory_space<vmem>>, vector<128x128xi32>
      %sub3A_2681 = vector.broadcast %add3A_2426 : vector<1x128xi32> to vector<128x128xi32>
      %sub3A_2682 = arith.subi %get3A_2680, %sub3A_2681 : vector<128x128xi32>
      %slice3A_2683 = vector.extract_strided_slice %sub3A_2682 {offsets = [0, 0], sizes = [64, 128], strides = [1, 1]} : vector<128x128xi32> to vector<64x128xi32>
      %slice3A_2684 = vector.extract_strided_slice %sub3A_2682 {offsets = [64, 0], sizes = [64, 128], strides = [1, 1]} : vector<128x128xi32> to vector<64x128xi32>
      %min3A_2685 = arith.minsi %slice3A_2683, %slice3A_2684 : vector<64x128xi32>
      %slice3A_2686 = vector.extract_strided_slice %min3A_2685 {offsets = [0, 0], sizes = [32, 128], strides = [1, 1]} : vector<64x128xi32> to vector<32x128xi32>
      %slice3A_2687 = vector.extract_strided_slice %min3A_2685 {offsets = [32, 0], sizes = [32, 128], strides = [1, 1]} : vector<64x128xi32> to vector<32x128xi32>
      %min3A_2688 = arith.minsi %slice3A_2686, %slice3A_2687 : vector<32x128xi32>
      %slice3A_2689 = vector.extract_strided_slice %min3A_2688 {offsets = [0, 0], sizes = [16, 128], strides = [1, 1]} : vector<32x128xi32> to vector<16x128xi32>
      %slice3A_2690 = vector.extract_strided_slice %min3A_2688 {offsets = [16, 0], sizes = [16, 128], strides = [1, 1]} : vector<32x128xi32> to vector<16x128xi32>
      %min3A_2691 = arith.minsi %slice3A_2689, %slice3A_2690 : vector<16x128xi32>
      %slice3A_2692 = vector.extract_strided_slice %min3A_2691 {offsets = [0, 0], sizes = [8, 128], strides = [1, 1]} : vector<16x128xi32> to vector<8x128xi32>
      %slice3A_2693 = vector.extract_strided_slice %min3A_2691 {offsets = [8, 0], sizes = [8, 128], strides = [1, 1]} : vector<16x128xi32> to vector<8x128xi32>
      %min3A_2694 = arith.minsi %slice3A_2692, %slice3A_2693 : vector<8x128xi32>
      %min3A_2695 = arith.minsi %min3A_2677, %min3A_2694 : vector<8x128xi32>
      %get3A_2696 = arith.constant 1920 : index
      %get3A_2697 = arith.constant 0 : index
      %get3A_2698 = vector.load %arg10[%get3A_2696, %get3A_2697] : memref<2048x128xi32, #tpu.memory_space<vmem>>, vector<128x128xi32>
      %sub3A_2699 = vector.broadcast %add3A_2426 : vector<1x128xi32> to vector<128x128xi32>
      %sub3A_2700 = arith.subi %get3A_2698, %sub3A_2699 : vector<128x128xi32>
      %slice3A_2701 = vector.extract_strided_slice %sub3A_2700 {offsets = [0, 0], sizes = [64, 128], strides = [1, 1]} : vector<128x128xi32> to vector<64x128xi32>
      %slice3A_2702 = vector.extract_strided_slice %sub3A_2700 {offsets = [64, 0], sizes = [64, 128], strides = [1, 1]} : vector<128x128xi32> to vector<64x128xi32>
      %min3A_2703 = arith.minsi %slice3A_2701, %slice3A_2702 : vector<64x128xi32>
      %slice3A_2704 = vector.extract_strided_slice %min3A_2703 {offsets = [0, 0], sizes = [32, 128], strides = [1, 1]} : vector<64x128xi32> to vector<32x128xi32>
      %slice3A_2705 = vector.extract_strided_slice %min3A_2703 {offsets = [32, 0], sizes = [32, 128], strides = [1, 1]} : vector<64x128xi32> to vector<32x128xi32>
      %min3A_2706 = arith.minsi %slice3A_2704, %slice3A_2705 : vector<32x128xi32>
      %slice3A_2707 = vector.extract_strided_slice %min3A_2706 {offsets = [0, 0], sizes = [16, 128], strides = [1, 1]} : vector<32x128xi32> to vector<16x128xi32>
      %slice3A_2708 = vector.extract_strided_slice %min3A_2706 {offsets = [16, 0], sizes = [16, 128], strides = [1, 1]} : vector<32x128xi32> to vector<16x128xi32>
      %min3A_2709 = arith.minsi %slice3A_2707, %slice3A_2708 : vector<16x128xi32>
      %slice3A_2710 = vector.extract_strided_slice %min3A_2709 {offsets = [0, 0], sizes = [8, 128], strides = [1, 1]} : vector<16x128xi32> to vector<8x128xi32>
      %slice3A_2711 = vector.extract_strided_slice %min3A_2709 {offsets = [8, 0], sizes = [8, 128], strides = [1, 1]} : vector<16x128xi32> to vector<8x128xi32>
      %min3A_2712 = arith.minsi %slice3A_2710, %slice3A_2711 : vector<8x128xi32>
      %min3A_2713 = arith.minsi %min3A_2695, %min3A_2712 : vector<8x128xi32>
      %slice3A_2714 = vector.extract_strided_slice %min3A_2713 {offsets = [0, 0], sizes = [4, 128], strides = [1, 1]} : vector<8x128xi32> to vector<4x128xi32>
      %slice3A_2715 = vector.extract_strided_slice %min3A_2713 {offsets = [4, 0], sizes = [4, 128], strides = [1, 1]} : vector<8x128xi32> to vector<4x128xi32>
      %min3A_2716 = arith.minsi %slice3A_2714, %slice3A_2715 : vector<4x128xi32>
      %slice3A_2717 = vector.extract_strided_slice %min3A_2716 {offsets = [0, 0], sizes = [2, 128], strides = [1, 1]} : vector<4x128xi32> to vector<2x128xi32>
      %slice3A_2718 = vector.extract_strided_slice %min3A_2716 {offsets = [2, 0], sizes = [2, 128], strides = [1, 1]} : vector<4x128xi32> to vector<2x128xi32>
      %min3A_2719 = arith.minsi %slice3A_2717, %slice3A_2718 : vector<2x128xi32>
      %slice3A_2720 = vector.extract_strided_slice %min3A_2719 {offsets = [0, 0], sizes = [1, 128], strides = [1, 1]} : vector<2x128xi32> to vector<1x128xi32>
      %slice3A_2721 = vector.extract_strided_slice %min3A_2719 {offsets = [1, 0], sizes = [1, 128], strides = [1, 1]} : vector<2x128xi32> to vector<1x128xi32>
      %min3A_2722 = arith.minsi %slice3A_2720, %slice3A_2721 : vector<1x128xi32>
      %add3A_2723 = arith.constant 1 : i32
      %add3A_2724 = vector.broadcast %add3A_2723 : i32 to vector<1x128xi32>
      %add3A_2725 = arith.addi %scan3A_333, %add3A_2724 : vector<1x128xi32>
      %xor3A = vector.broadcast %scan3A : i32 to vector<1x128xi32>
      %xor3A_2726 = arith.xori %min3A_636, %xor3A : vector<1x128xi32>
      %add3A_2727 = arith.addi %add3A_2725, %xor3A_2726 : vector<1x128xi32>
      %add3A_2728 = arith.constant 1 : i32
      %add3A_2729 = vector.broadcast %add3A_2728 : i32 to vector<1x128xi32>
      %add3A_2730 = arith.addi %scan3A_334, %add3A_2729 : vector<1x128xi32>
      %xor3A_2731 = vector.broadcast %scan3A : i32 to vector<1x128xi32>
      %xor3A_2732 = arith.xori %min3A_934, %xor3A_2731 : vector<1x128xi32>
      %add3A_2733 = arith.addi %add3A_2730, %xor3A_2732 : vector<1x128xi32>
      %add3A_2734 = arith.constant 1 : i32
      %add3A_2735 = vector.broadcast %add3A_2734 : i32 to vector<1x128xi32>
      %add3A_2736 = arith.addi %scan3A_335, %add3A_2735 : vector<1x128xi32>
      %xor3A_2737 = vector.broadcast %scan3A : i32 to vector<1x128xi32>
      %xor3A_2738 = arith.xori %min3A_1232, %xor3A_2737 : vector<1x128xi32>
      %add3A_2739 = arith.addi %add3A_2736, %xor3A_2738 : vector<1x128xi32>
      %add3A_2740 = arith.constant 1 : i32
      %add3A_2741 = vector.broadcast %add3A_2740 : i32 to vector<1x128xi32>
      %add3A_2742 = arith.addi %scan3A_336, %add3A_2741 : vector<1x128xi32>
      %xor3A_2743 = vector.broadcast %scan3A : i32 to vector<1x128xi32>
      %xor3A_2744 = arith.xori %min3A_1530, %xor3A_2743 : vector<1x128xi32>
      %add3A_2745 = arith.addi %add3A_2742, %xor3A_2744 : vector<1x128xi32>
      %add3A_2746 = arith.constant 1 : i32
      %add3A_2747 = vector.broadcast %add3A_2746 : i32 to vector<1x128xi32>
      %add3A_2748 = arith.addi %scan3A_337, %add3A_2747 : vector<1x128xi32>
      %xor3A_2749 = vector.broadcast %scan3A : i32 to vector<1x128xi32>
      %xor3A_2750 = arith.xori %min3A_1828, %xor3A_2749 : vector<1x128xi32>
      %add3A_2751 = arith.addi %add3A_2748, %xor3A_2750 : vector<1x128xi32>
      %add3A_2752 = arith.constant 1 : i32
      %add3A_2753 = vector.broadcast %add3A_2752 : i32 to vector<1x128xi32>
      %add3A_2754 = arith.addi %scan3A_338, %add3A_2753 : vector<1x128xi32>
      %xor3A_2755 = vector.broadcast %scan3A : i32 to vector<1x128xi32>
      %xor3A_2756 = arith.xori %min3A_2126, %xor3A_2755 : vector<1x128xi32>
      %add3A_2757 = arith.addi %add3A_2754, %xor3A_2756 : vector<1x128xi32>
      %add3A_2758 = arith.constant 1 : i32
      %add3A_2759 = vector.broadcast %add3A_2758 : i32 to vector<1x128xi32>
      %add3A_2760 = arith.addi %scan3A_339, %add3A_2759 : vector<1x128xi32>
      %xor3A_2761 = vector.broadcast %scan3A : i32 to vector<1x128xi32>
      %xor3A_2762 = arith.xori %min3A_2424, %xor3A_2761 : vector<1x128xi32>
      %add3A_2763 = arith.addi %add3A_2760, %xor3A_2762 : vector<1x128xi32>
      %add3A_2764 = arith.constant 1 : i32
      %add3A_2765 = vector.broadcast %add3A_2764 : i32 to vector<1x128xi32>
      %add3A_2766 = arith.addi %scan3A_340, %add3A_2765 : vector<1x128xi32>
      %xor3A_2767 = vector.broadcast %scan3A : i32 to vector<1x128xi32>
      %xor3A_2768 = arith.xori %min3A_2722, %xor3A_2767 : vector<1x128xi32>
      %add3A_2769 = arith.addi %add3A_2766, %xor3A_2768 : vector<1x128xi32>
      %bitcast_convert_type3A_2770 = tpu.bitcast %add3A_2727 : vector<1x128xi32> -> vector<1x128xf32>
      %add3A_2771 = arith.addf %scan3A_325, %bitcast_convert_type3A_2770 : vector<1x128xf32>
      %bitcast_convert_type3A_2772 = tpu.bitcast %add3A_2733 : vector<1x128xi32> -> vector<1x128xf32>
      %add3A_2773 = arith.addf %scan3A_326, %bitcast_convert_type3A_2772 : vector<1x128xf32>
      %bitcast_convert_type3A_2774 = tpu.bitcast %add3A_2739 : vector<1x128xi32> -> vector<1x128xf32>
      %add3A_2775 = arith.addf %scan3A_327, %bitcast_convert_type3A_2774 : vector<1x128xf32>
      %bitcast_convert_type3A_2776 = tpu.bitcast %add3A_2745 : vector<1x128xi32> -> vector<1x128xf32>
      %add3A_2777 = arith.addf %scan3A_328, %bitcast_convert_type3A_2776 : vector<1x128xf32>
      %bitcast_convert_type3A_2778 = tpu.bitcast %add3A_2751 : vector<1x128xi32> -> vector<1x128xf32>
      %add3A_2779 = arith.addf %scan3A_329, %bitcast_convert_type3A_2778 : vector<1x128xf32>
      %bitcast_convert_type3A_2780 = tpu.bitcast %add3A_2757 : vector<1x128xi32> -> vector<1x128xf32>
      %add3A_2781 = arith.addf %scan3A_330, %bitcast_convert_type3A_2780 : vector<1x128xf32>
      %bitcast_convert_type3A_2782 = tpu.bitcast %add3A_2763 : vector<1x128xi32> -> vector<1x128xf32>
      %add3A_2783 = arith.addf %scan3A_331, %bitcast_convert_type3A_2782 : vector<1x128xf32>
      %bitcast_convert_type3A_2784 = tpu.bitcast %add3A_2769 : vector<1x128xi32> -> vector<1x128xf32>
      %add3A_2785 = arith.addf %scan3A_332, %bitcast_convert_type3A_2784 : vector<1x128xf32>
      scf.yield %add3A_2771, %add3A_2773, %add3A_2775, %add3A_2777, %add3A_2779, %add3A_2781, %add3A_2783, %add3A_2785, %add3A_2727, %add3A_2733, %add3A_2739, %add3A_2745, %add3A_2751, %add3A_2757, %add3A_2763, %add3A_2769 : vector<1x128xf32>, vector<1x128xf32>, vector<1x128xf32>, vector<1x128xf32>, vector<1x128xf32>, vector<1x128xf32>, vector<1x128xf32>, vector<1x128xf32>, vector<1x128xi32>, vector<1x128xi32>, vector<1x128xi32>, vector<1x128xi32>, vector<1x128xi32>, vector<1x128xi32>, vector<1x128xi32>, vector<1x128xi32>
    }
    %bitcast_convert_type3A_206 = tpu.bitcast %scan3A_205#8 : vector<1x128xi32> -> vector<1x128xf32>
    %mul3A_207 = arith.constant -5.200000e-01 : f32
    %mul3A_208 = vector.broadcast %mul3A_207 : f32 to vector<1x128xf32>
    %mul3A_209 = arith.mulf %bitcast_convert_type3A_206, %mul3A_208 : vector<1x128xf32>
    %add3A_210 = arith.addf %scan3A_205#0, %mul3A_209 : vector<1x128xf32>
    %div3A = arith.constant 2.048000e+01 : f32
    %div3A_211 = vector.broadcast %div3A : f32 to vector<1x128xf32>
    %div3A_212 = arith.divf %add3A_210, %div3A_211 : vector<1x128xf32>
    %sqrt3A = math.sqrt %div3A_212 : vector<1x128xf32>
    %swap3A_213 = arith.constant 0 : index
    %swap3A_214 = arith.constant 0 : index
    %swap3A_215 = arith.constant 0 : index
    %swap3A_216 = vector.load %arg2[%swap3A_213, %swap3A_214, %swap3A_215] : memref<1x8x128xf32, #tpu.memory_space<vmem>>, vector<1x1x128xf32>
    %swap3A_217 = vector.shape_cast %swap3A_216 : vector<1x1x128xf32> to vector<1x128xf32>
    %swap3A_218 = vector.shape_cast %sqrt3A : vector<1x128xf32> to vector<1x1x128xf32>
    tpu.vector_store %arg2[%swap3A_213, %swap3A_214, %swap3A_215], %swap3A_218 {strides = array<i32>} : memref<1x8x128xf32, #tpu.memory_space<vmem>>, vector<1x1x128xf32>,
    %bitcast_convert_type3A_219 = tpu.bitcast %scan3A_205#9 : vector<1x128xi32> -> vector<1x128xf32>
    %mul3A_220 = arith.constant -5.200000e-01 : f32
    %mul3A_221 = vector.broadcast %mul3A_220 : f32 to vector<1x128xf32>
    %mul3A_222 = arith.mulf %bitcast_convert_type3A_219, %mul3A_221 : vector<1x128xf32>
    %add3A_223 = arith.addf %scan3A_205#1, %mul3A_222 : vector<1x128xf32>
    %div3A_224 = arith.constant 2.048000e+01 : f32
    %div3A_225 = vector.broadcast %div3A_224 : f32 to vector<1x128xf32>
    %div3A_226 = arith.divf %add3A_223, %div3A_225 : vector<1x128xf32>
    %sqrt3A_227 = math.sqrt %div3A_226 : vector<1x128xf32>
    %swap3A_228 = arith.constant 0 : index
    %swap3A_229 = arith.constant 1 : index
    %swap3A_230 = arith.constant 0 : index
    %swap3A_231 = vector.load %arg2[%swap3A_228, %swap3A_229, %swap3A_230] : memref<1x8x128xf32, #tpu.memory_space<vmem>>, vector<1x1x128xf32>
    %swap3A_232 = vector.shape_cast %swap3A_231 : vector<1x1x128xf32> to vector<1x128xf32>
    %swap3A_233 = vector.shape_cast %sqrt3A_227 : vector<1x128xf32> to vector<1x1x128xf32>
    tpu.vector_store %arg2[%swap3A_228, %swap3A_229, %swap3A_230], %swap3A_233 {strides = array<i32>} : memref<1x8x128xf32, #tpu.memory_space<vmem>>, vector<1x1x128xf32>,
    %bitcast_convert_type3A_234 = tpu.bitcast %scan3A_205#10 : vector<1x128xi32> -> vector<1x128xf32>
    %mul3A_235 = arith.constant -5.200000e-01 : f32
    %mul3A_236 = vector.broadcast %mul3A_235 : f32 to vector<1x128xf32>
    %mul3A_237 = arith.mulf %bitcast_convert_type3A_234, %mul3A_236 : vector<1x128xf32>
    %add3A_238 = arith.addf %scan3A_205#2, %mul3A_237 : vector<1x128xf32>
    %div3A_239 = arith.constant 2.048000e+01 : f32
    %div3A_240 = vector.broadcast %div3A_239 : f32 to vector<1x128xf32>
    %div3A_241 = arith.divf %add3A_238, %div3A_240 : vector<1x128xf32>
    %sqrt3A_242 = math.sqrt %div3A_241 : vector<1x128xf32>
    %swap3A_243 = arith.constant 0 : index
    %swap3A_244 = arith.constant 2 : index
    %swap3A_245 = arith.constant 0 : index
    %swap3A_246 = vector.load %arg2[%swap3A_243, %swap3A_244, %swap3A_245] : memref<1x8x128xf32, #tpu.memory_space<vmem>>, vector<1x1x128xf32>
    %swap3A_247 = vector.shape_cast %swap3A_246 : vector<1x1x128xf32> to vector<1x128xf32>
    %swap3A_248 = vector.shape_cast %sqrt3A_242 : vector<1x128xf32> to vector<1x1x128xf32>
    tpu.vector_store %arg2[%swap3A_243, %swap3A_244, %swap3A_245], %swap3A_248 {strides = array<i32>} : memref<1x8x128xf32, #tpu.memory_space<vmem>>, vector<1x1x128xf32>,
    %bitcast_convert_type3A_249 = tpu.bitcast %scan3A_205#11 : vector<1x128xi32> -> vector<1x128xf32>
    %mul3A_250 = arith.constant -5.200000e-01 : f32
    %mul3A_251 = vector.broadcast %mul3A_250 : f32 to vector<1x128xf32>
    %mul3A_252 = arith.mulf %bitcast_convert_type3A_249, %mul3A_251 : vector<1x128xf32>
    %add3A_253 = arith.addf %scan3A_205#3, %mul3A_252 : vector<1x128xf32>
    %div3A_254 = arith.constant 2.048000e+01 : f32
    %div3A_255 = vector.broadcast %div3A_254 : f32 to vector<1x128xf32>
    %div3A_256 = arith.divf %add3A_253, %div3A_255 : vector<1x128xf32>
    %sqrt3A_257 = math.sqrt %div3A_256 : vector<1x128xf32>
    %swap3A_258 = arith.constant 0 : index
    %swap3A_259 = arith.constant 3 : index
    %swap3A_260 = arith.constant 0 : index
    %swap3A_261 = vector.load %arg2[%swap3A_258, %swap3A_259, %swap3A_260] : memref<1x8x128xf32, #tpu.memory_space<vmem>>, vector<1x1x128xf32>
    %swap3A_262 = vector.shape_cast %swap3A_261 : vector<1x1x128xf32> to vector<1x128xf32>
    %swap3A_263 = vector.shape_cast %sqrt3A_257 : vector<1x128xf32> to vector<1x1x128xf32>
    tpu.vector_store %arg2[%swap3A_258, %swap3A_259, %swap3A_260], %swap3A_263 {strides = array<i32>} : memref<1x8x128xf32, #tpu.memory_space<vmem>>, vector<1x1x128xf32>,
    %bitcast_convert_type3A_264 = tpu.bitcast %scan3A_205#12 : vector<1x128xi32> -> vector<1x128xf32>
    %mul3A_265 = arith.constant -5.200000e-01 : f32
    %mul3A_266 = vector.broadcast %mul3A_265 : f32 to vector<1x128xf32>
    %mul3A_267 = arith.mulf %bitcast_convert_type3A_264, %mul3A_266 : vector<1x128xf32>
    %add3A_268 = arith.addf %scan3A_205#4, %mul3A_267 : vector<1x128xf32>
    %div3A_269 = arith.constant 2.048000e+01 : f32
    %div3A_270 = vector.broadcast %div3A_269 : f32 to vector<1x128xf32>
    %div3A_271 = arith.divf %add3A_268, %div3A_270 : vector<1x128xf32>
    %sqrt3A_272 = math.sqrt %div3A_271 : vector<1x128xf32>
    %swap3A_273 = arith.constant 0 : index
    %swap3A_274 = arith.constant 4 : index
    %swap3A_275 = arith.constant 0 : index
    %swap3A_276 = vector.load %arg2[%swap3A_273, %swap3A_274, %swap3A_275] : memref<1x8x128xf32, #tpu.memory_space<vmem>>, vector<1x1x128xf32>
    %swap3A_277 = vector.shape_cast %swap3A_276 : vector<1x1x128xf32> to vector<1x128xf32>
    %swap3A_278 = vector.shape_cast %sqrt3A_272 : vector<1x128xf32> to vector<1x1x128xf32>
    tpu.vector_store %arg2[%swap3A_273, %swap3A_274, %swap3A_275], %swap3A_278 {strides = array<i32>} : memref<1x8x128xf32, #tpu.memory_space<vmem>>, vector<1x1x128xf32>,
    %bitcast_convert_type3A_279 = tpu.bitcast %scan3A_205#13 : vector<1x128xi32> -> vector<1x128xf32>
    %mul3A_280 = arith.constant -5.200000e-01 : f32
    %mul3A_281 = vector.broadcast %mul3A_280 : f32 to vector<1x128xf32>
    %mul3A_282 = arith.mulf %bitcast_convert_type3A_279, %mul3A_281 : vector<1x128xf32>
    %add3A_283 = arith.addf %scan3A_205#5, %mul3A_282 : vector<1x128xf32>
    %div3A_284 = arith.constant 2.048000e+01 : f32
    %div3A_285 = vector.broadcast %div3A_284 : f32 to vector<1x128xf32>
    %div3A_286 = arith.divf %add3A_283, %div3A_285 : vector<1x128xf32>
    %sqrt3A_287 = math.sqrt %div3A_286 : vector<1x128xf32>
    %swap3A_288 = arith.constant 0 : index
    %swap3A_289 = arith.constant 5 : index
    %swap3A_290 = arith.constant 0 : index
    %swap3A_291 = vector.load %arg2[%swap3A_288, %swap3A_289, %swap3A_290] : memref<1x8x128xf32, #tpu.memory_space<vmem>>, vector<1x1x128xf32>
    %swap3A_292 = vector.shape_cast %swap3A_291 : vector<1x1x128xf32> to vector<1x128xf32>
    %swap3A_293 = vector.shape_cast %sqrt3A_287 : vector<1x128xf32> to vector<1x1x128xf32>
    tpu.vector_store %arg2[%swap3A_288, %swap3A_289, %swap3A_290], %swap3A_293 {strides = array<i32>} : memref<1x8x128xf32, #tpu.memory_space<vmem>>, vector<1x1x128xf32>,
    %bitcast_convert_type3A_294 = tpu.bitcast %scan3A_205#14 : vector<1x128xi32> -> vector<1x128xf32>
    %mul3A_295 = arith.constant -5.200000e-01 : f32
    %mul3A_296 = vector.broadcast %mul3A_295 : f32 to vector<1x128xf32>
    %mul3A_297 = arith.mulf %bitcast_convert_type3A_294, %mul3A_296 : vector<1x128xf32>
    %add3A_298 = arith.addf %scan3A_205#6, %mul3A_297 : vector<1x128xf32>
    %div3A_299 = arith.constant 2.048000e+01 : f32
    %div3A_300 = vector.broadcast %div3A_299 : f32 to vector<1x128xf32>
    %div3A_301 = arith.divf %add3A_298, %div3A_300 : vector<1x128xf32>
    %sqrt3A_302 = math.sqrt %div3A_301 : vector<1x128xf32>
    %swap3A_303 = arith.constant 0 : index
    %swap3A_304 = arith.constant 6 : index
    %swap3A_305 = arith.constant 0 : index
    %swap3A_306 = vector.load %arg2[%swap3A_303, %swap3A_304, %swap3A_305] : memref<1x8x128xf32, #tpu.memory_space<vmem>>, vector<1x1x128xf32>
    %swap3A_307 = vector.shape_cast %swap3A_306 : vector<1x1x128xf32> to vector<1x128xf32>
    %swap3A_308 = vector.shape_cast %sqrt3A_302 : vector<1x128xf32> to vector<1x1x128xf32>
    tpu.vector_store %arg2[%swap3A_303, %swap3A_304, %swap3A_305], %swap3A_308 {strides = array<i32>} : memref<1x8x128xf32, #tpu.memory_space<vmem>>, vector<1x1x128xf32>,
    %bitcast_convert_type3A_309 = tpu.bitcast %scan3A_205#15 : vector<1x128xi32> -> vector<1x128xf32>
    %mul3A_310 = arith.constant -5.200000e-01 : f32
    %mul3A_311 = vector.broadcast %mul3A_310 : f32 to vector<1x128xf32>
    %mul3A_312 = arith.mulf %bitcast_convert_type3A_309, %mul3A_311 : vector<1x128xf32>
    %add3A_313 = arith.addf %scan3A_205#7, %mul3A_312 : vector<1x128xf32>
    %div3A_314 = arith.constant 2.048000e+01 : f32
    %div3A_315 = vector.broadcast %div3A_314 : f32 to vector<1x128xf32>
    %div3A_316 = arith.divf %add3A_313, %div3A_315 : vector<1x128xf32>
    %sqrt3A_317 = math.sqrt %div3A_316 : vector<1x128xf32>
    %swap3A_318 = arith.constant 0 : index
    %swap3A_319 = arith.constant 7 : index
    %swap3A_320 = arith.constant 0 : index
    %swap3A_321 = vector.load %arg2[%swap3A_318, %swap3A_319, %swap3A_320] : memref<1x8x128xf32, #tpu.memory_space<vmem>>, vector<1x1x128xf32>
    %swap3A_322 = vector.shape_cast %swap3A_321 : vector<1x1x128xf32> to vector<1x128xf32>
    %swap3A_323 = vector.shape_cast %sqrt3A_317 : vector<1x128xf32> to vector<1x1x128xf32>
    tpu.vector_store %arg2[%swap3A_318, %swap3A_319, %swap3A_320], %swap3A_323 {strides = array<i32>} : memref<1x8x128xf32, #tpu.memory_space<vmem>>, vector<1x1x128xf32>,
    return
  }
  func.func @transform_0(%arg0: i32) -> (i32, i32) {
    %c0_i32 = arith.constant 0 : i32
    %c0_i32_0 = arith.constant 0 : i32
    %c0_i32_1 = arith.constant 0 : i32
    return %c0_i32, %c0_i32_0 : i32, i32
  }
  func.func @transform_1(%arg0: i32) -> (i32, i32, i32) {
    %c0_i32 = arith.constant 0 : i32
    %c0_i32_0 = arith.constant 0 : i32
    %c0_i32_1 = arith.constant 0 : i32
    return %arg0, %c0_i32, %c0_i32_0 : i32, i32, i32
  }
}

</mosaic_0001>

<sc_bundles>
// kernel: kernel.5.cloned.1.call-start
scs
__scs_entry_jumppad:
0x0: {  	(pc) =	sbr.rel $0x88, $3  }
0x1: {  	(tag) =	ssettag $0x0;
	lr =	simm.s32 $0x1  }
0x2: {  	[smem:$0x3FA0] =	sst lr;
	_ =	strace $0xD0000000  }
0x3: {  	_ = 	snop  }
0x4: {  	_ = 	snop  }
0x5: {  	_ = 	snop  }
0x6: {  	_ = 	snop  }
0x7: {  	_ = 	snop  }
__scs_overlays_trampoline_lowered:
0x8: {  	[smem:$0x3FAF] =	sst s0  }
0x9: {  	[smem:$0x3FB0] =	sst s1  }
0xa: {  	[smem:$0x3FB1] =	sst s2  }
0xb: {  	[smem:$0x3FB2] =	sst s3  }
0xc: {  	[smem:$0x3FB3] =	sst s4  }
0xd: {  	[smem:$0x3FB4] =	sst s5  }
0xe: {  	[smem:$0x3FB5] =	sst s6  }
0xf: {  	[smem:$0x3FB6] =	sst s7  }
0x10: {  	[smem:$0x3FB7] =	sst s8  }
0x11: {  	[smem:$0x3FB8] =	sst s9;
	s0 =	simm.s32 @!p0 $0x0  }
0x12: {  	s1 =	sld [smem:$0x3F9E];
	s0 =	simm.s32 @p0 $0x1  }
0x13: {  	[smem:$0x3FB9] =	sst s0;
	s0 =	simm.s32 @!p1 $0x0  }
0x14: {  	s2 =	sld [smem:$0x3F9D];
	s0 =	simm.s32 @p1 $0x1  }
0x15: {  	[smem:$0x3FBA] =	sst s0;
	s0 =	simm.s32 @!p2 $0x0  }
0x16: {  	s3 =	sld [smem:$0x3FDB];
	s0 =	simm.s32 @p2 $0x1  }
0x17: {  	s4 =	simm.s32 $0x1BF5;
	[smem:$0x3FBC] =	sst s0  }
0x18: {  	s0 =	sld [smem:$0x3F9F];
	_ =	swait.ge [sflag:s4], $0x0  }
0x19: {  	s7 =	sld [smem:$0x3FA0]  }
0x1a: {  	s8 =	sadd.s32 $0xFFFFE003, lr  }
0x1b: {  	s9 =	sadd.s32 $0xFFFFFEF7, lr;
	s5 =	simm.s32 $0xFFFFFFFF;
	p2 =	slt.u32 s8, $0xFFFFF086  }
0x1c: {  	p1 =	slt.u32 s9, $0xF7A;
	s5 =	simm.s32 @!p2 $0x0  }
0x1d: {  	s5 =	simm.s32 @p1 $0x1;
	p0 =	seq.s32 s7, s2  }
0x1e: {  	s7 =	smul.u32 @!p0 $0xF7A, s2;
	p2 =	seq.s32 @!p0 s5, $0x0  }
0x1f: {  	s9 =	smul.u32 $0xF7A, s1;
	s8 =	simm.s32 @!p0 $0x1BF5;
	p2 =	por !p2, p0  }
0x20: {  	[sflag:s8] =	ssyncset.s32 @!p0 $0xFFFFF086;
	s6 =	sadd.s32 @!p0 s3, s7;
	s7 =	simm.s32 @!p0 $0x108  }
0x21: {  	s3 =	sadd.s32 s3, s9;
	s6 =	sadd.s32 @!p0 $0x88, s6;
	s7 =	simm.s32 @p2 $0x1082  }
0x22: {  	[simem:s7], [sflag:s8] =	dma.local @!p0 [hbm:s6], $0xF7A  }
0x23: {  	s9 =	sor.u32 $0xD0000000, s2;
	s6 =	simm.s32 $0x108;
	_ =	swait.ge @!p0 [sflag:s8], $0x0  }
0x24: {  	s3 =	sadd.s32 $0x88, s3;
	s6 =	simm.s32 @!p1 $0x1082;
	[sflag:s4] =	ssyncset.s32 $0xFFFFF086  }
0x25: {  	[simem:s6], [sflag:s4] =	dma.local [hbm:s3], $0xF7A  }
0x26: {  	[smem:$0x3FA0] =	sst s1;
	(tag) =	ssettag s2;
	_ =	strace s9  }
0x27: {  	s1 =	sld [smem:$0x3FB0]  }
0x28: {  	s2 =	sld [smem:$0x3FB1]  }
0x29: {  	s4 =	sld [smem:$0x3FB3]  }
0x2a: {  	p0 =	seq.s32 s5, $0x0;
	s5 =	sld [smem:$0x3FB4]  }
0x2b: {  	s6 =	sld [smem:$0x3FB5]  }
0x2c: {  	s7 =	sld [smem:$0x3FB6]  }
0x2d: {  	s3 =	simm.s32 $0x108;
	s8 =	sld [smem:$0x3FB7]  }
0x2e: {  	s3 =	simm.s32 @!p0 $0x1082;
	s9 =	sld [smem:$0x3FB8]  }
0x2f: {  	lr =	sadd.s32 s0, s3;
	s0 =	sld [smem:$0x3FAF]  }
0x30: {  	s3 =	sld [smem:$0x3FB2]  }
0x31: {  	[smem:$0x3FBB] =	sst s10  }
0x32: {  	s10 =	sld [smem:$0x3FB9];
	_ =	sdelay $0x3  }
0x33: {  	p0 =	seq.s32 s10, $0x1;
	s10 =	sld [smem:$0x3FBB];
	_ =	sdelay $0x3  }
0x34: {  	[smem:$0x3FBB] =	sst s10  }
0x35: {  	s10 =	sld [smem:$0x3FBA];
	_ =	sdelay $0x3  }
0x36: {  	p1 =	seq.s32 s10, $0x1;
	s10 =	sld [smem:$0x3FBB];
	_ =	sdelay $0x3  }
0x37: {  	[smem:$0x3FBB] =	sst s10  }
0x38: {  	s10 =	sld [smem:$0x3FBC]  }
0x39: {  	_ = 	snop;
	(pc) =	sbr.ind lr, $3  }
0x3a: {  	_ = 	snop  }
0x3b: {  	_ = 	snop  }
0x3c: {  	p2 =	seq.s32 s10, $0x1;
	s10 =	sld [smem:$0x3FBB]  }
0x3d: {  	_ =	shalt  }
0x3e: {  	_ =	shalt  }
0x3f: {  	_ =	shalt  }
0x40: {  	_ =	shalt  }
0x41: {  	_ =	shalt  }
0x42: {  	_ =	shalt  }
0x43: {  	_ =	shalt  }
0x44: {  	_ =	shalt  }
0x45: {  	_ =	shalt  }
0x46: {  	_ =	shalt  }
0x47: {  	_ =	shalt  }
0x48: {  	_ =	shalt  }
0x49: {  	_ =	shalt  }
0x4a: {  	_ =	shalt  }
0x4b: {  	_ =	shalt  }
0x4c: {  	_ =	shalt  }
0x4d: {  	_ =	shalt  }
0x4e: {  	_ =	shalt  }
0x4f: {  	_ =	shalt  }
0x50: {  	_ =	shalt  }
0x51: {  	_ =	shalt  }
0x52: {  	_ =	shalt  }
0x53: {  	_ =	shalt  }
0x54: {  	_ =	shalt  }
0x55: {  	_ =	shalt  }
0x56: {  	_ =	shalt  }
0x57: {  	_ =	shalt  }
0x58: {  	_ =	shalt  }
0x59: {  	_ =	shalt  }
0x5a: {  	_ =	shalt  }
0x5b: {  	_ =	shalt  }
0x5c: {  	_ =	shalt  }
0x5d: {  	_ =	shalt  }
0x5e: {  	_ =	shalt  }
0x5f: {  	_ =	shalt  }
0x60: {  	_ =	shalt  }
0x61: {  	_ =	shalt  }
0x62: {  	_ =	shalt  }
0x63: {  	_ =	shalt  }
0x64: {  	_ =	shalt  }
0x65: {  	_ =	shalt  }
0x66: {  	_ =	shalt  }
0x67: {  	_ =	shalt  }
0x68: {  	_ =	shalt  }
0x69: {  	_ =	shalt  }
0x6a: {  	_ =	shalt  }
0x6b: {  	_ =	shalt  }
0x6c: {  	_ =	shalt  }
0x6d: {  	_ =	shalt  }
0x6e: {  	_ =	shalt  }
0x6f: {  	_ =	shalt  }
0x70: {  	_ =	shalt  }
0x71: {  	_ =	shalt  }
0x72: {  	_ =	shalt  }
0x73: {  	_ =	shalt  }
0x74: {  	_ =	shalt  }
0x75: {  	_ =	shalt  }
0x76: {  	_ =	shalt  }
0x77: {  	_ =	shalt  }
0x78: {  	_ =	shalt  }
0x79: {  	_ =	shalt  }
0x7a: {  	_ =	shalt  }
0x7b: {  	_ =	shalt  }
0x7c: {  	_ =	shalt  }
0x7d: {  	_ =	shalt  }
0x7e: {  	_ =	shalt  }
0x7f: {  	_ =	shalt  }
0x80: {  	_ =	shalt  }
0x81: {  	_ =	shalt  }
0x82: {  	_ =	shalt  }
0x83: {  	_ =	shalt  }
0x84: {  	_ =	shalt  }
0x85: {  	_ =	shalt  }
0x86: {  	_ =	shalt  }
0x87: {  	_ =	shalt  }
.Lfunc_end0:
.L_simem_size_0:
called_computation.1_lowered:
.L_overlay_start_0:
0x88: {  	s2 =	sld [smem:$0x3FD9]  }
0x89: {  	s3 =	sld [smem:$0x3FFE];
	_ =	sdelay $0x1  }
0x8a: {  	s1 =	srdreg.scid  }
0x8b: {  	s0 =	sand.u32 $0x1, s1  }
0x8c: {  	s17 =	sshll.u32 s0, $0xA;
	s2 =	sadd.s32 s3, s2  }
0x8d: {  	s2 =	sadd.s32 s2, s17  }
0x8e: {  	[smem:$0x3FC7] =	sst s2  }
0x8f: {  	_ = 	snop  }
0x90: {  	s2 =	sld [smem:$0x3FD0];
	(tm) =	ssettm $0x1  }
0x91: {  	s18 =	sld [smem:$0x3FFB];
	_ =	sdelay $0x3  }
0x92: {  	_ =	strace s18  }
0x93: {  	s3 =	sld [smem:$0x3FFC];
	_ =	sdelay $0x3  }
0x94: {  	_ =	strace s3  }
0x95: {  	s3 =	sld [smem:$0x3FFD];
	_ =	sdelay $0x3  }
0x96: {  	_ =	strace s3  }
0x97: {  	_ =	strace $0x8FFFFFFF  }
0x98: {  	s19 =	sld [smem:$0x3FDB];
	_ =	sdelay $0x1  }
0x99: {  	s4 =	simm.s32 $_scs_section_size  }
0x9a: {  	s5 =	simm.s32 $_size__tile_overlayer_lowered;
	s6 =	simm.s32 $_tile_overlayer_lowered  }
0x9b: {  	s22 =	simm.s32 $0x1BFF;
	s21 =	sshll.u32 s6, $0x1;
	s3 =	sadd.s32 s4, s19  }
0x9c: {  	s7 =	simm.s32 $0x0;
	s20 =	sshll.u32 s5, $0x1;
	s5 =	sadd.s32 s21, s3  }
0x9d: {  	[timem:s7], [sflag:s22] =	dma.local [hbm:s5], s20  }
0x9e: {  	_ =	swait.ge [sflag:s22], s20  }
0x9f: {  	s4 =	ssub.s32 $0x0, s20;
	[sflag:s22] =	ssyncset.done $0x0  }
0xa0: {  	[sflag:s22] =	ssyncadd.s32 s4;
	_ =	sdelay $0x1  }
0xa1: {  	s23 =	simm.s32 $0x1B8B  }
0xa2: {  	_ =	swait.ge [sflag:s23], $0x1  }
0xa3: {  	[sflag:s23] =	ssyncset.done $0x0  }
0xa4: {  	s25 =	simm.s32 $0x1B8E;
	s24 =	sld [smem:$0x3FFE];
	[sflag:s23] =	ssyncadd.s32 $0xFFFFFFFF  }
0xa5: {  	s26 =	simm.s32 $execute0_lowered;
	[smem:$0x3FD2] =	sst s25  }
0xa6: {  	s5 =	sshll.u32 s26, $0x1;
	_ =	strace $0x80000049;
	[dreg:$0x1] =	wrdreg $0xFFFFFFFF  }
0xa7: {  	s28 =	simm.s32 $_size_execute0_lowered;
	s3 =	sadd.s32 s3, s5;
	[dreg:$0x0] =	wrdreg $0x0  }
0xa8: {  	s5 =	sshll.u32 s28, $0x1;
	[dreg:$0x2] =	wrdreg s3  }
0xa9: {  	[dreg:$0x3] =	wrdreg s5  }
0xaa: {  	[dreg:$0x4] =	wrdreg $0xC0  }
0xab: {  	_ =	task [dreg:s7], $0x5FFFF  }
0xac: {  	[dreg:$0x1] =	wrdreg $0xFFFFFFFF  }
0xad: {  	[dreg:$0x0] =	wrdreg $0x60  }
0xae: {  	[dreg:$0x2] =	wrdreg s24  }
0xaf: {  	[dreg:$0x3] =	wrdreg s2  }
0xb0: {  	[dreg:$0x4] =	wrdreg $0x9  }
0xb1: {  	_ =	task.clear_ibuf [dreg:s7], $0x5FFFF;
	_ =	strace $0x90000049  }
0xb2: {  	s29 =	simm.s32 $0x9;
	_ =	strace $0x8000004B  }
0xb3: {  	_ =	swait.ge [sflag:s29], $0x1  }
0xb4: {  	[sflag:s29] =	ssyncadd.s32 $0xFFFFFFFF  }
0xb5: {  	_ =	strace $0x9000004B  }
0xb6: {  	_ =	sfence  }
0xb7: {  	s30 =	sld [smem:$0x0];
	_ =	sdelay $0x2  }
0xb8: {  	s31 =	sshll.u32 s1, $0xD;
	s1 =	sshrl.u32 s1, $0x2  }
0xb9: {  	s3 =	sand.u32 $0x4000, s31;
	s1 =	sadd.s32 s1, s30  }
0xba: {  	s0 =	sor.u32 s3, s0;
	s1 =	sshll.u32 s1, $0x11  }
0xbb: {  	s0 =	sor.u32 s1, s0  }
0xbc: {  	s0 =	sadd.s32 $0x8F2B, s0  }
0xbd: {  	[sflag:s0] =	ssyncadd.remote.s32 $0x1  }
0xbe: {  	_ =	sfence.sel $0xFFFF  }
0xbf: {  	[dreg:$0x0] =	wrdreg $0xFFFFFFFF;
	(pc) =	sbr.abs _section_cstart, $3  }
0xc0: {  	[dreg:$0x1] =	wrdreg $0xFFFFFFFF  }
0xc1: {  	_ =	task.clear_ibuf [dreg:s7], $0x2FFFF;
	_ =	strace $0x9FFFFFFF  }
0xc2: {  	(tm) =	ssettm $0x7FFFFFFF  }
0xc3: {  	_ =	shalt  }
tec
execute0_lowered:
.L_overlay_start_1:
0x0: {  	(tag) =	ssettag $0x1  }
0x1: {  	s3 =	rddreg [dreg:$0x0]  }
0x2: {  	s11 =	rddreg [dreg:$0x1];
	s1 =	simm.s32 $0x0  }
0x3: {  	[smem:$0x7FF] =	sst s1  }
0x4: {  	s0 =	rddreg [dreg:$0x2];
	v0 =	vimm.f32 $2.047999950e+01;
	_ =	strace $0x8000004A  }
0x5: {  	(erf) = vrcp.f32 v0  }
0x6: {  	s4 =	srdreg.scid;
	s2 =	stileid.u32  }
0x7: {  	s4 =	sand.u32 $0x1, s4;
	s5 =	sshll.u32 s2, $0x1  }
0x8: {  	s10 =	sor.u32 s4, s5;
	s4 =	ssub.s32 $0x2, s4  }
0x9: {  	s15 =	simm.s32 $0x0;
	s5 =	sshll.u32 s10, $0xF;
	s31 =	sshrl.u32 s4, $0x1  }
0xa: {  	s14 =	sshll.u32 s10, $0x4;
	s12 =	sadd.s32 s5, s3;
	s13 =	ssub.s32 s4, s31  }
0xb: {  	s11 =	sadd.s32 s11, s14;
	s14 =	simm.s32 $0x8000;
	s3 =	sadd.s32 $0xC00, s12  }
0xc: {  	s4 =	sadd.s32 $0x1C00, s12;
	s5 =	sadd.s32 $0x2C00, s12;
	s6 =	sadd.s32 $0x3C00, s12  }
0xd: {  	s7 =	sadd.s32 $0x4C00, s12;
	s8 =	sadd.s32 $0x5C00, s12;
	s9 =	sadd.s32 $0x6C00, s12  }
0xe: {  	s10 =	sadd.s32 $0x7C00, s12;
	s12 =	smax.u32 s13, $0x1;
	s13 =	simm.s32 $0x1;
	v0 =	vpop (erf)  }
.LBB2_1:
0xf: {  	[tilespmem:s1], [sflag:$0x1] =	stream.linear.gather [hbm4b:s3+s1], $0x8000, $0x38;
	[tilespmem:$0x8080] =	vst v63  }
0x10: {  	_ =	swait.ge [sflag:s13], $0x8000  }
0x11: {  	[sflag:s13] =	ssyncset.done $0x0  }
0x12: {  	v1 =	vimm.f32 $0.0e+00;
	v2 =	vimm.s32 $0xFFFFFFFF;
	s16 =	simm.s32 $0x0;
	[sflag:s13] =	ssyncadd.s32 $0xFFFF8000  }
.LBB2_2:
0x13: {  	s18 =	simm.s32 $0x80  }
0x14: {  	v5 =	vld [tilespmem:s18+$0x40]  }
0x15: {  	v6 =	vld [tilespmem:s18+$0x20]  }
0x16: {  	v7 =	vld [tilespmem:s18+$0x10]  }
0x17: {  	v9 =	vld [tilespmem:s18+$0xFFFFFF90]  }
0x18: {  	v8 =	vld [tilespmem:s18+$0xFFFFFFF0]  }
0x19: {  	v10 =	vld [tilespmem:s18+$0xFFFFFFC0]  }
0x1a: {  	v11 =	vld [tilespmem:s18+$0xFFFFFFA0]  }
0x1b: {  	v14 =	vld [tilespmem:s18+$0xFFFFFFD0];
	_ =	sdelay $0x1  }
0x1c: {  	v3 =	vadd.s32 $0x80000001, v2;
	v4 =	vimm.s32 $0x7FFFFFFF;
	v13 =	vld [tilespmem:s18+$0x50]  }
0x1d: {  	v17 =	vimm.s32 $0x7FFFFFFF;
	v15 =	vld [tilespmem:s18+$0x30];
	v12 =	vsub.s32 v7, v3;
	v5 =	vsub.s32 v5, v3  }
0x1e: {  	v19 =	vld [tilespmem:s18+$0xFFFFFFE0];
	v7 =	vsub.s32 v8, v3;
	v16 =	vsub.s32 v6, v3;
	v18 =	vsub.s32 v10, v3  }
0x1f: {  	v20 =	vld [tilespmem:s18+$0xFFFFFF80];
	v6 =	vsub.s32 v9, v3;
	v9 =	vsub.s32 v11, v3;
	v14 =	vsub.s32 v14, v3  }
0x20: {  	v21 =	vld [tilespmem:s18+$0x60];
	v10 =	vimm.s32 $0x7FFFFFFF;
	vm1 =	vlt.s32 v4, v7;
	vm2 =	vlt.s32 v4, v6  }
0x21: {  	v8 =	vld [tilespmem:s18+$0xFFFFFFB0];
	vm0 =	vlt.s32 v4, v18;
	v24 =	vsel vm2, v4, v6;
	vm2 =	vlt.s32 v4, v9  }
0x22: {  	v22 =	vld [tilespmem:s18+$0x70];
	v11 =	vsel vm1, v4, v7;
	v6 =	vsub.s32 v15, v3;
	v7 =	vimm.s32 $0x7FFFFFFF  }
0x23: {  	s17 =	simm.s32 $0x0;
	v15 =	vld [tilespmem:s18+$0x0];
	s18 =	simm.s32 $0x180;
	v23 =	vsel vm2, v4, v9;
	vm1 =	vlt.s32 v24, v12;
	v9 =	vimm.s32 $0x7FFFFFFF  }
.LBB2_3:
0x24: {  	v25 =	vld [tilespmem:s18+$0x40];
	s17 =	sadd.s32 $0x2, s17;
	v24 =	vsel vm1, v24, v12;
	vm1 =	vlt.s32 v23, v16;
	v26 =	vsub.s32 v13, v3  }
0x25: {  	v4 =	vsel vm0, v4, v18;
	v12 =	vsub.s32 v19, v3;
	v27 =	vld [tilespmem:s18+$0x20];
	p0 =	slt.u32 s17, $0xFE;
	v23 =	vsel vm1, v23, v16  }
0x26: {  	v8 =	vsub.s32 v8, v3;
	v16 =	vsub.s32 v20, v3;
	vm0 =	vlt.s32 v4, v5;
	v13 =	vld [tilespmem:s18+$0x10]  }
0x27: {  	v4 =	vsel vm0, v4, v5;
	v29 =	vsub.s32 v21, v3;
	v28 =	vld [tilespmem:s18+$0xFFFFFFA0];
	v5 =	vsub.s32 v22, v3  }
0x28: {  	vm2 =	vlt.s32 v10, v14;
	vm1 =	vlt.s32 v9, v8;
	vm0 =	vlt.s32 v7, v16;
	v21 =	vld [tilespmem:s18+$0xFFFFFF90]  }
0x29: {  	v10 =	vsel vm2, v10, v14;
	vm2 =	vlt.s32 v17, v12;
	vm3 =	vlt.s32 v11, v5;
	v18 =	vld [tilespmem:s18+$0xFFFFFFF0]  }
0x2a: {  	v9 =	vsel vm1, v9, v8;
	v17 =	vsel vm2, v17, v12;
	v11 =	vsel vm3, v11, v5;
	v14 =	vld [tilespmem:s18+$0xFFFFFFC0]  }
0x2b: {  	v7 =	vsel vm0, v7, v16;
	vm0 =	vlt.s32 v9, v6;
	v22 =	vld [tilespmem:s18+$0xFFFFFFD0];
	v12 =	vsub.s32 v13, v3  }
0x2c: {  	vm1 =	vlt.s32 v10, v26;
	v15 =	vsub.s32 v15, v3;
	v5 =	vsub.s32 v25, v3;
	v13 =	vld [tilespmem:s18+$0x50]  }
0x2d: {  	v10 =	vsel vm1, v10, v26;
	vm1 =	vlt.s32 v17, v29;
	vm2 =	vlt.s32 v7, v15;
	v8 =	vld [tilespmem:s18+$0xFFFFFFB0]  }
0x2e: {  	v9 =	vsel vm0, v9, v6;
	v16 =	vsub.s32 v27, v3;
	v25 =	vsub.s32 v18, v3;
	v26 =	vld [tilespmem:s18+$0x30]  }
.Ltmp0:
0x2f: {  	v7 =	vsel vm2, v7, v15;
	v18 =	vsub.s32 v14, v3;
	v19 =	vld [tilespmem:s18+$0xFFFFFFE0];
	vm3 =	vlt.s32 v11, v25;
	(pc) =	sbr.rel @p0 .LBB2_3-.Ltmp0, $4  }
0x30: {  	v6 =	vsub.s32 v21, v3;
	v20 =	vld [tilespmem:s18+$0xFFFFFF80];
	vm0 =	vlt.s32 v4, v18;
	v14 =	vsub.s32 v22, v3  }
0x31: {  	v17 =	vsel vm1, v17, v29;
	v15 =	vsub.s32 v28, v3;
	vm2 =	vlt.s32 v24, v6;
	v21 =	vld [tilespmem:s18+$0x60]  }
0x32: {  	vm1 =	vlt.s32 v23, v15;
	v24 =	vsel vm2, v24, v6;
	v11 =	vsel vm3, v11, v25;
	v22 =	vld [tilespmem:s18+$0x70]  }
0x33: {  	v23 =	vsel vm1, v23, v15;
	vm1 =	vlt.s32 v24, v12;
	v15 =	vld [tilespmem:s18+$0x0];
	v6 =	vsub.s32 v26, v3;
	s18 =	sadd.s32 $0x100, s18  }
0x34: {  	v12 =	vsel vm1, v24, v12;
	vm6 =	vlt.s32 v23, v16;
	v13 =	vsub.s32 v13, v3  }
0x35: {  	v4 =	vsel vm0, v4, v18;
	v58 =	vsub.s32 v19, v3;
	v8 =	vsub.s32 v8, v3  }
0x36: {  	vm2 =	vlt.s32 v10, v14;
	v16 =	vsel vm6, v23, v16;
	v59 =	vsub.s32 v20, v3  }
0x37: {  	vm0 =	vlt.s32 v4, v5;
	vm8 =	vlt.s32 v9, v8;
	v10 =	vsel vm2, v10, v14  }
0x38: {  	vm9 =	vlt.s32 v17, v58;
	v4 =	vsel vm0, v4, v5;
	v60 =	vsub.s32 v21, v3  }
0x39: {  	vm7 =	vlt.s32 v7, v59;
	v8 =	vsel vm8, v9, v8;
	v62 =	vsel vm9, v17, v58  }
0x3a: {  	vm10 =	vlt.s32 v10, v13;
	v61 =	vsub.s32 v22, v3;
	v7 =	vsel vm7, v7, v59  }
0x3b: {  	vm1 =	vlt.s32 v8, v6;
	v63 =	vsel vm10, v10, v13;
	vm11 =	vlt.s32 v62, v60  }
0x3c: {  	vm3 =	vlt.s32 v11, v61;
	v3 =	vsub.s32 v15, v3;
	v6 =	vsel vm1, v8, v6  }
0x3d: {  	v5 =	vsel vm11, v62, v60;
	vm14 =	vlt.s32 v4, v63;
	vm0 =	vlt.s32 v7, v3  }
0x3e: {  	v11 =	vsel vm3, v11, v61;
	vm13 =	vlt.s32 v16, v6;
	v3 =	vsel vm0, v7, v3  }
0x3f: {  	v4 =	vsel vm14, v4, v63;
	vm15 =	vlt.s32 v5, v11;
	vm12 =	vlt.s32 v3, v12  }
0x40: {  	v6 =	vsel vm13, v16, v6;
	v5 =	vsel vm15, v5, v11;
	v3 =	vsel vm12, v3, v12  }
0x41: {  	vm1 =	vlt.s32 v4, v5;
	vm0 =	vlt.s32 v3, v6  }
0x42: {  	s16 =	sadd.s32 $0x1, s16;
	v4 =	vsel vm1, v4, v5;
	v3 =	vsel vm0, v3, v6  }
0x43: {  	p0 =	sne.s32 s16, $0x15;
	vm0 =	vlt.s32 v3, v4  }
.Ltmp1:
0x44: {  	v3 =	vsel vm0, v3, v4;
	(pc) =	sbr.rel @p0 .LBB2_2-.Ltmp1, $4  }
0x45: {  	v3 =	vxor.u32 $0x80000000, v3  }
0x46: {  	v2 =	vadd.s32 v3, v2  }
0x47: {  	v2 =	vadd.s32 $0x1, v2  }
0x48: {  	v1 =	vadd.f32 v2, v1  }
0x49: {  	v2 =	vmul.f32 $-5.199999810e-01, v2;
	_ =	sdelay $0x1  }
0x4a: {  	v1 =	vadd.f32 v2, v1;
	_ =	sdelay $0x1  }
0x4b: {  	v1 =	vmul.f32 v1, v0;
	_ =	sdelay $0x1  }
0x4c: {  	s16 =	simm.s32 $0x0;
	[tilespmem:$0x8000] =	vst v1  }
0x4d: {  	[tilespmem:s16], [sflag:$0x1] =	stream.linear.gather [hbm4b:s4+s16], $0x8000, $0x38;
	[tilespmem:$0x8080] =	vst v63  }
0x4e: {  	_ =	swait.ge [sflag:s13], $0x8000  }
0x4f: {  	[sflag:s13] =	ssyncset.done $0x0  }
0x50: {  	v2 =	vimm.s32 $0xFFFFFFFF;
	v1 =	vimm.f32 $0.0e+00;
	[sflag:s13] =	ssyncadd.s32 $0xFFFF8000  }
.LBB2_6:
0x51: {  	s18 =	simm.s32 $0x80  }
0x52: {  	v5 =	vld [tilespmem:s18+$0x40]  }
0x53: {  	v6 =	vld [tilespmem:s18+$0x20]  }
0x54: {  	v7 =	vld [tilespmem:s18+$0x10]  }
0x55: {  	v9 =	vld [tilespmem:s18+$0xFFFFFF90]  }
0x56: {  	v8 =	vld [tilespmem:s18+$0xFFFFFFF0]  }
0x57: {  	v10 =	vld [tilespmem:s18+$0xFFFFFFC0]  }
0x58: {  	v11 =	vld [tilespmem:s18+$0xFFFFFFA0]  }
0x59: {  	v14 =	vld [tilespmem:s18+$0xFFFFFFD0];
	_ =	sdelay $0x1  }
0x5a: {  	v3 =	vadd.s32 $0x80000001, v2;
	v4 =	vimm.s32 $0x7FFFFFFF;
	v13 =	vld [tilespmem:s18+$0x50]  }
0x5b: {  	v17 =	vimm.s32 $0x7FFFFFFF;
	v15 =	vld [tilespmem:s18+$0x30];
	v12 =	vsub.s32 v7, v3;
	v5 =	vsub.s32 v5, v3  }
0x5c: {  	v19 =	vld [tilespmem:s18+$0xFFFFFFE0];
	v7 =	vsub.s32 v8, v3;
	v16 =	vsub.s32 v6, v3;
	v18 =	vsub.s32 v10, v3  }
0x5d: {  	v20 =	vld [tilespmem:s18+$0xFFFFFF80];
	v6 =	vsub.s32 v9, v3;
	v9 =	vsub.s32 v11, v3;
	v14 =	vsub.s32 v14, v3  }
0x5e: {  	v21 =	vld [tilespmem:s18+$0x60];
	v10 =	vimm.s32 $0x7FFFFFFF;
	vm1 =	vlt.s32 v4, v7;
	vm2 =	vlt.s32 v4, v6  }
0x5f: {  	v8 =	vld [tilespmem:s18+$0xFFFFFFB0];
	vm0 =	vlt.s32 v4, v18;
	v24 =	vsel vm2, v4, v6;
	vm2 =	vlt.s32 v4, v9  }
0x60: {  	v22 =	vld [tilespmem:s18+$0x70];
	v11 =	vsel vm1, v4, v7;
	v6 =	vsub.s32 v15, v3;
	v7 =	vimm.s32 $0x7FFFFFFF  }
0x61: {  	s17 =	simm.s32 $0x0;
	v15 =	vld [tilespmem:s18+$0x0];
	s18 =	simm.s32 $0x180;
	v23 =	vsel vm2, v4, v9;
	vm1 =	vlt.s32 v24, v12;
	v9 =	vimm.s32 $0x7FFFFFFF  }
.LBB2_7:
0x62: {  	v25 =	vld [tilespmem:s18+$0x40];
	s17 =	sadd.s32 $0x2, s17;
	v24 =	vsel vm1, v24, v12;
	vm1 =	vlt.s32 v23, v16;
	v26 =	vsub.s32 v13, v3  }
0x63: {  	v4 =	vsel vm0, v4, v18;
	v12 =	vsub.s32 v19, v3;
	v27 =	vld [tilespmem:s18+$0x20];
	p0 =	slt.u32 s17, $0xFE;
	v23 =	vsel vm1, v23, v16  }
0x64: {  	v8 =	vsub.s32 v8, v3;
	v16 =	vsub.s32 v20, v3;
	vm0 =	vlt.s32 v4, v5;
	v13 =	vld [tilespmem:s18+$0x10]  }
0x65: {  	v4 =	vsel vm0, v4, v5;
	v29 =	vsub.s32 v21, v3;
	v28 =	vld [tilespmem:s18+$0xFFFFFFA0];
	v5 =	vsub.s32 v22, v3  }
0x66: {  	vm2 =	vlt.s32 v10, v14;
	vm1 =	vlt.s32 v9, v8;
	vm0 =	vlt.s32 v7, v16;
	v21 =	vld [tilespmem:s18+$0xFFFFFF90]  }
0x67: {  	v10 =	vsel vm2, v10, v14;
	vm2 =	vlt.s32 v17, v12;
	vm3 =	vlt.s32 v11, v5;
	v18 =	vld [tilespmem:s18+$0xFFFFFFF0]  }
0x68: {  	v9 =	vsel vm1, v9, v8;
	v17 =	vsel vm2, v17, v12;
	v11 =	vsel vm3, v11, v5;
	v14 =	vld [tilespmem:s18+$0xFFFFFFC0]  }
0x69: {  	v7 =	vsel vm0, v7, v16;
	vm0 =	vlt.s32 v9, v6;
	v22 =	vld [tilespmem:s18+$0xFFFFFFD0];
	v12 =	vsub.s32 v13, v3  }
0x6a: {  	vm1 =	vlt.s32 v10, v26;
	v15 =	vsub.s32 v15, v3;
	v5 =	vsub.s32 v25, v3;
	v13 =	vld [tilespmem:s18+$0x50]  }
0x6b: {  	v10 =	vsel vm1, v10, v26;
	vm1 =	vlt.s32 v17, v29;
	vm2 =	vlt.s32 v7, v15;
	v8 =	vld [tilespmem:s18+$0xFFFFFFB0]  }
0x6c: {  	v9 =	vsel vm0, v9, v6;
	v16 =	vsub.s32 v27, v3;
	v25 =	vsub.s32 v18, v3;
	v26 =	vld [tilespmem:s18+$0x30]  }
.Ltmp2:
0x6d: {  	v7 =	vsel vm2, v7, v15;
	v18 =	vsub.s32 v14, v3;
	v19 =	vld [tilespmem:s18+$0xFFFFFFE0];
	vm3 =	vlt.s32 v11, v25;
	(pc) =	sbr.rel @p0 .LBB2_7-.Ltmp2, $4  }
0x6e: {  	v6 =	vsub.s32 v21, v3;
	v20 =	vld [tilespmem:s18+$0xFFFFFF80];
	vm0 =	vlt.s32 v4, v18;
	v14 =	vsub.s32 v22, v3  }
0x6f: {  	v17 =	vsel vm1, v17, v29;
	v15 =	vsub.s32 v28, v3;
	vm2 =	vlt.s32 v24, v6;
	v21 =	vld [tilespmem:s18+$0x60]  }
0x70: {  	vm1 =	vlt.s32 v23, v15;
	v24 =	vsel vm2, v24, v6;
	v11 =	vsel vm3, v11, v25;
	v22 =	vld [tilespmem:s18+$0x70]  }
0x71: {  	v23 =	vsel vm1, v23, v15;
	vm1 =	vlt.s32 v24, v12;
	v15 =	vld [tilespmem:s18+$0x0];
	v6 =	vsub.s32 v26, v3;
	s18 =	sadd.s32 $0x100, s18  }
0x72: {  	v12 =	vsel vm1, v24, v12;
	vm6 =	vlt.s32 v23, v16;
	v13 =	vsub.s32 v13, v3  }
0x73: {  	v4 =	vsel vm0, v4, v18;
	v58 =	vsub.s32 v19, v3;
	v8 =	vsub.s32 v8, v3  }
0x74: {  	vm2 =	vlt.s32 v10, v14;
	v16 =	vsel vm6, v23, v16;
	v59 =	vsub.s32 v20, v3  }
0x75: {  	vm0 =	vlt.s32 v4, v5;
	vm8 =	vlt.s32 v9, v8;
	v10 =	vsel vm2, v10, v14  }
0x76: {  	vm9 =	vlt.s32 v17, v58;
	v4 =	vsel vm0, v4, v5;
	v60 =	vsub.s32 v21, v3  }
0x77: {  	vm7 =	vlt.s32 v7, v59;
	v8 =	vsel vm8, v9, v8;
	v62 =	vsel vm9, v17, v58  }
0x78: {  	vm10 =	vlt.s32 v10, v13;
	v61 =	vsub.s32 v22, v3;
	v7 =	vsel vm7, v7, v59  }
0x79: {  	vm1 =	vlt.s32 v8, v6;
	v63 =	vsel vm10, v10, v13;
	vm11 =	vlt.s32 v62, v60  }
0x7a: {  	vm3 =	vlt.s32 v11, v61;
	v3 =	vsub.s32 v15, v3;
	v6 =	vsel vm1, v8, v6  }
0x7b: {  	v5 =	vsel vm11, v62, v60;
	vm14 =	vlt.s32 v4, v63;
	vm0 =	vlt.s32 v7, v3  }
0x7c: {  	v11 =	vsel vm3, v11, v61;
	vm13 =	vlt.s32 v16, v6;
	v3 =	vsel vm0, v7, v3  }
0x7d: {  	v4 =	vsel vm14, v4, v63;
	vm15 =	vlt.s32 v5, v11;
	vm12 =	vlt.s32 v3, v12  }
0x7e: {  	v6 =	vsel vm13, v16, v6;
	v5 =	vsel vm15, v5, v11;
	v3 =	vsel vm12, v3, v12  }
0x7f: {  	vm1 =	vlt.s32 v4, v5;
	vm0 =	vlt.s32 v3, v6  }
0x80: {  	s16 =	sadd.s32 $0x1, s16;
	v4 =	vsel vm1, v4, v5;
	v3 =	vsel vm0, v3, v6  }
0x81: {  	p0 =	sne.s32 s16, $0x15;
	vm0 =	vlt.s32 v3, v4  }
.Ltmp3:
0x82: {  	v3 =	vsel vm0, v3, v4;
	(pc) =	sbr.rel @p0 .LBB2_6-.Ltmp3, $4  }
0x83: {  	v3 =	vxor.u32 $0x80000000, v3  }
0x84: {  	v2 =	vadd.s32 v3, v2  }
0x85: {  	v2 =	vadd.s32 $0x1, v2  }
0x86: {  	v1 =	vadd.f32 v2, v1  }
0x87: {  	v2 =	vmul.f32 $-5.199999810e-01, v2;
	_ =	sdelay $0x1  }
0x88: {  	v1 =	vadd.f32 v2, v1;
	_ =	sdelay $0x1  }
0x89: {  	v1 =	vmul.f32 v1, v0;
	_ =	sdelay $0x1  }
0x8a: {  	s16 =	simm.s32 $0x0;
	[tilespmem:$0x8010] =	vst v1  }
0x8b: {  	[tilespmem:s16], [sflag:$0x1] =	stream.linear.gather [hbm4b:s5+s16], $0x8000, $0x38;
	[tilespmem:$0x8080] =	vst v63  }
0x8c: {  	_ =	swait.ge [sflag:s13], $0x8000  }
0x8d: {  	[sflag:s13] =	ssyncset.done $0x0  }
0x8e: {  	v2 =	vimm.s32 $0xFFFFFFFF;
	v1 =	vimm.f32 $0.0e+00;
	[sflag:s13] =	ssyncadd.s32 $0xFFFF8000  }
.LBB2_10:
0x8f: {  	s18 =	simm.s32 $0x80  }
0x90: {  	v5 =	vld [tilespmem:s18+$0x40]  }
0x91: {  	v6 =	vld [tilespmem:s18+$0x20]  }
0x92: {  	v7 =	vld [tilespmem:s18+$0x10]  }
0x93: {  	v9 =	vld [tilespmem:s18+$0xFFFFFF90]  }
0x94: {  	v8 =	vld [tilespmem:s18+$0xFFFFFFF0]  }
0x95: {  	v10 =	vld [tilespmem:s18+$0xFFFFFFC0]  }
0x96: {  	v11 =	vld [tilespmem:s18+$0xFFFFFFA0]  }
0x97: {  	v14 =	vld [tilespmem:s18+$0xFFFFFFD0];
	_ =	sdelay $0x1  }
0x98: {  	v3 =	vadd.s32 $0x80000001, v2;
	v4 =	vimm.s32 $0x7FFFFFFF;
	v13 =	vld [tilespmem:s18+$0x50]  }
0x99: {  	v17 =	vimm.s32 $0x7FFFFFFF;
	v15 =	vld [tilespmem:s18+$0x30];
	v12 =	vsub.s32 v7, v3;
	v5 =	vsub.s32 v5, v3  }
0x9a: {  	v19 =	vld [tilespmem:s18+$0xFFFFFFE0];
	v7 =	vsub.s32 v8, v3;
	v16 =	vsub.s32 v6, v3;
	v18 =	vsub.s32 v10, v3  }
0x9b: {  	v20 =	vld [tilespmem:s18+$0xFFFFFF80];
	v6 =	vsub.s32 v9, v3;
	v9 =	vsub.s32 v11, v3;
	v14 =	vsub.s32 v14, v3  }
0x9c: {  	v21 =	vld [tilespmem:s18+$0x60];
	v10 =	vimm.s32 $0x7FFFFFFF;
	vm1 =	vlt.s32 v4, v7;
	vm2 =	vlt.s32 v4, v6  }
0x9d: {  	v8 =	vld [tilespmem:s18+$0xFFFFFFB0];
	vm0 =	vlt.s32 v4, v18;
	v24 =	vsel vm2, v4, v6;
	vm2 =	vlt.s32 v4, v9  }
0x9e: {  	v22 =	vld [tilespmem:s18+$0x70];
	v11 =	vsel vm1, v4, v7;
	v6 =	vsub.s32 v15, v3;
	v7 =	vimm.s32 $0x7FFFFFFF  }
0x9f: {  	s17 =	simm.s32 $0x0;
	v15 =	vld [tilespmem:s18+$0x0];
	s18 =	simm.s32 $0x180;
	v23 =	vsel vm2, v4, v9;
	vm1 =	vlt.s32 v24, v12;
	v9 =	vimm.s32 $0x7FFFFFFF  }
.LBB2_11:
0xa0: {  	v25 =	vld [tilespmem:s18+$0x40];
	s17 =	sadd.s32 $0x2, s17;
	v24 =	vsel vm1, v24, v12;
	vm1 =	vlt.s32 v23, v16;
	v26 =	vsub.s32 v13, v3  }
0xa1: {  	v4 =	vsel vm0, v4, v18;
	v12 =	vsub.s32 v19, v3;
	v27 =	vld [tilespmem:s18+$0x20];
	p0 =	slt.u32 s17, $0xFE;
	v23 =	vsel vm1, v23, v16  }
0xa2: {  	v8 =	vsub.s32 v8, v3;
	v16 =	vsub.s32 v20, v3;
	vm0 =	vlt.s32 v4, v5;
	v13 =	vld [tilespmem:s18+$0x10]  }
0xa3: {  	v4 =	vsel vm0, v4, v5;
	v29 =	vsub.s32 v21, v3;
	v28 =	vld [tilespmem:s18+$0xFFFFFFA0];
	v5 =	vsub.s32 v22, v3  }
0xa4: {  	vm2 =	vlt.s32 v10, v14;
	vm1 =	vlt.s32 v9, v8;
	vm0 =	vlt.s32 v7, v16;
	v21 =	vld [tilespmem:s18+$0xFFFFFF90]  }
0xa5: {  	v10 =	vsel vm2, v10, v14;
	vm2 =	vlt.s32 v17, v12;
	vm3 =	vlt.s32 v11, v5;
	v18 =	vld [tilespmem:s18+$0xFFFFFFF0]  }
0xa6: {  	v9 =	vsel vm1, v9, v8;
	v17 =	vsel vm2, v17, v12;
	v11 =	vsel vm3, v11, v5;
	v14 =	vld [tilespmem:s18+$0xFFFFFFC0]  }
0xa7: {  	v7 =	vsel vm0, v7, v16;
	vm0 =	vlt.s32 v9, v6;
	v22 =	vld [tilespmem:s18+$0xFFFFFFD0];
	v12 =	vsub.s32 v13, v3  }
0xa8: {  	vm1 =	vlt.s32 v10, v26;
	v15 =	vsub.s32 v15, v3;
	v5 =	vsub.s32 v25, v3;
	v13 =	vld [tilespmem:s18+$0x50]  }
0xa9: {  	v10 =	vsel vm1, v10, v26;
	vm1 =	vlt.s32 v17, v29;
	vm2 =	vlt.s32 v7, v15;
	v8 =	vld [tilespmem:s18+$0xFFFFFFB0]  }
0xaa: {  	v9 =	vsel vm0, v9, v6;
	v16 =	vsub.s32 v27, v3;
	v25 =	vsub.s32 v18, v3;
	v26 =	vld [tilespmem:s18+$0x30]  }
.Ltmp4:
0xab: {  	v7 =	vsel vm2, v7, v15;
	v18 =	vsub.s32 v14, v3;
	v19 =	vld [tilespmem:s18+$0xFFFFFFE0];
	vm3 =	vlt.s32 v11, v25;
	(pc) =	sbr.rel @p0 .LBB2_11-.Ltmp4, $4  }
0xac: {  	v6 =	vsub.s32 v21, v3;
	v20 =	vld [tilespmem:s18+$0xFFFFFF80];
	vm0 =	vlt.s32 v4, v18;
	v14 =	vsub.s32 v22, v3  }
0xad: {  	v17 =	vsel vm1, v17, v29;
	v15 =	vsub.s32 v28, v3;
	vm2 =	vlt.s32 v24, v6;
	v21 =	vld [tilespmem:s18+$0x60]  }
0xae: {  	vm1 =	vlt.s32 v23, v15;
	v24 =	vsel vm2, v24, v6;
	v11 =	vsel vm3, v11, v25;
	v22 =	vld [tilespmem:s18+$0x70]  }
0xaf: {  	v23 =	vsel vm1, v23, v15;
	vm1 =	vlt.s32 v24, v12;
	v15 =	vld [tilespmem:s18+$0x0];
	v6 =	vsub.s32 v26, v3;
	s18 =	sadd.s32 $0x100, s18  }
0xb0: {  	v12 =	vsel vm1, v24, v12;
	vm6 =	vlt.s32 v23, v16;
	v13 =	vsub.s32 v13, v3  }
0xb1: {  	v4 =	vsel vm0, v4, v18;
	v58 =	vsub.s32 v19, v3;
	v8 =	vsub.s32 v8, v3  }
0xb2: {  	vm2 =	vlt.s32 v10, v14;
	v16 =	vsel vm6, v23, v16;
	v59 =	vsub.s32 v20, v3  }
0xb3: {  	vm0 =	vlt.s32 v4, v5;
	vm8 =	vlt.s32 v9, v8;
	v10 =	vsel vm2, v10, v14  }
0xb4: {  	vm9 =	vlt.s32 v17, v58;
	v4 =	vsel vm0, v4, v5;
	v60 =	vsub.s32 v21, v3  }
0xb5: {  	vm7 =	vlt.s32 v7, v59;
	v8 =	vsel vm8, v9, v8;
	v62 =	vsel vm9, v17, v58  }
0xb6: {  	vm10 =	vlt.s32 v10, v13;
	v61 =	vsub.s32 v22, v3;
	v7 =	vsel vm7, v7, v59  }
0xb7: {  	vm1 =	vlt.s32 v8, v6;
	v63 =	vsel vm10, v10, v13;
	vm11 =	vlt.s32 v62, v60  }
0xb8: {  	vm3 =	vlt.s32 v11, v61;
	v3 =	vsub.s32 v15, v3;
	v6 =	vsel vm1, v8, v6  }
0xb9: {  	v5 =	vsel vm11, v62, v60;
	vm14 =	vlt.s32 v4, v63;
	vm0 =	vlt.s32 v7, v3  }
0xba: {  	v11 =	vsel vm3, v11, v61;
	vm13 =	vlt.s32 v16, v6;
	v3 =	vsel vm0, v7, v3  }
0xbb: {  	v4 =	vsel vm14, v4, v63;
	vm15 =	vlt.s32 v5, v11;
	vm12 =	vlt.s32 v3, v12  }
0xbc: {  	v6 =	vsel vm13, v16, v6;
	v5 =	vsel vm15, v5, v11;
	v3 =	vsel vm12, v3, v12  }
0xbd: {  	vm1 =	vlt.s32 v4, v5;
	vm0 =	vlt.s32 v3, v6  }
0xbe: {  	s16 =	sadd.s32 $0x1, s16;
	v4 =	vsel vm1, v4, v5;
	v3 =	vsel vm0, v3, v6  }
0xbf: {  	p0 =	sne.s32 s16, $0x15;
	vm0 =	vlt.s32 v3, v4  }
.Ltmp5:
0xc0: {  	v3 =	vsel vm0, v3, v4;
	(pc) =	sbr.rel @p0 .LBB2_10-.Ltmp5, $4  }
0xc1: {  	v3 =	vxor.u32 $0x80000000, v3  }
0xc2: {  	v2 =	vadd.s32 v3, v2  }
0xc3: {  	v2 =	vadd.s32 $0x1, v2  }
0xc4: {  	v1 =	vadd.f32 v2, v1  }
0xc5: {  	v2 =	vmul.f32 $-5.199999810e-01, v2;
	_ =	sdelay $0x1  }
0xc6: {  	v1 =	vadd.f32 v2, v1;
	_ =	sdelay $0x1  }
0xc7: {  	v1 =	vmul.f32 v1, v0;
	_ =	sdelay $0x1  }
0xc8: {  	s16 =	simm.s32 $0x0;
	[tilespmem:$0x8020] =	vst v1  }
0xc9: {  	[tilespmem:s16], [sflag:$0x1] =	stream.linear.gather [hbm4b:s6+s16], $0x8000, $0x38;
	[tilespmem:$0x8080] =	vst v63  }
0xca: {  	_ =	swait.ge [sflag:s13], $0x8000  }
0xcb: {  	[sflag:s13] =	ssyncset.done $0x0  }
0xcc: {  	v2 =	vimm.s32 $0xFFFFFFFF;
	v1 =	vimm.f32 $0.0e+00;
	[sflag:s13] =	ssyncadd.s32 $0xFFFF8000  }
.LBB2_14:
0xcd: {  	s18 =	simm.s32 $0x80  }
0xce: {  	v5 =	vld [tilespmem:s18+$0x40]  }
0xcf: {  	v6 =	vld [tilespmem:s18+$0x20]  }
0xd0: {  	v7 =	vld [tilespmem:s18+$0x10]  }
0xd1: {  	v9 =	vld [tilespmem:s18+$0xFFFFFF90]  }
0xd2: {  	v8 =	vld [tilespmem:s18+$0xFFFFFFF0]  }
0xd3: {  	v10 =	vld [tilespmem:s18+$0xFFFFFFC0]  }
0xd4: {  	v11 =	vld [tilespmem:s18+$0xFFFFFFA0]  }
0xd5: {  	v14 =	vld [tilespmem:s18+$0xFFFFFFD0];
	_ =	sdelay $0x1  }
0xd6: {  	v3 =	vadd.s32 $0x80000001, v2;
	v4 =	vimm.s32 $0x7FFFFFFF;
	v13 =	vld [tilespmem:s18+$0x50]  }
0xd7: {  	v17 =	vimm.s32 $0x7FFFFFFF;
	v15 =	vld [tilespmem:s18+$0x30];
	v12 =	vsub.s32 v7, v3;
	v5 =	vsub.s32 v5, v3  }
0xd8: {  	v19 =	vld [tilespmem:s18+$0xFFFFFFE0];
	v7 =	vsub.s32 v8, v3;
	v16 =	vsub.s32 v6, v3;
	v18 =	vsub.s32 v10, v3  }
0xd9: {  	v20 =	vld [tilespmem:s18+$0xFFFFFF80];
	v6 =	vsub.s32 v9, v3;
	v9 =	vsub.s32 v11, v3;
	v14 =	vsub.s32 v14, v3  }
0xda: {  	v21 =	vld [tilespmem:s18+$0x60];
	v10 =	vimm.s32 $0x7FFFFFFF;
	vm1 =	vlt.s32 v4, v7;
	vm2 =	vlt.s32 v4, v6  }
0xdb: {  	v8 =	vld [tilespmem:s18+$0xFFFFFFB0];
	vm0 =	vlt.s32 v4, v18;
	v24 =	vsel vm2, v4, v6;
	vm2 =	vlt.s32 v4, v9  }
0xdc: {  	v22 =	vld [tilespmem:s18+$0x70];
	v11 =	vsel vm1, v4, v7;
	v6 =	vsub.s32 v15, v3;
	v7 =	vimm.s32 $0x7FFFFFFF  }
0xdd: {  	s17 =	simm.s32 $0x0;
	v15 =	vld [tilespmem:s18+$0x0];
	s18 =	simm.s32 $0x180;
	v23 =	vsel vm2, v4, v9;
	vm1 =	vlt.s32 v24, v12;
	v9 =	vimm.s32 $0x7FFFFFFF  }
.LBB2_15:
0xde: {  	v25 =	vld [tilespmem:s18+$0x40];
	s17 =	sadd.s32 $0x2, s17;
	v24 =	vsel vm1, v24, v12;
	vm1 =	vlt.s32 v23, v16;
	v26 =	vsub.s32 v13, v3  }
0xdf: {  	v4 =	vsel vm0, v4, v18;
	v12 =	vsub.s32 v19, v3;
	v27 =	vld [tilespmem:s18+$0x20];
	p0 =	slt.u32 s17, $0xFE;
	v23 =	vsel vm1, v23, v16  }
0xe0: {  	v8 =	vsub.s32 v8, v3;
	v16 =	vsub.s32 v20, v3;
	vm0 =	vlt.s32 v4, v5;
	v13 =	vld [tilespmem:s18+$0x10]  }
0xe1: {  	v4 =	vsel vm0, v4, v5;
	v29 =	vsub.s32 v21, v3;
	v28 =	vld [tilespmem:s18+$0xFFFFFFA0];
	v5 =	vsub.s32 v22, v3  }
0xe2: {  	vm2 =	vlt.s32 v10, v14;
	vm1 =	vlt.s32 v9, v8;
	vm0 =	vlt.s32 v7, v16;
	v21 =	vld [tilespmem:s18+$0xFFFFFF90]  }
0xe3: {  	v10 =	vsel vm2, v10, v14;
	vm2 =	vlt.s32 v17, v12;
	vm3 =	vlt.s32 v11, v5;
	v18 =	vld [tilespmem:s18+$0xFFFFFFF0]  }
0xe4: {  	v9 =	vsel vm1, v9, v8;
	v17 =	vsel vm2, v17, v12;
	v11 =	vsel vm3, v11, v5;
	v14 =	vld [tilespmem:s18+$0xFFFFFFC0]  }
0xe5: {  	v7 =	vsel vm0, v7, v16;
	vm0 =	vlt.s32 v9, v6;
	v22 =	vld [tilespmem:s18+$0xFFFFFFD0];
	v12 =	vsub.s32 v13, v3  }
0xe6: {  	vm1 =	vlt.s32 v10, v26;
	v15 =	vsub.s32 v15, v3;
	v5 =	vsub.s32 v25, v3;
	v13 =	vld [tilespmem:s18+$0x50]  }
0xe7: {  	v10 =	vsel vm1, v10, v26;
	vm1 =	vlt.s32 v17, v29;
	vm2 =	vlt.s32 v7, v15;
	v8 =	vld [tilespmem:s18+$0xFFFFFFB0]  }
0xe8: {  	v9 =	vsel vm0, v9, v6;
	v16 =	vsub.s32 v27, v3;
	v25 =	vsub.s32 v18, v3;
	v26 =	vld [tilespmem:s18+$0x30]  }
.Ltmp6:
0xe9: {  	v7 =	vsel vm2, v7, v15;
	v18 =	vsub.s32 v14, v3;
	v19 =	vld [tilespmem:s18+$0xFFFFFFE0];
	vm3 =	vlt.s32 v11, v25;
	(pc) =	sbr.rel @p0 .LBB2_15-.Ltmp6, $4  }
0xea: {  	v6 =	vsub.s32 v21, v3;
	v20 =	vld [tilespmem:s18+$0xFFFFFF80];
	vm0 =	vlt.s32 v4, v18;
	v14 =	vsub.s32 v22, v3  }
0xeb: {  	v17 =	vsel vm1, v17, v29;
	v15 =	vsub.s32 v28, v3;
	vm2 =	vlt.s32 v24, v6;
	v21 =	vld [tilespmem:s18+$0x60]  }
0xec: {  	vm1 =	vlt.s32 v23, v15;
	v24 =	vsel vm2, v24, v6;
	v11 =	vsel vm3, v11, v25;
	v22 =	vld [tilespmem:s18+$0x70]  }
0xed: {  	v23 =	vsel vm1, v23, v15;
	vm1 =	vlt.s32 v24, v12;
	v15 =	vld [tilespmem:s18+$0x0];
	v6 =	vsub.s32 v26, v3;
	s18 =	sadd.s32 $0x100, s18  }
0xee: {  	v12 =	vsel vm1, v24, v12;
	vm6 =	vlt.s32 v23, v16;
	v13 =	vsub.s32 v13, v3  }
0xef: {  	v4 =	vsel vm0, v4, v18;
	v58 =	vsub.s32 v19, v3;
	v8 =	vsub.s32 v8, v3  }
0xf0: {  	vm2 =	vlt.s32 v10, v14;
	v16 =	vsel vm6, v23, v16;
	v59 =	vsub.s32 v20, v3  }
0xf1: {  	vm0 =	vlt.s32 v4, v5;
	vm8 =	vlt.s32 v9, v8;
	v10 =	vsel vm2, v10, v14  }
0xf2: {  	vm9 =	vlt.s32 v17, v58;
	v4 =	vsel vm0, v4, v5;
	v60 =	vsub.s32 v21, v3  }
0xf3: {  	vm7 =	vlt.s32 v7, v59;
	v8 =	vsel vm8, v9, v8;
	v62 =	vsel vm9, v17, v58  }
0xf4: {  	vm10 =	vlt.s32 v10, v13;
	v61 =	vsub.s32 v22, v3;
	v7 =	vsel vm7, v7, v59  }
0xf5: {  	vm1 =	vlt.s32 v8, v6;
	v63 =	vsel vm10, v10, v13;
	vm11 =	vlt.s32 v62, v60  }
0xf6: {  	vm3 =	vlt.s32 v11, v61;
	v3 =	vsub.s32 v15, v3;
	v6 =	vsel vm1, v8, v6  }
0xf7: {  	v5 =	vsel vm11, v62, v60;
	vm14 =	vlt.s32 v4, v63;
	vm0 =	vlt.s32 v7, v3  }
0xf8: {  	v11 =	vsel vm3, v11, v61;
	vm13 =	vlt.s32 v16, v6;
	v3 =	vsel vm0, v7, v3  }
0xf9: {  	v4 =	vsel vm14, v4, v63;
	vm15 =	vlt.s32 v5, v11;
	vm12 =	vlt.s32 v3, v12  }
0xfa: {  	v6 =	vsel vm13, v16, v6;
	v5 =	vsel vm15, v5, v11;
	v3 =	vsel vm12, v3, v12  }
0xfb: {  	vm1 =	vlt.s32 v4, v5;
	vm0 =	vlt.s32 v3, v6  }
0xfc: {  	s16 =	sadd.s32 $0x1, s16;
	v4 =	vsel vm1, v4, v5;
	v3 =	vsel vm0, v3, v6  }
0xfd: {  	p0 =	sne.s32 s16, $0x15;
	vm0 =	vlt.s32 v3, v4  }
.Ltmp7:
0xfe: {  	v3 =	vsel vm0, v3, v4;
	(pc) =	sbr.rel @p0 .LBB2_14-.Ltmp7, $4  }
0xff: {  	v3 =	vxor.u32 $0x80000000, v3  }
0x100: {  	v2 =	vadd.s32 v3, v2  }
0x101: {  	v2 =	vadd.s32 $0x1, v2  }
0x102: {  	v1 =	vadd.f32 v2, v1  }
0x103: {  	v2 =	vmul.f32 $-5.199999810e-01, v2;
	_ =	sdelay $0x1  }
0x104: {  	v1 =	vadd.f32 v2, v1;
	_ =	sdelay $0x1  }
0x105: {  	v1 =	vmul.f32 v1, v0;
	_ =	sdelay $0x1  }
0x106: {  	s16 =	simm.s32 $0x0;
	[tilespmem:$0x8030] =	vst v1  }
0x107: {  	[tilespmem:s16], [sflag:$0x1] =	stream.linear.gather [hbm4b:s7+s16], $0x8000, $0x38;
	[tilespmem:$0x8080] =	vst v63  }
0x108: {  	_ =	swait.ge [sflag:s13], $0x8000  }
0x109: {  	[sflag:s13] =	ssyncset.done $0x0  }
0x10a: {  	v2 =	vimm.s32 $0xFFFFFFFF;
	v1 =	vimm.f32 $0.0e+00;
	[sflag:s13] =	ssyncadd.s32 $0xFFFF8000  }
.LBB2_18:
0x10b: {  	s18 =	simm.s32 $0x80  }
0x10c: {  	v5 =	vld [tilespmem:s18+$0x40]  }
0x10d: {  	v6 =	vld [tilespmem:s18+$0x20]  }
0x10e: {  	v7 =	vld [tilespmem:s18+$0x10]  }
0x10f: {  	v9 =	vld [tilespmem:s18+$0xFFFFFF90]  }
0x110: {  	v8 =	vld [tilespmem:s18+$0xFFFFFFF0]  }
0x111: {  	v10 =	vld [tilespmem:s18+$0xFFFFFFC0]  }
0x112: {  	v11 =	vld [tilespmem:s18+$0xFFFFFFA0]  }
0x113: {  	v14 =	vld [tilespmem:s18+$0xFFFFFFD0];
	_ =	sdelay $0x1  }
0x114: {  	v3 =	vadd.s32 $0x80000001, v2;
	v4 =	vimm.s32 $0x7FFFFFFF;
	v13 =	vld [tilespmem:s18+$0x50]  }
0x115: {  	v17 =	vimm.s32 $0x7FFFFFFF;
	v15 =	vld [tilespmem:s18+$0x30];
	v12 =	vsub.s32 v7, v3;
	v5 =	vsub.s32 v5, v3  }
0x116: {  	v19 =	vld [tilespmem:s18+$0xFFFFFFE0];
	v7 =	vsub.s32 v8, v3;
	v16 =	vsub.s32 v6, v3;
	v18 =	vsub.s32 v10, v3  }
0x117: {  	v20 =	vld [tilespmem:s18+$0xFFFFFF80];
	v6 =	vsub.s32 v9, v3;
	v9 =	vsub.s32 v11, v3;
	v14 =	vsub.s32 v14, v3  }
0x118: {  	v21 =	vld [tilespmem:s18+$0x60];
	v10 =	vimm.s32 $0x7FFFFFFF;
	vm1 =	vlt.s32 v4, v7;
	vm2 =	vlt.s32 v4, v6  }
0x119: {  	v8 =	vld [tilespmem:s18+$0xFFFFFFB0];
	vm0 =	vlt.s32 v4, v18;
	v24 =	vsel vm2, v4, v6;
	vm2 =	vlt.s32 v4, v9  }
0x11a: {  	v22 =	vld [tilespmem:s18+$0x70];
	v11 =	vsel vm1, v4, v7;
	v6 =	vsub.s32 v15, v3;
	v7 =	vimm.s32 $0x7FFFFFFF  }
0x11b: {  	s17 =	simm.s32 $0x0;
	v15 =	vld [tilespmem:s18+$0x0];
	s18 =	simm.s32 $0x180;
	v23 =	vsel vm2, v4, v9;
	vm1 =	vlt.s32 v24, v12;
	v9 =	vimm.s32 $0x7FFFFFFF  }
.LBB2_19:
0x11c: {  	v25 =	vld [tilespmem:s18+$0x40];
	s17 =	sadd.s32 $0x2, s17;
	v24 =	vsel vm1, v24, v12;
	vm1 =	vlt.s32 v23, v16;
	v26 =	vsub.s32 v13, v3  }
0x11d: {  	v4 =	vsel vm0, v4, v18;
	v12 =	vsub.s32 v19, v3;
	v27 =	vld [tilespmem:s18+$0x20];
	p0 =	slt.u32 s17, $0xFE;
	v23 =	vsel vm1, v23, v16  }
0x11e: {  	v8 =	vsub.s32 v8, v3;
	v16 =	vsub.s32 v20, v3;
	vm0 =	vlt.s32 v4, v5;
	v13 =	vld [tilespmem:s18+$0x10]  }
0x11f: {  	v4 =	vsel vm0, v4, v5;
	v29 =	vsub.s32 v21, v3;
	v28 =	vld [tilespmem:s18+$0xFFFFFFA0];
	v5 =	vsub.s32 v22, v3  }
0x120: {  	vm2 =	vlt.s32 v10, v14;
	vm1 =	vlt.s32 v9, v8;
	vm0 =	vlt.s32 v7, v16;
	v21 =	vld [tilespmem:s18+$0xFFFFFF90]  }
0x121: {  	v10 =	vsel vm2, v10, v14;
	vm2 =	vlt.s32 v17, v12;
	vm3 =	vlt.s32 v11, v5;
	v18 =	vld [tilespmem:s18+$0xFFFFFFF0]  }
0x122: {  	v9 =	vsel vm1, v9, v8;
	v17 =	vsel vm2, v17, v12;
	v11 =	vsel vm3, v11, v5;
	v14 =	vld [tilespmem:s18+$0xFFFFFFC0]  }
0x123: {  	v7 =	vsel vm0, v7, v16;
	vm0 =	vlt.s32 v9, v6;
	v22 =	vld [tilespmem:s18+$0xFFFFFFD0];
	v12 =	vsub.s32 v13, v3  }
0x124: {  	vm1 =	vlt.s32 v10, v26;
	v15 =	vsub.s32 v15, v3;
	v5 =	vsub.s32 v25, v3;
	v13 =	vld [tilespmem:s18+$0x50]  }
0x125: {  	v10 =	vsel vm1, v10, v26;
	vm1 =	vlt.s32 v17, v29;
	vm2 =	vlt.s32 v7, v15;
	v8 =	vld [tilespmem:s18+$0xFFFFFFB0]  }
0x126: {  	v9 =	vsel vm0, v9, v6;
	v16 =	vsub.s32 v27, v3;
	v25 =	vsub.s32 v18, v3;
	v26 =	vld [tilespmem:s18+$0x30]  }
.Ltmp8:
0x127: {  	v7 =	vsel vm2, v7, v15;
	v18 =	vsub.s32 v14, v3;
	v19 =	vld [tilespmem:s18+$0xFFFFFFE0];
	vm3 =	vlt.s32 v11, v25;
	(pc) =	sbr.rel @p0 .LBB2_19-.Ltmp8, $4  }
0x128: {  	v6 =	vsub.s32 v21, v3;
	v20 =	vld [tilespmem:s18+$0xFFFFFF80];
	vm0 =	vlt.s32 v4, v18;
	v14 =	vsub.s32 v22, v3  }
0x129: {  	v17 =	vsel vm1, v17, v29;
	v15 =	vsub.s32 v28, v3;
	vm2 =	vlt.s32 v24, v6;
	v21 =	vld [tilespmem:s18+$0x60]  }
0x12a: {  	vm1 =	vlt.s32 v23, v15;
	v24 =	vsel vm2, v24, v6;
	v11 =	vsel vm3, v11, v25;
	v22 =	vld [tilespmem:s18+$0x70]  }
0x12b: {  	v23 =	vsel vm1, v23, v15;
	vm1 =	vlt.s32 v24, v12;
	v15 =	vld [tilespmem:s18+$0x0];
	v6 =	vsub.s32 v26, v3;
	s18 =	sadd.s32 $0x100, s18  }
0x12c: {  	v12 =	vsel vm1, v24, v12;
	vm6 =	vlt.s32 v23, v16;
	v13 =	vsub.s32 v13, v3  }
0x12d: {  	v4 =	vsel vm0, v4, v18;
	v58 =	vsub.s32 v19, v3;
	v8 =	vsub.s32 v8, v3  }
0x12e: {  	vm2 =	vlt.s32 v10, v14;
	v16 =	vsel vm6, v23, v16;
	v59 =	vsub.s32 v20, v3  }
0x12f: {  	vm0 =	vlt.s32 v4, v5;
	vm8 =	vlt.s32 v9, v8;
	v10 =	vsel vm2, v10, v14  }
0x130: {  	vm9 =	vlt.s32 v17, v58;
	v4 =	vsel vm0, v4, v5;
	v60 =	vsub.s32 v21, v3  }
0x131: {  	vm7 =	vlt.s32 v7, v59;
	v8 =	vsel vm8, v9, v8;
	v62 =	vsel vm9, v17, v58  }
0x132: {  	vm10 =	vlt.s32 v10, v13;
	v61 =	vsub.s32 v22, v3;
	v7 =	vsel vm7, v7, v59  }
0x133: {  	vm1 =	vlt.s32 v8, v6;
	v63 =	vsel vm10, v10, v13;
	vm11 =	vlt.s32 v62, v60  }
0x134: {  	vm3 =	vlt.s32 v11, v61;
	v3 =	vsub.s32 v15, v3;
	v6 =	vsel vm1, v8, v6  }
0x135: {  	v5 =	vsel vm11, v62, v60;
	vm14 =	vlt.s32 v4, v63;
	vm0 =	vlt.s32 v7, v3  }
0x136: {  	v11 =	vsel vm3, v11, v61;
	vm13 =	vlt.s32 v16, v6;
	v3 =	vsel vm0, v7, v3  }
0x137: {  	v4 =	vsel vm14, v4, v63;
	vm15 =	vlt.s32 v5, v11;
	vm12 =	vlt.s32 v3, v12  }
0x138: {  	v6 =	vsel vm13, v16, v6;
	v5 =	vsel vm15, v5, v11;
	v3 =	vsel vm12, v3, v12  }
0x139: {  	vm1 =	vlt.s32 v4, v5;
	vm0 =	vlt.s32 v3, v6  }
0x13a: {  	s16 =	sadd.s32 $0x1, s16;
	v4 =	vsel vm1, v4, v5;
	v3 =	vsel vm0, v3, v6  }
0x13b: {  	p0 =	sne.s32 s16, $0x15;
	vm0 =	vlt.s32 v3, v4  }
.Ltmp9:
0x13c: {  	v3 =	vsel vm0, v3, v4;
	(pc) =	sbr.rel @p0 .LBB2_18-.Ltmp9, $4  }
0x13d: {  	v3 =	vxor.u32 $0x80000000, v3  }
0x13e: {  	v2 =	vadd.s32 v3, v2  }
0x13f: {  	v2 =	vadd.s32 $0x1, v2  }
0x140: {  	v1 =	vadd.f32 v2, v1  }
0x141: {  	v2 =	vmul.f32 $-5.199999810e-01, v2;
	_ =	sdelay $0x1  }
0x142: {  	v1 =	vadd.f32 v2, v1;
	_ =	sdelay $0x1  }
0x143: {  	v1 =	vmul.f32 v1, v0;
	_ =	sdelay $0x1  }
0x144: {  	s16 =	simm.s32 $0x0;
	[tilespmem:$0x8040] =	vst v1  }
0x145: {  	[tilespmem:s16], [sflag:$0x1] =	stream.linear.gather [hbm4b:s8+s16], $0x8000, $0x38;
	[tilespmem:$0x8080] =	vst v63  }
0x146: {  	_ =	swait.ge [sflag:s13], $0x8000  }
0x147: {  	[sflag:s13] =	ssyncset.done $0x0  }
0x148: {  	v2 =	vimm.s32 $0xFFFFFFFF;
	v1 =	vimm.f32 $0.0e+00;
	[sflag:s13] =	ssyncadd.s32 $0xFFFF8000  }
.LBB2_22:
0x149: {  	s18 =	simm.s32 $0x80  }
0x14a: {  	v5 =	vld [tilespmem:s18+$0x40]  }
0x14b: {  	v6 =	vld [tilespmem:s18+$0x20]  }
0x14c: {  	v7 =	vld [tilespmem:s18+$0x10]  }
0x14d: {  	v9 =	vld [tilespmem:s18+$0xFFFFFF90]  }
0x14e: {  	v8 =	vld [tilespmem:s18+$0xFFFFFFF0]  }
0x14f: {  	v10 =	vld [tilespmem:s18+$0xFFFFFFC0]  }
0x150: {  	v11 =	vld [tilespmem:s18+$0xFFFFFFA0]  }
0x151: {  	v14 =	vld [tilespmem:s18+$0xFFFFFFD0];
	_ =	sdelay $0x1  }
0x152: {  	v3 =	vadd.s32 $0x80000001, v2;
	v4 =	vimm.s32 $0x7FFFFFFF;
	v13 =	vld [tilespmem:s18+$0x50]  }
0x153: {  	v17 =	vimm.s32 $0x7FFFFFFF;
	v15 =	vld [tilespmem:s18+$0x30];
	v12 =	vsub.s32 v7, v3;
	v5 =	vsub.s32 v5, v3  }
0x154: {  	v19 =	vld [tilespmem:s18+$0xFFFFFFE0];
	v7 =	vsub.s32 v8, v3;
	v16 =	vsub.s32 v6, v3;
	v18 =	vsub.s32 v10, v3  }
0x155: {  	v20 =	vld [tilespmem:s18+$0xFFFFFF80];
	v6 =	vsub.s32 v9, v3;
	v9 =	vsub.s32 v11, v3;
	v14 =	vsub.s32 v14, v3  }
0x156: {  	v21 =	vld [tilespmem:s18+$0x60];
	v10 =	vimm.s32 $0x7FFFFFFF;
	vm1 =	vlt.s32 v4, v7;
	vm2 =	vlt.s32 v4, v6  }
0x157: {  	v8 =	vld [tilespmem:s18+$0xFFFFFFB0];
	vm0 =	vlt.s32 v4, v18;
	v24 =	vsel vm2, v4, v6;
	vm2 =	vlt.s32 v4, v9  }
0x158: {  	v22 =	vld [tilespmem:s18+$0x70];
	v11 =	vsel vm1, v4, v7;
	v6 =	vsub.s32 v15, v3;
	v7 =	vimm.s32 $0x7FFFFFFF  }
0x159: {  	s17 =	simm.s32 $0x0;
	v15 =	vld [tilespmem:s18+$0x0];
	s18 =	simm.s32 $0x180;
	v23 =	vsel vm2, v4, v9;
	vm1 =	vlt.s32 v24, v12;
	v9 =	vimm.s32 $0x7FFFFFFF  }
.LBB2_23:
0x15a: {  	v25 =	vld [tilespmem:s18+$0x40];
	s17 =	sadd.s32 $0x2, s17;
	v24 =	vsel vm1, v24, v12;
	vm1 =	vlt.s32 v23, v16;
	v26 =	vsub.s32 v13, v3  }
0x15b: {  	v4 =	vsel vm0, v4, v18;
	v12 =	vsub.s32 v19, v3;
	v27 =	vld [tilespmem:s18+$0x20];
	p0 =	slt.u32 s17, $0xFE;
	v23 =	vsel vm1, v23, v16  }
0x15c: {  	v8 =	vsub.s32 v8, v3;
	v16 =	vsub.s32 v20, v3;
	vm0 =	vlt.s32 v4, v5;
	v13 =	vld [tilespmem:s18+$0x10]  }
0x15d: {  	v4 =	vsel vm0, v4, v5;
	v29 =	vsub.s32 v21, v3;
	v28 =	vld [tilespmem:s18+$0xFFFFFFA0];
	v5 =	vsub.s32 v22, v3  }
0x15e: {  	vm2 =	vlt.s32 v10, v14;
	vm1 =	vlt.s32 v9, v8;
	vm0 =	vlt.s32 v7, v16;
	v21 =	vld [tilespmem:s18+$0xFFFFFF90]  }
0x15f: {  	v10 =	vsel vm2, v10, v14;
	vm2 =	vlt.s32 v17, v12;
	vm3 =	vlt.s32 v11, v5;
	v18 =	vld [tilespmem:s18+$0xFFFFFFF0]  }
0x160: {  	v9 =	vsel vm1, v9, v8;
	v17 =	vsel vm2, v17, v12;
	v11 =	vsel vm3, v11, v5;
	v14 =	vld [tilespmem:s18+$0xFFFFFFC0]  }
0x161: {  	v7 =	vsel vm0, v7, v16;
	vm0 =	vlt.s32 v9, v6;
	v22 =	vld [tilespmem:s18+$0xFFFFFFD0];
	v12 =	vsub.s32 v13, v3  }
0x162: {  	vm1 =	vlt.s32 v10, v26;
	v15 =	vsub.s32 v15, v3;
	v5 =	vsub.s32 v25, v3;
	v13 =	vld [tilespmem:s18+$0x50]  }
0x163: {  	v10 =	vsel vm1, v10, v26;
	vm1 =	vlt.s32 v17, v29;
	vm2 =	vlt.s32 v7, v15;
	v8 =	vld [tilespmem:s18+$0xFFFFFFB0]  }
0x164: {  	v9 =	vsel vm0, v9, v6;
	v16 =	vsub.s32 v27, v3;
	v25 =	vsub.s32 v18, v3;
	v26 =	vld [tilespmem:s18+$0x30]  }
.Ltmp10:
0x165: {  	v7 =	vsel vm2, v7, v15;
	v18 =	vsub.s32 v14, v3;
	v19 =	vld [tilespmem:s18+$0xFFFFFFE0];
	vm3 =	vlt.s32 v11, v25;
	(pc) =	sbr.rel @p0 .LBB2_23-.Ltmp10, $4  }
0x166: {  	v6 =	vsub.s32 v21, v3;
	v20 =	vld [tilespmem:s18+$0xFFFFFF80];
	vm0 =	vlt.s32 v4, v18;
	v14 =	vsub.s32 v22, v3  }
0x167: {  	v17 =	vsel vm1, v17, v29;
	v15 =	vsub.s32 v28, v3;
	vm2 =	vlt.s32 v24, v6;
	v21 =	vld [tilespmem:s18+$0x60]  }
0x168: {  	vm1 =	vlt.s32 v23, v15;
	v24 =	vsel vm2, v24, v6;
	v11 =	vsel vm3, v11, v25;
	v22 =	vld [tilespmem:s18+$0x70]  }
0x169: {  	v23 =	vsel vm1, v23, v15;
	vm1 =	vlt.s32 v24, v12;
	v15 =	vld [tilespmem:s18+$0x0];
	v6 =	vsub.s32 v26, v3;
	s18 =	sadd.s32 $0x100, s18  }
0x16a: {  	v12 =	vsel vm1, v24, v12;
	vm6 =	vlt.s32 v23, v16;
	v13 =	vsub.s32 v13, v3  }
0x16b: {  	v4 =	vsel vm0, v4, v18;
	v58 =	vsub.s32 v19, v3;
	v8 =	vsub.s32 v8, v3  }
0x16c: {  	vm2 =	vlt.s32 v10, v14;
	v16 =	vsel vm6, v23, v16;
	v59 =	vsub.s32 v20, v3  }
0x16d: {  	vm0 =	vlt.s32 v4, v5;
	vm8 =	vlt.s32 v9, v8;
	v10 =	vsel vm2, v10, v14  }
0x16e: {  	vm9 =	vlt.s32 v17, v58;
	v4 =	vsel vm0, v4, v5;
	v60 =	vsub.s32 v21, v3  }
0x16f: {  	vm7 =	vlt.s32 v7, v59;
	v8 =	vsel vm8, v9, v8;
	v62 =	vsel vm9, v17, v58  }
0x170: {  	vm10 =	vlt.s32 v10, v13;
	v61 =	vsub.s32 v22, v3;
	v7 =	vsel vm7, v7, v59  }
0x171: {  	vm1 =	vlt.s32 v8, v6;
	v63 =	vsel vm10, v10, v13;
	vm11 =	vlt.s32 v62, v60  }
0x172: {  	vm3 =	vlt.s32 v11, v61;
	v3 =	vsub.s32 v15, v3;
	v6 =	vsel vm1, v8, v6  }
0x173: {  	v5 =	vsel vm11, v62, v60;
	vm14 =	vlt.s32 v4, v63;
	vm0 =	vlt.s32 v7, v3  }
0x174: {  	v11 =	vsel vm3, v11, v61;
	vm13 =	vlt.s32 v16, v6;
	v3 =	vsel vm0, v7, v3  }
0x175: {  	v4 =	vsel vm14, v4, v63;
	vm15 =	vlt.s32 v5, v11;
	vm12 =	vlt.s32 v3, v12  }
0x176: {  	v6 =	vsel vm13, v16, v6;
	v5 =	vsel vm15, v5, v11;
	v3 =	vsel vm12, v3, v12  }
0x177: {  	vm1 =	vlt.s32 v4, v5;
	vm0 =	vlt.s32 v3, v6  }
0x178: {  	s16 =	sadd.s32 $0x1, s16;
	v4 =	vsel vm1, v4, v5;
	v3 =	vsel vm0, v3, v6  }
0x179: {  	p0 =	sne.s32 s16, $0x15;
	vm0 =	vlt.s32 v3, v4  }
.Ltmp11:
0x17a: {  	v3 =	vsel vm0, v3, v4;
	(pc) =	sbr.rel @p0 .LBB2_22-.Ltmp11, $4  }
0x17b: {  	v3 =	vxor.u32 $0x80000000, v3  }
0x17c: {  	v2 =	vadd.s32 v3, v2  }
0x17d: {  	v2 =	vadd.s32 $0x1, v2  }
0x17e: {  	v1 =	vadd.f32 v2, v1  }
0x17f: {  	v2 =	vmul.f32 $-5.199999810e-01, v2;
	_ =	sdelay $0x1  }
0x180: {  	v1 =	vadd.f32 v2, v1;
	_ =	sdelay $0x1  }
0x181: {  	v1 =	vmul.f32 v1, v0;
	_ =	sdelay $0x1  }
0x182: {  	s16 =	simm.s32 $0x0;
	[tilespmem:$0x8050] =	vst v1  }
0x183: {  	[tilespmem:s16], [sflag:$0x1] =	stream.linear.gather [hbm4b:s9+s16], $0x8000, $0x38;
	[tilespmem:$0x8080] =	vst v63  }
0x184: {  	_ =	swait.ge [sflag:s13], $0x8000  }
0x185: {  	[sflag:s13] =	ssyncset.done $0x0  }
0x186: {  	v2 =	vimm.s32 $0xFFFFFFFF;
	v1 =	vimm.f32 $0.0e+00;
	[sflag:s13] =	ssyncadd.s32 $0xFFFF8000  }
.LBB2_26:
0x187: {  	s18 =	simm.s32 $0x80  }
0x188: {  	v5 =	vld [tilespmem:s18+$0x40]  }
0x189: {  	v6 =	vld [tilespmem:s18+$0x20]  }
0x18a: {  	v7 =	vld [tilespmem:s18+$0x10]  }
0x18b: {  	v9 =	vld [tilespmem:s18+$0xFFFFFF90]  }
0x18c: {  	v8 =	vld [tilespmem:s18+$0xFFFFFFF0]  }
0x18d: {  	v10 =	vld [tilespmem:s18+$0xFFFFFFC0]  }
0x18e: {  	v11 =	vld [tilespmem:s18+$0xFFFFFFA0]  }
0x18f: {  	v14 =	vld [tilespmem:s18+$0xFFFFFFD0];
	_ =	sdelay $0x1  }
0x190: {  	v3 =	vadd.s32 $0x80000001, v2;
	v4 =	vimm.s32 $0x7FFFFFFF;
	v13 =	vld [tilespmem:s18+$0x50]  }
0x191: {  	v17 =	vimm.s32 $0x7FFFFFFF;
	v15 =	vld [tilespmem:s18+$0x30];
	v12 =	vsub.s32 v7, v3;
	v5 =	vsub.s32 v5, v3  }
0x192: {  	v19 =	vld [tilespmem:s18+$0xFFFFFFE0];
	v7 =	vsub.s32 v8, v3;
	v16 =	vsub.s32 v6, v3;
	v18 =	vsub.s32 v10, v3  }
0x193: {  	v20 =	vld [tilespmem:s18+$0xFFFFFF80];
	v6 =	vsub.s32 v9, v3;
	v9 =	vsub.s32 v11, v3;
	v14 =	vsub.s32 v14, v3  }
0x194: {  	v21 =	vld [tilespmem:s18+$0x60];
	v10 =	vimm.s32 $0x7FFFFFFF;
	vm1 =	vlt.s32 v4, v7;
	vm2 =	vlt.s32 v4, v6  }
0x195: {  	v8 =	vld [tilespmem:s18+$0xFFFFFFB0];
	vm0 =	vlt.s32 v4, v18;
	v24 =	vsel vm2, v4, v6;
	vm2 =	vlt.s32 v4, v9  }
0x196: {  	v22 =	vld [tilespmem:s18+$0x70];
	v11 =	vsel vm1, v4, v7;
	v6 =	vsub.s32 v15, v3;
	v7 =	vimm.s32 $0x7FFFFFFF  }
0x197: {  	s17 =	simm.s32 $0x0;
	v15 =	vld [tilespmem:s18+$0x0];
	s18 =	simm.s32 $0x180;
	v23 =	vsel vm2, v4, v9;
	vm1 =	vlt.s32 v24, v12;
	v9 =	vimm.s32 $0x7FFFFFFF  }
.LBB2_27:
0x198: {  	v25 =	vld [tilespmem:s18+$0x40];
	s17 =	sadd.s32 $0x2, s17;
	v24 =	vsel vm1, v24, v12;
	vm1 =	vlt.s32 v23, v16;
	v26 =	vsub.s32 v13, v3  }
0x199: {  	v4 =	vsel vm0, v4, v18;
	v12 =	vsub.s32 v19, v3;
	v27 =	vld [tilespmem:s18+$0x20];
	p0 =	slt.u32 s17, $0xFE;
	v23 =	vsel vm1, v23, v16  }
0x19a: {  	v8 =	vsub.s32 v8, v3;
	v16 =	vsub.s32 v20, v3;
	vm0 =	vlt.s32 v4, v5;
	v13 =	vld [tilespmem:s18+$0x10]  }
0x19b: {  	v4 =	vsel vm0, v4, v5;
	v29 =	vsub.s32 v21, v3;
	v28 =	vld [tilespmem:s18+$0xFFFFFFA0];
	v5 =	vsub.s32 v22, v3  }
0x19c: {  	vm2 =	vlt.s32 v10, v14;
	vm1 =	vlt.s32 v9, v8;
	vm0 =	vlt.s32 v7, v16;
	v21 =	vld [tilespmem:s18+$0xFFFFFF90]  }
0x19d: {  	v10 =	vsel vm2, v10, v14;
	vm2 =	vlt.s32 v17, v12;
	vm3 =	vlt.s32 v11, v5;
	v18 =	vld [tilespmem:s18+$0xFFFFFFF0]  }
0x19e: {  	v9 =	vsel vm1, v9, v8;
	v17 =	vsel vm2, v17, v12;
	v11 =	vsel vm3, v11, v5;
	v14 =	vld [tilespmem:s18+$0xFFFFFFC0]  }
0x19f: {  	v7 =	vsel vm0, v7, v16;
	vm0 =	vlt.s32 v9, v6;
	v22 =	vld [tilespmem:s18+$0xFFFFFFD0];
	v12 =	vsub.s32 v13, v3  }
0x1a0: {  	vm1 =	vlt.s32 v10, v26;
	v15 =	vsub.s32 v15, v3;
	v5 =	vsub.s32 v25, v3;
	v13 =	vld [tilespmem:s18+$0x50]  }
0x1a1: {  	v10 =	vsel vm1, v10, v26;
	vm1 =	vlt.s32 v17, v29;
	vm2 =	vlt.s32 v7, v15;
	v8 =	vld [tilespmem:s18+$0xFFFFFFB0]  }
0x1a2: {  	v9 =	vsel vm0, v9, v6;
	v16 =	vsub.s32 v27, v3;
	v25 =	vsub.s32 v18, v3;
	v26 =	vld [tilespmem:s18+$0x30]  }
.Ltmp12:
0x1a3: {  	v7 =	vsel vm2, v7, v15;
	v18 =	vsub.s32 v14, v3;
	v19 =	vld [tilespmem:s18+$0xFFFFFFE0];
	vm3 =	vlt.s32 v11, v25;
	(pc) =	sbr.rel @p0 .LBB2_27-.Ltmp12, $4  }
0x1a4: {  	v6 =	vsub.s32 v21, v3;
	v20 =	vld [tilespmem:s18+$0xFFFFFF80];
	vm0 =	vlt.s32 v4, v18;
	v14 =	vsub.s32 v22, v3  }
0x1a5: {  	v17 =	vsel vm1, v17, v29;
	v15 =	vsub.s32 v28, v3;
	vm2 =	vlt.s32 v24, v6;
	v21 =	vld [tilespmem:s18+$0x60]  }
0x1a6: {  	vm1 =	vlt.s32 v23, v15;
	v24 =	vsel vm2, v24, v6;
	v11 =	vsel vm3, v11, v25;
	v22 =	vld [tilespmem:s18+$0x70]  }
0x1a7: {  	v23 =	vsel vm1, v23, v15;
	vm1 =	vlt.s32 v24, v12;
	v15 =	vld [tilespmem:s18+$0x0];
	v6 =	vsub.s32 v26, v3;
	s18 =	sadd.s32 $0x100, s18  }
0x1a8: {  	v12 =	vsel vm1, v24, v12;
	vm6 =	vlt.s32 v23, v16;
	v13 =	vsub.s32 v13, v3  }
0x1a9: {  	v4 =	vsel vm0, v4, v18;
	v58 =	vsub.s32 v19, v3;
	v8 =	vsub.s32 v8, v3  }
0x1aa: {  	vm2 =	vlt.s32 v10, v14;
	v16 =	vsel vm6, v23, v16;
	v59 =	vsub.s32 v20, v3  }
0x1ab: {  	vm0 =	vlt.s32 v4, v5;
	vm8 =	vlt.s32 v9, v8;
	v10 =	vsel vm2, v10, v14  }
0x1ac: {  	vm9 =	vlt.s32 v17, v58;
	v4 =	vsel vm0, v4, v5;
	v60 =	vsub.s32 v21, v3  }
0x1ad: {  	vm7 =	vlt.s32 v7, v59;
	v8 =	vsel vm8, v9, v8;
	v62 =	vsel vm9, v17, v58  }
0x1ae: {  	vm10 =	vlt.s32 v10, v13;
	v61 =	vsub.s32 v22, v3;
	v7 =	vsel vm7, v7, v59  }
0x1af: {  	vm1 =	vlt.s32 v8, v6;
	v63 =	vsel vm10, v10, v13;
	vm11 =	vlt.s32 v62, v60  }
0x1b0: {  	vm3 =	vlt.s32 v11, v61;
	v3 =	vsub.s32 v15, v3;
	v6 =	vsel vm1, v8, v6  }
0x1b1: {  	v5 =	vsel vm11, v62, v60;
	vm14 =	vlt.s32 v4, v63;
	vm0 =	vlt.s32 v7, v3  }
0x1b2: {  	v11 =	vsel vm3, v11, v61;
	vm13 =	vlt.s32 v16, v6;
	v3 =	vsel vm0, v7, v3  }
0x1b3: {  	v4 =	vsel vm14, v4, v63;
	vm15 =	vlt.s32 v5, v11;
	vm12 =	vlt.s32 v3, v12  }
0x1b4: {  	v6 =	vsel vm13, v16, v6;
	v5 =	vsel vm15, v5, v11;
	v3 =	vsel vm12, v3, v12  }
0x1b5: {  	vm1 =	vlt.s32 v4, v5;
	vm0 =	vlt.s32 v3, v6  }
0x1b6: {  	s16 =	sadd.s32 $0x1, s16;
	v4 =	vsel vm1, v4, v5;
	v3 =	vsel vm0, v3, v6  }
0x1b7: {  	p0 =	sne.s32 s16, $0x15;
	vm0 =	vlt.s32 v3, v4  }
.Ltmp13:
0x1b8: {  	v3 =	vsel vm0, v3, v4;
	(pc) =	sbr.rel @p0 .LBB2_26-.Ltmp13, $4  }
0x1b9: {  	v3 =	vxor.u32 $0x80000000, v3  }
0x1ba: {  	v2 =	vadd.s32 v3, v2  }
0x1bb: {  	v2 =	vadd.s32 $0x1, v2  }
0x1bc: {  	v1 =	vadd.f32 v2, v1  }
0x1bd: {  	v2 =	vmul.f32 $-5.199999810e-01, v2;
	_ =	sdelay $0x1  }
0x1be: {  	v1 =	vadd.f32 v2, v1;
	_ =	sdelay $0x1  }
0x1bf: {  	v1 =	vmul.f32 v1, v0;
	_ =	sdelay $0x1  }
0x1c0: {  	s16 =	simm.s32 $0x0;
	[tilespmem:$0x8060] =	vst v1  }
0x1c1: {  	[tilespmem:s16], [sflag:$0x1] =	stream.linear.gather [hbm4b:s10+s16], $0x8000, $0x38;
	[tilespmem:$0x8080] =	vst v63  }
0x1c2: {  	_ =	swait.ge [sflag:s13], $0x8000  }
0x1c3: {  	[sflag:s13] =	ssyncset.done $0x0  }
0x1c4: {  	v2 =	vimm.s32 $0xFFFFFFFF;
	v1 =	vimm.f32 $0.0e+00;
	[sflag:s13] =	ssyncadd.s32 $0xFFFF8000  }
.LBB2_30:
0x1c5: {  	s18 =	simm.s32 $0x80  }
0x1c6: {  	v5 =	vld [tilespmem:s18+$0x40]  }
0x1c7: {  	v6 =	vld [tilespmem:s18+$0x20]  }
0x1c8: {  	v7 =	vld [tilespmem:s18+$0x10]  }
0x1c9: {  	v9 =	vld [tilespmem:s18+$0xFFFFFF90]  }
0x1ca: {  	v8 =	vld [tilespmem:s18+$0xFFFFFFF0]  }
0x1cb: {  	v10 =	vld [tilespmem:s18+$0xFFFFFFC0]  }
0x1cc: {  	v11 =	vld [tilespmem:s18+$0xFFFFFFA0]  }
0x1cd: {  	v14 =	vld [tilespmem:s18+$0xFFFFFFD0];
	_ =	sdelay $0x1  }
0x1ce: {  	v3 =	vadd.s32 $0x80000001, v2;
	v4 =	vimm.s32 $0x7FFFFFFF;
	v13 =	vld [tilespmem:s18+$0x50]  }
0x1cf: {  	v17 =	vimm.s32 $0x7FFFFFFF;
	v15 =	vld [tilespmem:s18+$0x30];
	v12 =	vsub.s32 v7, v3;
	v5 =	vsub.s32 v5, v3  }
0x1d0: {  	v19 =	vld [tilespmem:s18+$0xFFFFFFE0];
	v7 =	vsub.s32 v8, v3;
	v16 =	vsub.s32 v6, v3;
	v18 =	vsub.s32 v10, v3  }
0x1d1: {  	v20 =	vld [tilespmem:s18+$0xFFFFFF80];
	v6 =	vsub.s32 v9, v3;
	v9 =	vsub.s32 v11, v3;
	v14 =	vsub.s32 v14, v3  }
0x1d2: {  	v21 =	vld [tilespmem:s18+$0x60];
	v10 =	vimm.s32 $0x7FFFFFFF;
	vm1 =	vlt.s32 v4, v7;
	vm2 =	vlt.s32 v4, v6  }
0x1d3: {  	v8 =	vld [tilespmem:s18+$0xFFFFFFB0];
	vm0 =	vlt.s32 v4, v18;
	v24 =	vsel vm2, v4, v6;
	vm2 =	vlt.s32 v4, v9  }
0x1d4: {  	v22 =	vld [tilespmem:s18+$0x70];
	v11 =	vsel vm1, v4, v7;
	v6 =	vsub.s32 v15, v3;
	v7 =	vimm.s32 $0x7FFFFFFF  }
0x1d5: {  	s17 =	simm.s32 $0x0;
	v15 =	vld [tilespmem:s18+$0x0];
	s18 =	simm.s32 $0x180;
	v23 =	vsel vm2, v4, v9;
	vm1 =	vlt.s32 v24, v12;
	v9 =	vimm.s32 $0x7FFFFFFF  }
.LBB2_31:
0x1d6: {  	v25 =	vld [tilespmem:s18+$0x40];
	s17 =	sadd.s32 $0x2, s17;
	v24 =	vsel vm1, v24, v12;
	vm1 =	vlt.s32 v23, v16;
	v26 =	vsub.s32 v13, v3  }
0x1d7: {  	v4 =	vsel vm0, v4, v18;
	v12 =	vsub.s32 v19, v3;
	v27 =	vld [tilespmem:s18+$0x20];
	p0 =	slt.u32 s17, $0xFE;
	v23 =	vsel vm1, v23, v16  }
0x1d8: {  	v8 =	vsub.s32 v8, v3;
	v16 =	vsub.s32 v20, v3;
	vm0 =	vlt.s32 v4, v5;
	v13 =	vld [tilespmem:s18+$0x10]  }
0x1d9: {  	v4 =	vsel vm0, v4, v5;
	v29 =	vsub.s32 v21, v3;
	v28 =	vld [tilespmem:s18+$0xFFFFFFA0];
	v5 =	vsub.s32 v22, v3  }
0x1da: {  	vm2 =	vlt.s32 v10, v14;
	vm1 =	vlt.s32 v9, v8;
	vm0 =	vlt.s32 v7, v16;
	v21 =	vld [tilespmem:s18+$0xFFFFFF90]  }
0x1db: {  	v10 =	vsel vm2, v10, v14;
	vm2 =	vlt.s32 v17, v12;
	vm3 =	vlt.s32 v11, v5;
	v18 =	vld [tilespmem:s18+$0xFFFFFFF0]  }
0x1dc: {  	v9 =	vsel vm1, v9, v8;
	v17 =	vsel vm2, v17, v12;
	v11 =	vsel vm3, v11, v5;
	v14 =	vld [tilespmem:s18+$0xFFFFFFC0]  }
0x1dd: {  	v7 =	vsel vm0, v7, v16;
	vm0 =	vlt.s32 v9, v6;
	v22 =	vld [tilespmem:s18+$0xFFFFFFD0];
	v12 =	vsub.s32 v13, v3  }
0x1de: {  	vm1 =	vlt.s32 v10, v26;
	v15 =	vsub.s32 v15, v3;
	v5 =	vsub.s32 v25, v3;
	v13 =	vld [tilespmem:s18+$0x50]  }
0x1df: {  	v10 =	vsel vm1, v10, v26;
	vm1 =	vlt.s32 v17, v29;
	vm2 =	vlt.s32 v7, v15;
	v8 =	vld [tilespmem:s18+$0xFFFFFFB0]  }
0x1e0: {  	v9 =	vsel vm0, v9, v6;
	v16 =	vsub.s32 v27, v3;
	v25 =	vsub.s32 v18, v3;
	v26 =	vld [tilespmem:s18+$0x30]  }
.Ltmp14:
0x1e1: {  	v7 =	vsel vm2, v7, v15;
	v18 =	vsub.s32 v14, v3;
	v19 =	vld [tilespmem:s18+$0xFFFFFFE0];
	vm3 =	vlt.s32 v11, v25;
	(pc) =	sbr.rel @p0 .LBB2_31-.Ltmp14, $4  }
0x1e2: {  	v6 =	vsub.s32 v21, v3;
	v20 =	vld [tilespmem:s18+$0xFFFFFF80];
	vm0 =	vlt.s32 v4, v18;
	v14 =	vsub.s32 v22, v3  }
0x1e3: {  	v17 =	vsel vm1, v17, v29;
	v15 =	vsub.s32 v28, v3;
	vm2 =	vlt.s32 v24, v6;
	v21 =	vld [tilespmem:s18+$0x60]  }
0x1e4: {  	vm1 =	vlt.s32 v23, v15;
	v24 =	vsel vm2, v24, v6;
	v11 =	vsel vm3, v11, v25;
	v22 =	vld [tilespmem:s18+$0x70]  }
0x1e5: {  	v23 =	vsel vm1, v23, v15;
	vm1 =	vlt.s32 v24, v12;
	v15 =	vld [tilespmem:s18+$0x0];
	v6 =	vsub.s32 v26, v3;
	s18 =	sadd.s32 $0x100, s18  }
0x1e6: {  	v12 =	vsel vm1, v24, v12;
	vm6 =	vlt.s32 v23, v16;
	v13 =	vsub.s32 v13, v3  }
0x1e7: {  	v4 =	vsel vm0, v4, v18;
	v58 =	vsub.s32 v19, v3;
	v8 =	vsub.s32 v8, v3  }
0x1e8: {  	vm2 =	vlt.s32 v10, v14;
	v16 =	vsel vm6, v23, v16;
	v59 =	vsub.s32 v20, v3  }
0x1e9: {  	vm0 =	vlt.s32 v4, v5;
	vm8 =	vlt.s32 v9, v8;
	v10 =	vsel vm2, v10, v14  }
0x1ea: {  	vm9 =	vlt.s32 v17, v58;
	v4 =	vsel vm0, v4, v5;
	v60 =	vsub.s32 v21, v3  }
0x1eb: {  	vm7 =	vlt.s32 v7, v59;
	v8 =	vsel vm8, v9, v8;
	v62 =	vsel vm9, v17, v58  }
0x1ec: {  	vm10 =	vlt.s32 v10, v13;
	v61 =	vsub.s32 v22, v3;
	v7 =	vsel vm7, v7, v59  }
0x1ed: {  	vm1 =	vlt.s32 v8, v6;
	v63 =	vsel vm10, v10, v13;
	vm11 =	vlt.s32 v62, v60  }
0x1ee: {  	vm3 =	vlt.s32 v11, v61;
	v3 =	vsub.s32 v15, v3;
	v6 =	vsel vm1, v8, v6  }
0x1ef: {  	v5 =	vsel vm11, v62, v60;
	vm14 =	vlt.s32 v4, v63;
	vm0 =	vlt.s32 v7, v3  }
0x1f0: {  	v11 =	vsel vm3, v11, v61;
	vm13 =	vlt.s32 v16, v6;
	v3 =	vsel vm0, v7, v3  }
0x1f1: {  	v4 =	vsel vm14, v4, v63;
	vm15 =	vlt.s32 v5, v11;
	vm12 =	vlt.s32 v3, v12  }
0x1f2: {  	v6 =	vsel vm13, v16, v6;
	v5 =	vsel vm15, v5, v11;
	v3 =	vsel vm12, v3, v12  }
0x1f3: {  	vm1 =	vlt.s32 v4, v5;
	vm0 =	vlt.s32 v3, v6  }
0x1f4: {  	s16 =	sadd.s32 $0x1, s16;
	v4 =	vsel vm1, v4, v5;
	v3 =	vsel vm0, v3, v6  }
0x1f5: {  	p0 =	sne.s32 s16, $0x15;
	vm0 =	vlt.s32 v3, v4  }
.Ltmp15:
0x1f6: {  	v3 =	vsel vm0, v3, v4;
	(pc) =	sbr.rel @p0 .LBB2_30-.Ltmp15, $4  }
0x1f7: {  	v3 =	vxor.u32 $0x80000000, v3  }
0x1f8: {  	v2 =	vadd.s32 v3, v2  }
0x1f9: {  	v2 =	vadd.s32 $0x1, v2  }
0x1fa: {  	v1 =	vadd.f32 v2, v1  }
0x1fb: {  	v2 =	vmul.f32 $-5.199999810e-01, v2;
	_ =	sdelay $0x1  }
0x1fc: {  	v1 =	vadd.f32 v2, v1;
	_ =	sdelay $0x1  }
0x1fd: {  	s15 =	sadd.s32 $0x1, s15;
	v1 =	vmul.f32 v1, v0  }
0x1fe: {  	p0 =	sne.s32 s15, s12  }
.Ltmp16:
0x1ff: {  	[tilespmem:$0x8070] =	vst v1;
	(pc) =	sbr.rel @p0 .LBB2_1-.Ltmp16, $4  }
0x200: {  	[hbm4b:s11+s1] =	stream.linear.scatter [tilespmem:s14], [sflag:$0x1], $0x80, $0x38;
	[tilespmem:$0x8080] =	vst v63  }
0x201: {  	_ =	swait.ge [sflag:s13], $0x80  }
0x202: {  	[sflag:s13] =	ssyncset.done $0x0  }
0x203: {  	[sflag:s13] =	ssyncadd.s32 $0xFFFFFF80  }
0x204: {  	_ =	sfence.sel $0x180000  }
0x205: {  	[bflag:$0x0] =	sbarrier.arrive $0xFFFF  }
0x206: {  	p0 =	sne.s32 s2, $0x0;
	_ =	strace $0x9000004A  }
0x207: {  	s0 =	sadd.s32 @!p0 $0x100000, s0;
	[bflag:$0x2] =	sbarrier.arrive $0xFFFF  }
0x208: {  	[sflag:s0] =	ssyncadd.tile.s32 @!p0 $0x1;
	_ =	shalt  }
.Lfunc_end2:
_tile_overlayer_lowered:
.L_overlay_start_2:
0x209: {  	(tag) =	ssettag $0x2  }
0x20a: {  	s0 =	rddreg [dreg:$0x0];
	s2 =	stileid.u32  }
0x20b: {  	s1 =	rddreg [dreg:$0x1];
	p0 =	sne.s32 s2, $0x0  }
0x20c: {  	s3 =	rddreg [dreg:$0x2];
	[bflag:$0x3] =	sbarrier.arrive $0xFFFF;
	s2 =	simm.s32 @!p0 $0x1C01  }
0x20d: {  	[timem:s3], [sflag:s2] =	dma.local @!p0 [hbm:s0], s1  }
0x20e: {  	s0 =	simm.s32 @!p0 $0x1  }
0x20f: {  	_ =	swait.ge @!p0 [sflag:s0], s1  }
0x210: {  	s1 =	ssub.s32 @!p0 $0x0, s1;
	[sflag:s0] =	ssyncset.done @!p0 $0x0  }
0x211: {  	[sflag:s0] =	ssyncadd.s32 @!p0 s1  }
0x212: {  	[bflag:$0x3] =	sbarrier.arrive $0xFFFF  }
0x213: {  	_ =	shalt  }

// kernel: sparse-core-data-format-call.cloned.1.call-start
scs
called_computation_lowered:
.L_overlay_start_0:
0x0: {  	s1 =	sld [smem:$0x3FD9]  }
0x1: {  	s2 =	sld [smem:$0x3FFE];
	_ =	sdelay $0x1  }
0x2: {  	s3 =	srdreg.scid  }
0x3: {  	s0 =	sand.u32 $0x1, s3  }
0x4: {  	s17 =	sshll.u32 s0, $0xA;
	s1 =	sadd.s32 s2, s1  }
0x5: {  	s1 =	sadd.s32 s1, s17  }
0x6: {  	[smem:$0x3FC7] =	sst s1  }
0x7: {  	_ = 	snop  }
0x8: {  	(tm) =	ssettm $0x1  }
0x9: {  	s18 =	sld [smem:$0x3FFB];
	_ =	sdelay $0x3  }
0xa: {  	_ =	strace s18  }
0xb: {  	s1 =	sld [smem:$0x3FFC];
	_ =	sdelay $0x3  }
0xc: {  	_ =	strace s1  }
0xd: {  	s1 =	sld [smem:$0x3FFD];
	_ =	sdelay $0x3  }
0xe: {  	_ =	strace s1  }
0xf: {  	_ =	strace $0x8FFFFFFF  }
0x10: {  	s19 =	sld [smem:$0x3FDB];
	_ =	sdelay $0x1  }
0x11: {  	s20 =	simm.s32 $_scs_section_size  }
0x12: {  	s4 =	simm.s32 $_size__tile_overlayer_lowered;
	s5 =	simm.s32 $_tile_overlayer_lowered  }
0x13: {  	s23 =	simm.s32 $0x1BFF;
	s22 =	sshll.u32 s5, $0x1;
	s1 =	sadd.s32 s20, s19  }
0x14: {  	s6 =	simm.s32 $0x0;
	s21 =	sshll.u32 s4, $0x1;
	s4 =	sadd.s32 s22, s1  }
0x15: {  	[timem:s6], [sflag:s23] =	dma.local [hbm:s4], s21  }
0x16: {  	_ =	swait.ge [sflag:s23], s21  }
0x17: {  	s2 =	ssub.s32 $0x0, s21;
	[sflag:s23] =	ssyncset.done $0x0  }
0x18: {  	[sflag:s23] =	ssyncadd.s32 s2;
	_ =	sdelay $0x1  }
0x19: {  	s24 =	simm.s32 $0x1B8B  }
0x1a: {  	_ =	swait.ge [sflag:s24], $0x1  }
0x1b: {  	[sflag:s24] =	ssyncset.done $0x0  }
0x1c: {  	s26 =	simm.s32 $0x1B8E;
	s25 =	sld [smem:$0x3FFE];
	[sflag:s24] =	ssyncadd.s32 $0xFFFFFFFF  }
0x1d: {  	s27 =	simm.s32 $execute0_lowered;
	[smem:$0x3FD2] =	sst s26  }
0x1e: {  	s4 =	sshll.u32 s27, $0x1;
	_ =	strace $0x80000046;
	[dreg:$0x1] =	wrdreg $0xFFFFFFFF  }
0x1f: {  	s28 =	simm.s32 $_size_execute0_lowered;
	s1 =	sadd.s32 s1, s4;
	[dreg:$0x0] =	wrdreg $0x0  }
0x20: {  	s4 =	sshll.u32 s28, $0x1;
	[dreg:$0x2] =	wrdreg s1  }
0x21: {  	[dreg:$0x3] =	wrdreg s4  }
0x22: {  	[dreg:$0x4] =	wrdreg $0xC0  }
0x23: {  	_ =	task [dreg:s6], $0x5FFFF  }
0x24: {  	[dreg:$0x1] =	wrdreg $0xFFFFFFFF  }
0x25: {  	[dreg:$0x0] =	wrdreg $0x60  }
0x26: {  	[dreg:$0x2] =	wrdreg s25  }
0x27: {  	[dreg:$0x3] =	wrdreg $0x9  }
0x28: {  	_ =	task.clear_ibuf [dreg:s6], $0x4FFFF;
	_ =	strace $0x90000046  }
0x29: {  	s29 =	simm.s32 $0x9;
	_ =	strace $0x80000048  }
0x2a: {  	_ =	swait.ge [sflag:s29], $0x1  }
0x2b: {  	[sflag:s29] =	ssyncadd.s32 $0xFFFFFFFF  }
0x2c: {  	_ =	strace $0x90000048  }
0x2d: {  	_ =	sfence  }
0x2e: {  	s30 =	sld [smem:$0x0];
	_ =	sdelay $0x2  }
0x2f: {  	s31 =	sshll.u32 s3, $0xD;
	s3 =	sshrl.u32 s3, $0x2  }
0x30: {  	s2 =	sand.u32 $0x4000, s31;
	s1 =	sadd.s32 s3, s30  }
0x31: {  	s0 =	sor.u32 s2, s0;
	s1 =	sshll.u32 s1, $0x11  }
0x32: {  	s0 =	sor.u32 s1, s0  }
0x33: {  	s0 =	sadd.s32 $0x8F2B, s0  }
0x34: {  	[sflag:s0] =	ssyncadd.remote.s32 $0x1  }
0x35: {  	_ =	sfence.sel $0xFFFF  }
0x36: {  	[dreg:$0x0] =	wrdreg $0xFFFFFFFF;
	(pc) =	sbr.abs _section_cstart, $3  }
0x37: {  	[dreg:$0x1] =	wrdreg $0xFFFFFFFF  }
0x38: {  	_ =	task.clear_ibuf [dreg:s6], $0x2FFFF;
	_ =	strace $0x9FFFFFFF  }
0x39: {  	(tm) =	ssettm $0x7FFFFFFF  }
tec
execute0_lowered:
.L_overlay_start_1:
0x0: {  	(tag) =	ssettag $0x1  }
0x1: {  	s0 =	rddreg [dreg:$0x0];
	_ =	strace $0x80000047  }
0x2: {  	s1 =	srdreg.scid;
	s3 =	stileid.u32;
	s2 =	simm.s32 $0x1  }
0x3: {  	s31 =	simm.s32 $0x2;
	s15 =	simm.s32 $0x0;
	s12 =	simm.s32 $0x0  }
0x4: {  	s13 =	simm.s32 $0x0;
	s14 =	simm.s32 $0x0;
	s8 =	simm.s32 $0x0  }
.Ltmp0:
0x5: {  	s9 =	simm.s32 $0x0;
	s10 =	simm.s32 $0x0;
	(pc) =	sbr.rel .LBB1_1-.Ltmp0, $4  }
0x6: {  	s5 =	sadd.s32 $0xC00, s0;
	s1 =	sshll.u32 s1, $0x4;
	s0 =	sadd.s32 $0x100C00, s0  }
0x7: {  	s7 =	simm.s32 $0x0;
	s1 =	sand.u32 $0x10, s1;
	[dreg:$0x3] =	wrdreg s0  }
0x8: {  	[sflag:s2] =	ssyncpa.u1 $0x0;
	[dreg:$0x2] =	wrdreg s5;
	s6 =	sor.u32 s3, s1  }
0x9: {  	[sflag:s31] =	ssyncpa.u1 $0x0;
	s11 =	smov.u32 s6;
	[dreg:$0x4] =	wrdreg s6  }
.LBB1_7:
0xa: {  	s0 =	sadd.s32 $0x400, s8  }
0xb: {  	s1 =	sadd.s32 $0x10, s9;
	s2 =	smov.u32 s9;
	p1 =	sgt.s32 s0, $0x7FF  }
0xc: {  	s2 =	smov.u32 @p1 s1  }
0xd: {  	s1 =	simm.s32 $0x1;
	p2 =	sgt.s32 s2, $0xF  }
0xe: {  	s1 =	simm.s32 @!p2 $0x0  }
0xf: {  	s1 =	sadd.s32 s1, s10  }
0x10: {  	s3 =	sadd.s32 $0x20, s11;
	s4 =	smov.u32 s11;
	p3 =	sgt.s32 s1, $0x7  }
0x11: {  	p0 =	slt.u32 s7, $0x2;
	s4 =	smov.u32 @p3 s3  }
0x12: {  	s7 =	sadd.s32 $0x1, s7;
	s0 =	simm.s32 @p1 $0x0;
	p1 =	sgt.s32 s4, $0x1F  }
0x13: {  	s4 =	smov.u32 @p1 s6;
	p1 =	sne.s32 s7, $0x12  }
.Ltmp1:
0x14: {  	s15 =	smov.u32 s8;
	s12 =	smov.u32 s9;
	(pc) =	sbr.rel @!p1 .LBB1_8-.Ltmp1, $4  }
0x15: {  	s13 =	smov.u32 s10;
	s14 =	smov.u32 s11;
	s3 =	simm.s32 @!p0 $0x2  }
0x16: {  	s8 =	smov.u32 s0;
	s2 =	simm.s32 @p2 $0x0;
	_ =	swait.ge @!p0 [sflag:s3], $0x4000  }
0x17: {  	s9 =	smov.u32 s2;
	s1 =	simm.s32 @p3 $0x0;
	[sflag:s3] =	ssyncset.done @!p0 $0x0  }
0x18: {  	s10 =	smov.u32 s1;
	[sflag:s3] =	ssyncadd.s32 @!p0 $0xFFFFC000;
	s11 =	smov.u32 s4  }
.LBB1_1:
0x19: {  	p0 =	sgt.u32 s7, $0xF  }
0x1a: {  	s0 =	sxor.u32 @!p0 $0xFFFFFFFF, s7;
	s1 =	sand.u32 @!p0 $0x78, s8  }
0x1b: {  	s2 =	sshll.u32 @!p0 s9, $0x7;
	s3 =	sshll.u32 @!p0 s9, $0xB;
	s4 =	sshll.u32 @!p0 s8, $0x3  }
0x1c: {  	s0 =	sshll.u32 @!p0 s0, $0xE;
	s2 =	sand.u32 @!p0 $0x380, s2;
	s3 =	sand.u32 @!p0 $0x4000, s3  }
0x1d: {  	s0 =	sand.u32 @!p0 $0x4000, s0;
	s1 =	sor.u32 @!p0 s2, s1;
	s2 =	sand.u32 @!p0 $0x400, s4  }
0x1e: {  	s3 =	sadd.s32 @!p0 s3, s4;
	s1 =	sor.u32 @!p0 s2, s1;
	s2 =	sshll.u32 @!p0 s11, $0xF  }
0x1f: {  	s4 =	sshll.u32 @!p0 s10, $0xC;
	s3 =	sshrl.u32 @!p0 s3, $0x3;
	s2 =	sadd.s32 @!p0 s5, s2  }
0x20: {  	s3 =	sand.u32 @!p0 $0xF00, s3;
	s2 =	sadd.s32 @!p0 s4, s2;
	s4 =	sand.u32 @!p0 $0x7, s8  }
0x21: {  	s1 =	sshrl.u32 @!p0 s1, $0x3;
	s2 =	sadd.s32 @!p0 s3, s2;
	s3 =	sshll.u32 @!p0 s4, $0x12  }
0x22: {  	s1 =	sadd.s32 @!p0 s1, s2;
	s2 =	sor.u32 @!p0 $0x2000, s3;
	s3 =	simm.s32 @!p0 $0x4000  }
0x23: {  	[tilespmem:s0], [sflag:$0x1] =	stream.strided.gather @!p0 [hbm4b:s1+s2], $0x4000, s3, s2, $0x38;
	[tilespmem:$0x10800] =	vst v63  }
0x24: {  	p0 =	seq.s32 s7, $0x0  }
0x25: {  	p1 =	seq.s32 @!p0 s7, $0x11  }
0x26: {  	p0 =	por p0, p1  }
.Ltmp2:
0x27: {  	_ = 	snop;
	(pc) =	sbr.rel @p0 .LBB1_7-.Ltmp2, $1  }
0x28: {  	_ =	sdelay $0x3  }
0x29: {  	[dreg:$0xa] =	wrdreg s15  }
0x2a: {  	[dreg:$0x9] =	wrdreg s14  }
0x2b: {  	[dreg:$0x8] =	wrdreg s13  }
0x2c: {  	[dreg:$0x7] =	wrdreg s12  }
0x2d: {  	[dreg:$0x6] =	wrdreg s11;
	s0 =	sand.u32 $0x1, s7  }
0x2e: {  	[dreg:$0x5] =	wrdreg s10;
	s2 =	simm.s32 $0x1;
	s1 =	smul.u32 $0x11000, s0  }
0x2f: {  	_ =	swait.ge [sflag:s2], $0x4000  }
0x30: {  	s18 =	simm.s32 $0x0;
	[sflag:s2] =	ssyncset.done $0x0;
	s1 =	sshrl.u32 s1, $0x2  }
0x31: {  	s17 =	sshll.u32 s0, $0xE;
	[sflag:s2] =	ssyncadd.s32 $0xFFFFC000;
	s16 =	sor.u32 $0x8000, s1  }
.LBB1_3:
0x32: {  	s0 =	sshll.u32 s18, $0xA  }
0x33: {  	s1 =	sshll.u32 s18, $0x7;
	s0 =	sand.u32 $0x2000, s0  }
0x34: {  	s1 =	sand.u32 $0x380, s1;
	s0 =	sadd.s32 s0, s17  }
0x35: {  	s0 =	sadd.s32 s1, s0  }
0x36: {  	s19 =	sadd.s32 s18, s16;
	p0 =	por $0x1, $0x1;
	s20 =	simm.s32 $0x0;
	v0 =	vmov s0  }
.LBB1_4:
0x37: {  	s0 =	smul.u32 $0x44, s20;
	s1 =	sshll.u32 s20, $0x3;
	s2 =	sor.u32 $0x80, s20  }
0x38: {  	s15 =	sor.u32 $0x90, s20;
	s24 =	sor.u32 $0xA0, s20;
	s25 =	sor.u32 $0xB0, s20  }
0x39: {  	s28 =	sor.u32 $0xC0, s20;
	p1 =	por p0, p0;
	s13 =	smul.u32 $0x44, s2  }
0x3a: {  	s31 =	sand.u32 $0x3FFFFFF8, s1;
	s14 =	sshll.u32 s2, $0x3;
	s3 =	smul.u32 $0x44, s15  }
0x3b: {  	s23 =	sshll.u32 s15, $0x3;
	s4 =	smul.u32 $0x44, s24;
	s2 =	sshll.u32 s24, $0x3  }
0x3c: {  	s5 =	smul.u32 $0x44, s25;
	s27 =	sshll.u32 s25, $0x3;
	s0 =	sshra.s32 s0, $0x2  }
0x3d: {  	s30 =	smul.u32 $0x44, s28;
	s6 =	sand.u32 $0x1400, s2;
	s0 =	sadd.s32 s0, s16  }
0x3e: {  	s1 =	sshra.s32 s13, $0x2;
	s3 =	sshra.s32 s3, $0x2;
	s26 =	sshra.s32 s4, $0x2  }
0x3f: {  	s4 =	sand.u32 $0x1400, s27;
	s29 =	sshra.s32 s5, $0x2;
	s27 =	sor.u32 $0xD0, s20  }
0x40: {  	s10 =	sshra.s32 s30, $0x2;
	s30 =	sor.u32 $0xF0, s20;
	s21 =	sadd.s32 s18, s0  }
0x41: {  	s0 =	sand.u32 $0x3FFFFFF8, s14;
	s22 =	sadd.s32 s1, s19;
	s1 =	sand.u32 $0x1400, s23  }
0x42: {  	s23 =	sadd.s32 s3, s19;
	s24 =	sadd.s32 s26, s19;
	s25 =	sadd.s32 s29, s19  }
0x43: {  	s3 =	sshll.u32 s28, $0x3;
	s11 =	smul.u32 $0x44, s27;
	s26 =	sadd.s32 s10, s19  }
0x44: {  	v1 =	vld.idx.msk [tilespmem:v0+s31+$0x0 ss:$0x1], $0xffff;
	s12 =	sshll.u32 s27, $0x3;
	s28 =	sor.u32 $0xE0, s20;
	s15 =	smul.u32 $0x44, s30  }
0x45: {  	v2 =	vld.idx.msk [tilespmem:v0+s31+$0x10 ss:$0x1], $0xffff;
	s30 =	sshll.u32 s30, $0x3;
	s3 =	sand.u32 $0x1400, s3;
	s29 =	smul.u32 $0x44, s28  }
0x46: {  	v3 =	vld.idx.msk [tilespmem:v0+s31+$0x20 ss:$0x1], $0xffff;
	s2 =	sand.u32 $0x1400, s12;
	s13 =	sshll.u32 s28, $0x3;
	s5 =	sshra.s32 s11, $0x2  }
0x47: {  	v4 =	vld.idx.msk [tilespmem:v0+s31+$0x30 ss:$0x1], $0xffff;
	s27 =	sadd.s32 s5, s19;
	s5 =	sand.u32 $0x1400, s13;
	s14 =	sshra.s32 s29, $0x2  }
0x48: {  	v55 =	vld.idx.msk [tilespmem:v0+s1+$0x10 ss:$0x1], $0xffff;
	s13 =	sor.u32 $0x100, s20;
	s29 =	sshra.s32 s15, $0x2;
	s15 =	sor.u32 $0x110, s20  }
0x49: {  	v5 =	vld.idx.msk [tilespmem:v0+s31+$0x40 ss:$0x1], $0xffff;
	[tilespmem:s21+$0x0 ss:$0x11] =	vst.msk $0xffff, v1;
	s28 =	sadd.s32 s14, s19;
	s14 =	sand.u32 $0x1400, s30;
	s10 =	smul.u32 $0x44, s13  }
0x4a: {  	v1 =	vld.idx.msk [tilespmem:v0+s31+$0x50 ss:$0x1], $0xffff;
	[tilespmem:s21+$0x110 ss:$0x11] =	vst.msk $0xffff, v2;
	s13 =	sshll.u32 s13, $0x3;
	s12 =	smul.u32 $0x44, s15;
	s15 =	sshll.u32 s15, $0x3  }
0x4b: {  	v2 =	vld.idx.msk [tilespmem:v0+s31+$0x60 ss:$0x1], $0xffff;
	[tilespmem:s21+$0x220 ss:$0x11] =	vst.msk $0xffff, v3;
	s29 =	sadd.s32 s29, s19;
	s13 =	sand.u32 $0x3FFFFFF8, s13;
	s15 =	sand.u32 $0x1800, s15  }
0x4c: {  	[tilespmem:s21+$0x330 ss:$0x11] =	vst.msk $0xffff, v4;
	v57 =	vld.idx.msk [tilespmem:v0+s5+$0x60 ss:$0x1], $0xffff;
	s30 =	sshra.s32 s10, $0x2;
	s10 =	sor.u32 $0x120, s20;
	s12 =	sshra.s32 s12, $0x2  }
0x4d: {  	v54 =	vld.idx.msk [tilespmem:v0+s0+$0x0 ss:$0x1], $0xffff;
	[tilespmem:s23+$0x0 ss:$0x11] =	vst.msk $0xffff, v55;
	s23 =	sor.u32 $0x170, s20;
	s30 =	sadd.s32 s30, s19;
	s11 =	smul.u32 $0x44, s10  }
0x4e: {  	v3 =	vld.idx.msk [tilespmem:v0+s31+$0x70 ss:$0x1], $0xffff;
	[tilespmem:s21+$0x440 ss:$0x11] =	vst.msk $0xffff, v5;
	s31 =	sadd.s32 s12, s19;
	s10 =	sshll.u32 s10, $0x3;
	s12 =	sor.u32 $0x130, s20  }
0x4f: {  	s1 =	sshll.u32 s12, $0x3;
	[tilespmem:s21+$0x550 ss:$0x11] =	vst.msk $0xffff, v1;
	v1 =	vld.idx.msk [tilespmem:v0+s6+$0x20 ss:$0x1], $0xffff;
	s0 =	sshra.s32 s11, $0x2;
	s11 =	smul.u32 $0x44, s12  }
0x50: {  	s10 =	sand.u32 $0x1800, s10;
	[tilespmem:s21+$0x660 ss:$0x11] =	vst.msk $0xffff, v2;
	v2 =	vld.idx.msk [tilespmem:v0+s4+$0x30 ss:$0x1], $0xffff;
	s12 =	sor.u32 $0x140, s20;
	s1 =	sand.u32 $0x1800, s1  }
0x51: {  	[tilespmem:s28+$0x0 ss:$0x11] =	vst.msk $0xffff, v57;
	s28 =	sor.u32 $0x190, s20;
	s6 =	sshra.s32 s11, $0x2;
	s11 =	smul.u32 $0x44, s12  }
0x52: {  	v56 =	vld.idx.msk [tilespmem:v0+s2+$0x50 ss:$0x1], $0xffff;
	[tilespmem:s22+$0x0 ss:$0x11] =	vst.msk $0xffff, v54;
	s0 =	sadd.s32 s0, s19;
	s4 =	sadd.s32 s6, s19;
	s6 =	sshll.u32 s12, $0x3  }
0x53: {  	[tilespmem:s21+$0x770 ss:$0x11] =	vst.msk $0xffff, v3;
	v3 =	vld.idx.msk [tilespmem:v0+s3+$0x40 ss:$0x1], $0xffff;
	s12 =	sor.u32 $0x150, s20;
	s3 =	sand.u32 $0x1800, s6;
	s11 =	sshra.s32 s11, $0x2  }
0x54: {  	s21 =	smul.u32 $0x44, s12;
	s22 =	sshll.u32 s12, $0x3;
	s12 =	sor.u32 $0x160, s20;
	[tilespmem:s24+$0x0 ss:$0x11] =	vst.msk $0xffff, v1  }
0x55: {  	v1 =	vld.idx.msk [tilespmem:v0+s14+$0x70 ss:$0x1], $0xffff;
	[tilespmem:s25+$0x0 ss:$0x11] =	vst.msk $0xffff, v2;
	s24 =	smul.u32 $0x44, s23;
	s14 =	sshll.u32 s23, $0x3;
	s25 =	sor.u32 $0x180, s20  }
0x56: {  	v58 =	vld.idx.msk [tilespmem:v0+s10+$0x20 ss:$0x1], $0xffff;
	s23 =	smul.u32 $0x44, s28;
	s2 =	sadd.s32 s11, s19;
	s5 =	sand.u32 $0x1800, s22  }
0x57: {  	[tilespmem:s27+$0x0 ss:$0x11] =	vst.msk $0xffff, v56;
	v2 =	vld.idx.msk [tilespmem:v0+s13+$0x0 ss:$0x1], $0xffff;
	s22 =	smul.u32 $0x44, s12;
	s12 =	sshll.u32 s12, $0x3;
	s10 =	sand.u32 $0x1800, s14  }
0x58: {  	[tilespmem:s26+$0x0 ss:$0x11] =	vst.msk $0xffff, v3;
	s26 =	smul.u32 $0x44, s25;
	s27 =	sshll.u32 s25, $0x3;
	s25 =	sor.u32 $0x1A0, s20  }
0x59: {  	v3 =	vld.idx.msk [tilespmem:v0+s15+$0x10 ss:$0x1], $0xffff;
	s21 =	sshra.s32 s21, $0x2;
	s12 =	sand.u32 $0x1800, s12;
	s13 =	sshra.s32 s24, $0x2  }
0x5a: {  	v59 =	vld.idx.msk [tilespmem:v0+s1+$0x30 ss:$0x1], $0xffff;
	s24 =	sshll.u32 s28, $0x3;
	s28 =	smul.u32 $0x44, s25;
	s6 =	sadd.s32 s21, s19  }
0x5b: {  	s11 =	sshra.s32 s22, $0x2;
	s1 =	sadd.s32 s13, s19;
	s21 =	sand.u32 $0x3FFFFFF8, s27;
	[tilespmem:s29+$0x0 ss:$0x11] =	vst.msk $0xffff, v1;
	v1 =	vld.idx.msk [tilespmem:v0+s3+$0x40 ss:$0x1], $0xffff  }
0x5c: {  	s22 =	sshra.s32 s26, $0x2;
	s26 =	sand.u32 $0x1C00, s24;
	s27 =	sshra.s32 s23, $0x2;
	[tilespmem:s30+$0x0 ss:$0x11] =	vst.msk $0xffff, v2;
	v2 =	vld.idx.msk [tilespmem:v0+s5+$0x50 ss:$0x1], $0xffff  }
0x5d: {  	[tilespmem:s0+$0x0 ss:$0x11] =	vst.msk $0xffff, v58;
	v60 =	vld.idx.msk [tilespmem:v0+s10+$0x70 ss:$0x1], $0xffff;
	s11 =	sadd.s32 s11, s19;
	s0 =	sadd.s32 s27, s19;
	s14 =	sshra.s32 s28, $0x2  }
0x5e: {  	s28 =	sor.u32 $0x1E0, s20;
	s5 =	sadd.s32 s22, s19;
	[tilespmem:s31+$0x0 ss:$0x11] =	vst.msk $0xffff, v3;
	v3 =	vld.idx.msk [tilespmem:v0+s12+$0x60 ss:$0x1], $0xffff;
	s29 =	sshll.u32 s25, $0x3  }
0x5f: {  	[tilespmem:s4+$0x0 ss:$0x11] =	vst.msk $0xffff, v59;
	v61 =	vld.idx.msk [tilespmem:v0+s21+$0x0 ss:$0x1], $0xffff;
	s30 =	sor.u32 $0x1B0, s20;
	s22 =	sor.u32 $0x1C0, s20;
	s25 =	sor.u32 $0x1D0, s20  }
0x60: {  	s31 =	sand.u32 $0x1C00, s29;
	s15 =	sshll.u32 s30, $0x3;
	s27 =	sshll.u32 s25, $0x3;
	[tilespmem:s2+$0x0 ss:$0x11] =	vst.msk $0xffff, v1;
	v1 =	vld.idx.msk [tilespmem:v0+s26+$0x10 ss:$0x1], $0xffff  }
0x61: {  	s23 =	smul.u32 $0x44, s30;
	s24 =	sshll.u32 s22, $0x3;
	s29 =	sand.u32 $0x1C00, s27;
	[tilespmem:s6+$0x0 ss:$0x11] =	vst.msk $0xffff, v2;
	v2 =	vld.idx.msk [tilespmem:v0+s31+$0x20 ss:$0x1], $0xffff  }
0x62: {  	s30 =	sshll.u32 s28, $0x3;
	s13 =	smul.u32 $0x44, s22;
	s21 =	sand.u32 $0x1C00, s15;
	[tilespmem:s1+$0x0 ss:$0x11] =	vst.msk $0xffff, v60;
	v63 =	vld.idx.msk [tilespmem:v0+s29+$0x50 ss:$0x1], $0xffff  }
0x63: {  	[tilespmem:s11+$0x0 ss:$0x11] =	vst.msk $0xffff, v3;
	v3 =	vld.idx.msk [tilespmem:v0+s21+$0x30 ss:$0x1], $0xffff;
	s26 =	sand.u32 $0x1C00, s24;
	s31 =	sor.u32 $0x1F0, s20;
	s21 =	smul.u32 $0x44, s25  }
0x64: {  	[tilespmem:s5+$0x0 ss:$0x11] =	vst.msk $0xffff, v61;
	s2 =	sadd.s32 s14, s19;
	s14 =	sand.u32 $0x1C00, s30;
	v62 =	vld.idx.msk [tilespmem:v0+s26+$0x40 ss:$0x1], $0xffff;
	s15 =	sshll.u32 s31, $0x3  }
0x65: {  	s24 =	smul.u32 $0x44, s28;
	s22 =	sand.u32 $0x1C00, s15;
	s1 =	sshra.s32 s21, $0x2;
	[tilespmem:s0+$0x0 ss:$0x11] =	vst.msk $0xffff, v1;
	v1 =	vld.idx.msk [tilespmem:v0+s14+$0x60 ss:$0x1], $0xffff  }
0x66: {  	s20 =	sshra.s32 s23, $0x2;
	s26 =	smul.u32 $0x44, s31;
	s27 =	sadd.s32 s1, s19;
	[tilespmem:s2+$0x0 ss:$0x11] =	vst.msk $0xffff, v2;
	v2 =	vld.idx.msk [tilespmem:v0+s22+$0x70 ss:$0x1], $0xffff  }
.Ltmp3:
0x67: {  	s23 =	sshra.s32 s13, $0x2;
	[tilespmem:s27+$0x0 ss:$0x11] =	vst.msk $0xffff, v63;
	s0 =	sadd.s32 s20, s19;
	(pc) =	sbr.rel @p1 .LBB1_4-.Ltmp3, $4  }
0x68: {  	s25 =	sadd.s32 s23, s19;
	s28 =	sshra.s32 s24, $0x2;
	[tilespmem:s0+$0x0 ss:$0x11] =	vst.msk $0xffff, v3  }
0x69: {  	s29 =	sadd.s32 s28, s19;
	s30 =	sshra.s32 s26, $0x2;
	[tilespmem:s25+$0x0 ss:$0x11] =	vst.msk $0xffff, v62  }
0x6a: {  	s31 =	sadd.s32 s30, s19;
	[tilespmem:s29+$0x0 ss:$0x11] =	vst.msk $0xffff, v1  }
0x6b: {  	p0 =	por $0x0, $0x0;
	s20 =	simm.s32 $0x200;
	[tilespmem:s31+$0x0 ss:$0x11] =	vst.msk $0xffff, v2  }
0x6c: {  	s18 =	sadd.s32 $0x1, s18  }
0x6d: {  	p0 =	sne.s32 s18, $0x10  }
.Ltmp4:
0x6e: {  	_ = 	snop;
	(pc) =	sbr.rel @p0 .LBB1_3-.Ltmp4, $1  }
0x6f: {  	_ =	sdelay $0x3  }
0x70: {  	s0 =	rddreg [dreg:$0xa]  }
0x71: {  	s5 =	rddreg [dreg:$0x7]  }
0x72: {  	s27 =	rddreg [dreg:$0x9]  }
0x73: {  	s28 =	rddreg [dreg:$0x8]  }
0x74: {  	s4 =	rddreg [dreg:$0x3]  }
0x75: {  	s31 =	simm.s32 $0x80;
	s6 =	rddreg [dreg:$0x4]  }
0x76: {  	s10 =	rddreg [dreg:$0x5];
	s0 =	sshll.u32 s0, $0x7;
	s1 =	sshll.u32 s5, $0x3  }
0x77: {  	s11 =	rddreg [dreg:$0x6];
	s2 =	sand.u32 $0x3FC00, s0;
	s1 =	sand.u32 $0x3FC00, s1  }
0x78: {  	s3 =	sshrl.u32 s5, $0x3;
	s0 =	sand.u32 $0x380, s0;
	s1 =	sadd.s32 s1, s2  }
0x79: {  	s29 =	sand.u32 $0x7, s5;
	s0 =	sor.u32 s0, s1;
	s1 =	sshll.u32 s27, $0x12  }
.Ltmp5:
0x7a: {  	s2 =	sshll.u32 s28, $0xF;
	s1 =	sadd.s32 s4, s1;
	(pc) =	sbr.rel .LBB1_7-.Ltmp5, $4  }
0x7b: {  	s3 =	sand.u32 $0xF, s3;
	s0 =	sshrl.u32 s0, $0x3;
	s1 =	sadd.s32 s2, s1  }
0x7c: {  	s0 =	sand.u32 $0x7FF0, s0;
	s2 =	sshll.u32 s29, $0x12;
	s1 =	sadd.s32 s3, s1  }
0x7d: {  	s5 =	rddreg [dreg:$0x2];
	s30 =	sor.u32 $0x10, s2;
	s0 =	sadd.s32 s0, s1  }
0x7e: {  	[hbm4b:s0+s30] =	stream.strided.scatter [tilespmem:s16], [sflag:$0x2], $0x4000, s31, s30, $0x8;
	[tilespmem:$0x10800] =	vst v63  }
.LBB1_8:
0x7f: {  	_ =	sfence.sel $0x180000  }
0x80: {  	s0 =	simm.s32 $0x1;
	[bflag:$0x0] =	sbarrier.arrive $0xFFFF  }
0x81: {  	s30 =	simm.s32 $0x2;
	[sflag:s0] =	ssyncpa.u1 $0x1  }
0x82: {  	[sflag:s30] =	ssyncpa.u1 $0x1  }
0x83: {  	_ =	strace $0x90000047  }
0x84: {  	s31 =	stileid.u32;
	[bflag:$0x2] =	sbarrier.arrive $0xFFFF  }
0x85: {  	p0 =	sne.s32 s31, $0x0;
	s0 =	rddreg [dreg:$0x1]  }
0x86: {  	s0 =	sadd.s32 @!p0 $0x100000, s0  }
0x87: {  	[sflag:s0] =	ssyncadd.tile.s32 @!p0 $0x1;
	_ =	shalt  }
.Lfunc_end1:
_tile_overlayer_lowered:
.L_overlay_start_2:
0x88: {  	(tag) =	ssettag $0x2  }
0x89: {  	s0 =	rddreg [dreg:$0x0];
	s2 =	stileid.u32  }
0x8a: {  	s1 =	rddreg [dreg:$0x1];
	p0 =	sne.s32 s2, $0x0  }
0x8b: {  	s3 =	rddreg [dreg:$0x2];
	[bflag:$0x3] =	sbarrier.arrive $0xFFFF;
	s2 =	simm.s32 @!p0 $0x1C01  }
0x8c: {  	[timem:s3], [sflag:s2] =	dma.local @!p0 [hbm:s0], s1  }
0x8d: {  	s0 =	simm.s32 @!p0 $0x1  }
0x8e: {  	_ =	swait.ge @!p0 [sflag:s0], s1  }
0x8f: {  	s1 =	ssub.s32 @!p0 $0x0, s1;
	[sflag:s0] =	ssyncset.done @!p0 $0x0  }
0x90: {  	[sflag:s0] =	ssyncadd.s32 @!p0 s1  }
0x91: {  	[bflag:$0x3] =	sbarrier.arrive $0xFFFF  }
0x92: {  	_ =	shalt  }

</sc_bundles>
